<compile_context>
chip_gen: v7x
topology: tpu7x:2x2x1
jax: 0.10.2.dev20260603
libtpu: 0.0.44.dev20260713+nightly
codegen_flags: <defaults>
</compile_context>

<pallas_src>
import numpy as np
import jax
import jax.numpy as jnp
from jax import lax
from jax.experimental import pallas as pl
from jax.experimental.pallas import tpu as pltpu
from jax.experimental.pallas import tpu_sc as plsc

N_C, N_S, E = 2500, 10000, 160000
EMB, HEADS, DH, T = 64, 4, 16, 64
NCP = 2560
TS = 400
TE = 4000
CHUNK = 128
NCHK = E // CHUNK
NWORK = 32
CPW = 40
CHUNKG = 128
CPWG = 40
EPAD = NWORK * CPW * CHUNK

_F32 = jnp.float32


def _make_pe(L, d):
    position = np.arange(L, dtype=np.float32)[:, None]
    div = np.exp(np.arange(0, d, 2).astype(np.float32) * (-np.log(10000.0) / d))
    pe = np.zeros((L, d), dtype=np.float32)
    pe[:, 0::2] = np.sin(position * div)
    pe[:, 1::2] = np.cos(position * div)
    return pe


_PE = _make_pe(T, EMB)
_PERM = np.zeros((256, 256), np.float32)
for _o in range(16):
    for _i in range(16):
        _PERM[_o * 16 + _i, _i * 16 + _o] = 1.0
_RT = np.zeros((16, 256), np.float32)
for _o in range(16):
    for _i in range(16):
        _RT[_i, _o * 16 + _i] = 1.0
_RM = np.zeros((256, 16), np.float32)
for _j in range(256):
    _RM[_j, _j // 16] = 1.0


def _knn_body(ps_ref, posT_ref, xpad_ref, xs_ref, out_ref):
    n = ps_ref.shape[0]
    d2 = jnp.zeros((n, NCP), _F32)
    for c in range(3):
        a = ps_ref[:, c:c + 1]
        b = posT_ref[c:c + 1, :]
        d2 = d2 + (a - b) ** 2
    lanes = lax.broadcasted_iota(jnp.int32, (n, NCP), 1)
    wmat = jnp.zeros((n, NCP), _F32)
    wsum = jnp.zeros((n, 1), _F32)
    dd = d2
    for _ in range(3):
        i_r = jnp.argmin(dd, axis=1)[:, None]
        m_r = jnp.min(dd, axis=1)[:, None]
        w_r = 1.0 / jnp.maximum(m_r, 1e-16)
        sel = lanes == i_r
        wmat = wmat + jnp.where(sel, w_r, 0.0)
        wsum = wsum + w_r
        dd = jnp.where(sel, jnp.inf, dd)
    xu = jnp.dot(wmat, xpad_ref[...], preferred_element_type=_F32) / wsum
    out_ref[...] = jnp.concatenate([xu, xs_ref[...]], axis=1)


def _prologue_body(gt_ref, wk_ref, wv_ref, ip_ref, wqp_ref, wo_ref, bias_ref,
                   pe_ref, kT_ref, v_ref, qwT_ref, cons_ref, woT_ref):
    gt = gt_ref[...]
    bq = bias_ref[0, :][None, :]
    bk = bias_ref[1, :][None, :]
    bv = bias_ref[2, :][None, :]
    biq = bias_ref[3, :][None, :]
    bik = bias_ref[4, :][None, :]
    biv = bias_ref[5, :][None, :]
    ob = bias_ref[6, :][None, :]
    pe = pe_ref[...]
    ct = lambda a, b: lax.dot_general(a, b, (((1,), (1,)), ((), ())),
                                      preferred_element_type=_F32)
    K = ct(gt, wk_ref[...]) + bk + pe
    V = ct(gt, wv_ref[...]) + bv + pe
    wiq = ip_ref[0:EMB]
    wik = ip_ref[EMB:2 * EMB]
    wiv = ip_ref[2 * EMB:3 * EMB]
    kproj = ct(K, wik) + bik
    vproj = ct(V, wiv) + biv
    kT_ref[...] = kproj.T
    v_ref[...] = vproj
    qw = jnp.dot(wiq, wqp_ref[...], preferred_element_type=_F32)
    qwT_ref[...] = qw.T
    qb = ct(bq, wiq) + biq
    cons = jnp.concatenate(
        [qb, ob, jnp.zeros((6, EMB), _F32)], axis=0)
    cons_ref[...] = cons
    woT_ref[...] = wo_ref[...].T


def _attn_body(g0_ref, g1_ref, kT_ref, v_ref, qwT_ref, cons_ref, woT_ref,
               gtok_ref, sp_ref, s1_ref, s2_ref):
    step = pl.program_id(0)
    n = g0_ref.shape[0]
    p0 = g0_ref[:, 0:8]
    p1 = g1_ref[:, 0:8]
    m = 0.5 * (p0 + p1)
    q = jnp.dot(m, qwT_ref[...], preferred_element_type=_F32) \
        + cons_ref[0, :][None, :]
    ohs = []
    for hd in range(HEADS):
        qh = q[:, hd * DH:(hd + 1) * DH]
        logits = jnp.dot(qh, kT_ref[hd * DH:(hd + 1) * DH, :],
                         preferred_element_type=_F32) * 0.25
        mx = jnp.max(logits, axis=1, keepdims=True)
        ex = jnp.exp(logits - mx)
        att = ex / jnp.sum(ex, axis=1, keepdims=True)
        ohs.append(jnp.dot(att, v_ref[:, hd * DH:(hd + 1) * DH],
                           preferred_element_type=_F32))
    oh = jnp.concatenate(ohs, axis=1)
    gtok = jnp.dot(oh, woT_ref[...], preferred_element_type=_F32) \
        + cons_ref[1, :][None, :]
    gtok_ref[...] = gtok
    s = p1 - p0
    sp_ref[...] = s
    cat = jnp.concatenate(
        [s[:, 0:3], gtok, jnp.zeros((n, 128 - 67), _F32)], axis=1)
    mt = jnp.mean(cat, axis=0, keepdims=True)
    cc = cat - mt
    outer = lambda a, b: lax.dot_general(a, b, (((0,), (0,)), ((), ())),
                                         preferred_element_type=_F32)
    s2t = outer(cc, cc) + float(n) * outer(mt, mt)

    @pl.when(step == 0)
    def _():
        s1_ref[...] = jnp.zeros_like(s1_ref)
        s2_ref[...] = jnp.zeros_like(s2_ref)

    s1_ref[...] += jnp.broadcast_to(mt * float(n), s1_ref.shape)
    s2_ref[...] += s2t


def _fold_body(s1_ref, s2_ref, wpad_ref, bngT_ref, bnbT_ref, perm_ref,
               ap_ref, bp_ref):
    mu = s1_ref[0, :][None, :] / float(E)
    outer0 = lambda a, b: lax.dot_general(a, b, (((0,), (0,)), ((), ())),
                                          preferred_element_type=_F32)
    C = s2_ref[...] / float(E) - outer0(mu, mu)
    P = perm_ref[...]
    for l in range(3):
        A = wpad_ref[l]
        AC = jnp.dot(A, C, preferred_element_type=_F32)
        var = jnp.sum(AC * A, axis=1, keepdims=True)
        amu = lax.dot_general(A, mu, (((1,), (1,)), ((), ())),
                              preferred_element_type=_F32)
        scale = bngT_ref[:, l:l + 1] / jnp.sqrt(var + 1e-5)
        Ap = A * scale
        bp = bnbT_ref[:, l:l + 1] - amu * scale
        app = jnp.dot(P, Ap, preferred_element_type=_F32)
        bpp = lax.dot_general(bp, P, (((0,), (1,)), ((), ())),
                              preferred_element_type=_F32)
        ap_ref[l] = app
        bp_ref[l] = jnp.broadcast_to(bpp, (8, 256))


def _edge_body(sp_ref, gtok_ref, hg_ref, ap_ref, bp_ref,
               rt_ref, rm_ref, msg_ref):
    n = sp_ref.shape[0]
    s = sp_ref[...]
    cat = jnp.concatenate(
        [s[:, 0:3], gtok_ref[...], jnp.zeros((n, 128 - 67), _F32)], axis=1)
    z = lax.dot_general(cat, ap_ref[...], (((1,), (1,)), ((), ())),
                        preferred_element_type=_F32)
    ew = jnp.maximum(z + bp_ref[0, :][None, :], 0.0)
    hgr = jnp.dot(hg_ref[:, 8:24], rt_ref[...], preferred_element_type=_F32)
    msg = jnp.dot(ew * hgr, rm_ref[...], preferred_element_type=_F32)
    msg_ref[...] = jnp.concatenate(
        [msg, jnp.zeros((n, 112), _F32)], axis=1)


def _update_body(h_ref, aggp_ref, cntp_ref, rw_ref, cb_ref, out_ref, *, l):
    agg = aggp_ref[0][:, 0:16] + aggp_ref[1][:, 0:16]
    cnt = jnp.maximum(cntp_ref[0][:, 0:16] + cntp_ref[1][:, 0:16], 1.0)
    r = lax.dot_general(h_ref[...], rw_ref[l], (((1,), (1,)), ((), ())),
                        preferred_element_type=_F32)
    out_ref[...] = jnp.maximum(agg / cnt + r + cb_ref[l, :][None, :], 0.0)


def _sc_worker_id():
    return lax.axis_index("s") * 2 + lax.axis_index("c")


def _sc_gone(e0_hbm, ntab_hbm, g0_out, idx0_v, g0a, g0b, ntab_sh, s0a, s0b):
    s = lax.axis_index("s")
    wid = _sc_worker_id()

    @pl.when(s < 10)
    def _():
        pltpu.sync_copy(ntab_hbm.at[pl.ds(s * 1000, 1000)],
                        ntab_sh.at[pl.ds(s * 1000, 1000)])

    pltpu.sync_copy(e0_hbm.at[pl.ds(wid * CPWG, CPWG)], idx0_v)
    plsc.subcore_barrier()

    def body(k, _):
        j0 = 2 * k
        j1 = 2 * k + 1
        off0 = (wid * CPWG + j0) * CHUNKG
        off1 = (wid * CPWG + j1) * CHUNKG
        ca = pltpu.async_copy(ntab_sh.at[idx0_v.at[j0]], g0a, s0a)
        cb = pltpu.async_copy(ntab_sh.at[idx0_v.at[j1]], g0b, s0b)
        ca.wait()
        pltpu.sync_copy(g0a, g0_out.at[pl.ds(off0, CHUNKG)])
        cb.wait()
        pltpu.sync_copy(g0b, g0_out.at[pl.ds(off1, CHUNKG)])
        return 0

    lax.fori_loop(0, CPWG // 2, body, 0)


def _sc_cnt(e1_hbm, ones_hbm, zer_hbm, cnt_out,
            idx1_v, ones_v, zer_v, cnt_sh, sem0):
    c = lax.axis_index("c")
    s = lax.axis_index("s")
    wid = _sc_worker_id()
    pltpu.sync_copy(ones_hbm, ones_v)
    pltpu.sync_copy(zer_hbm, zer_v)

    @pl.when(s < 10)
    def _():
        def zp(k, _):
            pltpu.sync_copy(zer_v, cnt_sh.at[pl.ds(s * 1000 + k * 200, 200)])
            return 0
        lax.fori_loop(0, 5, zp, 0)

    plsc.subcore_barrier()
    pltpu.sync_copy(e1_hbm.at[pl.ds(wid * CPW, CPW)], idx1_v)

    def body(j, _):
        row = wid * CPW + j

        @pl.when(row < NCHK)
        def _():
            pltpu.sync_copy(ones_v, cnt_sh.at[idx1_v.at[j]], add=True)

        return 0

    lax.fori_loop(0, CPW, body, 0)
    plsc.subcore_barrier()

    @pl.when(s < 10)
    def _():
        pltpu.sync_copy(cnt_sh.at[pl.ds(s * 1000, 1000)],
                        cnt_out.at[c, pl.ds(s * 1000, 1000)])


def _sc_scat(e1_hbm, msg_hbm, zer_hbm, agg_out, idx1_v, msg_v, zer_v,
             agg_sh, semm):
    c = lax.axis_index("c")
    s = lax.axis_index("s")
    wid = _sc_worker_id()
    pltpu.sync_copy(zer_hbm, zer_v)
    pltpu.sync_copy(e1_hbm.at[pl.ds(wid * CPW, CPW)], idx1_v)

    @pl.when(s < 10)
    def _():
        def zp(k, _):
            pltpu.sync_copy(zer_v, agg_sh.at[pl.ds(s * 1000 + k * 200, 200)])
            return 0
        lax.fori_loop(0, 5, zp, 0)

    plsc.subcore_barrier()

    def body(j, _):
        row = wid * CPW + j

        @pl.when(row < NCHK)
        def _():
            pltpu.sync_copy(msg_hbm.at[pl.ds(row * CHUNK, CHUNK)], msg_v)
            pltpu.sync_copy(msg_v, agg_sh.at[idx1_v.at[j]], add=True)

        return 0

    lax.fori_loop(0, CPW, body, 0)
    plsc.subcore_barrier()

    @pl.when(s < 10)
    def _():
        pltpu.sync_copy(agg_sh.at[pl.ds(s * 1000, 1000)],
                        agg_out.at[c, pl.ds(s * 1000, 1000)])


def _sc_mesh():
    return plsc.VectorSubcoreMesh(core_axis_name="c", subcore_axis_name="s")


def _run_sc_gone(e0g, ntab):
    return pl.kernel(
        _sc_gone,
        out_type=jax.ShapeDtypeStruct((EPAD, 128), _F32),
        mesh=_sc_mesh(),
        scratch_types=[
            pltpu.VMEM((CPWG, CHUNKG), jnp.int32),
            pltpu.VMEM((CHUNKG, 128), _F32),
            pltpu.VMEM((CHUNKG, 128), _F32),
            pltpu.VMEM_SHARED((N_S, 128), _F32),
            pltpu.SemaphoreType.DMA,
            pltpu.SemaphoreType.DMA,
        ],
    )(e0g, ntab)


def _run_sc_cnt(e1r, ones128, zer200):
    return pl.kernel(
        _sc_cnt,
        out_type=jax.ShapeDtypeStruct((2, N_S, 128), _F32),
        mesh=_sc_mesh(),
        scratch_types=[
            pltpu.VMEM((CPW, CHUNK), jnp.int32),
            pltpu.VMEM((CHUNK, 128), _F32),
            pltpu.VMEM((200, 128), _F32),
            pltpu.VMEM_SHARED((N_S, 128), _F32),
            pltpu.SemaphoreType.DMA,
        ],
    )(e1r, ones128, zer200)


def _run_sc_scat(e1r, msg128, zer200):
    return pl.kernel(
        _sc_scat,
        out_type=jax.ShapeDtypeStruct((2, N_S, 128), _F32),
        mesh=_sc_mesh(),
        scratch_types=[
            pltpu.VMEM((CPW, CHUNK), jnp.int32),
            pltpu.VMEM((CHUNK, 128), _F32),
            pltpu.VMEM((200, 128), _F32),
            pltpu.VMEM_SHARED((N_S, 128), _F32),
            pltpu.SemaphoreType.DMA,
        ],
    )(e1r, msg128, zer200)


def kernel(x, pos, batch, x_skip, pos_skip, batch_skip, edge_index,
           global_token, Wq, bq, Wk, bk, Wv, bv, in_proj_w, in_proj_b,
           out_proj_w, out_proj_b, mlp_W, mlp_b, bn_g, bn_b, root_W, conv_b):
    f32 = _F32
    posT_pad = jnp.pad(pos.T, ((0, 5), (0, NCP - N_C)),
                       constant_values=1e12)
    x_pad = jnp.pad(x, ((0, NCP - N_C), (0, 0)))
    pos_pad = jnp.pad(pos_skip, ((0, 0), (0, 5)))
    e0p = jnp.pad(edge_index[0], (0, EPAD - E))
    e1p = jnp.pad(edge_index[1], (0, EPAD - E))
    e0r = e0p.reshape(EPAD // CHUNK, CHUNK)
    e1r = e1p.reshape(EPAD // CHUNK, CHUNK)
    e0g = e0p.reshape(EPAD // CHUNKG, CHUNKG)
    e1g = e1p.reshape(EPAD // CHUNKG, CHUNKG)
    wq_pad = jnp.pad(Wq, ((0, 0), (0, 5)))
    bias = jnp.stack([bq, bk, bv, in_proj_b[:EMB], in_proj_b[EMB:2 * EMB],
                      in_proj_b[2 * EMB:], out_proj_b,
                      jnp.zeros((EMB,), f32)])
    pe = jnp.asarray(_PE)
    wpad = jnp.pad(mlp_W, ((0, 0), (0, 0), (0, 128 - 67)))
    perm = jnp.asarray(_PERM)
    rt = jnp.asarray(_RT)
    rm = jnp.asarray(_RM)

    def node_table(h_):
        return jnp.pad(jnp.concatenate([pos_pad, h_], axis=1),
                       ((0, 0), (0, 128 - 24)))

    h0 = pl.pallas_call(
        _knn_body,
        grid=(N_S // TS,),
        in_specs=[
            pl.BlockSpec((TS, 3), lambda i: (i, 0)),
            pl.BlockSpec((8, NCP), lambda i: (0, 0)),
            pl.BlockSpec((NCP, 8), lambda i: (0, 0)),
            pl.BlockSpec((TS, 8), lambda i: (i, 0)),
        ],
        out_specs=pl.BlockSpec((TS, 16), lambda i: (i, 0)),
        out_shape=jax.ShapeDtypeStruct((N_S, 16), f32),
    )(pos_skip, posT_pad, x_pad, x_skip)

    ntab0 = node_table(h0)
    g0e = _run_sc_gone(e0g, ntab0)
    g1e = _run_sc_gone(e1g, ntab0)
    ones128 = jnp.pad(jnp.ones((CHUNK, 16), f32), ((0, 0), (0, 112)))
    zer200 = jnp.zeros((200, 128), f32)
    cntp = _run_sc_cnt(e1r, ones128, zer200)

    kT, vproj, qwT, cons, woT = pl.pallas_call(
        _prologue_body,
        grid=(1,),
        in_specs=[pl.BlockSpec(s, lambda i: (0, 0))
                  for s in ((T, 1024), (EMB, 1024), (EMB, 1024), (192, EMB),
                            (EMB, 8), (EMB, EMB), (8, EMB), (T, EMB))],
        out_specs=[
            pl.BlockSpec((EMB, T), lambda i: (0, 0)),
            pl.BlockSpec((T, EMB), lambda i: (0, 0)),
            pl.BlockSpec((8, EMB), lambda i: (0, 0)),
            pl.BlockSpec((8, EMB), lambda i: (0, 0)),
            pl.BlockSpec((EMB, EMB), lambda i: (0, 0)),
        ],
        out_shape=[
            jax.ShapeDtypeStruct((EMB, T), f32),
            jax.ShapeDtypeStruct((T, EMB), f32),
            jax.ShapeDtypeStruct((8, EMB), f32),
            jax.ShapeDtypeStruct((8, EMB), f32),
            jax.ShapeDtypeStruct((EMB, EMB), f32),
        ],
    )(global_token, Wk, Wv, in_proj_w, wq_pad, out_proj_w, bias, pe)

    gtok, sp, s1, s2 = pl.pallas_call(
        _attn_body,
        grid=(E // TE,),
        in_specs=[
            pl.BlockSpec((TE, 128), lambda i: (i, 0)),
            pl.BlockSpec((TE, 128), lambda i: (i, 0)),
            pl.BlockSpec((EMB, T), lambda i: (0, 0)),
            pl.BlockSpec((T, EMB), lambda i: (0, 0)),
            pl.BlockSpec((8, EMB), lambda i: (0, 0)),
            pl.BlockSpec((8, EMB), lambda i: (0, 0)),
            pl.BlockSpec((EMB, EMB), lambda i: (0, 0)),
        ],
        out_specs=[
            pl.BlockSpec((TE, EMB), lambda i: (i, 0)),
            pl.BlockSpec((TE, 8), lambda i: (i, 0)),
            pl.BlockSpec((8, 128), lambda i: (0, 0)),
            pl.BlockSpec((128, 128), lambda i: (0, 0)),
        ],
        out_shape=[
            jax.ShapeDtypeStruct((E, EMB), f32),
            jax.ShapeDtypeStruct((E, 8), f32),
            jax.ShapeDtypeStruct((8, 128), f32),
            jax.ShapeDtypeStruct((128, 128), f32),
        ],
    )(g0e, g1e, kT, vproj, qwT, cons, woT)

    ap_all, bp_all = pl.pallas_call(
        _fold_body,
        grid=(1,),
        in_specs=[
            pl.BlockSpec((8, 128), lambda i: (0, 0)),
            pl.BlockSpec((128, 128), lambda i: (0, 0)),
            pl.BlockSpec((3, 256, 128), lambda i: (0, 0, 0)),
            pl.BlockSpec((256, 3), lambda i: (0, 0)),
            pl.BlockSpec((256, 3), lambda i: (0, 0)),
            pl.BlockSpec((256, 256), lambda i: (0, 0)),
        ],
        out_specs=[
            pl.BlockSpec((3, 256, 128), lambda i: (0, 0, 0)),
            pl.BlockSpec((3, 8, 256), lambda i: (0, 0, 0)),
        ],
        out_shape=[
            jax.ShapeDtypeStruct((3, 256, 128), f32),
            jax.ShapeDtypeStruct((3, 8, 256), f32),
        ],
    )(s1, s2, wpad, bn_g.T, bn_b.T, perm)

    h = h0
    hg = g0e
    for l in range(3):
        msg = pl.pallas_call(
            _edge_body,
            grid=(E // TE,),
            in_specs=[
                pl.BlockSpec((TE, 8), lambda i: (i, 0)),
                pl.BlockSpec((TE, EMB), lambda i: (i, 0)),
                pl.BlockSpec((TE, 128), lambda i: (i, 0)),
                pl.BlockSpec((256, 128), lambda i: (0, 0)),
                pl.BlockSpec((8, 256), lambda i: (0, 0)),
                pl.BlockSpec((16, 256), lambda i: (0, 0)),
                pl.BlockSpec((256, 16), lambda i: (0, 0)),
            ],
            out_specs=pl.BlockSpec((TE, 128), lambda i: (i, 0)),
            out_shape=jax.ShapeDtypeStruct((E, 128), f32),
        )(sp, gtok, hg, ap_all[l], bp_all[l], rt, rm)

        aggp = _run_sc_scat(e1r, msg, zer200)

        h = pl.pallas_call(
            lambda *a, l=l: _update_body(*a, l=l),
            grid=(1,),
            in_specs=[
                pl.BlockSpec((N_S, 16), lambda i: (0, 0)),
                pl.BlockSpec((2, N_S, 128), lambda i: (0, 0, 0)),
                pl.BlockSpec((2, N_S, 128), lambda i: (0, 0, 0)),
                pl.BlockSpec((3, 16, 16), lambda i: (0, 0, 0)),
                pl.BlockSpec((3, 16), lambda i: (0, 0)),
            ],
            out_specs=pl.BlockSpec((N_S, 16), lambda i: (0, 0)),
            out_shape=jax.ShapeDtypeStruct((N_S, 16), f32),
        )(h, aggp, cntp, root_W, conv_b)

        if l < 2:
            hg = _run_sc_gone(e0g, node_table(h))

    return (h, pos_skip, batch_skip)

# --- scband reference (transcript-rebuilt; emitter-appended) ---
"""Pipeline reference for scband-ecgnfpmodule-68410239091231 (READ-ONLY COPY).

The authoritative reference and input builder live on the scoring server;
editing this copy changes nothing except your own understanding.
"""

import jax, jax.numpy as jnp
import numpy as np

N_C, N_S, E, B = 2500, 10000, 160000, 1
DX, DSKIP = 8, 8
IN_C, HID, OUT_C = 16, 16, 16
EDGE_DIM, GT_DIM, EMB, HEADS, KNN = 3, 1024, 64, 4, 3
T = 64

def make_pe(L, d):
    position = np.arange(L, dtype=np.float32)[:, None]
    div = np.exp(np.arange(0, d, 2).astype(np.float32) * (-np.log(10000.0) / d))
    pe = np.zeros((L, d), dtype=np.float32)
    pe[:, 0::2] = np.sin(position * div)
    pe[:, 1::2] = np.cos(position * div)
    return jnp.asarray(pe)

def setup_inputs(seed: int = 0):
    key = jax.random.key(seed)
    ks = jax.random.split(key, 24)
    def lin(k, o, i):
        return (jax.random.uniform(k, (o, i), jnp.float32) * 2.0 - 1.0) / np.sqrt(i)
    inp = {}
    inp["x"] = jax.random.normal(ks[0], (N_C, DX), jnp.float32)
    inp["pos"] = jax.random.normal(ks[1], (N_C, 3), jnp.float32)
    inp["batch"] = jnp.zeros((N_C,), jnp.int32)
    inp["x_skip"] = jax.random.normal(ks[2], (N_S, DSKIP), jnp.float32)
    inp["pos_skip"] = jax.random.normal(ks[3], (N_S, 3), jnp.float32)
    inp["batch_skip"] = jnp.zeros((N_S,), jnp.int32)
    inp["edge_index"] = jax.random.randint(ks[4], (2, E), 0, N_S, jnp.int32)
    inp["global_token"] = jax.random.normal(ks[5], (B * T, GT_DIM), jnp.float32)
    inp["Wq"] = lin(ks[6], EMB, EDGE_DIM)
    inp["bq"] = jnp.zeros((EMB,), jnp.float32)
    inp["Wk"] = lin(ks[7], EMB, GT_DIM)
    inp["bk"] = jnp.zeros((EMB,), jnp.float32)
    inp["Wv"] = lin(ks[8], EMB, GT_DIM)
    inp["bv"] = jnp.zeros((EMB,), jnp.float32)
    inp["in_proj_w"] = lin(ks[9], 3 * EMB, EMB)
    inp["in_proj_b"] = jnp.zeros((3 * EMB,), jnp.float32)
    inp["out_proj_w"] = lin(ks[10], EMB, EMB)
    inp["out_proj_b"] = jnp.zeros((EMB,), jnp.float32)
    inp["mlp_W"] = jnp.stack([lin(ks[11 + i], IN_C * HID, EDGE_DIM + EMB) for i in range(3)])
    inp["mlp_b"] = jnp.zeros((3, IN_C * HID), jnp.float32)
    inp["bn_g"] = jnp.ones((3, IN_C * HID), jnp.float32)
    inp["bn_b"] = jnp.zeros((3, IN_C * HID), jnp.float32)
    inp["root_W"] = jnp.stack([lin(ks[14 + i], OUT_C, IN_C) for i in range(3)])
    inp["conv_b"] = jnp.zeros((3, OUT_C), jnp.float32)
    return inp

def _forward(x, pos, batch, x_skip, pos_skip, batch_skip, edge_index, global_token, Wq, bq, Wk, bk, Wv, bv, in_proj_w, in_proj_b, out_proj_w, out_proj_b, mlp_W, mlp_b, bn_g, bn_b, root_W, conv_b):
    # knn_interpolate (k=3); distances/weights computed under no_grad as in torch_geometric
    d2 = jnp.sum((pos_skip[:, None, :] - pos[None, :, :]) ** 2, axis=-1)
    d2 = jnp.where(batch_skip[:, None] != batch[None, :], jnp.inf, d2)
    neg, idx = jax.lax.top_k(-d2, KNN)
    w = 1.0 / jnp.maximum(-neg, 1e-16)
    w = jax.lax.stop_gradient(w)
    xi = x[idx]
    xu = (xi * w[..., None]).sum(axis=1) / w.sum(axis=1)[:, None]
    e0, e1 = edge_index[0], edge_index[1]
    pseudo = pos_skip[e1] - pos_skip[e0]
    edge_pos = (0.5 * (pos_skip[e1] + pos_skip[e0])).reshape(B, -1, 3)
    gt = global_token.reshape(B, -1, GT_DIM)
    Q = edge_pos @ Wq.T + bq
    pe = make_pe(gt.shape[1], EMB)
    K = gt @ Wk.T + bk + pe[None, :, :]
    V = gt @ Wv.T + bv + pe[None, :, :]
    q = Q @ in_proj_w[:EMB].T + in_proj_b[:EMB]
    kproj = K @ in_proj_w[EMB:2 * EMB].T + in_proj_b[EMB:2 * EMB]
    vproj = V @ in_proj_w[2 * EMB:].T + in_proj_b[2 * EMB:]
    dh = EMB // HEADS
    def split(t):
        return t.reshape(t.shape[0], t.shape[1], HEADS, dh).transpose(0, 2, 1, 3)
    qh, kh, vh = split(q), split(kproj), split(vproj)
    att = jax.nn.softmax(qh @ kh.transpose(0, 1, 3, 2) / np.sqrt(dh), axis=-1)
    oh = (att @ vh).transpose(0, 2, 1, 3).reshape(B, -1, EMB)
    gtok = (oh @ out_proj_w.T + out_proj_b).reshape(-1, EMB)
    pseudo = jnp.concatenate([pseudo, gtok], axis=-1)
    h = jnp.concatenate([xu, x_skip], axis=1)
    N = pos_skip.shape[0]
    cnt = jnp.maximum(jnp.zeros((N,), jnp.float32).at[e1].add(1.0), 1.0)
    for i in range(3):
        ew = pseudo @ mlp_W[i].T + mlp_b[i]
        mu = ew.mean(axis=0)
        var = jnp.mean((ew - mu) ** 2, axis=0)
        ew = (ew - mu) / jnp.sqrt(var + 1e-5) * bn_g[i] + bn_b[i]
        ew = jax.nn.relu(ew)
        in_c = h.shape[1]
        out_c = conv_b[i].shape[0]
        W3 = ew.reshape(-1, in_c, out_c)
        msg = jnp.einsum('ei,eio->eo', h[e0], W3)
        agg = jnp.zeros((N, out_c), jnp.float32).at[e1].add(msg) / cnt[:, None]
        h = jax.nn.relu(agg + h @ root_W[i].T + conv_b[i])
    return h

def reference(x, pos, batch, x_skip, pos_skip, batch_skip, edge_index, global_token, Wq, bq, Wk, bk, Wv, bv, in_proj_w, in_proj_b, out_proj_w, out_proj_b, mlp_W, mlp_b, bn_g, bn_b, root_W, conv_b):
    h = _forward(x, pos, batch, x_skip, pos_skip, batch_skip, edge_index, global_token, Wq, bq, Wk, bk, Wv, bv, in_proj_w, in_proj_b, out_proj_w, out_proj_b, mlp_W, mlp_b, bn_g, bn_b, root_W, conv_b)
    return (h, pos_skip, batch_skip)

if __name__ == "__main__":
    import jax
    _d = setup_inputs()
    print(jax.jit(kernel)(*tuple(_d.values())))

</pallas_src>

<mosaic_0001>
#map = affine_map<(d0, d1) -> (0, 0)>
#map1 = affine_map<(d0, d1) -> (0, 0, 0)>
module attributes {stable_mosaic.version = 14 : i64} {
  func.func @_sc_scat(%arg0: i32, %arg1: i32, %arg2: memref<1280x128xi32, #tpu.memory_space<hbm>>, %arg3: memref<160000x128xf32, #tpu.memory_space<hbm>>, %arg4: memref<200x128xf32, #tpu.memory_space<hbm>>, %arg5: memref<2x10000x128xf32, #tpu.memory_space<hbm>>, %arg6: memref<40x128xi32, #tpu.memory_space<vmem>>, %arg7: memref<128x128xf32, #tpu.memory_space<vmem>>, %arg8: memref<200x128xf32, #tpu.memory_space<vmem>>, %arg9: memref<10000x128xf32, #tpu.memory_space<vmem_shared>>, %arg10: memref<!tpu.dma_semaphore, #tpu.memory_space<semaphore_mem>>) attributes {dimension_semantics = [#tpu.dimension_semantics<core_parallel>, #tpu.dimension_semantics<subcore_parallel>], iteration_bounds = array<i64: 2, 16>, scalar_prefetch = 0 : i64, scratch_operands = 5 : i64, tpu.core_type = #tpu.core_type<sc_vector_subcore>, window_params = [{transform_indices = #map}, {transform_indices = #map}, {transform_indices = #map}, {transform_indices = #map1}]} {
    %mul3A = arith.constant 2 : i32
    %mul3A_0 = arith.muli %arg1, %mul3A : i32
    %add3A = arith.addi %mul3A_0, %arg0 : i32
    "tpu.region"() ({
      %run_scoped3A = tpu.sem_alloc : memref<!tpu.dma_semaphore, #tpu.memory_space<semaphore_mem>>
      tpu.enqueue_dma source(%arg4 : memref<200x128xf32, #tpu.memory_space<hbm>>) target(%arg8 : memref<200x128xf32, #tpu.memory_space<vmem>>) target_semaphore(%run_scoped3A : memref<!tpu.dma_semaphore, #tpu.memory_space<semaphore_mem>>)
      tpu.wait_dma2 semaphore(%run_scoped3A : memref<!tpu.dma_semaphore, #tpu.memory_space<semaphore_mem>>) src(%arg4 : memref<200x128xf32, #tpu.memory_space<hbm>>) dst(%arg8 : memref<200x128xf32, #tpu.memory_space<vmem>>)
      tpu.yield
    }) : () -> ()
    %mul3A_1 = arith.constant 40 : i32
    %mul3A_2 = arith.muli %add3A, %mul3A_1 : i32
    "tpu.region"() ({
      %run_scoped3A = tpu.sem_alloc : memref<!tpu.dma_semaphore, #tpu.memory_space<semaphore_mem>>
      %dma_start3A = arith.constant 0 : i32
      %dma_start3A_17 = tpu.memref_slice %arg2[%mul3A_2, %dma_start3A] : memref<1280x128xi32, #tpu.memory_space<hbm>> -> memref<40x128xi32, #tpu.memory_space<hbm>>
      %dma_start3A_18 = arith.constant 0 : i32
      %dma_start3A_19 = tpu.memref_slice %arg2[%mul3A_2, %dma_start3A_18] : memref<1280x128xi32, #tpu.memory_space<hbm>> -> memref<40x128xi32, #tpu.memory_space<hbm>>
      tpu.enqueue_dma source(%dma_start3A_19 : memref<40x128xi32, #tpu.memory_space<hbm>>) target(%arg6 : memref<40x128xi32, #tpu.memory_space<vmem>>) target_semaphore(%run_scoped3A : memref<!tpu.dma_semaphore, #tpu.memory_space<semaphore_mem>>)
      %dma_wait3A = arith.constant 0 : i32
      %dma_wait3A_20 = tpu.memref_slice %arg2[%mul3A_2, %dma_wait3A] : memref<1280x128xi32, #tpu.memory_space<hbm>> -> memref<40x128xi32, #tpu.memory_space<hbm>>
      %dma_wait3A_21 = arith.constant 0 : i32
      %dma_wait3A_22 = tpu.memref_slice %arg2[%mul3A_2, %dma_wait3A_21] : memref<1280x128xi32, #tpu.memory_space<hbm>> -> memref<40x128xi32, #tpu.memory_space<hbm>>
      tpu.wait_dma2 semaphore(%run_scoped3A : memref<!tpu.dma_semaphore, #tpu.memory_space<semaphore_mem>>) src(%dma_wait3A_22 : memref<40x128xi32, #tpu.memory_space<hbm>>) dst(%arg6 : memref<40x128xi32, #tpu.memory_space<vmem>>)
      tpu.yield
    }) : () -> ()
    %lt3A = arith.constant 10 : i32
    %lt3A_3 = arith.cmpi slt, %arg1, %lt3A : i32
    %convert_element_type3A = arith.extui %lt3A_3 : i1 to i32
    %cond3A = arith.constant 0 : i32
    %cond3A_4 = arith.cmpi ne, %convert_element_type3A, %cond3A : i32
    scf.if %cond3A_4 {
      %scan3A_17 = arith.constant 0 : i32
      %scan3A_18 = arith.constant 0 : i32
      %scan3A_19 = arith.constant 5 : i32
      %scan3A_20 = arith.addi %scan3A_18, %scan3A_19 : i32
      %scan3A_21 = arith.constant 1 : i32
      %scan3A_22 = scf.for %scan3A_24 = %scan3A_18 to %scan3A_20 step %scan3A_21 iter_args(%scan3A_25 = %scan3A_17) -> (i32)  : i32 {
        %mul3A_26 = arith.constant 1000 : i32
        %mul3A_27 = arith.muli %arg1, %mul3A_26 : i32
        %mul3A_28 = arith.constant 200 : i32
        %mul3A_29 = arith.muli %scan3A_24, %mul3A_28 : i32
        %add3A_30 = arith.addi %mul3A_27, %mul3A_29 : i32
        "tpu.region"() ({
          %run_scoped3A = tpu.sem_alloc : memref<!tpu.dma_semaphore, #tpu.memory_space<semaphore_mem>>
          %dma_start3A = arith.constant 0 : i32
          %dma_start3A_32 = tpu.memref_slice %arg9[%add3A_30, %dma_start3A] : memref<10000x128xf32, #tpu.memory_space<vmem_shared>> -> memref<200x128xf32, #tpu.memory_space<vmem_shared>>
          %dma_start3A_33 = arith.constant 0 : i32
          %dma_start3A_34 = tpu.memref_slice %arg9[%add3A_30, %dma_start3A_33] : memref<10000x128xf32, #tpu.memory_space<vmem_shared>> -> memref<200x128xf32, #tpu.memory_space<vmem_shared>>
          tpu.enqueue_dma source(%arg8 : memref<200x128xf32, #tpu.memory_space<vmem>>) target(%dma_start3A_34 : memref<200x128xf32, #tpu.memory_space<vmem_shared>>) target_semaphore(%run_scoped3A : memref<!tpu.dma_semaphore, #tpu.memory_space<semaphore_mem>>)
          %dma_wait3A = arith.constant 0 : i32
          %dma_wait3A_35 = tpu.memref_slice %arg9[%add3A_30, %dma_wait3A] : memref<10000x128xf32, #tpu.memory_space<vmem_shared>> -> memref<200x128xf32, #tpu.memory_space<vmem_shared>>
          %dma_wait3A_36 = arith.constant 0 : i32
          %dma_wait3A_37 = tpu.memref_slice %arg9[%add3A_30, %dma_wait3A_36] : memref<10000x128xf32, #tpu.memory_space<vmem_shared>> -> memref<200x128xf32, #tpu.memory_space<vmem_shared>>
          tpu.wait_dma2 semaphore(%run_scoped3A : memref<!tpu.dma_semaphore, #tpu.memory_space<semaphore_mem>>) src(%arg8 : memref<200x128xf32, #tpu.memory_space<vmem>>) dst(%dma_wait3A_37 : memref<200x128xf32, #tpu.memory_space<vmem_shared>>)
          tpu.yield
        }) : () -> ()
        %scan3A_31 = arith.constant 0 : i32
        scf.yield %scan3A_31 : i32
      }
      %scan3A_23 = arith.constant 5 : i32
    } else {
    }
    %barrier3A = arith.constant 0 : index
    tpu.barrier barrier_id(%barrier3A)
    %scan3A = arith.constant 0 : i32
    %scan3A_5 = arith.constant 0 : i32
    %scan3A_6 = arith.constant 40 : i32
    %scan3A_7 = arith.addi %scan3A_5, %scan3A_6 : i32
    %scan3A_8 = arith.constant 1 : i32
    %scan3A_9 = scf.for %scan3A_17 = %scan3A_5 to %scan3A_7 step %scan3A_8 iter_args(%scan3A_18 = %scan3A) -> (i32)  : i32 {
      %mul3A_19 = arith.constant 40 : i32
      %mul3A_20 = arith.muli %add3A, %mul3A_19 : i32
      %add3A_21 = arith.addi %mul3A_20, %scan3A_17 : i32
      %lt3A_22 = arith.constant 1250 : i32
      %lt3A_23 = arith.cmpi slt, %add3A_21, %lt3A_22 : i32
      %convert_element_type3A_24 = arith.extui %lt3A_23 : i1 to i32
      %cond3A_25 = arith.constant 0 : i32
      %cond3A_26 = arith.cmpi ne, %convert_element_type3A_24, %cond3A_25 : i32
      scf.if %cond3A_26 {
        %mul3A_28 = arith.constant 128 : i32
        %mul3A_29 = arith.muli %add3A_21, %mul3A_28 : i32
        "tpu.region"() ({
          %run_scoped3A = tpu.sem_alloc : memref<!tpu.dma_semaphore, #tpu.memory_space<semaphore_mem>>
          %dma_start3A = arith.constant 0 : i32
          %dma_start3A_30 = tpu.memref_slice %arg3[%mul3A_29, %dma_start3A] : memref<160000x128xf32, #tpu.memory_space<hbm>> -> memref<128x128xf32, #tpu.memory_space<hbm>>
          %dma_start3A_31 = arith.constant 0 : i32
          %dma_start3A_32 = tpu.memref_slice %arg3[%mul3A_29, %dma_start3A_31] : memref<160000x128xf32, #tpu.memory_space<hbm>> -> memref<128x128xf32, #tpu.memory_space<hbm>>
          tpu.enqueue_dma source(%dma_start3A_32 : memref<128x128xf32, #tpu.memory_space<hbm>>) target(%arg7 : memref<128x128xf32, #tpu.memory_space<vmem>>) target_semaphore(%run_scoped3A : memref<!tpu.dma_semaphore, #tpu.memory_space<semaphore_mem>>)
          %dma_wait3A = arith.constant 0 : i32
          %dma_wait3A_33 = tpu.memref_slice %arg3[%mul3A_29, %dma_wait3A] : memref<160000x128xf32, #tpu.memory_space<hbm>> -> memref<128x128xf32, #tpu.memory_space<hbm>>
          %dma_wait3A_34 = arith.constant 0 : i32
          %dma_wait3A_35 = tpu.memref_slice %arg3[%mul3A_29, %dma_wait3A_34] : memref<160000x128xf32, #tpu.memory_space<hbm>> -> memref<128x128xf32, #tpu.memory_space<hbm>>
          tpu.wait_dma2 semaphore(%run_scoped3A : memref<!tpu.dma_semaphore, #tpu.memory_space<semaphore_mem>>) src(%dma_wait3A_35 : memref<128x128xf32, #tpu.memory_space<hbm>>) dst(%arg7 : memref<128x128xf32, #tpu.memory_space<vmem>>)
          tpu.yield
        }) : () -> ()
        "tpu.region"() ({
          %run_scoped3A = tpu.sem_alloc : memref<!tpu.dma_semaphore, #tpu.memory_space<semaphore_mem>>
          %dma_start3A = arith.constant 0 : i32
          %dma_start3A_30 = tpu.memref_slice %arg6[%scan3A_17, %dma_start3A] : memref<40x128xi32, #tpu.memory_space<vmem>> -> memref<1x128xi32, #tpu.memory_space<vmem>>
          %dma_start3A_31 = tpu.memref_squeeze %dma_start3A_30 : memref<1x128xi32, #tpu.memory_space<vmem>> -> memref<128xi32, #tpu.memory_space<vmem>>
          %dma_start3A_32 = arith.constant 0 : i32
          %dma_start3A_33 = arith.constant 0 : i32
          %dma_start3A_34 = tpu.memref_slice %arg9[%dma_start3A_32, %dma_start3A_33] : memref<10000x128xf32, #tpu.memory_space<vmem_shared>> -> memref<10000x128xf32, #tpu.memory_space<vmem_shared>>
          tpu.enqueue_indirect_dma source(%arg7 : memref<128x128xf32, #tpu.memory_space<vmem>>) target(%dma_start3A_34 : memref<10000x128xf32, #tpu.memory_space<vmem_shared>>) offsets(%dma_start3A_31 : memref<128xi32, #tpu.memory_space<vmem>>) semaphore(%run_scoped3A : memref<!tpu.dma_semaphore, #tpu.memory_space<semaphore_mem>>) {add = true}
          %dma_wait3A = arith.constant 0 : i32
          %dma_wait3A_35 = tpu.memref_slice %arg6[%scan3A_17, %dma_wait3A] : memref<40x128xi32, #tpu.memory_space<vmem>> -> memref<1x128xi32, #tpu.memory_space<vmem>>
          %dma_wait3A_36 = tpu.memref_squeeze %dma_wait3A_35 : memref<1x128xi32, #tpu.memory_space<vmem>> -> memref<128xi32, #tpu.memory_space<vmem>>
          %dma_wait3A_37 = arith.constant 0 : i32
          %dma_wait3A_38 = arith.constant 0 : i32
          %dma_wait3A_39 = tpu.memref_slice %arg9[%dma_wait3A_37, %dma_wait3A_38] : memref<10000x128xf32, #tpu.memory_space<vmem_shared>> -> memref<10000x128xf32, #tpu.memory_space<vmem_shared>>
          tpu.wait_indirect_dma semaphore(%run_scoped3A : memref<!tpu.dma_semaphore, #tpu.memory_space<semaphore_mem>>) src(%arg7 : memref<128x128xf32, #tpu.memory_space<vmem>>) dst(%dma_wait3A_39 : memref<10000x128xf32, #tpu.memory_space<vmem_shared>>)
          tpu.yield
        }) : () -> ()
      } else {
      }
      %scan3A_27 = arith.constant 0 : i32
      scf.yield %scan3A_27 : i32
    }
    %scan3A_10 = arith.constant 40 : i32
    %barrier3A_11 = arith.constant 0 : index
    tpu.barrier barrier_id(%barrier3A_11)
    %lt3A_12 = arith.constant 10 : i32
    %lt3A_13 = arith.cmpi slt, %arg1, %lt3A_12 : i32
    %convert_element_type3A_14 = arith.extui %lt3A_13 : i1 to i32
    %cond3A_15 = arith.constant 0 : i32
    %cond3A_16 = arith.cmpi ne, %convert_element_type3A_14, %cond3A_15 : i32
    scf.if %cond3A_16 {
      %mul3A_17 = arith.constant 1000 : i32
      %mul3A_18 = arith.muli %arg1, %mul3A_17 : i32
      %mul3A_19 = arith.constant 1000 : i32
      %mul3A_20 = arith.muli %arg1, %mul3A_19 : i32
      "tpu.region"() ({
        %run_scoped3A = tpu.sem_alloc : memref<!tpu.dma_semaphore, #tpu.memory_space<semaphore_mem>>
        %dma_start3A = arith.constant 0 : i32
        %dma_start3A_21 = tpu.memref_slice %arg5[%arg0, %mul3A_20, %dma_start3A] : memref<2x10000x128xf32, #tpu.memory_space<hbm>> -> memref<1x1000x128xf32, #tpu.memory_space<hbm>>
        %dma_start3A_22 = tpu.memref_squeeze %dma_start3A_21 : memref<1x1000x128xf32, #tpu.memory_space<hbm>> -> memref<1000x128xf32, #tpu.memory_space<hbm>>
        %dma_start3A_23 = arith.constant 0 : i32
        %dma_start3A_24 = tpu.memref_slice %arg9[%mul3A_18, %dma_start3A_23] : memref<10000x128xf32, #tpu.memory_space<vmem_shared>> -> memref<1000x128xf32, #tpu.memory_space<vmem_shared>>
        tpu.enqueue_dma source(%dma_start3A_24 : memref<1000x128xf32, #tpu.memory_space<vmem_shared>>) target(%dma_start3A_22 : memref<1000x128xf32, #tpu.memory_space<hbm>>) target_semaphore(%run_scoped3A : memref<!tpu.dma_semaphore, #tpu.memory_space<semaphore_mem>>)
        %dma_wait3A = arith.constant 0 : i32
        %dma_wait3A_25 = tpu.memref_slice %arg5[%arg0, %mul3A_20, %dma_wait3A] : memref<2x10000x128xf32, #tpu.memory_space<hbm>> -> memref<1x1000x128xf32, #tpu.memory_space<hbm>>
        %dma_wait3A_26 = tpu.memref_squeeze %dma_wait3A_25 : memref<1x1000x128xf32, #tpu.memory_space<hbm>> -> memref<1000x128xf32, #tpu.memory_space<hbm>>
        %dma_wait3A_27 = arith.constant 0 : i32
        %dma_wait3A_28 = tpu.memref_slice %arg9[%mul3A_18, %dma_wait3A_27] : memref<10000x128xf32, #tpu.memory_space<vmem_shared>> -> memref<1000x128xf32, #tpu.memory_space<vmem_shared>>
        tpu.wait_dma2 semaphore(%run_scoped3A : memref<!tpu.dma_semaphore, #tpu.memory_space<semaphore_mem>>) src(%dma_wait3A_28 : memref<1000x128xf32, #tpu.memory_space<vmem_shared>>) dst(%dma_wait3A_26 : memref<1000x128xf32, #tpu.memory_space<hbm>>)
        tpu.yield
      }) : () -> ()
    } else {
    }
    return
  }
}

#map = affine_map<(d0, d1) -> (0, 0)>
module attributes {stable_mosaic.version = 14 : i64} {
  func.func @_sc_gone(%arg0: i32, %arg1: i32, %arg2: memref<1280x128xi32, #tpu.memory_space<hbm>>, %arg3: memref<10000x128xf32, #tpu.memory_space<hbm>>, %arg4: memref<163840x128xf32, #tpu.memory_space<hbm>>, %arg5: memref<40x128xi32, #tpu.memory_space<vmem>>, %arg6: memref<128x128xf32, #tpu.memory_space<vmem>>, %arg7: memref<128x128xf32, #tpu.memory_space<vmem>>, %arg8: memref<10000x128xf32, #tpu.memory_space<vmem_shared>>, %arg9: memref<!tpu.dma_semaphore, #tpu.memory_space<semaphore_mem>>, %arg10: memref<!tpu.dma_semaphore, #tpu.memory_space<semaphore_mem>>) attributes {dimension_semantics = [#tpu.dimension_semantics<core_parallel>, #tpu.dimension_semantics<subcore_parallel>], iteration_bounds = array<i64: 2, 16>, scalar_prefetch = 0 : i64, scratch_operands = 6 : i64, tpu.core_type = #tpu.core_type<sc_vector_subcore>, window_params = [{transform_indices = #map}, {transform_indices = #map}, {transform_indices = #map}]} {
    %mul3A = arith.constant 2 : i32
    %mul3A_0 = arith.muli %arg1, %mul3A : i32
    %add3A = arith.addi %mul3A_0, %arg0 : i32
    %lt3A = arith.constant 10 : i32
    %lt3A_1 = arith.cmpi slt, %arg1, %lt3A : i32
    %convert_element_type3A = arith.extui %lt3A_1 : i1 to i32
    %cond3A = arith.constant 0 : i32
    %cond3A_2 = arith.cmpi ne, %convert_element_type3A, %cond3A : i32
    scf.if %cond3A_2 {
      %mul3A_11 = arith.constant 1000 : i32
      %mul3A_12 = arith.muli %arg1, %mul3A_11 : i32
      %mul3A_13 = arith.constant 1000 : i32
      %mul3A_14 = arith.muli %arg1, %mul3A_13 : i32
      "tpu.region"() ({
        %run_scoped3A = tpu.sem_alloc : memref<!tpu.dma_semaphore, #tpu.memory_space<semaphore_mem>>
        %dma_start3A = arith.constant 0 : i32
        %dma_start3A_15 = tpu.memref_slice %arg8[%mul3A_14, %dma_start3A] : memref<10000x128xf32, #tpu.memory_space<vmem_shared>> -> memref<1000x128xf32, #tpu.memory_space<vmem_shared>>
        %dma_start3A_16 = arith.constant 0 : i32
        %dma_start3A_17 = tpu.memref_slice %arg3[%mul3A_12, %dma_start3A_16] : memref<10000x128xf32, #tpu.memory_space<hbm>> -> memref<1000x128xf32, #tpu.memory_space<hbm>>
        tpu.enqueue_dma source(%dma_start3A_17 : memref<1000x128xf32, #tpu.memory_space<hbm>>) target(%dma_start3A_15 : memref<1000x128xf32, #tpu.memory_space<vmem_shared>>) target_semaphore(%run_scoped3A : memref<!tpu.dma_semaphore, #tpu.memory_space<semaphore_mem>>)
        %dma_wait3A = arith.constant 0 : i32
        %dma_wait3A_18 = tpu.memref_slice %arg8[%mul3A_14, %dma_wait3A] : memref<10000x128xf32, #tpu.memory_space<vmem_shared>> -> memref<1000x128xf32, #tpu.memory_space<vmem_shared>>
        %dma_wait3A_19 = arith.constant 0 : i32
        %dma_wait3A_20 = tpu.memref_slice %arg3[%mul3A_12, %dma_wait3A_19] : memref<10000x128xf32, #tpu.memory_space<hbm>> -> memref<1000x128xf32, #tpu.memory_space<hbm>>
        tpu.wait_dma2 semaphore(%run_scoped3A : memref<!tpu.dma_semaphore, #tpu.memory_space<semaphore_mem>>) src(%dma_wait3A_20 : memref<1000x128xf32, #tpu.memory_space<hbm>>) dst(%dma_wait3A_18 : memref<1000x128xf32, #tpu.memory_space<vmem_shared>>)
        tpu.yield
      }) : () -> ()
    } else {
    }
    %mul3A_3 = arith.constant 40 : i32
    %mul3A_4 = arith.muli %add3A, %mul3A_3 : i32
    "tpu.region"() ({
      %run_scoped3A = tpu.sem_alloc : memref<!tpu.dma_semaphore, #tpu.memory_space<semaphore_mem>>
      %dma_start3A = arith.constant 0 : i32
      %dma_start3A_11 = tpu.memref_slice %arg2[%mul3A_4, %dma_start3A] : memref<1280x128xi32, #tpu.memory_space<hbm>> -> memref<40x128xi32, #tpu.memory_space<hbm>>
      %dma_start3A_12 = arith.constant 0 : i32
      %dma_start3A_13 = tpu.memref_slice %arg2[%mul3A_4, %dma_start3A_12] : memref<1280x128xi32, #tpu.memory_space<hbm>> -> memref<40x128xi32, #tpu.memory_space<hbm>>
      tpu.enqueue_dma source(%dma_start3A_13 : memref<40x128xi32, #tpu.memory_space<hbm>>) target(%arg5 : memref<40x128xi32, #tpu.memory_space<vmem>>) target_semaphore(%run_scoped3A : memref<!tpu.dma_semaphore, #tpu.memory_space<semaphore_mem>>)
      %dma_wait3A = arith.constant 0 : i32
      %dma_wait3A_14 = tpu.memref_slice %arg2[%mul3A_4, %dma_wait3A] : memref<1280x128xi32, #tpu.memory_space<hbm>> -> memref<40x128xi32, #tpu.memory_space<hbm>>
      %dma_wait3A_15 = arith.constant 0 : i32
      %dma_wait3A_16 = tpu.memref_slice %arg2[%mul3A_4, %dma_wait3A_15] : memref<1280x128xi32, #tpu.memory_space<hbm>> -> memref<40x128xi32, #tpu.memory_space<hbm>>
      tpu.wait_dma2 semaphore(%run_scoped3A : memref<!tpu.dma_semaphore, #tpu.memory_space<semaphore_mem>>) src(%dma_wait3A_16 : memref<40x128xi32, #tpu.memory_space<hbm>>) dst(%arg5 : memref<40x128xi32, #tpu.memory_space<vmem>>)
      tpu.yield
    }) : () -> ()
    %barrier3A = arith.constant 0 : index
    tpu.barrier barrier_id(%barrier3A)
    %scan3A = arith.constant 0 : i32
    %scan3A_5 = arith.constant 0 : i32
    %scan3A_6 = arith.constant 20 : i32
    %scan3A_7 = arith.addi %scan3A_5, %scan3A_6 : i32
    %scan3A_8 = arith.constant 1 : i32
    %scan3A_9 = scf.for %scan3A_11 = %scan3A_5 to %scan3A_7 step %scan3A_8 iter_args(%scan3A_12 = %scan3A) -> (i32)  : i32 {
      %mul3A_13 = arith.constant 2 : i32
      %mul3A_14 = arith.muli %mul3A_13, %scan3A_11 : i32
      %mul3A_15 = arith.constant 2 : i32
      %mul3A_16 = arith.muli %mul3A_15, %scan3A_11 : i32
      %add3A_17 = arith.constant 1 : i32
      %add3A_18 = arith.addi %mul3A_16, %add3A_17 : i32
      %mul3A_19 = arith.constant 40 : i32
      %mul3A_20 = arith.muli %add3A, %mul3A_19 : i32
      %add3A_21 = arith.addi %mul3A_20, %mul3A_14 : i32
      %mul3A_22 = arith.constant 128 : i32
      %mul3A_23 = arith.muli %add3A_21, %mul3A_22 : i32
      %mul3A_24 = arith.constant 40 : i32
      %mul3A_25 = arith.muli %add3A, %mul3A_24 : i32
      %add3A_26 = arith.addi %mul3A_25, %add3A_18 : i32
      %mul3A_27 = arith.constant 128 : i32
      %mul3A_28 = arith.muli %add3A_26, %mul3A_27 : i32
      %dma_start3A = arith.constant 0 : i32
      %dma_start3A_29 = tpu.memref_slice %arg5[%mul3A_14, %dma_start3A] : memref<40x128xi32, #tpu.memory_space<vmem>> -> memref<1x128xi32, #tpu.memory_space<vmem>>
      %dma_start3A_30 = tpu.memref_squeeze %dma_start3A_29 : memref<1x128xi32, #tpu.memory_space<vmem>> -> memref<128xi32, #tpu.memory_space<vmem>>
      %dma_start3A_31 = arith.constant 0 : i32
      %dma_start3A_32 = arith.constant 0 : i32
      %dma_start3A_33 = tpu.memref_slice %arg8[%dma_start3A_31, %dma_start3A_32] : memref<10000x128xf32, #tpu.memory_space<vmem_shared>> -> memref<10000x128xf32, #tpu.memory_space<vmem_shared>>
      tpu.enqueue_indirect_dma source(%dma_start3A_33 : memref<10000x128xf32, #tpu.memory_space<vmem_shared>>) target(%arg6 : memref<128x128xf32, #tpu.memory_space<vmem>>) offsets(%dma_start3A_30 : memref<128xi32, #tpu.memory_space<vmem>>) semaphore(%arg9 : memref<!tpu.dma_semaphore, #tpu.memory_space<semaphore_mem>>)
      %dma_start3A_34 = arith.constant 0 : i32
      %dma_start3A_35 = tpu.memref_slice %arg5[%add3A_18, %dma_start3A_34] : memref<40x128xi32, #tpu.memory_space<vmem>> -> memref<1x128xi32, #tpu.memory_space<vmem>>
      %dma_start3A_36 = tpu.memref_squeeze %dma_start3A_35 : memref<1x128xi32, #tpu.memory_space<vmem>> -> memref<128xi32, #tpu.memory_space<vmem>>
      %dma_start3A_37 = arith.constant 0 : i32
      %dma_start3A_38 = arith.constant 0 : i32
      %dma_start3A_39 = tpu.memref_slice %arg8[%dma_start3A_37, %dma_start3A_38] : memref<10000x128xf32, #tpu.memory_space<vmem_shared>> -> memref<10000x128xf32, #tpu.memory_space<vmem_shared>>
      tpu.enqueue_indirect_dma source(%dma_start3A_39 : memref<10000x128xf32, #tpu.memory_space<vmem_shared>>) target(%arg7 : memref<128x128xf32, #tpu.memory_space<vmem>>) offsets(%dma_start3A_36 : memref<128xi32, #tpu.memory_space<vmem>>) semaphore(%arg10 : memref<!tpu.dma_semaphore, #tpu.memory_space<semaphore_mem>>)
      %dma_wait3A = arith.constant 0 : i32
      %dma_wait3A_40 = tpu.memref_slice %arg5[%mul3A_14, %dma_wait3A] : memref<40x128xi32, #tpu.memory_space<vmem>> -> memref<1x128xi32, #tpu.memory_space<vmem>>
      %dma_wait3A_41 = tpu.memref_squeeze %dma_wait3A_40 : memref<1x128xi32, #tpu.memory_space<vmem>> -> memref<128xi32, #tpu.memory_space<vmem>>
      %dma_wait3A_42 = arith.constant 0 : i32
      %dma_wait3A_43 = arith.constant 0 : i32
      %dma_wait3A_44 = tpu.memref_slice %arg8[%dma_wait3A_42, %dma_wait3A_43] : memref<10000x128xf32, #tpu.memory_space<vmem_shared>> -> memref<10000x128xf32, #tpu.memory_space<vmem_shared>>
      tpu.wait_indirect_dma semaphore(%arg9 : memref<!tpu.dma_semaphore, #tpu.memory_space<semaphore_mem>>) src(%dma_wait3A_44 : memref<10000x128xf32, #tpu.memory_space<vmem_shared>>) dst(%arg6 : memref<128x128xf32, #tpu.memory_space<vmem>>)
      "tpu.region"() ({
        %run_scoped3A = tpu.sem_alloc : memref<!tpu.dma_semaphore, #tpu.memory_space<semaphore_mem>>
        %dma_start3A_52 = arith.constant 0 : i32
        %dma_start3A_53 = tpu.memref_slice %arg4[%mul3A_23, %dma_start3A_52] : memref<163840x128xf32, #tpu.memory_space<hbm>> -> memref<128x128xf32, #tpu.memory_space<hbm>>
        %dma_start3A_54 = arith.constant 0 : i32
        %dma_start3A_55 = tpu.memref_slice %arg4[%mul3A_23, %dma_start3A_54] : memref<163840x128xf32, #tpu.memory_space<hbm>> -> memref<128x128xf32, #tpu.memory_space<hbm>>
        tpu.enqueue_dma source(%arg6 : memref<128x128xf32, #tpu.memory_space<vmem>>) target(%dma_start3A_55 : memref<128x128xf32, #tpu.memory_space<hbm>>) target_semaphore(%run_scoped3A : memref<!tpu.dma_semaphore, #tpu.memory_space<semaphore_mem>>)
        %dma_wait3A_56 = arith.constant 0 : i32
        %dma_wait3A_57 = tpu.memref_slice %arg4[%mul3A_23, %dma_wait3A_56] : memref<163840x128xf32, #tpu.memory_space<hbm>> -> memref<128x128xf32, #tpu.memory_space<hbm>>
        %dma_wait3A_58 = arith.constant 0 : i32
        %dma_wait3A_59 = tpu.memref_slice %arg4[%mul3A_23, %dma_wait3A_58] : memref<163840x128xf32, #tpu.memory_space<hbm>> -> memref<128x128xf32, #tpu.memory_space<hbm>>
        tpu.wait_dma2 semaphore(%run_scoped3A : memref<!tpu.dma_semaphore, #tpu.memory_space<semaphore_mem>>) src(%arg6 : memref<128x128xf32, #tpu.memory_space<vmem>>) dst(%dma_wait3A_59 : memref<128x128xf32, #tpu.memory_space<hbm>>)
        tpu.yield
      }) : () -> ()
      %dma_wait3A_45 = arith.constant 0 : i32
      %dma_wait3A_46 = tpu.memref_slice %arg5[%add3A_18, %dma_wait3A_45] : memref<40x128xi32, #tpu.memory_space<vmem>> -> memref<1x128xi32, #tpu.memory_space<vmem>>
      %dma_wait3A_47 = tpu.memref_squeeze %dma_wait3A_46 : memref<1x128xi32, #tpu.memory_space<vmem>> -> memref<128xi32, #tpu.memory_space<vmem>>
      %dma_wait3A_48 = arith.constant 0 : i32
      %dma_wait3A_49 = arith.constant 0 : i32
      %dma_wait3A_50 = tpu.memref_slice %arg8[%dma_wait3A_48, %dma_wait3A_49] : memref<10000x128xf32, #tpu.memory_space<vmem_shared>> -> memref<10000x128xf32, #tpu.memory_space<vmem_shared>>
      tpu.wait_indirect_dma semaphore(%arg10 : memref<!tpu.dma_semaphore, #tpu.memory_space<semaphore_mem>>) src(%dma_wait3A_50 : memref<10000x128xf32, #tpu.memory_space<vmem_shared>>) dst(%arg7 : memref<128x128xf32, #tpu.memory_space<vmem>>)
      "tpu.region"() ({
        %run_scoped3A = tpu.sem_alloc : memref<!tpu.dma_semaphore, #tpu.memory_space<semaphore_mem>>
        %dma_start3A_52 = arith.constant 0 : i32
        %dma_start3A_53 = tpu.memref_slice %arg4[%mul3A_28, %dma_start3A_52] : memref<163840x128xf32, #tpu.memory_space<hbm>> -> memref<128x128xf32, #tpu.memory_space<hbm>>
        %dma_start3A_54 = arith.constant 0 : i32
        %dma_start3A_55 = tpu.memref_slice %arg4[%mul3A_28, %dma_start3A_54] : memref<163840x128xf32, #tpu.memory_space<hbm>> -> memref<128x128xf32, #tpu.memory_space<hbm>>
        tpu.enqueue_dma source(%arg7 : memref<128x128xf32, #tpu.memory_space<vmem>>) target(%dma_start3A_55 : memref<128x128xf32, #tpu.memory_space<hbm>>) target_semaphore(%run_scoped3A : memref<!tpu.dma_semaphore, #tpu.memory_space<semaphore_mem>>)
        %dma_wait3A_56 = arith.constant 0 : i32
        %dma_wait3A_57 = tpu.memref_slice %arg4[%mul3A_28, %dma_wait3A_56] : memref<163840x128xf32, #tpu.memory_space<hbm>> -> memref<128x128xf32, #tpu.memory_space<hbm>>
        %dma_wait3A_58 = arith.constant 0 : i32
        %dma_wait3A_59 = tpu.memref_slice %arg4[%mul3A_28, %dma_wait3A_58] : memref<163840x128xf32, #tpu.memory_space<hbm>> -> memref<128x128xf32, #tpu.memory_space<hbm>>
        tpu.wait_dma2 semaphore(%run_scoped3A : memref<!tpu.dma_semaphore, #tpu.memory_space<semaphore_mem>>) src(%arg7 : memref<128x128xf32, #tpu.memory_space<vmem>>) dst(%dma_wait3A_59 : memref<128x128xf32, #tpu.memory_space<hbm>>)
        tpu.yield
      }) : () -> ()
      %scan3A_51 = arith.constant 0 : i32
      scf.yield %scan3A_51 : i32
    }
    %scan3A_10 = arith.constant 20 : i32
    return
  }
}

#map = affine_map<(d0, d1) -> (0, 0)>
module attributes {stable_mosaic.version = 14 : i64} {
  func.func @_sc_gone(%arg0: i32, %arg1: i32, %arg2: memref<1280x128xi32, #tpu.memory_space<hbm>>, %arg3: memref<10000x128xf32, #tpu.memory_space<hbm>>, %arg4: memref<163840x128xf32, #tpu.memory_space<hbm>>, %arg5: memref<40x128xi32, #tpu.memory_space<vmem>>, %arg6: memref<128x128xf32, #tpu.memory_space<vmem>>, %arg7: memref<128x128xf32, #tpu.memory_space<vmem>>, %arg8: memref<10000x128xf32, #tpu.memory_space<vmem_shared>>, %arg9: memref<!tpu.dma_semaphore, #tpu.memory_space<semaphore_mem>>, %arg10: memref<!tpu.dma_semaphore, #tpu.memory_space<semaphore_mem>>) attributes {dimension_semantics = [#tpu.dimension_semantics<core_parallel>, #tpu.dimension_semantics<subcore_parallel>], iteration_bounds = array<i64: 2, 16>, scalar_prefetch = 0 : i64, scratch_operands = 6 : i64, tpu.core_type = #tpu.core_type<sc_vector_subcore>, window_params = [{transform_indices = #map}, {transform_indices = #map}, {transform_indices = #map}]} {
    %mul3A = arith.constant 2 : i32
    %mul3A_0 = arith.muli %arg1, %mul3A : i32
    %add3A = arith.addi %mul3A_0, %arg0 : i32
    %lt3A = arith.constant 10 : i32
    %lt3A_1 = arith.cmpi slt, %arg1, %lt3A : i32
    %convert_element_type3A = arith.extui %lt3A_1 : i1 to i32
    %cond3A = arith.constant 0 : i32
    %cond3A_2 = arith.cmpi ne, %convert_element_type3A, %cond3A : i32
    scf.if %cond3A_2 {
      %mul3A_11 = arith.constant 1000 : i32
      %mul3A_12 = arith.muli %arg1, %mul3A_11 : i32
      %mul3A_13 = arith.constant 1000 : i32
      %mul3A_14 = arith.muli %arg1, %mul3A_13 : i32
      "tpu.region"() ({
        %run_scoped3A = tpu.sem_alloc : memref<!tpu.dma_semaphore, #tpu.memory_space<semaphore_mem>>
        %dma_start3A = arith.constant 0 : i32
        %dma_start3A_15 = tpu.memref_slice %arg8[%mul3A_14, %dma_start3A] : memref<10000x128xf32, #tpu.memory_space<vmem_shared>> -> memref<1000x128xf32, #tpu.memory_space<vmem_shared>>
        %dma_start3A_16 = arith.constant 0 : i32
        %dma_start3A_17 = tpu.memref_slice %arg3[%mul3A_12, %dma_start3A_16] : memref<10000x128xf32, #tpu.memory_space<hbm>> -> memref<1000x128xf32, #tpu.memory_space<hbm>>
        tpu.enqueue_dma source(%dma_start3A_17 : memref<1000x128xf32, #tpu.memory_space<hbm>>) target(%dma_start3A_15 : memref<1000x128xf32, #tpu.memory_space<vmem_shared>>) target_semaphore(%run_scoped3A : memref<!tpu.dma_semaphore, #tpu.memory_space<semaphore_mem>>)
        %dma_wait3A = arith.constant 0 : i32
        %dma_wait3A_18 = tpu.memref_slice %arg8[%mul3A_14, %dma_wait3A] : memref<10000x128xf32, #tpu.memory_space<vmem_shared>> -> memref<1000x128xf32, #tpu.memory_space<vmem_shared>>
        %dma_wait3A_19 = arith.constant 0 : i32
        %dma_wait3A_20 = tpu.memref_slice %arg3[%mul3A_12, %dma_wait3A_19] : memref<10000x128xf32, #tpu.memory_space<hbm>> -> memref<1000x128xf32, #tpu.memory_space<hbm>>
        tpu.wait_dma2 semaphore(%run_scoped3A : memref<!tpu.dma_semaphore, #tpu.memory_space<semaphore_mem>>) src(%dma_wait3A_20 : memref<1000x128xf32, #tpu.memory_space<hbm>>) dst(%dma_wait3A_18 : memref<1000x128xf32, #tpu.memory_space<vmem_shared>>)
        tpu.yield
      }) : () -> ()
    } else {
    }
    %mul3A_3 = arith.constant 40 : i32
    %mul3A_4 = arith.muli %add3A, %mul3A_3 : i32
    "tpu.region"() ({
      %run_scoped3A = tpu.sem_alloc : memref<!tpu.dma_semaphore, #tpu.memory_space<semaphore_mem>>
      %dma_start3A = arith.constant 0 : i32
      %dma_start3A_11 = tpu.memref_slice %arg2[%mul3A_4, %dma_start3A] : memref<1280x128xi32, #tpu.memory_space<hbm>> -> memref<40x128xi32, #tpu.memory_space<hbm>>
      %dma_start3A_12 = arith.constant 0 : i32
      %dma_start3A_13 = tpu.memref_slice %arg2[%mul3A_4, %dma_start3A_12] : memref<1280x128xi32, #tpu.memory_space<hbm>> -> memref<40x128xi32, #tpu.memory_space<hbm>>
      tpu.enqueue_dma source(%dma_start3A_13 : memref<40x128xi32, #tpu.memory_space<hbm>>) target(%arg5 : memref<40x128xi32, #tpu.memory_space<vmem>>) target_semaphore(%run_scoped3A : memref<!tpu.dma_semaphore, #tpu.memory_space<semaphore_mem>>)
      %dma_wait3A = arith.constant 0 : i32
      %dma_wait3A_14 = tpu.memref_slice %arg2[%mul3A_4, %dma_wait3A] : memref<1280x128xi32, #tpu.memory_space<hbm>> -> memref<40x128xi32, #tpu.memory_space<hbm>>
      %dma_wait3A_15 = arith.constant 0 : i32
      %dma_wait3A_16 = tpu.memref_slice %arg2[%mul3A_4, %dma_wait3A_15] : memref<1280x128xi32, #tpu.memory_space<hbm>> -> memref<40x128xi32, #tpu.memory_space<hbm>>
      tpu.wait_dma2 semaphore(%run_scoped3A : memref<!tpu.dma_semaphore, #tpu.memory_space<semaphore_mem>>) src(%dma_wait3A_16 : memref<40x128xi32, #tpu.memory_space<hbm>>) dst(%arg5 : memref<40x128xi32, #tpu.memory_space<vmem>>)
      tpu.yield
    }) : () -> ()
    %barrier3A = arith.constant 0 : index
    tpu.barrier barrier_id(%barrier3A)
    %scan3A = arith.constant 0 : i32
    %scan3A_5 = arith.constant 0 : i32
    %scan3A_6 = arith.constant 20 : i32
    %scan3A_7 = arith.addi %scan3A_5, %scan3A_6 : i32
    %scan3A_8 = arith.constant 1 : i32
    %scan3A_9 = scf.for %scan3A_11 = %scan3A_5 to %scan3A_7 step %scan3A_8 iter_args(%scan3A_12 = %scan3A) -> (i32)  : i32 {
      %mul3A_13 = arith.constant 2 : i32
      %mul3A_14 = arith.muli %mul3A_13, %scan3A_11 : i32
      %mul3A_15 = arith.constant 2 : i32
      %mul3A_16 = arith.muli %mul3A_15, %scan3A_11 : i32
      %add3A_17 = arith.constant 1 : i32
      %add3A_18 = arith.addi %mul3A_16, %add3A_17 : i32
      %mul3A_19 = arith.constant 40 : i32
      %mul3A_20 = arith.muli %add3A, %mul3A_19 : i32
      %add3A_21 = arith.addi %mul3A_20, %mul3A_14 : i32
      %mul3A_22 = arith.constant 128 : i32
      %mul3A_23 = arith.muli %add3A_21, %mul3A_22 : i32
      %mul3A_24 = arith.constant 40 : i32
      %mul3A_25 = arith.muli %add3A, %mul3A_24 : i32
      %add3A_26 = arith.addi %mul3A_25, %add3A_18 : i32
      %mul3A_27 = arith.constant 128 : i32
      %mul3A_28 = arith.muli %add3A_26, %mul3A_27 : i32
      %dma_start3A = arith.constant 0 : i32
      %dma_start3A_29 = tpu.memref_slice %arg5[%mul3A_14, %dma_start3A] : memref<40x128xi32, #tpu.memory_space<vmem>> -> memref<1x128xi32, #tpu.memory_space<vmem>>
      %dma_start3A_30 = tpu.memref_squeeze %dma_start3A_29 : memref<1x128xi32, #tpu.memory_space<vmem>> -> memref<128xi32, #tpu.memory_space<vmem>>
      %dma_start3A_31 = arith.constant 0 : i32
      %dma_start3A_32 = arith.constant 0 : i32
      %dma_start3A_33 = tpu.memref_slice %arg8[%dma_start3A_31, %dma_start3A_32] : memref<10000x128xf32, #tpu.memory_space<vmem_shared>> -> memref<10000x128xf32, #tpu.memory_space<vmem_shared>>
      tpu.enqueue_indirect_dma source(%dma_start3A_33 : memref<10000x128xf32, #tpu.memory_space<vmem_shared>>) target(%arg6 : memref<128x128xf32, #tpu.memory_space<vmem>>) offsets(%dma_start3A_30 : memref<128xi32, #tpu.memory_space<vmem>>) semaphore(%arg9 : memref<!tpu.dma_semaphore, #tpu.memory_space<semaphore_mem>>)
      %dma_start3A_34 = arith.constant 0 : i32
      %dma_start3A_35 = tpu.memref_slice %arg5[%add3A_18, %dma_start3A_34] : memref<40x128xi32, #tpu.memory_space<vmem>> -> memref<1x128xi32, #tpu.memory_space<vmem>>
      %dma_start3A_36 = tpu.memref_squeeze %dma_start3A_35 : memref<1x128xi32, #tpu.memory_space<vmem>> -> memref<128xi32, #tpu.memory_space<vmem>>
      %dma_start3A_37 = arith.constant 0 : i32
      %dma_start3A_38 = arith.constant 0 : i32
      %dma_start3A_39 = tpu.memref_slice %arg8[%dma_start3A_37, %dma_start3A_38] : memref<10000x128xf32, #tpu.memory_space<vmem_shared>> -> memref<10000x128xf32, #tpu.memory_space<vmem_shared>>
      tpu.enqueue_indirect_dma source(%dma_start3A_39 : memref<10000x128xf32, #tpu.memory_space<vmem_shared>>) target(%arg7 : memref<128x128xf32, #tpu.memory_space<vmem>>) offsets(%dma_start3A_36 : memref<128xi32, #tpu.memory_space<vmem>>) semaphore(%arg10 : memref<!tpu.dma_semaphore, #tpu.memory_space<semaphore_mem>>)
      %dma_wait3A = arith.constant 0 : i32
      %dma_wait3A_40 = tpu.memref_slice %arg5[%mul3A_14, %dma_wait3A] : memref<40x128xi32, #tpu.memory_space<vmem>> -> memref<1x128xi32, #tpu.memory_space<vmem>>
      %dma_wait3A_41 = tpu.memref_squeeze %dma_wait3A_40 : memref<1x128xi32, #tpu.memory_space<vmem>> -> memref<128xi32, #tpu.memory_space<vmem>>
      %dma_wait3A_42 = arith.constant 0 : i32
      %dma_wait3A_43 = arith.constant 0 : i32
      %dma_wait3A_44 = tpu.memref_slice %arg8[%dma_wait3A_42, %dma_wait3A_43] : memref<10000x128xf32, #tpu.memory_space<vmem_shared>> -> memref<10000x128xf32, #tpu.memory_space<vmem_shared>>
      tpu.wait_indirect_dma semaphore(%arg9 : memref<!tpu.dma_semaphore, #tpu.memory_space<semaphore_mem>>) src(%dma_wait3A_44 : memref<10000x128xf32, #tpu.memory_space<vmem_shared>>) dst(%arg6 : memref<128x128xf32, #tpu.memory_space<vmem>>)
      "tpu.region"() ({
        %run_scoped3A = tpu.sem_alloc : memref<!tpu.dma_semaphore, #tpu.memory_space<semaphore_mem>>
        %dma_start3A_52 = arith.constant 0 : i32
        %dma_start3A_53 = tpu.memref_slice %arg4[%mul3A_23, %dma_start3A_52] : memref<163840x128xf32, #tpu.memory_space<hbm>> -> memref<128x128xf32, #tpu.memory_space<hbm>>
        %dma_start3A_54 = arith.constant 0 : i32
        %dma_start3A_55 = tpu.memref_slice %arg4[%mul3A_23, %dma_start3A_54] : memref<163840x128xf32, #tpu.memory_space<hbm>> -> memref<128x128xf32, #tpu.memory_space<hbm>>
        tpu.enqueue_dma source(%arg6 : memref<128x128xf32, #tpu.memory_space<vmem>>) target(%dma_start3A_55 : memref<128x128xf32, #tpu.memory_space<hbm>>) target_semaphore(%run_scoped3A : memref<!tpu.dma_semaphore, #tpu.memory_space<semaphore_mem>>)
        %dma_wait3A_56 = arith.constant 0 : i32
        %dma_wait3A_57 = tpu.memref_slice %arg4[%mul3A_23, %dma_wait3A_56] : memref<163840x128xf32, #tpu.memory_space<hbm>> -> memref<128x128xf32, #tpu.memory_space<hbm>>
        %dma_wait3A_58 = arith.constant 0 : i32
        %dma_wait3A_59 = tpu.memref_slice %arg4[%mul3A_23, %dma_wait3A_58] : memref<163840x128xf32, #tpu.memory_space<hbm>> -> memref<128x128xf32, #tpu.memory_space<hbm>>
        tpu.wait_dma2 semaphore(%run_scoped3A : memref<!tpu.dma_semaphore, #tpu.memory_space<semaphore_mem>>) src(%arg6 : memref<128x128xf32, #tpu.memory_space<vmem>>) dst(%dma_wait3A_59 : memref<128x128xf32, #tpu.memory_space<hbm>>)
        tpu.yield
      }) : () -> ()
      %dma_wait3A_45 = arith.constant 0 : i32
      %dma_wait3A_46 = tpu.memref_slice %arg5[%add3A_18, %dma_wait3A_45] : memref<40x128xi32, #tpu.memory_space<vmem>> -> memref<1x128xi32, #tpu.memory_space<vmem>>
      %dma_wait3A_47 = tpu.memref_squeeze %dma_wait3A_46 : memref<1x128xi32, #tpu.memory_space<vmem>> -> memref<128xi32, #tpu.memory_space<vmem>>
      %dma_wait3A_48 = arith.constant 0 : i32
      %dma_wait3A_49 = arith.constant 0 : i32
      %dma_wait3A_50 = tpu.memref_slice %arg8[%dma_wait3A_48, %dma_wait3A_49] : memref<10000x128xf32, #tpu.memory_space<vmem_shared>> -> memref<10000x128xf32, #tpu.memory_space<vmem_shared>>
      tpu.wait_indirect_dma semaphore(%arg10 : memref<!tpu.dma_semaphore, #tpu.memory_space<semaphore_mem>>) src(%dma_wait3A_50 : memref<10000x128xf32, #tpu.memory_space<vmem_shared>>) dst(%arg7 : memref<128x128xf32, #tpu.memory_space<vmem>>)
      "tpu.region"() ({
        %run_scoped3A = tpu.sem_alloc : memref<!tpu.dma_semaphore, #tpu.memory_space<semaphore_mem>>
        %dma_start3A_52 = arith.constant 0 : i32
        %dma_start3A_53 = tpu.memref_slice %arg4[%mul3A_28, %dma_start3A_52] : memref<163840x128xf32, #tpu.memory_space<hbm>> -> memref<128x128xf32, #tpu.memory_space<hbm>>
        %dma_start3A_54 = arith.constant 0 : i32
        %dma_start3A_55 = tpu.memref_slice %arg4[%mul3A_28, %dma_start3A_54] : memref<163840x128xf32, #tpu.memory_space<hbm>> -> memref<128x128xf32, #tpu.memory_space<hbm>>
        tpu.enqueue_dma source(%arg7 : memref<128x128xf32, #tpu.memory_space<vmem>>) target(%dma_start3A_55 : memref<128x128xf32, #tpu.memory_space<hbm>>) target_semaphore(%run_scoped3A : memref<!tpu.dma_semaphore, #tpu.memory_space<semaphore_mem>>)
        %dma_wait3A_56 = arith.constant 0 : i32
        %dma_wait3A_57 = tpu.memref_slice %arg4[%mul3A_28, %dma_wait3A_56] : memref<163840x128xf32, #tpu.memory_space<hbm>> -> memref<128x128xf32, #tpu.memory_space<hbm>>
        %dma_wait3A_58 = arith.constant 0 : i32
        %dma_wait3A_59 = tpu.memref_slice %arg4[%mul3A_28, %dma_wait3A_58] : memref<163840x128xf32, #tpu.memory_space<hbm>> -> memref<128x128xf32, #tpu.memory_space<hbm>>
        tpu.wait_dma2 semaphore(%run_scoped3A : memref<!tpu.dma_semaphore, #tpu.memory_space<semaphore_mem>>) src(%arg7 : memref<128x128xf32, #tpu.memory_space<vmem>>) dst(%dma_wait3A_59 : memref<128x128xf32, #tpu.memory_space<hbm>>)
        tpu.yield
      }) : () -> ()
      %scan3A_51 = arith.constant 0 : i32
      scf.yield %scan3A_51 : i32
    }
    %scan3A_10 = arith.constant 20 : i32
    return
  }
}

#map = affine_map<(d0, d1) -> (0, 0)>
#map1 = affine_map<(d0, d1) -> (0, 0, 0)>
module attributes {stable_mosaic.version = 14 : i64} {
  func.func @_sc_cnt(%arg0: i32, %arg1: i32, %arg2: memref<1280x128xi32, #tpu.memory_space<hbm>>, %arg3: memref<128x128xf32, #tpu.memory_space<hbm>>, %arg4: memref<200x128xf32, #tpu.memory_space<hbm>>, %arg5: memref<2x10000x128xf32, #tpu.memory_space<hbm>>, %arg6: memref<40x128xi32, #tpu.memory_space<vmem>>, %arg7: memref<128x128xf32, #tpu.memory_space<vmem>>, %arg8: memref<200x128xf32, #tpu.memory_space<vmem>>, %arg9: memref<10000x128xf32, #tpu.memory_space<vmem_shared>>, %arg10: memref<!tpu.dma_semaphore, #tpu.memory_space<semaphore_mem>>) attributes {dimension_semantics = [#tpu.dimension_semantics<core_parallel>, #tpu.dimension_semantics<subcore_parallel>], iteration_bounds = array<i64: 2, 16>, scalar_prefetch = 0 : i64, scratch_operands = 5 : i64, tpu.core_type = #tpu.core_type<sc_vector_subcore>, window_params = [{transform_indices = #map}, {transform_indices = #map}, {transform_indices = #map}, {transform_indices = #map1}]} {
    %mul3A = arith.constant 2 : i32
    %mul3A_0 = arith.muli %arg1, %mul3A : i32
    %add3A = arith.addi %mul3A_0, %arg0 : i32
    "tpu.region"() ({
      %run_scoped3A = tpu.sem_alloc : memref<!tpu.dma_semaphore, #tpu.memory_space<semaphore_mem>>
      tpu.enqueue_dma source(%arg3 : memref<128x128xf32, #tpu.memory_space<hbm>>) target(%arg7 : memref<128x128xf32, #tpu.memory_space<vmem>>) target_semaphore(%run_scoped3A : memref<!tpu.dma_semaphore, #tpu.memory_space<semaphore_mem>>)
      tpu.wait_dma2 semaphore(%run_scoped3A : memref<!tpu.dma_semaphore, #tpu.memory_space<semaphore_mem>>) src(%arg3 : memref<128x128xf32, #tpu.memory_space<hbm>>) dst(%arg7 : memref<128x128xf32, #tpu.memory_space<vmem>>)
      tpu.yield
    }) : () -> ()
    "tpu.region"() ({
      %run_scoped3A = tpu.sem_alloc : memref<!tpu.dma_semaphore, #tpu.memory_space<semaphore_mem>>
      tpu.enqueue_dma source(%arg4 : memref<200x128xf32, #tpu.memory_space<hbm>>) target(%arg8 : memref<200x128xf32, #tpu.memory_space<vmem>>) target_semaphore(%run_scoped3A : memref<!tpu.dma_semaphore, #tpu.memory_space<semaphore_mem>>)
      tpu.wait_dma2 semaphore(%run_scoped3A : memref<!tpu.dma_semaphore, #tpu.memory_space<semaphore_mem>>) src(%arg4 : memref<200x128xf32, #tpu.memory_space<hbm>>) dst(%arg8 : memref<200x128xf32, #tpu.memory_space<vmem>>)
      tpu.yield
    }) : () -> ()
    %lt3A = arith.constant 10 : i32
    %lt3A_1 = arith.cmpi slt, %arg1, %lt3A : i32
    %convert_element_type3A = arith.extui %lt3A_1 : i1 to i32
    %cond3A = arith.constant 0 : i32
    %cond3A_2 = arith.cmpi ne, %convert_element_type3A, %cond3A : i32
    scf.if %cond3A_2 {
      %scan3A_17 = arith.constant 0 : i32
      %scan3A_18 = arith.constant 0 : i32
      %scan3A_19 = arith.constant 5 : i32
      %scan3A_20 = arith.addi %scan3A_18, %scan3A_19 : i32
      %scan3A_21 = arith.constant 1 : i32
      %scan3A_22 = scf.for %scan3A_24 = %scan3A_18 to %scan3A_20 step %scan3A_21 iter_args(%scan3A_25 = %scan3A_17) -> (i32)  : i32 {
        %mul3A_26 = arith.constant 1000 : i32
        %mul3A_27 = arith.muli %arg1, %mul3A_26 : i32
        %mul3A_28 = arith.constant 200 : i32
        %mul3A_29 = arith.muli %scan3A_24, %mul3A_28 : i32
        %add3A_30 = arith.addi %mul3A_27, %mul3A_29 : i32
        "tpu.region"() ({
          %run_scoped3A = tpu.sem_alloc : memref<!tpu.dma_semaphore, #tpu.memory_space<semaphore_mem>>
          %dma_start3A = arith.constant 0 : i32
          %dma_start3A_32 = tpu.memref_slice %arg9[%add3A_30, %dma_start3A] : memref<10000x128xf32, #tpu.memory_space<vmem_shared>> -> memref<200x128xf32, #tpu.memory_space<vmem_shared>>
          %dma_start3A_33 = arith.constant 0 : i32
          %dma_start3A_34 = tpu.memref_slice %arg9[%add3A_30, %dma_start3A_33] : memref<10000x128xf32, #tpu.memory_space<vmem_shared>> -> memref<200x128xf32, #tpu.memory_space<vmem_shared>>
          tpu.enqueue_dma source(%arg8 : memref<200x128xf32, #tpu.memory_space<vmem>>) target(%dma_start3A_34 : memref<200x128xf32, #tpu.memory_space<vmem_shared>>) target_semaphore(%run_scoped3A : memref<!tpu.dma_semaphore, #tpu.memory_space<semaphore_mem>>)
          %dma_wait3A = arith.constant 0 : i32
          %dma_wait3A_35 = tpu.memref_slice %arg9[%add3A_30, %dma_wait3A] : memref<10000x128xf32, #tpu.memory_space<vmem_shared>> -> memref<200x128xf32, #tpu.memory_space<vmem_shared>>
          %dma_wait3A_36 = arith.constant 0 : i32
          %dma_wait3A_37 = tpu.memref_slice %arg9[%add3A_30, %dma_wait3A_36] : memref<10000x128xf32, #tpu.memory_space<vmem_shared>> -> memref<200x128xf32, #tpu.memory_space<vmem_shared>>
          tpu.wait_dma2 semaphore(%run_scoped3A : memref<!tpu.dma_semaphore, #tpu.memory_space<semaphore_mem>>) src(%arg8 : memref<200x128xf32, #tpu.memory_space<vmem>>) dst(%dma_wait3A_37 : memref<200x128xf32, #tpu.memory_space<vmem_shared>>)
          tpu.yield
        }) : () -> ()
        %scan3A_31 = arith.constant 0 : i32
        scf.yield %scan3A_31 : i32
      }
      %scan3A_23 = arith.constant 5 : i32
    } else {
    }
    %barrier3A = arith.constant 0 : index
    tpu.barrier barrier_id(%barrier3A)
    %mul3A_3 = arith.constant 40 : i32
    %mul3A_4 = arith.muli %add3A, %mul3A_3 : i32
    "tpu.region"() ({
      %run_scoped3A = tpu.sem_alloc : memref<!tpu.dma_semaphore, #tpu.memory_space<semaphore_mem>>
      %dma_start3A = arith.constant 0 : i32
      %dma_start3A_17 = tpu.memref_slice %arg2[%mul3A_4, %dma_start3A] : memref<1280x128xi32, #tpu.memory_space<hbm>> -> memref<40x128xi32, #tpu.memory_space<hbm>>
      %dma_start3A_18 = arith.constant 0 : i32
      %dma_start3A_19 = tpu.memref_slice %arg2[%mul3A_4, %dma_start3A_18] : memref<1280x128xi32, #tpu.memory_space<hbm>> -> memref<40x128xi32, #tpu.memory_space<hbm>>
      tpu.enqueue_dma source(%dma_start3A_19 : memref<40x128xi32, #tpu.memory_space<hbm>>) target(%arg6 : memref<40x128xi32, #tpu.memory_space<vmem>>) target_semaphore(%run_scoped3A : memref<!tpu.dma_semaphore, #tpu.memory_space<semaphore_mem>>)
      %dma_wait3A = arith.constant 0 : i32
      %dma_wait3A_20 = tpu.memref_slice %arg2[%mul3A_4, %dma_wait3A] : memref<1280x128xi32, #tpu.memory_space<hbm>> -> memref<40x128xi32, #tpu.memory_space<hbm>>
      %dma_wait3A_21 = arith.constant 0 : i32
      %dma_wait3A_22 = tpu.memref_slice %arg2[%mul3A_4, %dma_wait3A_21] : memref<1280x128xi32, #tpu.memory_space<hbm>> -> memref<40x128xi32, #tpu.memory_space<hbm>>
      tpu.wait_dma2 semaphore(%run_scoped3A : memref<!tpu.dma_semaphore, #tpu.memory_space<semaphore_mem>>) src(%dma_wait3A_22 : memref<40x128xi32, #tpu.memory_space<hbm>>) dst(%arg6 : memref<40x128xi32, #tpu.memory_space<vmem>>)
      tpu.yield
    }) : () -> ()
    %scan3A = arith.constant 0 : i32
    %scan3A_5 = arith.constant 0 : i32
    %scan3A_6 = arith.constant 40 : i32
    %scan3A_7 = arith.addi %scan3A_5, %scan3A_6 : i32
    %scan3A_8 = arith.constant 1 : i32
    %scan3A_9 = scf.for %scan3A_17 = %scan3A_5 to %scan3A_7 step %scan3A_8 iter_args(%scan3A_18 = %scan3A) -> (i32)  : i32 {
      %mul3A_19 = arith.constant 40 : i32
      %mul3A_20 = arith.muli %add3A, %mul3A_19 : i32
      %add3A_21 = arith.addi %mul3A_20, %scan3A_17 : i32
      %lt3A_22 = arith.constant 1250 : i32
      %lt3A_23 = arith.cmpi slt, %add3A_21, %lt3A_22 : i32
      %convert_element_type3A_24 = arith.extui %lt3A_23 : i1 to i32
      %cond3A_25 = arith.constant 0 : i32
      %cond3A_26 = arith.cmpi ne, %convert_element_type3A_24, %cond3A_25 : i32
      scf.if %cond3A_26 {
        "tpu.region"() ({
          %run_scoped3A = tpu.sem_alloc : memref<!tpu.dma_semaphore, #tpu.memory_space<semaphore_mem>>
          %dma_start3A = arith.constant 0 : i32
          %dma_start3A_28 = tpu.memref_slice %arg6[%scan3A_17, %dma_start3A] : memref<40x128xi32, #tpu.memory_space<vmem>> -> memref<1x128xi32, #tpu.memory_space<vmem>>
          %dma_start3A_29 = tpu.memref_squeeze %dma_start3A_28 : memref<1x128xi32, #tpu.memory_space<vmem>> -> memref<128xi32, #tpu.memory_space<vmem>>
          %dma_start3A_30 = arith.constant 0 : i32
          %dma_start3A_31 = arith.constant 0 : i32
          %dma_start3A_32 = tpu.memref_slice %arg9[%dma_start3A_30, %dma_start3A_31] : memref<10000x128xf32, #tpu.memory_space<vmem_shared>> -> memref<10000x128xf32, #tpu.memory_space<vmem_shared>>
          tpu.enqueue_indirect_dma source(%arg7 : memref<128x128xf32, #tpu.memory_space<vmem>>) target(%dma_start3A_32 : memref<10000x128xf32, #tpu.memory_space<vmem_shared>>) offsets(%dma_start3A_29 : memref<128xi32, #tpu.memory_space<vmem>>) semaphore(%run_scoped3A : memref<!tpu.dma_semaphore, #tpu.memory_space<semaphore_mem>>) {add = true}
          %dma_wait3A = arith.constant 0 : i32
          %dma_wait3A_33 = tpu.memref_slice %arg6[%scan3A_17, %dma_wait3A] : memref<40x128xi32, #tpu.memory_space<vmem>> -> memref<1x128xi32, #tpu.memory_space<vmem>>
          %dma_wait3A_34 = tpu.memref_squeeze %dma_wait3A_33 : memref<1x128xi32, #tpu.memory_space<vmem>> -> memref<128xi32, #tpu.memory_space<vmem>>
          %dma_wait3A_35 = arith.constant 0 : i32
          %dma_wait3A_36 = arith.constant 0 : i32
          %dma_wait3A_37 = tpu.memref_slice %arg9[%dma_wait3A_35, %dma_wait3A_36] : memref<10000x128xf32, #tpu.memory_space<vmem_shared>> -> memref<10000x128xf32, #tpu.memory_space<vmem_shared>>
          tpu.wait_indirect_dma semaphore(%run_scoped3A : memref<!tpu.dma_semaphore, #tpu.memory_space<semaphore_mem>>) src(%arg7 : memref<128x128xf32, #tpu.memory_space<vmem>>) dst(%dma_wait3A_37 : memref<10000x128xf32, #tpu.memory_space<vmem_shared>>)
          tpu.yield
        }) : () -> ()
      } else {
      }
      %scan3A_27 = arith.constant 0 : i32
      scf.yield %scan3A_27 : i32
    }
    %scan3A_10 = arith.constant 40 : i32
    %barrier3A_11 = arith.constant 0 : index
    tpu.barrier barrier_id(%barrier3A_11)
    %lt3A_12 = arith.constant 10 : i32
    %lt3A_13 = arith.cmpi slt, %arg1, %lt3A_12 : i32
    %convert_element_type3A_14 = arith.extui %lt3A_13 : i1 to i32
    %cond3A_15 = arith.constant 0 : i32
    %cond3A_16 = arith.cmpi ne, %convert_element_type3A_14, %cond3A_15 : i32
    scf.if %cond3A_16 {
      %mul3A_17 = arith.constant 1000 : i32
      %mul3A_18 = arith.muli %arg1, %mul3A_17 : i32
      %mul3A_19 = arith.constant 1000 : i32
      %mul3A_20 = arith.muli %arg1, %mul3A_19 : i32
      "tpu.region"() ({
        %run_scoped3A = tpu.sem_alloc : memref<!tpu.dma_semaphore, #tpu.memory_space<semaphore_mem>>
        %dma_start3A = arith.constant 0 : i32
        %dma_start3A_21 = tpu.memref_slice %arg5[%arg0, %mul3A_20, %dma_start3A] : memref<2x10000x128xf32, #tpu.memory_space<hbm>> -> memref<1x1000x128xf32, #tpu.memory_space<hbm>>
        %dma_start3A_22 = tpu.memref_squeeze %dma_start3A_21 : memref<1x1000x128xf32, #tpu.memory_space<hbm>> -> memref<1000x128xf32, #tpu.memory_space<hbm>>
        %dma_start3A_23 = arith.constant 0 : i32
        %dma_start3A_24 = tpu.memref_slice %arg9[%mul3A_18, %dma_start3A_23] : memref<10000x128xf32, #tpu.memory_space<vmem_shared>> -> memref<1000x128xf32, #tpu.memory_space<vmem_shared>>
        tpu.enqueue_dma source(%dma_start3A_24 : memref<1000x128xf32, #tpu.memory_space<vmem_shared>>) target(%dma_start3A_22 : memref<1000x128xf32, #tpu.memory_space<hbm>>) target_semaphore(%run_scoped3A : memref<!tpu.dma_semaphore, #tpu.memory_space<semaphore_mem>>)
        %dma_wait3A = arith.constant 0 : i32
        %dma_wait3A_25 = tpu.memref_slice %arg5[%arg0, %mul3A_20, %dma_wait3A] : memref<2x10000x128xf32, #tpu.memory_space<hbm>> -> memref<1x1000x128xf32, #tpu.memory_space<hbm>>
        %dma_wait3A_26 = tpu.memref_squeeze %dma_wait3A_25 : memref<1x1000x128xf32, #tpu.memory_space<hbm>> -> memref<1000x128xf32, #tpu.memory_space<hbm>>
        %dma_wait3A_27 = arith.constant 0 : i32
        %dma_wait3A_28 = tpu.memref_slice %arg9[%mul3A_18, %dma_wait3A_27] : memref<10000x128xf32, #tpu.memory_space<vmem_shared>> -> memref<1000x128xf32, #tpu.memory_space<vmem_shared>>
        tpu.wait_dma2 semaphore(%run_scoped3A : memref<!tpu.dma_semaphore, #tpu.memory_space<semaphore_mem>>) src(%dma_wait3A_28 : memref<1000x128xf32, #tpu.memory_space<vmem_shared>>) dst(%dma_wait3A_26 : memref<1000x128xf32, #tpu.memory_space<hbm>>)
        tpu.yield
      }) : () -> ()
    } else {
    }
    return
  }
}

#map = affine_map<(d0, d1) -> (0, 0)>
module attributes {stable_mosaic.version = 14 : i64} {
  func.func @_sc_gone(%arg0: i32, %arg1: i32, %arg2: memref<1280x128xi32, #tpu.memory_space<hbm>>, %arg3: memref<10000x128xf32, #tpu.memory_space<hbm>>, %arg4: memref<163840x128xf32, #tpu.memory_space<hbm>>, %arg5: memref<40x128xi32, #tpu.memory_space<vmem>>, %arg6: memref<128x128xf32, #tpu.memory_space<vmem>>, %arg7: memref<128x128xf32, #tpu.memory_space<vmem>>, %arg8: memref<10000x128xf32, #tpu.memory_space<vmem_shared>>, %arg9: memref<!tpu.dma_semaphore, #tpu.memory_space<semaphore_mem>>, %arg10: memref<!tpu.dma_semaphore, #tpu.memory_space<semaphore_mem>>) attributes {dimension_semantics = [#tpu.dimension_semantics<core_parallel>, #tpu.dimension_semantics<subcore_parallel>], iteration_bounds = array<i64: 2, 16>, scalar_prefetch = 0 : i64, scratch_operands = 6 : i64, tpu.core_type = #tpu.core_type<sc_vector_subcore>, window_params = [{transform_indices = #map}, {transform_indices = #map}, {transform_indices = #map}]} {
    %mul3A = arith.constant 2 : i32
    %mul3A_0 = arith.muli %arg1, %mul3A : i32
    %add3A = arith.addi %mul3A_0, %arg0 : i32
    %lt3A = arith.constant 10 : i32
    %lt3A_1 = arith.cmpi slt, %arg1, %lt3A : i32
    %convert_element_type3A = arith.extui %lt3A_1 : i1 to i32
    %cond3A = arith.constant 0 : i32
    %cond3A_2 = arith.cmpi ne, %convert_element_type3A, %cond3A : i32
    scf.if %cond3A_2 {
      %mul3A_11 = arith.constant 1000 : i32
      %mul3A_12 = arith.muli %arg1, %mul3A_11 : i32
      %mul3A_13 = arith.constant 1000 : i32
      %mul3A_14 = arith.muli %arg1, %mul3A_13 : i32
      "tpu.region"() ({
        %run_scoped3A = tpu.sem_alloc : memref<!tpu.dma_semaphore, #tpu.memory_space<semaphore_mem>>
        %dma_start3A = arith.constant 0 : i32
        %dma_start3A_15 = tpu.memref_slice %arg8[%mul3A_14, %dma_start3A] : memref<10000x128xf32, #tpu.memory_space<vmem_shared>> -> memref<1000x128xf32, #tpu.memory_space<vmem_shared>>
        %dma_start3A_16 = arith.constant 0 : i32
        %dma_start3A_17 = tpu.memref_slice %arg3[%mul3A_12, %dma_start3A_16] : memref<10000x128xf32, #tpu.memory_space<hbm>> -> memref<1000x128xf32, #tpu.memory_space<hbm>>
        tpu.enqueue_dma source(%dma_start3A_17 : memref<1000x128xf32, #tpu.memory_space<hbm>>) target(%dma_start3A_15 : memref<1000x128xf32, #tpu.memory_space<vmem_shared>>) target_semaphore(%run_scoped3A : memref<!tpu.dma_semaphore, #tpu.memory_space<semaphore_mem>>)
        %dma_wait3A = arith.constant 0 : i32
        %dma_wait3A_18 = tpu.memref_slice %arg8[%mul3A_14, %dma_wait3A] : memref<10000x128xf32, #tpu.memory_space<vmem_shared>> -> memref<1000x128xf32, #tpu.memory_space<vmem_shared>>
        %dma_wait3A_19 = arith.constant 0 : i32
        %dma_wait3A_20 = tpu.memref_slice %arg3[%mul3A_12, %dma_wait3A_19] : memref<10000x128xf32, #tpu.memory_space<hbm>> -> memref<1000x128xf32, #tpu.memory_space<hbm>>
        tpu.wait_dma2 semaphore(%run_scoped3A : memref<!tpu.dma_semaphore, #tpu.memory_space<semaphore_mem>>) src(%dma_wait3A_20 : memref<1000x128xf32, #tpu.memory_space<hbm>>) dst(%dma_wait3A_18 : memref<1000x128xf32, #tpu.memory_space<vmem_shared>>)
        tpu.yield
      }) : () -> ()
    } else {
    }
    %mul3A_3 = arith.constant 40 : i32
    %mul3A_4 = arith.muli %add3A, %mul3A_3 : i32
    "tpu.region"() ({
      %run_scoped3A = tpu.sem_alloc : memref<!tpu.dma_semaphore, #tpu.memory_space<semaphore_mem>>
      %dma_start3A = arith.constant 0 : i32
      %dma_start3A_11 = tpu.memref_slice %arg2[%mul3A_4, %dma_start3A] : memref<1280x128xi32, #tpu.memory_space<hbm>> -> memref<40x128xi32, #tpu.memory_space<hbm>>
      %dma_start3A_12 = arith.constant 0 : i32
      %dma_start3A_13 = tpu.memref_slice %arg2[%mul3A_4, %dma_start3A_12] : memref<1280x128xi32, #tpu.memory_space<hbm>> -> memref<40x128xi32, #tpu.memory_space<hbm>>
      tpu.enqueue_dma source(%dma_start3A_13 : memref<40x128xi32, #tpu.memory_space<hbm>>) target(%arg5 : memref<40x128xi32, #tpu.memory_space<vmem>>) target_semaphore(%run_scoped3A : memref<!tpu.dma_semaphore, #tpu.memory_space<semaphore_mem>>)
      %dma_wait3A = arith.constant 0 : i32
      %dma_wait3A_14 = tpu.memref_slice %arg2[%mul3A_4, %dma_wait3A] : memref<1280x128xi32, #tpu.memory_space<hbm>> -> memref<40x128xi32, #tpu.memory_space<hbm>>
      %dma_wait3A_15 = arith.constant 0 : i32
      %dma_wait3A_16 = tpu.memref_slice %arg2[%mul3A_4, %dma_wait3A_15] : memref<1280x128xi32, #tpu.memory_space<hbm>> -> memref<40x128xi32, #tpu.memory_space<hbm>>
      tpu.wait_dma2 semaphore(%run_scoped3A : memref<!tpu.dma_semaphore, #tpu.memory_space<semaphore_mem>>) src(%dma_wait3A_16 : memref<40x128xi32, #tpu.memory_space<hbm>>) dst(%arg5 : memref<40x128xi32, #tpu.memory_space<vmem>>)
      tpu.yield
    }) : () -> ()
    %barrier3A = arith.constant 0 : index
    tpu.barrier barrier_id(%barrier3A)
    %scan3A = arith.constant 0 : i32
    %scan3A_5 = arith.constant 0 : i32
    %scan3A_6 = arith.constant 20 : i32
    %scan3A_7 = arith.addi %scan3A_5, %scan3A_6 : i32
    %scan3A_8 = arith.constant 1 : i32
    %scan3A_9 = scf.for %scan3A_11 = %scan3A_5 to %scan3A_7 step %scan3A_8 iter_args(%scan3A_12 = %scan3A) -> (i32)  : i32 {
      %mul3A_13 = arith.constant 2 : i32
      %mul3A_14 = arith.muli %mul3A_13, %scan3A_11 : i32
      %mul3A_15 = arith.constant 2 : i32
      %mul3A_16 = arith.muli %mul3A_15, %scan3A_11 : i32
      %add3A_17 = arith.constant 1 : i32
      %add3A_18 = arith.addi %mul3A_16, %add3A_17 : i32
      %mul3A_19 = arith.constant 40 : i32
      %mul3A_20 = arith.muli %add3A, %mul3A_19 : i32
      %add3A_21 = arith.addi %mul3A_20, %mul3A_14 : i32
      %mul3A_22 = arith.constant 128 : i32
      %mul3A_23 = arith.muli %add3A_21, %mul3A_22 : i32
      %mul3A_24 = arith.constant 40 : i32
      %mul3A_25 = arith.muli %add3A, %mul3A_24 : i32
      %add3A_26 = arith.addi %mul3A_25, %add3A_18 : i32
      %mul3A_27 = arith.constant 128 : i32
      %mul3A_28 = arith.muli %add3A_26, %mul3A_27 : i32
      %dma_start3A = arith.constant 0 : i32
      %dma_start3A_29 = tpu.memref_slice %arg5[%mul3A_14, %dma_start3A] : memref<40x128xi32, #tpu.memory_space<vmem>> -> memref<1x128xi32, #tpu.memory_space<vmem>>
      %dma_start3A_30 = tpu.memref_squeeze %dma_start3A_29 : memref<1x128xi32, #tpu.memory_space<vmem>> -> memref<128xi32, #tpu.memory_space<vmem>>
      %dma_start3A_31 = arith.constant 0 : i32
      %dma_start3A_32 = arith.constant 0 : i32
      %dma_start3A_33 = tpu.memref_slice %arg8[%dma_start3A_31, %dma_start3A_32] : memref<10000x128xf32, #tpu.memory_space<vmem_shared>> -> memref<10000x128xf32, #tpu.memory_space<vmem_shared>>
      tpu.enqueue_indirect_dma source(%dma_start3A_33 : memref<10000x128xf32, #tpu.memory_space<vmem_shared>>) target(%arg6 : memref<128x128xf32, #tpu.memory_space<vmem>>) offsets(%dma_start3A_30 : memref<128xi32, #tpu.memory_space<vmem>>) semaphore(%arg9 : memref<!tpu.dma_semaphore, #tpu.memory_space<semaphore_mem>>)
      %dma_start3A_34 = arith.constant 0 : i32
      %dma_start3A_35 = tpu.memref_slice %arg5[%add3A_18, %dma_start3A_34] : memref<40x128xi32, #tpu.memory_space<vmem>> -> memref<1x128xi32, #tpu.memory_space<vmem>>
      %dma_start3A_36 = tpu.memref_squeeze %dma_start3A_35 : memref<1x128xi32, #tpu.memory_space<vmem>> -> memref<128xi32, #tpu.memory_space<vmem>>
      %dma_start3A_37 = arith.constant 0 : i32
      %dma_start3A_38 = arith.constant 0 : i32
      %dma_start3A_39 = tpu.memref_slice %arg8[%dma_start3A_37, %dma_start3A_38] : memref<10000x128xf32, #tpu.memory_space<vmem_shared>> -> memref<10000x128xf32, #tpu.memory_space<vmem_shared>>
      tpu.enqueue_indirect_dma source(%dma_start3A_39 : memref<10000x128xf32, #tpu.memory_space<vmem_shared>>) target(%arg7 : memref<128x128xf32, #tpu.memory_space<vmem>>) offsets(%dma_start3A_36 : memref<128xi32, #tpu.memory_space<vmem>>) semaphore(%arg10 : memref<!tpu.dma_semaphore, #tpu.memory_space<semaphore_mem>>)
      %dma_wait3A = arith.constant 0 : i32
      %dma_wait3A_40 = tpu.memref_slice %arg5[%mul3A_14, %dma_wait3A] : memref<40x128xi32, #tpu.memory_space<vmem>> -> memref<1x128xi32, #tpu.memory_space<vmem>>
      %dma_wait3A_41 = tpu.memref_squeeze %dma_wait3A_40 : memref<1x128xi32, #tpu.memory_space<vmem>> -> memref<128xi32, #tpu.memory_space<vmem>>
      %dma_wait3A_42 = arith.constant 0 : i32
      %dma_wait3A_43 = arith.constant 0 : i32
      %dma_wait3A_44 = tpu.memref_slice %arg8[%dma_wait3A_42, %dma_wait3A_43] : memref<10000x128xf32, #tpu.memory_space<vmem_shared>> -> memref<10000x128xf32, #tpu.memory_space<vmem_shared>>
      tpu.wait_indirect_dma semaphore(%arg9 : memref<!tpu.dma_semaphore, #tpu.memory_space<semaphore_mem>>) src(%dma_wait3A_44 : memref<10000x128xf32, #tpu.memory_space<vmem_shared>>) dst(%arg6 : memref<128x128xf32, #tpu.memory_space<vmem>>)
      "tpu.region"() ({
        %run_scoped3A = tpu.sem_alloc : memref<!tpu.dma_semaphore, #tpu.memory_space<semaphore_mem>>
        %dma_start3A_52 = arith.constant 0 : i32
        %dma_start3A_53 = tpu.memref_slice %arg4[%mul3A_23, %dma_start3A_52] : memref<163840x128xf32, #tpu.memory_space<hbm>> -> memref<128x128xf32, #tpu.memory_space<hbm>>
        %dma_start3A_54 = arith.constant 0 : i32
        %dma_start3A_55 = tpu.memref_slice %arg4[%mul3A_23, %dma_start3A_54] : memref<163840x128xf32, #tpu.memory_space<hbm>> -> memref<128x128xf32, #tpu.memory_space<hbm>>
        tpu.enqueue_dma source(%arg6 : memref<128x128xf32, #tpu.memory_space<vmem>>) target(%dma_start3A_55 : memref<128x128xf32, #tpu.memory_space<hbm>>) target_semaphore(%run_scoped3A : memref<!tpu.dma_semaphore, #tpu.memory_space<semaphore_mem>>)
        %dma_wait3A_56 = arith.constant 0 : i32
        %dma_wait3A_57 = tpu.memref_slice %arg4[%mul3A_23, %dma_wait3A_56] : memref<163840x128xf32, #tpu.memory_space<hbm>> -> memref<128x128xf32, #tpu.memory_space<hbm>>
        %dma_wait3A_58 = arith.constant 0 : i32
        %dma_wait3A_59 = tpu.memref_slice %arg4[%mul3A_23, %dma_wait3A_58] : memref<163840x128xf32, #tpu.memory_space<hbm>> -> memref<128x128xf32, #tpu.memory_space<hbm>>
        tpu.wait_dma2 semaphore(%run_scoped3A : memref<!tpu.dma_semaphore, #tpu.memory_space<semaphore_mem>>) src(%arg6 : memref<128x128xf32, #tpu.memory_space<vmem>>) dst(%dma_wait3A_59 : memref<128x128xf32, #tpu.memory_space<hbm>>)
        tpu.yield
      }) : () -> ()
      %dma_wait3A_45 = arith.constant 0 : i32
      %dma_wait3A_46 = tpu.memref_slice %arg5[%add3A_18, %dma_wait3A_45] : memref<40x128xi32, #tpu.memory_space<vmem>> -> memref<1x128xi32, #tpu.memory_space<vmem>>
      %dma_wait3A_47 = tpu.memref_squeeze %dma_wait3A_46 : memref<1x128xi32, #tpu.memory_space<vmem>> -> memref<128xi32, #tpu.memory_space<vmem>>
      %dma_wait3A_48 = arith.constant 0 : i32
      %dma_wait3A_49 = arith.constant 0 : i32
      %dma_wait3A_50 = tpu.memref_slice %arg8[%dma_wait3A_48, %dma_wait3A_49] : memref<10000x128xf32, #tpu.memory_space<vmem_shared>> -> memref<10000x128xf32, #tpu.memory_space<vmem_shared>>
      tpu.wait_indirect_dma semaphore(%arg10 : memref<!tpu.dma_semaphore, #tpu.memory_space<semaphore_mem>>) src(%dma_wait3A_50 : memref<10000x128xf32, #tpu.memory_space<vmem_shared>>) dst(%arg7 : memref<128x128xf32, #tpu.memory_space<vmem>>)
      "tpu.region"() ({
        %run_scoped3A = tpu.sem_alloc : memref<!tpu.dma_semaphore, #tpu.memory_space<semaphore_mem>>
        %dma_start3A_52 = arith.constant 0 : i32
        %dma_start3A_53 = tpu.memref_slice %arg4[%mul3A_28, %dma_start3A_52] : memref<163840x128xf32, #tpu.memory_space<hbm>> -> memref<128x128xf32, #tpu.memory_space<hbm>>
        %dma_start3A_54 = arith.constant 0 : i32
        %dma_start3A_55 = tpu.memref_slice %arg4[%mul3A_28, %dma_start3A_54] : memref<163840x128xf32, #tpu.memory_space<hbm>> -> memref<128x128xf32, #tpu.memory_space<hbm>>
        tpu.enqueue_dma source(%arg7 : memref<128x128xf32, #tpu.memory_space<vmem>>) target(%dma_start3A_55 : memref<128x128xf32, #tpu.memory_space<hbm>>) target_semaphore(%run_scoped3A : memref<!tpu.dma_semaphore, #tpu.memory_space<semaphore_mem>>)
        %dma_wait3A_56 = arith.constant 0 : i32
        %dma_wait3A_57 = tpu.memref_slice %arg4[%mul3A_28, %dma_wait3A_56] : memref<163840x128xf32, #tpu.memory_space<hbm>> -> memref<128x128xf32, #tpu.memory_space<hbm>>
        %dma_wait3A_58 = arith.constant 0 : i32
        %dma_wait3A_59 = tpu.memref_slice %arg4[%mul3A_28, %dma_wait3A_58] : memref<163840x128xf32, #tpu.memory_space<hbm>> -> memref<128x128xf32, #tpu.memory_space<hbm>>
        tpu.wait_dma2 semaphore(%run_scoped3A : memref<!tpu.dma_semaphore, #tpu.memory_space<semaphore_mem>>) src(%arg7 : memref<128x128xf32, #tpu.memory_space<vmem>>) dst(%dma_wait3A_59 : memref<128x128xf32, #tpu.memory_space<hbm>>)
        tpu.yield
      }) : () -> ()
      %scan3A_51 = arith.constant 0 : i32
      scf.yield %scan3A_51 : i32
    }
    %scan3A_10 = arith.constant 20 : i32
    return
  }
}

#map = affine_map<(d0, d1) -> (0, 0)>
#map1 = affine_map<(d0, d1) -> (0, 0, 0)>
module attributes {stable_mosaic.version = 14 : i64} {
  func.func @_sc_scat(%arg0: i32, %arg1: i32, %arg2: memref<1280x128xi32, #tpu.memory_space<hbm>>, %arg3: memref<160000x128xf32, #tpu.memory_space<hbm>>, %arg4: memref<200x128xf32, #tpu.memory_space<hbm>>, %arg5: memref<2x10000x128xf32, #tpu.memory_space<hbm>>, %arg6: memref<40x128xi32, #tpu.memory_space<vmem>>, %arg7: memref<128x128xf32, #tpu.memory_space<vmem>>, %arg8: memref<200x128xf32, #tpu.memory_space<vmem>>, %arg9: memref<10000x128xf32, #tpu.memory_space<vmem_shared>>, %arg10: memref<!tpu.dma_semaphore, #tpu.memory_space<semaphore_mem>>) attributes {dimension_semantics = [#tpu.dimension_semantics<core_parallel>, #tpu.dimension_semantics<subcore_parallel>], iteration_bounds = array<i64: 2, 16>, scalar_prefetch = 0 : i64, scratch_operands = 5 : i64, tpu.core_type = #tpu.core_type<sc_vector_subcore>, window_params = [{transform_indices = #map}, {transform_indices = #map}, {transform_indices = #map}, {transform_indices = #map1}]} {
    %mul3A = arith.constant 2 : i32
    %mul3A_0 = arith.muli %arg1, %mul3A : i32
    %add3A = arith.addi %mul3A_0, %arg0 : i32
    "tpu.region"() ({
      %run_scoped3A = tpu.sem_alloc : memref<!tpu.dma_semaphore, #tpu.memory_space<semaphore_mem>>
      tpu.enqueue_dma source(%arg4 : memref<200x128xf32, #tpu.memory_space<hbm>>) target(%arg8 : memref<200x128xf32, #tpu.memory_space<vmem>>) target_semaphore(%run_scoped3A : memref<!tpu.dma_semaphore, #tpu.memory_space<semaphore_mem>>)
      tpu.wait_dma2 semaphore(%run_scoped3A : memref<!tpu.dma_semaphore, #tpu.memory_space<semaphore_mem>>) src(%arg4 : memref<200x128xf32, #tpu.memory_space<hbm>>) dst(%arg8 : memref<200x128xf32, #tpu.memory_space<vmem>>)
      tpu.yield
    }) : () -> ()
    %mul3A_1 = arith.constant 40 : i32
    %mul3A_2 = arith.muli %add3A, %mul3A_1 : i32
    "tpu.region"() ({
      %run_scoped3A = tpu.sem_alloc : memref<!tpu.dma_semaphore, #tpu.memory_space<semaphore_mem>>
      %dma_start3A = arith.constant 0 : i32
      %dma_start3A_17 = tpu.memref_slice %arg2[%mul3A_2, %dma_start3A] : memref<1280x128xi32, #tpu.memory_space<hbm>> -> memref<40x128xi32, #tpu.memory_space<hbm>>
      %dma_start3A_18 = arith.constant 0 : i32
      %dma_start3A_19 = tpu.memref_slice %arg2[%mul3A_2, %dma_start3A_18] : memref<1280x128xi32, #tpu.memory_space<hbm>> -> memref<40x128xi32, #tpu.memory_space<hbm>>
      tpu.enqueue_dma source(%dma_start3A_19 : memref<40x128xi32, #tpu.memory_space<hbm>>) target(%arg6 : memref<40x128xi32, #tpu.memory_space<vmem>>) target_semaphore(%run_scoped3A : memref<!tpu.dma_semaphore, #tpu.memory_space<semaphore_mem>>)
      %dma_wait3A = arith.constant 0 : i32
      %dma_wait3A_20 = tpu.memref_slice %arg2[%mul3A_2, %dma_wait3A] : memref<1280x128xi32, #tpu.memory_space<hbm>> -> memref<40x128xi32, #tpu.memory_space<hbm>>
      %dma_wait3A_21 = arith.constant 0 : i32
      %dma_wait3A_22 = tpu.memref_slice %arg2[%mul3A_2, %dma_wait3A_21] : memref<1280x128xi32, #tpu.memory_space<hbm>> -> memref<40x128xi32, #tpu.memory_space<hbm>>
      tpu.wait_dma2 semaphore(%run_scoped3A : memref<!tpu.dma_semaphore, #tpu.memory_space<semaphore_mem>>) src(%dma_wait3A_22 : memref<40x128xi32, #tpu.memory_space<hbm>>) dst(%arg6 : memref<40x128xi32, #tpu.memory_space<vmem>>)
      tpu.yield
    }) : () -> ()
    %lt3A = arith.constant 10 : i32
    %lt3A_3 = arith.cmpi slt, %arg1, %lt3A : i32
    %convert_element_type3A = arith.extui %lt3A_3 : i1 to i32
    %cond3A = arith.constant 0 : i32
    %cond3A_4 = arith.cmpi ne, %convert_element_type3A, %cond3A : i32
    scf.if %cond3A_4 {
      %scan3A_17 = arith.constant 0 : i32
      %scan3A_18 = arith.constant 0 : i32
      %scan3A_19 = arith.constant 5 : i32
      %scan3A_20 = arith.addi %scan3A_18, %scan3A_19 : i32
      %scan3A_21 = arith.constant 1 : i32
      %scan3A_22 = scf.for %scan3A_24 = %scan3A_18 to %scan3A_20 step %scan3A_21 iter_args(%scan3A_25 = %scan3A_17) -> (i32)  : i32 {
        %mul3A_26 = arith.constant 1000 : i32
        %mul3A_27 = arith.muli %arg1, %mul3A_26 : i32
        %mul3A_28 = arith.constant 200 : i32
        %mul3A_29 = arith.muli %scan3A_24, %mul3A_28 : i32
        %add3A_30 = arith.addi %mul3A_27, %mul3A_29 : i32
        "tpu.region"() ({
          %run_scoped3A = tpu.sem_alloc : memref<!tpu.dma_semaphore, #tpu.memory_space<semaphore_mem>>
          %dma_start3A = arith.constant 0 : i32
          %dma_start3A_32 = tpu.memref_slice %arg9[%add3A_30, %dma_start3A] : memref<10000x128xf32, #tpu.memory_space<vmem_shared>> -> memref<200x128xf32, #tpu.memory_space<vmem_shared>>
          %dma_start3A_33 = arith.constant 0 : i32
          %dma_start3A_34 = tpu.memref_slice %arg9[%add3A_30, %dma_start3A_33] : memref<10000x128xf32, #tpu.memory_space<vmem_shared>> -> memref<200x128xf32, #tpu.memory_space<vmem_shared>>
          tpu.enqueue_dma source(%arg8 : memref<200x128xf32, #tpu.memory_space<vmem>>) target(%dma_start3A_34 : memref<200x128xf32, #tpu.memory_space<vmem_shared>>) target_semaphore(%run_scoped3A : memref<!tpu.dma_semaphore, #tpu.memory_space<semaphore_mem>>)
          %dma_wait3A = arith.constant 0 : i32
          %dma_wait3A_35 = tpu.memref_slice %arg9[%add3A_30, %dma_wait3A] : memref<10000x128xf32, #tpu.memory_space<vmem_shared>> -> memref<200x128xf32, #tpu.memory_space<vmem_shared>>
          %dma_wait3A_36 = arith.constant 0 : i32
          %dma_wait3A_37 = tpu.memref_slice %arg9[%add3A_30, %dma_wait3A_36] : memref<10000x128xf32, #tpu.memory_space<vmem_shared>> -> memref<200x128xf32, #tpu.memory_space<vmem_shared>>
          tpu.wait_dma2 semaphore(%run_scoped3A : memref<!tpu.dma_semaphore, #tpu.memory_space<semaphore_mem>>) src(%arg8 : memref<200x128xf32, #tpu.memory_space<vmem>>) dst(%dma_wait3A_37 : memref<200x128xf32, #tpu.memory_space<vmem_shared>>)
          tpu.yield
        }) : () -> ()
        %scan3A_31 = arith.constant 0 : i32
        scf.yield %scan3A_31 : i32
      }
      %scan3A_23 = arith.constant 5 : i32
    } else {
    }
    %barrier3A = arith.constant 0 : index
    tpu.barrier barrier_id(%barrier3A)
    %scan3A = arith.constant 0 : i32
    %scan3A_5 = arith.constant 0 : i32
    %scan3A_6 = arith.constant 40 : i32
    %scan3A_7 = arith.addi %scan3A_5, %scan3A_6 : i32
    %scan3A_8 = arith.constant 1 : i32
    %scan3A_9 = scf.for %scan3A_17 = %scan3A_5 to %scan3A_7 step %scan3A_8 iter_args(%scan3A_18 = %scan3A) -> (i32)  : i32 {
      %mul3A_19 = arith.constant 40 : i32
      %mul3A_20 = arith.muli %add3A, %mul3A_19 : i32
      %add3A_21 = arith.addi %mul3A_20, %scan3A_17 : i32
      %lt3A_22 = arith.constant 1250 : i32
      %lt3A_23 = arith.cmpi slt, %add3A_21, %lt3A_22 : i32
      %convert_element_type3A_24 = arith.extui %lt3A_23 : i1 to i32
      %cond3A_25 = arith.constant 0 : i32
      %cond3A_26 = arith.cmpi ne, %convert_element_type3A_24, %cond3A_25 : i32
      scf.if %cond3A_26 {
        %mul3A_28 = arith.constant 128 : i32
        %mul3A_29 = arith.muli %add3A_21, %mul3A_28 : i32
        "tpu.region"() ({
          %run_scoped3A = tpu.sem_alloc : memref<!tpu.dma_semaphore, #tpu.memory_space<semaphore_mem>>
          %dma_start3A = arith.constant 0 : i32
          %dma_start3A_30 = tpu.memref_slice %arg3[%mul3A_29, %dma_start3A] : memref<160000x128xf32, #tpu.memory_space<hbm>> -> memref<128x128xf32, #tpu.memory_space<hbm>>
          %dma_start3A_31 = arith.constant 0 : i32
          %dma_start3A_32 = tpu.memref_slice %arg3[%mul3A_29, %dma_start3A_31] : memref<160000x128xf32, #tpu.memory_space<hbm>> -> memref<128x128xf32, #tpu.memory_space<hbm>>
          tpu.enqueue_dma source(%dma_start3A_32 : memref<128x128xf32, #tpu.memory_space<hbm>>) target(%arg7 : memref<128x128xf32, #tpu.memory_space<vmem>>) target_semaphore(%run_scoped3A : memref<!tpu.dma_semaphore, #tpu.memory_space<semaphore_mem>>)
          %dma_wait3A = arith.constant 0 : i32
          %dma_wait3A_33 = tpu.memref_slice %arg3[%mul3A_29, %dma_wait3A] : memref<160000x128xf32, #tpu.memory_space<hbm>> -> memref<128x128xf32, #tpu.memory_space<hbm>>
          %dma_wait3A_34 = arith.constant 0 : i32
          %dma_wait3A_35 = tpu.memref_slice %arg3[%mul3A_29, %dma_wait3A_34] : memref<160000x128xf32, #tpu.memory_space<hbm>> -> memref<128x128xf32, #tpu.memory_space<hbm>>
          tpu.wait_dma2 semaphore(%run_scoped3A : memref<!tpu.dma_semaphore, #tpu.memory_space<semaphore_mem>>) src(%dma_wait3A_35 : memref<128x128xf32, #tpu.memory_space<hbm>>) dst(%arg7 : memref<128x128xf32, #tpu.memory_space<vmem>>)
          tpu.yield
        }) : () -> ()
        "tpu.region"() ({
          %run_scoped3A = tpu.sem_alloc : memref<!tpu.dma_semaphore, #tpu.memory_space<semaphore_mem>>
          %dma_start3A = arith.constant 0 : i32
          %dma_start3A_30 = tpu.memref_slice %arg6[%scan3A_17, %dma_start3A] : memref<40x128xi32, #tpu.memory_space<vmem>> -> memref<1x128xi32, #tpu.memory_space<vmem>>
          %dma_start3A_31 = tpu.memref_squeeze %dma_start3A_30 : memref<1x128xi32, #tpu.memory_space<vmem>> -> memref<128xi32, #tpu.memory_space<vmem>>
          %dma_start3A_32 = arith.constant 0 : i32
          %dma_start3A_33 = arith.constant 0 : i32
          %dma_start3A_34 = tpu.memref_slice %arg9[%dma_start3A_32, %dma_start3A_33] : memref<10000x128xf32, #tpu.memory_space<vmem_shared>> -> memref<10000x128xf32, #tpu.memory_space<vmem_shared>>
          tpu.enqueue_indirect_dma source(%arg7 : memref<128x128xf32, #tpu.memory_space<vmem>>) target(%dma_start3A_34 : memref<10000x128xf32, #tpu.memory_space<vmem_shared>>) offsets(%dma_start3A_31 : memref<128xi32, #tpu.memory_space<vmem>>) semaphore(%run_scoped3A : memref<!tpu.dma_semaphore, #tpu.memory_space<semaphore_mem>>) {add = true}
          %dma_wait3A = arith.constant 0 : i32
          %dma_wait3A_35 = tpu.memref_slice %arg6[%scan3A_17, %dma_wait3A] : memref<40x128xi32, #tpu.memory_space<vmem>> -> memref<1x128xi32, #tpu.memory_space<vmem>>
          %dma_wait3A_36 = tpu.memref_squeeze %dma_wait3A_35 : memref<1x128xi32, #tpu.memory_space<vmem>> -> memref<128xi32, #tpu.memory_space<vmem>>
          %dma_wait3A_37 = arith.constant 0 : i32
          %dma_wait3A_38 = arith.constant 0 : i32
          %dma_wait3A_39 = tpu.memref_slice %arg9[%dma_wait3A_37, %dma_wait3A_38] : memref<10000x128xf32, #tpu.memory_space<vmem_shared>> -> memref<10000x128xf32, #tpu.memory_space<vmem_shared>>
          tpu.wait_indirect_dma semaphore(%run_scoped3A : memref<!tpu.dma_semaphore, #tpu.memory_space<semaphore_mem>>) src(%arg7 : memref<128x128xf32, #tpu.memory_space<vmem>>) dst(%dma_wait3A_39 : memref<10000x128xf32, #tpu.memory_space<vmem_shared>>)
          tpu.yield
        }) : () -> ()
      } else {
      }
      %scan3A_27 = arith.constant 0 : i32
      scf.yield %scan3A_27 : i32
    }
    %scan3A_10 = arith.constant 40 : i32
    %barrier3A_11 = arith.constant 0 : index
    tpu.barrier barrier_id(%barrier3A_11)
    %lt3A_12 = arith.constant 10 : i32
    %lt3A_13 = arith.cmpi slt, %arg1, %lt3A_12 : i32
    %convert_element_type3A_14 = arith.extui %lt3A_13 : i1 to i32
    %cond3A_15 = arith.constant 0 : i32
    %cond3A_16 = arith.cmpi ne, %convert_element_type3A_14, %cond3A_15 : i32
    scf.if %cond3A_16 {
      %mul3A_17 = arith.constant 1000 : i32
      %mul3A_18 = arith.muli %arg1, %mul3A_17 : i32
      %mul3A_19 = arith.constant 1000 : i32
      %mul3A_20 = arith.muli %arg1, %mul3A_19 : i32
      "tpu.region"() ({
        %run_scoped3A = tpu.sem_alloc : memref<!tpu.dma_semaphore, #tpu.memory_space<semaphore_mem>>
        %dma_start3A = arith.constant 0 : i32
        %dma_start3A_21 = tpu.memref_slice %arg5[%arg0, %mul3A_20, %dma_start3A] : memref<2x10000x128xf32, #tpu.memory_space<hbm>> -> memref<1x1000x128xf32, #tpu.memory_space<hbm>>
        %dma_start3A_22 = tpu.memref_squeeze %dma_start3A_21 : memref<1x1000x128xf32, #tpu.memory_space<hbm>> -> memref<1000x128xf32, #tpu.memory_space<hbm>>
        %dma_start3A_23 = arith.constant 0 : i32
        %dma_start3A_24 = tpu.memref_slice %arg9[%mul3A_18, %dma_start3A_23] : memref<10000x128xf32, #tpu.memory_space<vmem_shared>> -> memref<1000x128xf32, #tpu.memory_space<vmem_shared>>
        tpu.enqueue_dma source(%dma_start3A_24 : memref<1000x128xf32, #tpu.memory_space<vmem_shared>>) target(%dma_start3A_22 : memref<1000x128xf32, #tpu.memory_space<hbm>>) target_semaphore(%run_scoped3A : memref<!tpu.dma_semaphore, #tpu.memory_space<semaphore_mem>>)
        %dma_wait3A = arith.constant 0 : i32
        %dma_wait3A_25 = tpu.memref_slice %arg5[%arg0, %mul3A_20, %dma_wait3A] : memref<2x10000x128xf32, #tpu.memory_space<hbm>> -> memref<1x1000x128xf32, #tpu.memory_space<hbm>>
        %dma_wait3A_26 = tpu.memref_squeeze %dma_wait3A_25 : memref<1x1000x128xf32, #tpu.memory_space<hbm>> -> memref<1000x128xf32, #tpu.memory_space<hbm>>
        %dma_wait3A_27 = arith.constant 0 : i32
        %dma_wait3A_28 = tpu.memref_slice %arg9[%mul3A_18, %dma_wait3A_27] : memref<10000x128xf32, #tpu.memory_space<vmem_shared>> -> memref<1000x128xf32, #tpu.memory_space<vmem_shared>>
        tpu.wait_dma2 semaphore(%run_scoped3A : memref<!tpu.dma_semaphore, #tpu.memory_space<semaphore_mem>>) src(%dma_wait3A_28 : memref<1000x128xf32, #tpu.memory_space<vmem_shared>>) dst(%dma_wait3A_26 : memref<1000x128xf32, #tpu.memory_space<hbm>>)
        tpu.yield
      }) : () -> ()
    } else {
    }
    return
  }
}

#map = affine_map<(d0, d1) -> (0, 0)>
module attributes {stable_mosaic.version = 14 : i64} {
  func.func @_sc_gone(%arg0: i32, %arg1: i32, %arg2: memref<1280x128xi32, #tpu.memory_space<hbm>>, %arg3: memref<10000x128xf32, #tpu.memory_space<hbm>>, %arg4: memref<163840x128xf32, #tpu.memory_space<hbm>>, %arg5: memref<40x128xi32, #tpu.memory_space<vmem>>, %arg6: memref<128x128xf32, #tpu.memory_space<vmem>>, %arg7: memref<128x128xf32, #tpu.memory_space<vmem>>, %arg8: memref<10000x128xf32, #tpu.memory_space<vmem_shared>>, %arg9: memref<!tpu.dma_semaphore, #tpu.memory_space<semaphore_mem>>, %arg10: memref<!tpu.dma_semaphore, #tpu.memory_space<semaphore_mem>>) attributes {dimension_semantics = [#tpu.dimension_semantics<core_parallel>, #tpu.dimension_semantics<subcore_parallel>], iteration_bounds = array<i64: 2, 16>, scalar_prefetch = 0 : i64, scratch_operands = 6 : i64, tpu.core_type = #tpu.core_type<sc_vector_subcore>, window_params = [{transform_indices = #map}, {transform_indices = #map}, {transform_indices = #map}]} {
    %mul3A = arith.constant 2 : i32
    %mul3A_0 = arith.muli %arg1, %mul3A : i32
    %add3A = arith.addi %mul3A_0, %arg0 : i32
    %lt3A = arith.constant 10 : i32
    %lt3A_1 = arith.cmpi slt, %arg1, %lt3A : i32
    %convert_element_type3A = arith.extui %lt3A_1 : i1 to i32
    %cond3A = arith.constant 0 : i32
    %cond3A_2 = arith.cmpi ne, %convert_element_type3A, %cond3A : i32
    scf.if %cond3A_2 {
      %mul3A_11 = arith.constant 1000 : i32
      %mul3A_12 = arith.muli %arg1, %mul3A_11 : i32
      %mul3A_13 = arith.constant 1000 : i32
      %mul3A_14 = arith.muli %arg1, %mul3A_13 : i32
      "tpu.region"() ({
        %run_scoped3A = tpu.sem_alloc : memref<!tpu.dma_semaphore, #tpu.memory_space<semaphore_mem>>
        %dma_start3A = arith.constant 0 : i32
        %dma_start3A_15 = tpu.memref_slice %arg8[%mul3A_14, %dma_start3A] : memref<10000x128xf32, #tpu.memory_space<vmem_shared>> -> memref<1000x128xf32, #tpu.memory_space<vmem_shared>>
        %dma_start3A_16 = arith.constant 0 : i32
        %dma_start3A_17 = tpu.memref_slice %arg3[%mul3A_12, %dma_start3A_16] : memref<10000x128xf32, #tpu.memory_space<hbm>> -> memref<1000x128xf32, #tpu.memory_space<hbm>>
        tpu.enqueue_dma source(%dma_start3A_17 : memref<1000x128xf32, #tpu.memory_space<hbm>>) target(%dma_start3A_15 : memref<1000x128xf32, #tpu.memory_space<vmem_shared>>) target_semaphore(%run_scoped3A : memref<!tpu.dma_semaphore, #tpu.memory_space<semaphore_mem>>)
        %dma_wait3A = arith.constant 0 : i32
        %dma_wait3A_18 = tpu.memref_slice %arg8[%mul3A_14, %dma_wait3A] : memref<10000x128xf32, #tpu.memory_space<vmem_shared>> -> memref<1000x128xf32, #tpu.memory_space<vmem_shared>>
        %dma_wait3A_19 = arith.constant 0 : i32
        %dma_wait3A_20 = tpu.memref_slice %arg3[%mul3A_12, %dma_wait3A_19] : memref<10000x128xf32, #tpu.memory_space<hbm>> -> memref<1000x128xf32, #tpu.memory_space<hbm>>
        tpu.wait_dma2 semaphore(%run_scoped3A : memref<!tpu.dma_semaphore, #tpu.memory_space<semaphore_mem>>) src(%dma_wait3A_20 : memref<1000x128xf32, #tpu.memory_space<hbm>>) dst(%dma_wait3A_18 : memref<1000x128xf32, #tpu.memory_space<vmem_shared>>)
        tpu.yield
      }) : () -> ()
    } else {
    }
    %mul3A_3 = arith.constant 40 : i32
    %mul3A_4 = arith.muli %add3A, %mul3A_3 : i32
    "tpu.region"() ({
      %run_scoped3A = tpu.sem_alloc : memref<!tpu.dma_semaphore, #tpu.memory_space<semaphore_mem>>
      %dma_start3A = arith.constant 0 : i32
      %dma_start3A_11 = tpu.memref_slice %arg2[%mul3A_4, %dma_start3A] : memref<1280x128xi32, #tpu.memory_space<hbm>> -> memref<40x128xi32, #tpu.memory_space<hbm>>
      %dma_start3A_12 = arith.constant 0 : i32
      %dma_start3A_13 = tpu.memref_slice %arg2[%mul3A_4, %dma_start3A_12] : memref<1280x128xi32, #tpu.memory_space<hbm>> -> memref<40x128xi32, #tpu.memory_space<hbm>>
      tpu.enqueue_dma source(%dma_start3A_13 : memref<40x128xi32, #tpu.memory_space<hbm>>) target(%arg5 : memref<40x128xi32, #tpu.memory_space<vmem>>) target_semaphore(%run_scoped3A : memref<!tpu.dma_semaphore, #tpu.memory_space<semaphore_mem>>)
      %dma_wait3A = arith.constant 0 : i32
      %dma_wait3A_14 = tpu.memref_slice %arg2[%mul3A_4, %dma_wait3A] : memref<1280x128xi32, #tpu.memory_space<hbm>> -> memref<40x128xi32, #tpu.memory_space<hbm>>
      %dma_wait3A_15 = arith.constant 0 : i32
      %dma_wait3A_16 = tpu.memref_slice %arg2[%mul3A_4, %dma_wait3A_15] : memref<1280x128xi32, #tpu.memory_space<hbm>> -> memref<40x128xi32, #tpu.memory_space<hbm>>
      tpu.wait_dma2 semaphore(%run_scoped3A : memref<!tpu.dma_semaphore, #tpu.memory_space<semaphore_mem>>) src(%dma_wait3A_16 : memref<40x128xi32, #tpu.memory_space<hbm>>) dst(%arg5 : memref<40x128xi32, #tpu.memory_space<vmem>>)
      tpu.yield
    }) : () -> ()
    %barrier3A = arith.constant 0 : index
    tpu.barrier barrier_id(%barrier3A)
    %scan3A = arith.constant 0 : i32
    %scan3A_5 = arith.constant 0 : i32
    %scan3A_6 = arith.constant 20 : i32
    %scan3A_7 = arith.addi %scan3A_5, %scan3A_6 : i32
    %scan3A_8 = arith.constant 1 : i32
    %scan3A_9 = scf.for %scan3A_11 = %scan3A_5 to %scan3A_7 step %scan3A_8 iter_args(%scan3A_12 = %scan3A) -> (i32)  : i32 {
      %mul3A_13 = arith.constant 2 : i32
      %mul3A_14 = arith.muli %mul3A_13, %scan3A_11 : i32
      %mul3A_15 = arith.constant 2 : i32
      %mul3A_16 = arith.muli %mul3A_15, %scan3A_11 : i32
      %add3A_17 = arith.constant 1 : i32
      %add3A_18 = arith.addi %mul3A_16, %add3A_17 : i32
      %mul3A_19 = arith.constant 40 : i32
      %mul3A_20 = arith.muli %add3A, %mul3A_19 : i32
      %add3A_21 = arith.addi %mul3A_20, %mul3A_14 : i32
      %mul3A_22 = arith.constant 128 : i32
      %mul3A_23 = arith.muli %add3A_21, %mul3A_22 : i32
      %mul3A_24 = arith.constant 40 : i32
      %mul3A_25 = arith.muli %add3A, %mul3A_24 : i32
      %add3A_26 = arith.addi %mul3A_25, %add3A_18 : i32
      %mul3A_27 = arith.constant 128 : i32
      %mul3A_28 = arith.muli %add3A_26, %mul3A_27 : i32
      %dma_start3A = arith.constant 0 : i32
      %dma_start3A_29 = tpu.memref_slice %arg5[%mul3A_14, %dma_start3A] : memref<40x128xi32, #tpu.memory_space<vmem>> -> memref<1x128xi32, #tpu.memory_space<vmem>>
      %dma_start3A_30 = tpu.memref_squeeze %dma_start3A_29 : memref<1x128xi32, #tpu.memory_space<vmem>> -> memref<128xi32, #tpu.memory_space<vmem>>
      %dma_start3A_31 = arith.constant 0 : i32
      %dma_start3A_32 = arith.constant 0 : i32
      %dma_start3A_33 = tpu.memref_slice %arg8[%dma_start3A_31, %dma_start3A_32] : memref<10000x128xf32, #tpu.memory_space<vmem_shared>> -> memref<10000x128xf32, #tpu.memory_space<vmem_shared>>
      tpu.enqueue_indirect_dma source(%dma_start3A_33 : memref<10000x128xf32, #tpu.memory_space<vmem_shared>>) target(%arg6 : memref<128x128xf32, #tpu.memory_space<vmem>>) offsets(%dma_start3A_30 : memref<128xi32, #tpu.memory_space<vmem>>) semaphore(%arg9 : memref<!tpu.dma_semaphore, #tpu.memory_space<semaphore_mem>>)
      %dma_start3A_34 = arith.constant 0 : i32
      %dma_start3A_35 = tpu.memref_slice %arg5[%add3A_18, %dma_start3A_34] : memref<40x128xi32, #tpu.memory_space<vmem>> -> memref<1x128xi32, #tpu.memory_space<vmem>>
      %dma_start3A_36 = tpu.memref_squeeze %dma_start3A_35 : memref<1x128xi32, #tpu.memory_space<vmem>> -> memref<128xi32, #tpu.memory_space<vmem>>
      %dma_start3A_37 = arith.constant 0 : i32
      %dma_start3A_38 = arith.constant 0 : i32
      %dma_start3A_39 = tpu.memref_slice %arg8[%dma_start3A_37, %dma_start3A_38] : memref<10000x128xf32, #tpu.memory_space<vmem_shared>> -> memref<10000x128xf32, #tpu.memory_space<vmem_shared>>
      tpu.enqueue_indirect_dma source(%dma_start3A_39 : memref<10000x128xf32, #tpu.memory_space<vmem_shared>>) target(%arg7 : memref<128x128xf32, #tpu.memory_space<vmem>>) offsets(%dma_start3A_36 : memref<128xi32, #tpu.memory_space<vmem>>) semaphore(%arg10 : memref<!tpu.dma_semaphore, #tpu.memory_space<semaphore_mem>>)
      %dma_wait3A = arith.constant 0 : i32
      %dma_wait3A_40 = tpu.memref_slice %arg5[%mul3A_14, %dma_wait3A] : memref<40x128xi32, #tpu.memory_space<vmem>> -> memref<1x128xi32, #tpu.memory_space<vmem>>
      %dma_wait3A_41 = tpu.memref_squeeze %dma_wait3A_40 : memref<1x128xi32, #tpu.memory_space<vmem>> -> memref<128xi32, #tpu.memory_space<vmem>>
      %dma_wait3A_42 = arith.constant 0 : i32
      %dma_wait3A_43 = arith.constant 0 : i32
      %dma_wait3A_44 = tpu.memref_slice %arg8[%dma_wait3A_42, %dma_wait3A_43] : memref<10000x128xf32, #tpu.memory_space<vmem_shared>> -> memref<10000x128xf32, #tpu.memory_space<vmem_shared>>
      tpu.wait_indirect_dma semaphore(%arg9 : memref<!tpu.dma_semaphore, #tpu.memory_space<semaphore_mem>>) src(%dma_wait3A_44 : memref<10000x128xf32, #tpu.memory_space<vmem_shared>>) dst(%arg6 : memref<128x128xf32, #tpu.memory_space<vmem>>)
      "tpu.region"() ({
        %run_scoped3A = tpu.sem_alloc : memref<!tpu.dma_semaphore, #tpu.memory_space<semaphore_mem>>
        %dma_start3A_52 = arith.constant 0 : i32
        %dma_start3A_53 = tpu.memref_slice %arg4[%mul3A_23, %dma_start3A_52] : memref<163840x128xf32, #tpu.memory_space<hbm>> -> memref<128x128xf32, #tpu.memory_space<hbm>>
        %dma_start3A_54 = arith.constant 0 : i32
        %dma_start3A_55 = tpu.memref_slice %arg4[%mul3A_23, %dma_start3A_54] : memref<163840x128xf32, #tpu.memory_space<hbm>> -> memref<128x128xf32, #tpu.memory_space<hbm>>
        tpu.enqueue_dma source(%arg6 : memref<128x128xf32, #tpu.memory_space<vmem>>) target(%dma_start3A_55 : memref<128x128xf32, #tpu.memory_space<hbm>>) target_semaphore(%run_scoped3A : memref<!tpu.dma_semaphore, #tpu.memory_space<semaphore_mem>>)
        %dma_wait3A_56 = arith.constant 0 : i32
        %dma_wait3A_57 = tpu.memref_slice %arg4[%mul3A_23, %dma_wait3A_56] : memref<163840x128xf32, #tpu.memory_space<hbm>> -> memref<128x128xf32, #tpu.memory_space<hbm>>
        %dma_wait3A_58 = arith.constant 0 : i32
        %dma_wait3A_59 = tpu.memref_slice %arg4[%mul3A_23, %dma_wait3A_58] : memref<163840x128xf32, #tpu.memory_space<hbm>> -> memref<128x128xf32, #tpu.memory_space<hbm>>
        tpu.wait_dma2 semaphore(%run_scoped3A : memref<!tpu.dma_semaphore, #tpu.memory_space<semaphore_mem>>) src(%arg6 : memref<128x128xf32, #tpu.memory_space<vmem>>) dst(%dma_wait3A_59 : memref<128x128xf32, #tpu.memory_space<hbm>>)
        tpu.yield
      }) : () -> ()
      %dma_wait3A_45 = arith.constant 0 : i32
      %dma_wait3A_46 = tpu.memref_slice %arg5[%add3A_18, %dma_wait3A_45] : memref<40x128xi32, #tpu.memory_space<vmem>> -> memref<1x128xi32, #tpu.memory_space<vmem>>
      %dma_wait3A_47 = tpu.memref_squeeze %dma_wait3A_46 : memref<1x128xi32, #tpu.memory_space<vmem>> -> memref<128xi32, #tpu.memory_space<vmem>>
      %dma_wait3A_48 = arith.constant 0 : i32
      %dma_wait3A_49 = arith.constant 0 : i32
      %dma_wait3A_50 = tpu.memref_slice %arg8[%dma_wait3A_48, %dma_wait3A_49] : memref<10000x128xf32, #tpu.memory_space<vmem_shared>> -> memref<10000x128xf32, #tpu.memory_space<vmem_shared>>
      tpu.wait_indirect_dma semaphore(%arg10 : memref<!tpu.dma_semaphore, #tpu.memory_space<semaphore_mem>>) src(%dma_wait3A_50 : memref<10000x128xf32, #tpu.memory_space<vmem_shared>>) dst(%arg7 : memref<128x128xf32, #tpu.memory_space<vmem>>)
      "tpu.region"() ({
        %run_scoped3A = tpu.sem_alloc : memref<!tpu.dma_semaphore, #tpu.memory_space<semaphore_mem>>
        %dma_start3A_52 = arith.constant 0 : i32
        %dma_start3A_53 = tpu.memref_slice %arg4[%mul3A_28, %dma_start3A_52] : memref<163840x128xf32, #tpu.memory_space<hbm>> -> memref<128x128xf32, #tpu.memory_space<hbm>>
        %dma_start3A_54 = arith.constant 0 : i32
        %dma_start3A_55 = tpu.memref_slice %arg4[%mul3A_28, %dma_start3A_54] : memref<163840x128xf32, #tpu.memory_space<hbm>> -> memref<128x128xf32, #tpu.memory_space<hbm>>
        tpu.enqueue_dma source(%arg7 : memref<128x128xf32, #tpu.memory_space<vmem>>) target(%dma_start3A_55 : memref<128x128xf32, #tpu.memory_space<hbm>>) target_semaphore(%run_scoped3A : memref<!tpu.dma_semaphore, #tpu.memory_space<semaphore_mem>>)
        %dma_wait3A_56 = arith.constant 0 : i32
        %dma_wait3A_57 = tpu.memref_slice %arg4[%mul3A_28, %dma_wait3A_56] : memref<163840x128xf32, #tpu.memory_space<hbm>> -> memref<128x128xf32, #tpu.memory_space<hbm>>
        %dma_wait3A_58 = arith.constant 0 : i32
        %dma_wait3A_59 = tpu.memref_slice %arg4[%mul3A_28, %dma_wait3A_58] : memref<163840x128xf32, #tpu.memory_space<hbm>> -> memref<128x128xf32, #tpu.memory_space<hbm>>
        tpu.wait_dma2 semaphore(%run_scoped3A : memref<!tpu.dma_semaphore, #tpu.memory_space<semaphore_mem>>) src(%arg7 : memref<128x128xf32, #tpu.memory_space<vmem>>) dst(%dma_wait3A_59 : memref<128x128xf32, #tpu.memory_space<hbm>>)
        tpu.yield
      }) : () -> ()
      %scan3A_51 = arith.constant 0 : i32
      scf.yield %scan3A_51 : i32
    }
    %scan3A_10 = arith.constant 20 : i32
    return
  }
}

#map = affine_map<(d0, d1) -> (0, 0)>
#map1 = affine_map<(d0, d1) -> (0, 0, 0)>
module attributes {stable_mosaic.version = 14 : i64} {
  func.func @_sc_scat(%arg0: i32, %arg1: i32, %arg2: memref<1280x128xi32, #tpu.memory_space<hbm>>, %arg3: memref<160000x128xf32, #tpu.memory_space<hbm>>, %arg4: memref<200x128xf32, #tpu.memory_space<hbm>>, %arg5: memref<2x10000x128xf32, #tpu.memory_space<hbm>>, %arg6: memref<40x128xi32, #tpu.memory_space<vmem>>, %arg7: memref<128x128xf32, #tpu.memory_space<vmem>>, %arg8: memref<200x128xf32, #tpu.memory_space<vmem>>, %arg9: memref<10000x128xf32, #tpu.memory_space<vmem_shared>>, %arg10: memref<!tpu.dma_semaphore, #tpu.memory_space<semaphore_mem>>) attributes {dimension_semantics = [#tpu.dimension_semantics<core_parallel>, #tpu.dimension_semantics<subcore_parallel>], iteration_bounds = array<i64: 2, 16>, scalar_prefetch = 0 : i64, scratch_operands = 5 : i64, tpu.core_type = #tpu.core_type<sc_vector_subcore>, window_params = [{transform_indices = #map}, {transform_indices = #map}, {transform_indices = #map}, {transform_indices = #map1}]} {
    %mul3A = arith.constant 2 : i32
    %mul3A_0 = arith.muli %arg1, %mul3A : i32
    %add3A = arith.addi %mul3A_0, %arg0 : i32
    "tpu.region"() ({
      %run_scoped3A = tpu.sem_alloc : memref<!tpu.dma_semaphore, #tpu.memory_space<semaphore_mem>>
      tpu.enqueue_dma source(%arg4 : memref<200x128xf32, #tpu.memory_space<hbm>>) target(%arg8 : memref<200x128xf32, #tpu.memory_space<vmem>>) target_semaphore(%run_scoped3A : memref<!tpu.dma_semaphore, #tpu.memory_space<semaphore_mem>>)
      tpu.wait_dma2 semaphore(%run_scoped3A : memref<!tpu.dma_semaphore, #tpu.memory_space<semaphore_mem>>) src(%arg4 : memref<200x128xf32, #tpu.memory_space<hbm>>) dst(%arg8 : memref<200x128xf32, #tpu.memory_space<vmem>>)
      tpu.yield
    }) : () -> ()
    %mul3A_1 = arith.constant 40 : i32
    %mul3A_2 = arith.muli %add3A, %mul3A_1 : i32
    "tpu.region"() ({
      %run_scoped3A = tpu.sem_alloc : memref<!tpu.dma_semaphore, #tpu.memory_space<semaphore_mem>>
      %dma_start3A = arith.constant 0 : i32
      %dma_start3A_17 = tpu.memref_slice %arg2[%mul3A_2, %dma_start3A] : memref<1280x128xi32, #tpu.memory_space<hbm>> -> memref<40x128xi32, #tpu.memory_space<hbm>>
      %dma_start3A_18 = arith.constant 0 : i32
      %dma_start3A_19 = tpu.memref_slice %arg2[%mul3A_2, %dma_start3A_18] : memref<1280x128xi32, #tpu.memory_space<hbm>> -> memref<40x128xi32, #tpu.memory_space<hbm>>
      tpu.enqueue_dma source(%dma_start3A_19 : memref<40x128xi32, #tpu.memory_space<hbm>>) target(%arg6 : memref<40x128xi32, #tpu.memory_space<vmem>>) target_semaphore(%run_scoped3A : memref<!tpu.dma_semaphore, #tpu.memory_space<semaphore_mem>>)
      %dma_wait3A = arith.constant 0 : i32
      %dma_wait3A_20 = tpu.memref_slice %arg2[%mul3A_2, %dma_wait3A] : memref<1280x128xi32, #tpu.memory_space<hbm>> -> memref<40x128xi32, #tpu.memory_space<hbm>>
      %dma_wait3A_21 = arith.constant 0 : i32
      %dma_wait3A_22 = tpu.memref_slice %arg2[%mul3A_2, %dma_wait3A_21] : memref<1280x128xi32, #tpu.memory_space<hbm>> -> memref<40x128xi32, #tpu.memory_space<hbm>>
      tpu.wait_dma2 semaphore(%run_scoped3A : memref<!tpu.dma_semaphore, #tpu.memory_space<semaphore_mem>>) src(%dma_wait3A_22 : memref<40x128xi32, #tpu.memory_space<hbm>>) dst(%arg6 : memref<40x128xi32, #tpu.memory_space<vmem>>)
      tpu.yield
    }) : () -> ()
    %lt3A = arith.constant 10 : i32
    %lt3A_3 = arith.cmpi slt, %arg1, %lt3A : i32
    %convert_element_type3A = arith.extui %lt3A_3 : i1 to i32
    %cond3A = arith.constant 0 : i32
    %cond3A_4 = arith.cmpi ne, %convert_element_type3A, %cond3A : i32
    scf.if %cond3A_4 {
      %scan3A_17 = arith.constant 0 : i32
      %scan3A_18 = arith.constant 0 : i32
      %scan3A_19 = arith.constant 5 : i32
      %scan3A_20 = arith.addi %scan3A_18, %scan3A_19 : i32
      %scan3A_21 = arith.constant 1 : i32
      %scan3A_22 = scf.for %scan3A_24 = %scan3A_18 to %scan3A_20 step %scan3A_21 iter_args(%scan3A_25 = %scan3A_17) -> (i32)  : i32 {
        %mul3A_26 = arith.constant 1000 : i32
        %mul3A_27 = arith.muli %arg1, %mul3A_26 : i32
        %mul3A_28 = arith.constant 200 : i32
        %mul3A_29 = arith.muli %scan3A_24, %mul3A_28 : i32
        %add3A_30 = arith.addi %mul3A_27, %mul3A_29 : i32
        "tpu.region"() ({
          %run_scoped3A = tpu.sem_alloc : memref<!tpu.dma_semaphore, #tpu.memory_space<semaphore_mem>>
          %dma_start3A = arith.constant 0 : i32
          %dma_start3A_32 = tpu.memref_slice %arg9[%add3A_30, %dma_start3A] : memref<10000x128xf32, #tpu.memory_space<vmem_shared>> -> memref<200x128xf32, #tpu.memory_space<vmem_shared>>
          %dma_start3A_33 = arith.constant 0 : i32
          %dma_start3A_34 = tpu.memref_slice %arg9[%add3A_30, %dma_start3A_33] : memref<10000x128xf32, #tpu.memory_space<vmem_shared>> -> memref<200x128xf32, #tpu.memory_space<vmem_shared>>
          tpu.enqueue_dma source(%arg8 : memref<200x128xf32, #tpu.memory_space<vmem>>) target(%dma_start3A_34 : memref<200x128xf32, #tpu.memory_space<vmem_shared>>) target_semaphore(%run_scoped3A : memref<!tpu.dma_semaphore, #tpu.memory_space<semaphore_mem>>)
          %dma_wait3A = arith.constant 0 : i32
          %dma_wait3A_35 = tpu.memref_slice %arg9[%add3A_30, %dma_wait3A] : memref<10000x128xf32, #tpu.memory_space<vmem_shared>> -> memref<200x128xf32, #tpu.memory_space<vmem_shared>>
          %dma_wait3A_36 = arith.constant 0 : i32
          %dma_wait3A_37 = tpu.memref_slice %arg9[%add3A_30, %dma_wait3A_36] : memref<10000x128xf32, #tpu.memory_space<vmem_shared>> -> memref<200x128xf32, #tpu.memory_space<vmem_shared>>
          tpu.wait_dma2 semaphore(%run_scoped3A : memref<!tpu.dma_semaphore, #tpu.memory_space<semaphore_mem>>) src(%arg8 : memref<200x128xf32, #tpu.memory_space<vmem>>) dst(%dma_wait3A_37 : memref<200x128xf32, #tpu.memory_space<vmem_shared>>)
          tpu.yield
        }) : () -> ()
        %scan3A_31 = arith.constant 0 : i32
        scf.yield %scan3A_31 : i32
      }
      %scan3A_23 = arith.constant 5 : i32
    } else {
    }
    %barrier3A = arith.constant 0 : index
    tpu.barrier barrier_id(%barrier3A)
    %scan3A = arith.constant 0 : i32
    %scan3A_5 = arith.constant 0 : i32
    %scan3A_6 = arith.constant 40 : i32
    %scan3A_7 = arith.addi %scan3A_5, %scan3A_6 : i32
    %scan3A_8 = arith.constant 1 : i32
    %scan3A_9 = scf.for %scan3A_17 = %scan3A_5 to %scan3A_7 step %scan3A_8 iter_args(%scan3A_18 = %scan3A) -> (i32)  : i32 {
      %mul3A_19 = arith.constant 40 : i32
      %mul3A_20 = arith.muli %add3A, %mul3A_19 : i32
      %add3A_21 = arith.addi %mul3A_20, %scan3A_17 : i32
      %lt3A_22 = arith.constant 1250 : i32
      %lt3A_23 = arith.cmpi slt, %add3A_21, %lt3A_22 : i32
      %convert_element_type3A_24 = arith.extui %lt3A_23 : i1 to i32
      %cond3A_25 = arith.constant 0 : i32
      %cond3A_26 = arith.cmpi ne, %convert_element_type3A_24, %cond3A_25 : i32
      scf.if %cond3A_26 {
        %mul3A_28 = arith.constant 128 : i32
        %mul3A_29 = arith.muli %add3A_21, %mul3A_28 : i32
        "tpu.region"() ({
          %run_scoped3A = tpu.sem_alloc : memref<!tpu.dma_semaphore, #tpu.memory_space<semaphore_mem>>
          %dma_start3A = arith.constant 0 : i32
          %dma_start3A_30 = tpu.memref_slice %arg3[%mul3A_29, %dma_start3A] : memref<160000x128xf32, #tpu.memory_space<hbm>> -> memref<128x128xf32, #tpu.memory_space<hbm>>
          %dma_start3A_31 = arith.constant 0 : i32
          %dma_start3A_32 = tpu.memref_slice %arg3[%mul3A_29, %dma_start3A_31] : memref<160000x128xf32, #tpu.memory_space<hbm>> -> memref<128x128xf32, #tpu.memory_space<hbm>>
          tpu.enqueue_dma source(%dma_start3A_32 : memref<128x128xf32, #tpu.memory_space<hbm>>) target(%arg7 : memref<128x128xf32, #tpu.memory_space<vmem>>) target_semaphore(%run_scoped3A : memref<!tpu.dma_semaphore, #tpu.memory_space<semaphore_mem>>)
          %dma_wait3A = arith.constant 0 : i32
          %dma_wait3A_33 = tpu.memref_slice %arg3[%mul3A_29, %dma_wait3A] : memref<160000x128xf32, #tpu.memory_space<hbm>> -> memref<128x128xf32, #tpu.memory_space<hbm>>
          %dma_wait3A_34 = arith.constant 0 : i32
          %dma_wait3A_35 = tpu.memref_slice %arg3[%mul3A_29, %dma_wait3A_34] : memref<160000x128xf32, #tpu.memory_space<hbm>> -> memref<128x128xf32, #tpu.memory_space<hbm>>
          tpu.wait_dma2 semaphore(%run_scoped3A : memref<!tpu.dma_semaphore, #tpu.memory_space<semaphore_mem>>) src(%dma_wait3A_35 : memref<128x128xf32, #tpu.memory_space<hbm>>) dst(%arg7 : memref<128x128xf32, #tpu.memory_space<vmem>>)
          tpu.yield
        }) : () -> ()
        "tpu.region"() ({
          %run_scoped3A = tpu.sem_alloc : memref<!tpu.dma_semaphore, #tpu.memory_space<semaphore_mem>>
          %dma_start3A = arith.constant 0 : i32
          %dma_start3A_30 = tpu.memref_slice %arg6[%scan3A_17, %dma_start3A] : memref<40x128xi32, #tpu.memory_space<vmem>> -> memref<1x128xi32, #tpu.memory_space<vmem>>
          %dma_start3A_31 = tpu.memref_squeeze %dma_start3A_30 : memref<1x128xi32, #tpu.memory_space<vmem>> -> memref<128xi32, #tpu.memory_space<vmem>>
          %dma_start3A_32 = arith.constant 0 : i32
          %dma_start3A_33 = arith.constant 0 : i32
          %dma_start3A_34 = tpu.memref_slice %arg9[%dma_start3A_32, %dma_start3A_33] : memref<10000x128xf32, #tpu.memory_space<vmem_shared>> -> memref<10000x128xf32, #tpu.memory_space<vmem_shared>>
          tpu.enqueue_indirect_dma source(%arg7 : memref<128x128xf32, #tpu.memory_space<vmem>>) target(%dma_start3A_34 : memref<10000x128xf32, #tpu.memory_space<vmem_shared>>) offsets(%dma_start3A_31 : memref<128xi32, #tpu.memory_space<vmem>>) semaphore(%run_scoped3A : memref<!tpu.dma_semaphore, #tpu.memory_space<semaphore_mem>>) {add = true}
          %dma_wait3A = arith.constant 0 : i32
          %dma_wait3A_35 = tpu.memref_slice %arg6[%scan3A_17, %dma_wait3A] : memref<40x128xi32, #tpu.memory_space<vmem>> -> memref<1x128xi32, #tpu.memory_space<vmem>>
          %dma_wait3A_36 = tpu.memref_squeeze %dma_wait3A_35 : memref<1x128xi32, #tpu.memory_space<vmem>> -> memref<128xi32, #tpu.memory_space<vmem>>
          %dma_wait3A_37 = arith.constant 0 : i32
          %dma_wait3A_38 = arith.constant 0 : i32
          %dma_wait3A_39 = tpu.memref_slice %arg9[%dma_wait3A_37, %dma_wait3A_38] : memref<10000x128xf32, #tpu.memory_space<vmem_shared>> -> memref<10000x128xf32, #tpu.memory_space<vmem_shared>>
          tpu.wait_indirect_dma semaphore(%run_scoped3A : memref<!tpu.dma_semaphore, #tpu.memory_space<semaphore_mem>>) src(%arg7 : memref<128x128xf32, #tpu.memory_space<vmem>>) dst(%dma_wait3A_39 : memref<10000x128xf32, #tpu.memory_space<vmem_shared>>)
          tpu.yield
        }) : () -> ()
      } else {
      }
      %scan3A_27 = arith.constant 0 : i32
      scf.yield %scan3A_27 : i32
    }
    %scan3A_10 = arith.constant 40 : i32
    %barrier3A_11 = arith.constant 0 : index
    tpu.barrier barrier_id(%barrier3A_11)
    %lt3A_12 = arith.constant 10 : i32
    %lt3A_13 = arith.cmpi slt, %arg1, %lt3A_12 : i32
    %convert_element_type3A_14 = arith.extui %lt3A_13 : i1 to i32
    %cond3A_15 = arith.constant 0 : i32
    %cond3A_16 = arith.cmpi ne, %convert_element_type3A_14, %cond3A_15 : i32
    scf.if %cond3A_16 {
      %mul3A_17 = arith.constant 1000 : i32
      %mul3A_18 = arith.muli %arg1, %mul3A_17 : i32
      %mul3A_19 = arith.constant 1000 : i32
      %mul3A_20 = arith.muli %arg1, %mul3A_19 : i32
      "tpu.region"() ({
        %run_scoped3A = tpu.sem_alloc : memref<!tpu.dma_semaphore, #tpu.memory_space<semaphore_mem>>
        %dma_start3A = arith.constant 0 : i32
        %dma_start3A_21 = tpu.memref_slice %arg5[%arg0, %mul3A_20, %dma_start3A] : memref<2x10000x128xf32, #tpu.memory_space<hbm>> -> memref<1x1000x128xf32, #tpu.memory_space<hbm>>
        %dma_start3A_22 = tpu.memref_squeeze %dma_start3A_21 : memref<1x1000x128xf32, #tpu.memory_space<hbm>> -> memref<1000x128xf32, #tpu.memory_space<hbm>>
        %dma_start3A_23 = arith.constant 0 : i32
        %dma_start3A_24 = tpu.memref_slice %arg9[%mul3A_18, %dma_start3A_23] : memref<10000x128xf32, #tpu.memory_space<vmem_shared>> -> memref<1000x128xf32, #tpu.memory_space<vmem_shared>>
        tpu.enqueue_dma source(%dma_start3A_24 : memref<1000x128xf32, #tpu.memory_space<vmem_shared>>) target(%dma_start3A_22 : memref<1000x128xf32, #tpu.memory_space<hbm>>) target_semaphore(%run_scoped3A : memref<!tpu.dma_semaphore, #tpu.memory_space<semaphore_mem>>)
        %dma_wait3A = arith.constant 0 : i32
        %dma_wait3A_25 = tpu.memref_slice %arg5[%arg0, %mul3A_20, %dma_wait3A] : memref<2x10000x128xf32, #tpu.memory_space<hbm>> -> memref<1x1000x128xf32, #tpu.memory_space<hbm>>
        %dma_wait3A_26 = tpu.memref_squeeze %dma_wait3A_25 : memref<1x1000x128xf32, #tpu.memory_space<hbm>> -> memref<1000x128xf32, #tpu.memory_space<hbm>>
        %dma_wait3A_27 = arith.constant 0 : i32
        %dma_wait3A_28 = tpu.memref_slice %arg9[%mul3A_18, %dma_wait3A_27] : memref<10000x128xf32, #tpu.memory_space<vmem_shared>> -> memref<1000x128xf32, #tpu.memory_space<vmem_shared>>
        tpu.wait_dma2 semaphore(%run_scoped3A : memref<!tpu.dma_semaphore, #tpu.memory_space<semaphore_mem>>) src(%dma_wait3A_28 : memref<1000x128xf32, #tpu.memory_space<vmem_shared>>) dst(%dma_wait3A_26 : memref<1000x128xf32, #tpu.memory_space<hbm>>)
        tpu.yield
      }) : () -> ()
    } else {
    }
    return
  }
}

module attributes {stable_mosaic.version = 14 : i64} {
  func.func @_knn_body(%arg0: i32, %arg1: memref<400x3xf32, #tpu.memory_space<vmem>>, %arg2: memref<8x2560xf32, #tpu.memory_space<vmem>>, %arg3: memref<2560x8xf32, #tpu.memory_space<vmem>>, %arg4: memref<400x8xf32, #tpu.memory_space<vmem>>, %arg5: memref<400x16xf32, #tpu.memory_space<vmem>>) attributes {dimension_semantics = [#tpu.dimension_semantics<arbitrary>], iteration_bounds = array<i64: 25>, scalar_prefetch = 0 : i64, scratch_operands = 0 : i64, tpu.core_type = #tpu.core_type<tc>, window_params = [{transform_indices = @transform_0, window_bounds = array<i64: 400, 3>}, {pipeline_mode = #tpu.pipeline_mode<synchronous>, transform_indices = @transform_1, window_bounds = array<i64: 8, 2560>}, {pipeline_mode = #tpu.pipeline_mode<synchronous>, transform_indices = @transform_2, window_bounds = array<i64: 2560, 8>}, {transform_indices = @transform_3, window_bounds = array<i64: 400, 8>}, {transform_indices = @transform_4, window_bounds = array<i64: 400, 16>}]} {
    %broadcast_in_dim3A = arith.constant 0.000000e+00 : f32
    %broadcast_in_dim3A_0 = vector.broadcast %broadcast_in_dim3A : f32 to vector<400x2560xf32>
    %get3A = arith.constant 0 : index
    %get3A_1 = arith.constant 0 : index
    %get3A_2 = vector.load %arg1[%get3A, %get3A_1] : memref<400x3xf32, #tpu.memory_space<vmem>>, vector<400x1xf32>
    %get3A_3 = arith.constant 0 : index
    %get3A_4 = arith.constant 0 : index
    %get3A_5 = vector.load %arg2[%get3A_3, %get3A_4] : memref<8x2560xf32, #tpu.memory_space<vmem>>, vector<1x2560xf32>
    %sub3A = vector.broadcast %get3A_2 : vector<400x1xf32> to vector<400x2560xf32>
    %sub3A_6 = vector.broadcast %get3A_5 : vector<1x2560xf32> to vector<400x2560xf32>
    %sub3A_7 = arith.subf %sub3A, %sub3A_6 : vector<400x2560xf32>
    %integer_pow3A = arith.mulf %sub3A_7, %sub3A_7 : vector<400x2560xf32>
    %add3A = arith.addf %broadcast_in_dim3A_0, %integer_pow3A : vector<400x2560xf32>
    %get3A_8 = arith.constant 0 : index
    %get3A_9 = arith.constant 1 : index
    %get3A_10 = vector.load %arg1[%get3A_8, %get3A_9] : memref<400x3xf32, #tpu.memory_space<vmem>>, vector<400x1xf32>
    %get3A_11 = arith.constant 1 : index
    %get3A_12 = arith.constant 0 : index
    %get3A_13 = vector.load %arg2[%get3A_11, %get3A_12] : memref<8x2560xf32, #tpu.memory_space<vmem>>, vector<1x2560xf32>
    %sub3A_14 = vector.broadcast %get3A_10 : vector<400x1xf32> to vector<400x2560xf32>
    %sub3A_15 = vector.broadcast %get3A_13 : vector<1x2560xf32> to vector<400x2560xf32>
    %sub3A_16 = arith.subf %sub3A_14, %sub3A_15 : vector<400x2560xf32>
    %integer_pow3A_17 = arith.mulf %sub3A_16, %sub3A_16 : vector<400x2560xf32>
    %add3A_18 = arith.addf %add3A, %integer_pow3A_17 : vector<400x2560xf32>
    %get3A_19 = arith.constant 0 : index
    %get3A_20 = arith.constant 2 : index
    %get3A_21 = vector.load %arg1[%get3A_19, %get3A_20] : memref<400x3xf32, #tpu.memory_space<vmem>>, vector<400x1xf32>
    %get3A_22 = arith.constant 2 : index
    %get3A_23 = arith.constant 0 : index
    %get3A_24 = vector.load %arg2[%get3A_22, %get3A_23] : memref<8x2560xf32, #tpu.memory_space<vmem>>, vector<1x2560xf32>
    %sub3A_25 = vector.broadcast %get3A_21 : vector<400x1xf32> to vector<400x2560xf32>
    %sub3A_26 = vector.broadcast %get3A_24 : vector<1x2560xf32> to vector<400x2560xf32>
    %sub3A_27 = arith.subf %sub3A_25, %sub3A_26 : vector<400x2560xf32>
    %integer_pow3A_28 = arith.mulf %sub3A_27, %sub3A_27 : vector<400x2560xf32>
    %add3A_29 = arith.addf %add3A_18, %integer_pow3A_28 : vector<400x2560xf32>
    %iota3A = tpu.iota {dimensions = array<i32: 1>} : vector<400x2560xi32>
    %broadcast_in_dim3A_30 = arith.constant 0.000000e+00 : f32
    %broadcast_in_dim3A_31 = vector.broadcast %broadcast_in_dim3A_30 : f32 to vector<400x2560xf32>
    %broadcast_in_dim3A_32 = arith.constant 0.000000e+00 : f32
    %broadcast_in_dim3A_33 = vector.broadcast %broadcast_in_dim3A_32 : f32 to vector<400x1xf32>
    %argmin3A = tpu.reduce_index %add3A_29 {axis = 1 : i32, kind = #tpu.reduction_kind<arg_min>} : vector<400x2560xf32> -> vector<400xi32>
    %broadcast_in_dim3A_34 = vector.shape_cast %argmin3A : vector<400xi32> to vector<400x1xi32>
    %reduce_min3A = arith.constant dense<0x7F800000> : vector<400xf32>
    %reduce_min3A_35 = vector.multi_reduction <minimumf>, %add3A_29, %reduce_min3A [1] : vector<400x2560xf32> to vector<400xf32>
    %broadcast_in_dim3A_36 = vector.shape_cast %reduce_min3A_35 : vector<400xf32> to vector<400x1xf32>
    %max3A = arith.constant 1.000000e-16 : f32
    %max3A_37 = vector.broadcast %max3A : f32 to vector<400x1xf32>
    %max3A_38 = arith.maximumf %broadcast_in_dim3A_36, %max3A_37 : vector<400x1xf32>
    %div3A = arith.constant 1.000000e+00 : f32
    %div3A_39 = vector.broadcast %div3A : f32 to vector<400x1xf32>
    %div3A_40 = arith.divf %div3A_39, %max3A_38 : vector<400x1xf32>
    %eq3A = vector.broadcast %broadcast_in_dim3A_34 : vector<400x1xi32> to vector<400x2560xi32>
    %eq3A_41 = arith.cmpi eq, %iota3A, %eq3A : vector<400x2560xi32>
    %jit3A = arith.constant 0.000000e+00 : f32
    %broadcast_in_dim3A_42 = vector.shape_cast %div3A_40 : vector<400x1xf32> to vector<400x1xf32>
    %broadcast_in_dim3A_43 = vector.broadcast %broadcast_in_dim3A_42 : vector<400x1xf32> to vector<400x2560xf32>
    %broadcast_in_dim3A_44 = vector.broadcast %jit3A : f32 to vector<400x2560xf32>
    %select_n3A = arith.select %eq3A_41, %broadcast_in_dim3A_43, %broadcast_in_dim3A_44 : vector<400x2560xi1>, vector<400x2560xf32>
    %add3A_45 = arith.addf %broadcast_in_dim3A_31, %select_n3A : vector<400x2560xf32>
    %add3A_46 = arith.addf %broadcast_in_dim3A_33, %div3A_40 : vector<400x1xf32>
    %jit3A_47 = arith.constant 0x7F800000 : f32
    %broadcast_in_dim3A_48 = vector.broadcast %jit3A_47 : f32 to vector<400x2560xf32>
    %select_n3A_49 = arith.select %eq3A_41, %broadcast_in_dim3A_48, %add3A_29 : vector<400x2560xi1>, vector<400x2560xf32>
    %argmin3A_50 = tpu.reduce_index %select_n3A_49 {axis = 1 : i32, kind = #tpu.reduction_kind<arg_min>} : vector<400x2560xf32> -> vector<400xi32>
    %broadcast_in_dim3A_51 = vector.shape_cast %argmin3A_50 : vector<400xi32> to vector<400x1xi32>
    %reduce_min3A_52 = arith.constant dense<0x7F800000> : vector<400xf32>
    %reduce_min3A_53 = vector.multi_reduction <minimumf>, %select_n3A_49, %reduce_min3A_52 [1] : vector<400x2560xf32> to vector<400xf32>
    %broadcast_in_dim3A_54 = vector.shape_cast %reduce_min3A_53 : vector<400xf32> to vector<400x1xf32>
    %max3A_55 = arith.constant 1.000000e-16 : f32
    %max3A_56 = vector.broadcast %max3A_55 : f32 to vector<400x1xf32>
    %max3A_57 = arith.maximumf %broadcast_in_dim3A_54, %max3A_56 : vector<400x1xf32>
    %div3A_58 = arith.constant 1.000000e+00 : f32
    %div3A_59 = vector.broadcast %div3A_58 : f32 to vector<400x1xf32>
    %div3A_60 = arith.divf %div3A_59, %max3A_57 : vector<400x1xf32>
    %eq3A_61 = vector.broadcast %broadcast_in_dim3A_51 : vector<400x1xi32> to vector<400x2560xi32>
    %eq3A_62 = arith.cmpi eq, %iota3A, %eq3A_61 : vector<400x2560xi32>
    %jit3A_63 = arith.constant 0.000000e+00 : f32
    %broadcast_in_dim3A_64 = vector.shape_cast %div3A_60 : vector<400x1xf32> to vector<400x1xf32>
    %broadcast_in_dim3A_65 = vector.broadcast %broadcast_in_dim3A_64 : vector<400x1xf32> to vector<400x2560xf32>
    %broadcast_in_dim3A_66 = vector.broadcast %jit3A_63 : f32 to vector<400x2560xf32>
    %select_n3A_67 = arith.select %eq3A_62, %broadcast_in_dim3A_65, %broadcast_in_dim3A_66 : vector<400x2560xi1>, vector<400x2560xf32>
    %add3A_68 = arith.addf %add3A_45, %select_n3A_67 : vector<400x2560xf32>
    %add3A_69 = arith.addf %add3A_46, %div3A_60 : vector<400x1xf32>
    %jit3A_70 = arith.constant 0x7F800000 : f32
    %broadcast_in_dim3A_71 = vector.broadcast %jit3A_70 : f32 to vector<400x2560xf32>
    %select_n3A_72 = arith.select %eq3A_62, %broadcast_in_dim3A_71, %select_n3A_49 : vector<400x2560xi1>, vector<400x2560xf32>
    %argmin3A_73 = tpu.reduce_index %select_n3A_72 {axis = 1 : i32, kind = #tpu.reduction_kind<arg_min>} : vector<400x2560xf32> -> vector<400xi32>
    %broadcast_in_dim3A_74 = vector.shape_cast %argmin3A_73 : vector<400xi32> to vector<400x1xi32>
    %reduce_min3A_75 = arith.constant dense<0x7F800000> : vector<400xf32>
    %reduce_min3A_76 = vector.multi_reduction <minimumf>, %select_n3A_72, %reduce_min3A_75 [1] : vector<400x2560xf32> to vector<400xf32>
    %broadcast_in_dim3A_77 = vector.shape_cast %reduce_min3A_76 : vector<400xf32> to vector<400x1xf32>
    %max3A_78 = arith.constant 1.000000e-16 : f32
    %max3A_79 = vector.broadcast %max3A_78 : f32 to vector<400x1xf32>
    %max3A_80 = arith.maximumf %broadcast_in_dim3A_77, %max3A_79 : vector<400x1xf32>
    %div3A_81 = arith.constant 1.000000e+00 : f32
    %div3A_82 = vector.broadcast %div3A_81 : f32 to vector<400x1xf32>
    %div3A_83 = arith.divf %div3A_82, %max3A_80 : vector<400x1xf32>
    %eq3A_84 = vector.broadcast %broadcast_in_dim3A_74 : vector<400x1xi32> to vector<400x2560xi32>
    %eq3A_85 = arith.cmpi eq, %iota3A, %eq3A_84 : vector<400x2560xi32>
    %jit3A_86 = arith.constant 0.000000e+00 : f32
    %broadcast_in_dim3A_87 = vector.shape_cast %div3A_83 : vector<400x1xf32> to vector<400x1xf32>
    %broadcast_in_dim3A_88 = vector.broadcast %broadcast_in_dim3A_87 : vector<400x1xf32> to vector<400x2560xf32>
    %broadcast_in_dim3A_89 = vector.broadcast %jit3A_86 : f32 to vector<400x2560xf32>
    %select_n3A_90 = arith.select %eq3A_85, %broadcast_in_dim3A_88, %broadcast_in_dim3A_89 : vector<400x2560xi1>, vector<400x2560xf32>
    %add3A_91 = arith.addf %add3A_68, %select_n3A_90 : vector<400x2560xf32>
    %add3A_92 = arith.addf %add3A_69, %div3A_83 : vector<400x1xf32>
    %get3A_93 = arith.constant 0 : index
    %get3A_94 = arith.constant 0 : index
    %get3A_95 = vector.load %arg3[%get3A_93, %get3A_94] : memref<2560x8xf32, #tpu.memory_space<vmem>>, vector<2560x8xf32>
    %dot_general3A = arith.constant dense<0.000000e+00> : vector<400x8xf32>
    %dot_general3A_96 = tpu.matmul %add3A_91, %get3A_95, %dot_general3A {dimension_numbers = #tpu.dot_dimension_numbers<[1], [0], [0], [1], [0, 0, 1, 1], [], []>, transpose_lhs_hint = false} : vector<400x2560xf32>, vector<2560x8xf32>, vector<400x8xf32> -> vector<400x8xf32>
    %div3A_97 = vector.broadcast %add3A_92 : vector<400x1xf32> to vector<400x8xf32>
    %div3A_98 = arith.divf %dot_general3A_96, %div3A_97 : vector<400x8xf32>
    %get3A_99 = arith.constant 0 : index
    %get3A_100 = arith.constant 0 : index
    %get3A_101 = vector.load %arg4[%get3A_99, %get3A_100] : memref<400x8xf32, #tpu.memory_space<vmem>>, vector<400x8xf32>
    %concatenate3A = tpu.concatenate %div3A_98, %get3A_101 in 1 : vector<400x8xf32>, vector<400x8xf32> -> vector<400x16xf32>
    %swap3A = arith.constant 0 : index
    %swap3A_102 = arith.constant 0 : index
    %swap3A_103 = vector.load %arg5[%swap3A, %swap3A_102] : memref<400x16xf32, #tpu.memory_space<vmem>>, vector<400x16xf32>
    tpu.vector_store %arg5[%swap3A, %swap3A_102], %concatenate3A {strides = array<i32>} : memref<400x16xf32, #tpu.memory_space<vmem>>, vector<400x16xf32>,
    return
  }
  func.func @transform_0(%arg0: i32) -> (i32, i32) {
    %c0_i32 = arith.constant 0 : i32
    %c0_i32_0 = arith.constant 0 : i32
    return %arg0, %c0_i32 : i32, i32
  }
  func.func @transform_1(%arg0: i32) -> (i32, i32) {
    %c0_i32 = arith.constant 0 : i32
    %c0_i32_0 = arith.constant 0 : i32
    %c0_i32_1 = arith.constant 0 : i32
    return %c0_i32, %c0_i32_0 : i32, i32
  }
  func.func @transform_2(%arg0: i32) -> (i32, i32) {
    %c0_i32 = arith.constant 0 : i32
    %c0_i32_0 = arith.constant 0 : i32
    %c0_i32_1 = arith.constant 0 : i32
    return %c0_i32, %c0_i32_0 : i32, i32
  }
  func.func @transform_3(%arg0: i32) -> (i32, i32) {
    %c0_i32 = arith.constant 0 : i32
    %c0_i32_0 = arith.constant 0 : i32
    return %arg0, %c0_i32 : i32, i32
  }
  func.func @transform_4(%arg0: i32) -> (i32, i32) {
    %c0_i32 = arith.constant 0 : i32
    %c0_i32_0 = arith.constant 0 : i32
    return %arg0, %c0_i32 : i32, i32
  }
}

module attributes {stable_mosaic.version = 14 : i64} {
  func.func @_prologue_body(%arg0: i32, %arg1: memref<64x1024xf32, #tpu.memory_space<vmem>>, %arg2: memref<64x1024xf32, #tpu.memory_space<vmem>>, %arg3: memref<64x1024xf32, #tpu.memory_space<vmem>>, %arg4: memref<192x64xf32, #tpu.memory_space<vmem>>, %arg5: memref<64x8xf32, #tpu.memory_space<vmem>>, %arg6: memref<64x64xf32, #tpu.memory_space<vmem>>, %arg7: memref<8x64xf32, #tpu.memory_space<vmem>>, %arg8: memref<64x64xf32, #tpu.memory_space<vmem>>, %arg9: memref<64x64xf32, #tpu.memory_space<vmem>>, %arg10: memref<64x64xf32, #tpu.memory_space<vmem>>, %arg11: memref<8x64xf32, #tpu.memory_space<vmem>>, %arg12: memref<8x64xf32, #tpu.memory_space<vmem>>, %arg13: memref<64x64xf32, #tpu.memory_space<vmem>>) attributes {dimension_semantics = [#tpu.dimension_semantics<arbitrary>], iteration_bounds = array<i64: 1>, scalar_prefetch = 0 : i64, scratch_operands = 0 : i64, tpu.core_type = #tpu.core_type<tc>, window_params = [{pipeline_mode = #tpu.pipeline_mode<synchronous>, transform_indices = @transform_0, window_bounds = array<i64: 64, 1024>}, {pipeline_mode = #tpu.pipeline_mode<synchronous>, transform_indices = @transform_1, window_bounds = array<i64: 64, 1024>}, {pipeline_mode = #tpu.pipeline_mode<synchronous>, transform_indices = @transform_2, window_bounds = array<i64: 64, 1024>}, {pipeline_mode = #tpu.pipeline_mode<synchronous>, transform_indices = @transform_3, window_bounds = array<i64: 192, 64>}, {pipeline_mode = #tpu.pipeline_mode<synchronous>, transform_indices = @transform_4, window_bounds = array<i64: 64, 8>}, {pipeline_mode = #tpu.pipeline_mode<synchronous>, transform_indices = @transform_5, window_bounds = array<i64: 64, 64>}, {pipeline_mode = #tpu.pipeline_mode<synchronous>, transform_indices = @transform_6, window_bounds = array<i64: 8, 64>}, {pipeline_mode = #tpu.pipeline_mode<synchronous>, transform_indices = @transform_7, window_bounds = array<i64: 64, 64>}, {pipeline_mode = #tpu.pipeline_mode<synchronous>, transform_indices = @transform_8, window_bounds = array<i64: 64, 64>}, {pipeline_mode = #tpu.pipeline_mode<synchronous>, transform_indices = @transform_9, window_bounds = array<i64: 64, 64>}, {pipeline_mode = #tpu.pipeline_mode<synchronous>, transform_indices = @transform_10, window_bounds = array<i64: 8, 64>}, {pipeline_mode = #tpu.pipeline_mode<synchronous>, transform_indices = @transform_11, window_bounds = array<i64: 8, 64>}, {pipeline_mode = #tpu.pipeline_mode<synchronous>, transform_indices = @transform_12, window_bounds = array<i64: 64, 64>}]} {
    %get3A = arith.constant 0 : index
    %get3A_0 = arith.constant 0 : index
    %get3A_1 = vector.load %arg1[%get3A, %get3A_0] : memref<64x1024xf32, #tpu.memory_space<vmem>>, vector<64x1024xf32>
    %get3A_2 = arith.constant 0 : index
    %get3A_3 = arith.constant 0 : index
    %get3A_4 = vector.load %arg7[%get3A_2, %get3A_3] : memref<8x64xf32, #tpu.memory_space<vmem>>, vector<1x64xf32>
    %get3A_5 = vector.shape_cast %get3A_4 : vector<1x64xf32> to vector<64xf32>
    %broadcast_in_dim3A = vector.shape_cast %get3A_5 : vector<64xf32> to vector<1x64xf32>
    %get3A_6 = arith.constant 1 : index
    %get3A_7 = arith.constant 0 : index
    %get3A_8 = vector.load %arg7[%get3A_6, %get3A_7] : memref<8x64xf32, #tpu.memory_space<vmem>>, vector<1x64xf32>
    %get3A_9 = vector.shape_cast %get3A_8 : vector<1x64xf32> to vector<64xf32>
    %broadcast_in_dim3A_10 = vector.shape_cast %get3A_9 : vector<64xf32> to vector<1x64xf32>
    %get3A_11 = arith.constant 2 : index
    %get3A_12 = arith.constant 0 : index
    %get3A_13 = vector.load %arg7[%get3A_11, %get3A_12] : memref<8x64xf32, #tpu.memory_space<vmem>>, vector<1x64xf32>
    %get3A_14 = vector.shape_cast %get3A_13 : vector<1x64xf32> to vector<64xf32>
    %broadcast_in_dim3A_15 = vector.shape_cast %get3A_14 : vector<64xf32> to vector<1x64xf32>
    %get3A_16 = arith.constant 3 : index
    %get3A_17 = arith.constant 0 : index
    %get3A_18 = vector.load %arg7[%get3A_16, %get3A_17] : memref<8x64xf32, #tpu.memory_space<vmem>>, vector<1x64xf32>
    %get3A_19 = vector.shape_cast %get3A_18 : vector<1x64xf32> to vector<64xf32>
    %broadcast_in_dim3A_20 = vector.shape_cast %get3A_19 : vector<64xf32> to vector<1x64xf32>
    %get3A_21 = arith.constant 4 : index
    %get3A_22 = arith.constant 0 : index
    %get3A_23 = vector.load %arg7[%get3A_21, %get3A_22] : memref<8x64xf32, #tpu.memory_space<vmem>>, vector<1x64xf32>
    %get3A_24 = vector.shape_cast %get3A_23 : vector<1x64xf32> to vector<64xf32>
    %broadcast_in_dim3A_25 = vector.shape_cast %get3A_24 : vector<64xf32> to vector<1x64xf32>
    %get3A_26 = arith.constant 5 : index
    %get3A_27 = arith.constant 0 : index
    %get3A_28 = vector.load %arg7[%get3A_26, %get3A_27] : memref<8x64xf32, #tpu.memory_space<vmem>>, vector<1x64xf32>
    %get3A_29 = vector.shape_cast %get3A_28 : vector<1x64xf32> to vector<64xf32>
    %broadcast_in_dim3A_30 = vector.shape_cast %get3A_29 : vector<64xf32> to vector<1x64xf32>
    %get3A_31 = arith.constant 6 : index
    %get3A_32 = arith.constant 0 : index
    %get3A_33 = vector.load %arg7[%get3A_31, %get3A_32] : memref<8x64xf32, #tpu.memory_space<vmem>>, vector<1x64xf32>
    %get3A_34 = vector.shape_cast %get3A_33 : vector<1x64xf32> to vector<64xf32>
    %broadcast_in_dim3A_35 = vector.shape_cast %get3A_34 : vector<64xf32> to vector<1x64xf32>
    %get3A_36 = arith.constant 0 : index
    %get3A_37 = arith.constant 0 : index
    %get3A_38 = vector.load %arg8[%get3A_36, %get3A_37] : memref<64x64xf32, #tpu.memory_space<vmem>>, vector<64x64xf32>
    %get3A_39 = arith.constant 0 : index
    %get3A_40 = arith.constant 0 : index
    %get3A_41 = vector.load %arg2[%get3A_39, %get3A_40] : memref<64x1024xf32, #tpu.memory_space<vmem>>, vector<64x1024xf32>
    %dot_general3A = arith.constant dense<0.000000e+00> : vector<64x64xf32>
    %dot_general3A_42 = tpu.matmul %get3A_1, %get3A_41, %dot_general3A {dimension_numbers = #tpu.dot_dimension_numbers<[1], [1], [0], [0], [0, 0, 1, 0], [], []>, transpose_lhs_hint = false} : vector<64x1024xf32>, vector<64x1024xf32>, vector<64x64xf32> -> vector<64x64xf32>
    %add3A = vector.broadcast %broadcast_in_dim3A_10 : vector<1x64xf32> to vector<64x64xf32>
    %add3A_43 = arith.addf %dot_general3A_42, %add3A : vector<64x64xf32>
    %add3A_44 = arith.addf %add3A_43, %get3A_38 : vector<64x64xf32>
    %get3A_45 = arith.constant 0 : index
    %get3A_46 = arith.constant 0 : index
    %get3A_47 = vector.load %arg3[%get3A_45, %get3A_46] : memref<64x1024xf32, #tpu.memory_space<vmem>>, vector<64x1024xf32>
    %dot_general3A_48 = arith.constant dense<0.000000e+00> : vector<64x64xf32>
    %dot_general3A_49 = tpu.matmul %get3A_1, %get3A_47, %dot_general3A_48 {dimension_numbers = #tpu.dot_dimension_numbers<[1], [1], [0], [0], [0, 0, 1, 0], [], []>, transpose_lhs_hint = false} : vector<64x1024xf32>, vector<64x1024xf32>, vector<64x64xf32> -> vector<64x64xf32>
    %add3A_50 = vector.broadcast %broadcast_in_dim3A_15 : vector<1x64xf32> to vector<64x64xf32>
    %add3A_51 = arith.addf %dot_general3A_49, %add3A_50 : vector<64x64xf32>
    %add3A_52 = arith.addf %add3A_51, %get3A_38 : vector<64x64xf32>
    %get3A_53 = arith.constant 0 : index
    %get3A_54 = arith.constant 0 : index
    %get3A_55 = vector.load %arg4[%get3A_53, %get3A_54] : memref<192x64xf32, #tpu.memory_space<vmem>>, vector<64x64xf32>
    %get3A_56 = arith.constant 64 : index
    %get3A_57 = arith.constant 0 : index
    %get3A_58 = vector.load %arg4[%get3A_56, %get3A_57] : memref<192x64xf32, #tpu.memory_space<vmem>>, vector<64x64xf32>
    %get3A_59 = arith.constant 128 : index
    %get3A_60 = arith.constant 0 : index
    %get3A_61 = vector.load %arg4[%get3A_59, %get3A_60] : memref<192x64xf32, #tpu.memory_space<vmem>>, vector<64x64xf32>
    %dot_general3A_62 = arith.constant dense<0.000000e+00> : vector<64x64xf32>
    %dot_general3A_63 = tpu.matmul %add3A_44, %get3A_58, %dot_general3A_62 {dimension_numbers = #tpu.dot_dimension_numbers<[1], [1], [0], [0], [0, 0, 1, 0], [], []>, transpose_lhs_hint = false} : vector<64x64xf32>, vector<64x64xf32>, vector<64x64xf32> -> vector<64x64xf32>
    %add3A_64 = vector.broadcast %broadcast_in_dim3A_25 : vector<1x64xf32> to vector<64x64xf32>
    %add3A_65 = arith.addf %dot_general3A_63, %add3A_64 : vector<64x64xf32>
    %dot_general3A_66 = arith.constant dense<0.000000e+00> : vector<64x64xf32>
    %dot_general3A_67 = tpu.matmul %add3A_52, %get3A_61, %dot_general3A_66 {dimension_numbers = #tpu.dot_dimension_numbers<[1], [1], [0], [0], [0, 0, 1, 0], [], []>, transpose_lhs_hint = false} : vector<64x64xf32>, vector<64x64xf32>, vector<64x64xf32> -> vector<64x64xf32>
    %add3A_68 = vector.broadcast %broadcast_in_dim3A_30 : vector<1x64xf32> to vector<64x64xf32>
    %add3A_69 = arith.addf %dot_general3A_67, %add3A_68 : vector<64x64xf32>
    %transpose3A = tpu.transpose %add3A_65, [1, 0] : vector<64x64xf32> -> vector<64x64xf32>
    %swap3A = arith.constant 0 : index
    %swap3A_70 = arith.constant 0 : index
    %swap3A_71 = vector.load %arg9[%swap3A, %swap3A_70] : memref<64x64xf32, #tpu.memory_space<vmem>>, vector<64x64xf32>
    tpu.vector_store %arg9[%swap3A, %swap3A_70], %transpose3A {strides = array<i32>} : memref<64x64xf32, #tpu.memory_space<vmem>>, vector<64x64xf32>,
    %swap3A_72 = arith.constant 0 : index
    %swap3A_73 = arith.constant 0 : index
    %swap3A_74 = vector.load %arg10[%swap3A_72, %swap3A_73] : memref<64x64xf32, #tpu.memory_space<vmem>>, vector<64x64xf32>
    tpu.vector_store %arg10[%swap3A_72, %swap3A_73], %add3A_69 {strides = array<i32>} : memref<64x64xf32, #tpu.memory_space<vmem>>, vector<64x64xf32>,
    %get3A_75 = arith.constant 0 : index
    %get3A_76 = arith.constant 0 : index
    %get3A_77 = vector.load %arg5[%get3A_75, %get3A_76] : memref<64x8xf32, #tpu.memory_space<vmem>>, vector<64x8xf32>
    %dot_general3A_78 = arith.constant dense<0.000000e+00> : vector<64x8xf32>
    %dot_general3A_79 = tpu.matmul %get3A_55, %get3A_77, %dot_general3A_78 {dimension_numbers = #tpu.dot_dimension_numbers<[1], [0], [0], [1], [0, 0, 1, 1], [], []>, transpose_lhs_hint = false} : vector<64x64xf32>, vector<64x8xf32>, vector<64x8xf32> -> vector<64x8xf32>
    %transpose3A_80 = tpu.transpose %dot_general3A_79, [1, 0] : vector<64x8xf32> -> vector<8x64xf32>
    %swap3A_81 = arith.constant 0 : index
    %swap3A_82 = arith.constant 0 : index
    %swap3A_83 = vector.load %arg11[%swap3A_81, %swap3A_82] : memref<8x64xf32, #tpu.memory_space<vmem>>, vector<8x64xf32>
    tpu.vector_store %arg11[%swap3A_81, %swap3A_82], %transpose3A_80 {strides = array<i32>} : memref<8x64xf32, #tpu.memory_space<vmem>>, vector<8x64xf32>,
    %dot_general3A_84 = arith.constant dense<0.000000e+00> : vector<1x64xf32>
    %dot_general3A_85 = tpu.matmul %broadcast_in_dim3A, %get3A_55, %dot_general3A_84 {dimension_numbers = #tpu.dot_dimension_numbers<[1], [1], [0], [0], [0, 0, 1, 0], [], []>, transpose_lhs_hint = false} : vector<1x64xf32>, vector<64x64xf32>, vector<1x64xf32> -> vector<1x64xf32>
    %add3A_86 = arith.addf %dot_general3A_85, %broadcast_in_dim3A_20 : vector<1x64xf32>
    %broadcast_in_dim3A_87 = arith.constant 0.000000e+00 : f32
    %broadcast_in_dim3A_88 = vector.broadcast %broadcast_in_dim3A_87 : f32 to vector<6x64xf32>
    %concatenate3A = tpu.concatenate %add3A_86, %broadcast_in_dim3A_35, %broadcast_in_dim3A_88 in 0 : vector<1x64xf32>, vector<1x64xf32>, vector<6x64xf32> -> vector<8x64xf32>
    %swap3A_89 = arith.constant 0 : index
    %swap3A_90 = arith.constant 0 : index
    %swap3A_91 = vector.load %arg12[%swap3A_89, %swap3A_90] : memref<8x64xf32, #tpu.memory_space<vmem>>, vector<8x64xf32>
    tpu.vector_store %arg12[%swap3A_89, %swap3A_90], %concatenate3A {strides = array<i32>} : memref<8x64xf32, #tpu.memory_space<vmem>>, vector<8x64xf32>,
    %get3A_92 = arith.constant 0 : index
    %get3A_93 = arith.constant 0 : index
    %get3A_94 = vector.load %arg6[%get3A_92, %get3A_93] : memref<64x64xf32, #tpu.memory_space<vmem>>, vector<64x64xf32>
    %transpose3A_95 = tpu.transpose %get3A_94, [1, 0] : vector<64x64xf32> -> vector<64x64xf32>
    %swap3A_96 = arith.constant 0 : index
    %swap3A_97 = arith.constant 0 : index
    %swap3A_98 = vector.load %arg13[%swap3A_96, %swap3A_97] : memref<64x64xf32, #tpu.memory_space<vmem>>, vector<64x64xf32>
    tpu.vector_store %arg13[%swap3A_96, %swap3A_97], %transpose3A_95 {strides = array<i32>} : memref<64x64xf32, #tpu.memory_space<vmem>>, vector<64x64xf32>,
    return
  }
  func.func @transform_0(%arg0: i32) -> (i32, i32) {
    %c0_i32 = arith.constant 0 : i32
    %c0_i32_0 = arith.constant 0 : i32
    %c0_i32_1 = arith.constant 0 : i32
    return %c0_i32, %c0_i32_0 : i32, i32
  }
  func.func @transform_1(%arg0: i32) -> (i32, i32) {
    %c0_i32 = arith.constant 0 : i32
    %c0_i32_0 = arith.constant 0 : i32
    %c0_i32_1 = arith.constant 0 : i32
    return %c0_i32, %c0_i32_0 : i32, i32
  }
  func.func @transform_2(%arg0: i32) -> (i32, i32) {
    %c0_i32 = arith.constant 0 : i32
    %c0_i32_0 = arith.constant 0 : i32
    %c0_i32_1 = arith.constant 0 : i32
    return %c0_i32, %c0_i32_0 : i32, i32
  }
  func.func @transform_3(%arg0: i32) -> (i32, i32) {
    %c0_i32 = arith.constant 0 : i32
    %c0_i32_0 = arith.constant 0 : i32
    %c0_i32_1 = arith.constant 0 : i32
    return %c0_i32, %c0_i32_0 : i32, i32
  }
  func.func @transform_4(%arg0: i32) -> (i32, i32) {
    %c0_i32 = arith.constant 0 : i32
    %c0_i32_0 = arith.constant 0 : i32
    %c0_i32_1 = arith.constant 0 : i32
    return %c0_i32, %c0_i32_0 : i32, i32
  }
  func.func @transform_5(%arg0: i32) -> (i32, i32) {
    %c0_i32 = arith.constant 0 : i32
    %c0_i32_0 = arith.constant 0 : i32
    %c0_i32_1 = arith.constant 0 : i32
    return %c0_i32, %c0_i32_0 : i32, i32
  }
  func.func @transform_6(%arg0: i32) -> (i32, i32) {
    %c0_i32 = arith.constant 0 : i32
    %c0_i32_0 = arith.constant 0 : i32
    %c0_i32_1 = arith.constant 0 : i32
    return %c0_i32, %c0_i32_0 : i32, i32
  }
  func.func @transform_7(%arg0: i32) -> (i32, i32) {
    %c0_i32 = arith.constant 0 : i32
    %c0_i32_0 = arith.constant 0 : i32
    %c0_i32_1 = arith.constant 0 : i32
    return %c0_i32, %c0_i32_0 : i32, i32
  }
  func.func @transform_8(%arg0: i32) -> (i32, i32) {
    %c0_i32 = arith.constant 0 : i32
    %c0_i32_0 = arith.constant 0 : i32
    %c0_i32_1 = arith.constant 0 : i32
    return %c0_i32, %c0_i32_0 : i32, i32
  }
  func.func @transform_9(%arg0: i32) -> (i32, i32) {
    %c0_i32 = arith.constant 0 : i32
    %c0_i32_0 = arith.constant 0 : i32
    %c0_i32_1 = arith.constant 0 : i32
    return %c0_i32, %c0_i32_0 : i32, i32
  }
  func.func @transform_10(%arg0: i32) -> (i32, i32) {
    %c0_i32 = arith.constant 0 : i32
    %c0_i32_0 = arith.constant 0 : i32
    %c0_i32_1 = arith.constant 0 : i32
    return %c0_i32, %c0_i32_0 : i32, i32
  }
  func.func @transform_11(%arg0: i32) -> (i32, i32) {
    %c0_i32 = arith.constant 0 : i32
    %c0_i32_0 = arith.constant 0 : i32
    %c0_i32_1 = arith.constant 0 : i32
    return %c0_i32, %c0_i32_0 : i32, i32
  }
  func.func @transform_12(%arg0: i32) -> (i32, i32) {
    %c0_i32 = arith.constant 0 : i32
    %c0_i32_0 = arith.constant 0 : i32
    %c0_i32_1 = arith.constant 0 : i32
    return %c0_i32, %c0_i32_0 : i32, i32
  }
}

module attributes {stable_mosaic.version = 14 : i64} {
  func.func @_attn_body(%arg0: i32, %arg1: memref<4000x128xf32, #tpu.memory_space<vmem>>, %arg2: memref<4000x128xf32, #tpu.memory_space<vmem>>, %arg3: memref<64x64xf32, #tpu.memory_space<vmem>>, %arg4: memref<64x64xf32, #tpu.memory_space<vmem>>, %arg5: memref<8x64xf32, #tpu.memory_space<vmem>>, %arg6: memref<8x64xf32, #tpu.memory_space<vmem>>, %arg7: memref<64x64xf32, #tpu.memory_space<vmem>>, %arg8: memref<4000x64xf32, #tpu.memory_space<vmem>>, %arg9: memref<4000x8xf32, #tpu.memory_space<vmem>>, %arg10: memref<8x128xf32, #tpu.memory_space<vmem>>, %arg11: memref<128x128xf32, #tpu.memory_space<vmem>>) attributes {dimension_semantics = [#tpu.dimension_semantics<arbitrary>], iteration_bounds = array<i64: 40>, scalar_prefetch = 0 : i64, scratch_operands = 0 : i64, tpu.core_type = #tpu.core_type<tc>, window_params = [{transform_indices = @transform_0, window_bounds = array<i64: 4000, 128>}, {transform_indices = @transform_1, window_bounds = array<i64: 4000, 128>}, {pipeline_mode = #tpu.pipeline_mode<synchronous>, transform_indices = @transform_2, window_bounds = array<i64: 64, 64>}, {pipeline_mode = #tpu.pipeline_mode<synchronous>, transform_indices = @transform_3, window_bounds = array<i64: 64, 64>}, {pipeline_mode = #tpu.pipeline_mode<synchronous>, transform_indices = @transform_4, window_bounds = array<i64: 8, 64>}, {pipeline_mode = #tpu.pipeline_mode<synchronous>, transform_indices = @transform_5, window_bounds = array<i64: 8, 64>}, {pipeline_mode = #tpu.pipeline_mode<synchronous>, transform_indices = @transform_6, window_bounds = array<i64: 64, 64>}, {transform_indices = @transform_7, window_bounds = array<i64: 4000, 64>}, {transform_indices = @transform_8, window_bounds = array<i64: 4000, 8>}, {pipeline_mode = #tpu.pipeline_mode<synchronous>, transform_indices = @transform_9, window_bounds = array<i64: 8, 128>}, {pipeline_mode = #tpu.pipeline_mode<synchronous>, transform_indices = @transform_10, window_bounds = array<i64: 128, 128>}]} {
    %get3A = arith.constant 0 : index
    %get3A_0 = arith.constant 0 : index
    %get3A_1 = vector.load %arg1[%get3A, %get3A_0] : memref<4000x128xf32, #tpu.memory_space<vmem>>, vector<4000x8xf32>
    %get3A_2 = arith.constant 0 : index
    %get3A_3 = arith.constant 0 : index
    %get3A_4 = vector.load %arg2[%get3A_2, %get3A_3] : memref<4000x128xf32, #tpu.memory_space<vmem>>, vector<4000x8xf32>
    %add3A = arith.addf %get3A_1, %get3A_4 : vector<4000x8xf32>
    %mul3A = arith.constant 5.000000e-01 : f32
    %mul3A_5 = vector.broadcast %mul3A : f32 to vector<4000x8xf32>
    %mul3A_6 = arith.mulf %mul3A_5, %add3A : vector<4000x8xf32>
    %get3A_7 = arith.constant 0 : index
    %get3A_8 = arith.constant 0 : index
    %get3A_9 = vector.load %arg5[%get3A_7, %get3A_8] : memref<8x64xf32, #tpu.memory_space<vmem>>, vector<8x64xf32>
    %dot_general3A = arith.constant dense<0.000000e+00> : vector<4000x64xf32>
    %dot_general3A_10 = tpu.matmul %mul3A_6, %get3A_9, %dot_general3A {dimension_numbers = #tpu.dot_dimension_numbers<[1], [0], [0], [1], [0, 0, 1, 1], [], []>, transpose_lhs_hint = false} : vector<4000x8xf32>, vector<8x64xf32>, vector<4000x64xf32> -> vector<4000x64xf32>
    %get3A_11 = arith.constant 0 : index
    %get3A_12 = arith.constant 0 : index
    %get3A_13 = vector.load %arg6[%get3A_11, %get3A_12] : memref<8x64xf32, #tpu.memory_space<vmem>>, vector<1x64xf32>
    %get3A_14 = vector.shape_cast %get3A_13 : vector<1x64xf32> to vector<64xf32>
    %broadcast_in_dim3A = vector.shape_cast %get3A_14 : vector<64xf32> to vector<1x64xf32>
    %add3A_15 = vector.broadcast %broadcast_in_dim3A : vector<1x64xf32> to vector<4000x64xf32>
    %add3A_16 = arith.addf %dot_general3A_10, %add3A_15 : vector<4000x64xf32>
    %slice3A = vector.extract_strided_slice %add3A_16 {offsets = [0, 0], sizes = [4000, 16], strides = [1, 1]} : vector<4000x64xf32> to vector<4000x16xf32>
    %get3A_17 = arith.constant 0 : index
    %get3A_18 = arith.constant 0 : index
    %get3A_19 = vector.load %arg3[%get3A_17, %get3A_18] : memref<64x64xf32, #tpu.memory_space<vmem>>, vector<16x64xf32>
    %dot_general3A_20 = arith.constant dense<0.000000e+00> : vector<4000x64xf32>
    %dot_general3A_21 = tpu.matmul %slice3A, %get3A_19, %dot_general3A_20 {dimension_numbers = #tpu.dot_dimension_numbers<[1], [0], [0], [1], [0, 0, 1, 1], [], []>, transpose_lhs_hint = false} : vector<4000x16xf32>, vector<16x64xf32>, vector<4000x64xf32> -> vector<4000x64xf32>
    %mul3A_22 = arith.constant 2.500000e-01 : f32
    %mul3A_23 = vector.broadcast %mul3A_22 : f32 to vector<4000x64xf32>
    %mul3A_24 = arith.mulf %dot_general3A_21, %mul3A_23 : vector<4000x64xf32>
    %reduce_max3A = arith.constant dense<0xFF800000> : vector<4000xf32>
    %reduce_max3A_25 = vector.multi_reduction <maximumf>, %mul3A_24, %reduce_max3A [1] : vector<4000x64xf32> to vector<4000xf32>
    %broadcast_in_dim3A_26 = vector.shape_cast %reduce_max3A_25 : vector<4000xf32> to vector<4000x1xf32>
    %sub3A = vector.broadcast %broadcast_in_dim3A_26 : vector<4000x1xf32> to vector<4000x64xf32>
    %sub3A_27 = arith.subf %mul3A_24, %sub3A : vector<4000x64xf32>
    %exp3A = math.exp %sub3A_27 : vector<4000x64xf32>
    %reduce_sum3A = arith.constant dense<0.000000e+00> : vector<4000xf32>
    %reduce_sum3A_28 = vector.multi_reduction <add>, %exp3A, %reduce_sum3A [1] : vector<4000x64xf32> to vector<4000xf32>
    %broadcast_in_dim3A_29 = vector.shape_cast %reduce_sum3A_28 : vector<4000xf32> to vector<4000x1xf32>
    %div3A = vector.broadcast %broadcast_in_dim3A_29 : vector<4000x1xf32> to vector<4000x64xf32>
    %div3A_30 = arith.divf %exp3A, %div3A : vector<4000x64xf32>
    %get3A_31 = arith.constant 0 : index
    %get3A_32 = arith.constant 0 : index
    %get3A_33 = vector.load %arg4[%get3A_31, %get3A_32] : memref<64x64xf32, #tpu.memory_space<vmem>>, vector<64x16xf32>
    %dot_general3A_34 = arith.constant dense<0.000000e+00> : vector<4000x16xf32>
    %dot_general3A_35 = tpu.matmul %div3A_30, %get3A_33, %dot_general3A_34 {dimension_numbers = #tpu.dot_dimension_numbers<[1], [0], [0], [1], [0, 0, 1, 1], [], []>, transpose_lhs_hint = false} : vector<4000x64xf32>, vector<64x16xf32>, vector<4000x16xf32> -> vector<4000x16xf32>
    %slice3A_36 = vector.extract_strided_slice %add3A_16 {offsets = [0, 16], sizes = [4000, 16], strides = [1, 1]} : vector<4000x64xf32> to vector<4000x16xf32>
    %get3A_37 = arith.constant 16 : index
    %get3A_38 = arith.constant 0 : index
    %get3A_39 = vector.load %arg3[%get3A_37, %get3A_38] : memref<64x64xf32, #tpu.memory_space<vmem>>, vector<16x64xf32>
    %dot_general3A_40 = arith.constant dense<0.000000e+00> : vector<4000x64xf32>
    %dot_general3A_41 = tpu.matmul %slice3A_36, %get3A_39, %dot_general3A_40 {dimension_numbers = #tpu.dot_dimension_numbers<[1], [0], [0], [1], [0, 0, 1, 1], [], []>, transpose_lhs_hint = false} : vector<4000x16xf32>, vector<16x64xf32>, vector<4000x64xf32> -> vector<4000x64xf32>
    %mul3A_42 = arith.constant 2.500000e-01 : f32
    %mul3A_43 = vector.broadcast %mul3A_42 : f32 to vector<4000x64xf32>
    %mul3A_44 = arith.mulf %dot_general3A_41, %mul3A_43 : vector<4000x64xf32>
    %reduce_max3A_45 = arith.constant dense<0xFF800000> : vector<4000xf32>
    %reduce_max3A_46 = vector.multi_reduction <maximumf>, %mul3A_44, %reduce_max3A_45 [1] : vector<4000x64xf32> to vector<4000xf32>
    %broadcast_in_dim3A_47 = vector.shape_cast %reduce_max3A_46 : vector<4000xf32> to vector<4000x1xf32>
    %sub3A_48 = vector.broadcast %broadcast_in_dim3A_47 : vector<4000x1xf32> to vector<4000x64xf32>
    %sub3A_49 = arith.subf %mul3A_44, %sub3A_48 : vector<4000x64xf32>
    %exp3A_50 = math.exp %sub3A_49 : vector<4000x64xf32>
    %reduce_sum3A_51 = arith.constant dense<0.000000e+00> : vector<4000xf32>
    %reduce_sum3A_52 = vector.multi_reduction <add>, %exp3A_50, %reduce_sum3A_51 [1] : vector<4000x64xf32> to vector<4000xf32>
    %broadcast_in_dim3A_53 = vector.shape_cast %reduce_sum3A_52 : vector<4000xf32> to vector<4000x1xf32>
    %div3A_54 = vector.broadcast %broadcast_in_dim3A_53 : vector<4000x1xf32> to vector<4000x64xf32>
    %div3A_55 = arith.divf %exp3A_50, %div3A_54 : vector<4000x64xf32>
    %get3A_56 = arith.constant 0 : index
    %get3A_57 = arith.constant 16 : index
    %get3A_58 = vector.load %arg4[%get3A_56, %get3A_57] : memref<64x64xf32, #tpu.memory_space<vmem>>, vector<64x16xf32>
    %dot_general3A_59 = arith.constant dense<0.000000e+00> : vector<4000x16xf32>
    %dot_general3A_60 = tpu.matmul %div3A_55, %get3A_58, %dot_general3A_59 {dimension_numbers = #tpu.dot_dimension_numbers<[1], [0], [0], [1], [0, 0, 1, 1], [], []>, transpose_lhs_hint = false} : vector<4000x64xf32>, vector<64x16xf32>, vector<4000x16xf32> -> vector<4000x16xf32>
    %slice3A_61 = vector.extract_strided_slice %add3A_16 {offsets = [0, 32], sizes = [4000, 16], strides = [1, 1]} : vector<4000x64xf32> to vector<4000x16xf32>
    %get3A_62 = arith.constant 32 : index
    %get3A_63 = arith.constant 0 : index
    %get3A_64 = vector.load %arg3[%get3A_62, %get3A_63] : memref<64x64xf32, #tpu.memory_space<vmem>>, vector<16x64xf32>
    %dot_general3A_65 = arith.constant dense<0.000000e+00> : vector<4000x64xf32>
    %dot_general3A_66 = tpu.matmul %slice3A_61, %get3A_64, %dot_general3A_65 {dimension_numbers = #tpu.dot_dimension_numbers<[1], [0], [0], [1], [0, 0, 1, 1], [], []>, transpose_lhs_hint = false} : vector<4000x16xf32>, vector<16x64xf32>, vector<4000x64xf32> -> vector<4000x64xf32>
    %mul3A_67 = arith.constant 2.500000e-01 : f32
    %mul3A_68 = vector.broadcast %mul3A_67 : f32 to vector<4000x64xf32>
    %mul3A_69 = arith.mulf %dot_general3A_66, %mul3A_68 : vector<4000x64xf32>
    %reduce_max3A_70 = arith.constant dense<0xFF800000> : vector<4000xf32>
    %reduce_max3A_71 = vector.multi_reduction <maximumf>, %mul3A_69, %reduce_max3A_70 [1] : vector<4000x64xf32> to vector<4000xf32>
    %broadcast_in_dim3A_72 = vector.shape_cast %reduce_max3A_71 : vector<4000xf32> to vector<4000x1xf32>
    %sub3A_73 = vector.broadcast %broadcast_in_dim3A_72 : vector<4000x1xf32> to vector<4000x64xf32>
    %sub3A_74 = arith.subf %mul3A_69, %sub3A_73 : vector<4000x64xf32>
    %exp3A_75 = math.exp %sub3A_74 : vector<4000x64xf32>
    %reduce_sum3A_76 = arith.constant dense<0.000000e+00> : vector<4000xf32>
    %reduce_sum3A_77 = vector.multi_reduction <add>, %exp3A_75, %reduce_sum3A_76 [1] : vector<4000x64xf32> to vector<4000xf32>
    %broadcast_in_dim3A_78 = vector.shape_cast %reduce_sum3A_77 : vector<4000xf32> to vector<4000x1xf32>
    %div3A_79 = vector.broadcast %broadcast_in_dim3A_78 : vector<4000x1xf32> to vector<4000x64xf32>
    %div3A_80 = arith.divf %exp3A_75, %div3A_79 : vector<4000x64xf32>
    %get3A_81 = arith.constant 0 : index
    %get3A_82 = arith.constant 32 : index
    %get3A_83 = vector.load %arg4[%get3A_81, %get3A_82] : memref<64x64xf32, #tpu.memory_space<vmem>>, vector<64x16xf32>
    %dot_general3A_84 = arith.constant dense<0.000000e+00> : vector<4000x16xf32>
    %dot_general3A_85 = tpu.matmul %div3A_80, %get3A_83, %dot_general3A_84 {dimension_numbers = #tpu.dot_dimension_numbers<[1], [0], [0], [1], [0, 0, 1, 1], [], []>, transpose_lhs_hint = false} : vector<4000x64xf32>, vector<64x16xf32>, vector<4000x16xf32> -> vector<4000x16xf32>
    %slice3A_86 = vector.extract_strided_slice %add3A_16 {offsets = [0, 48], sizes = [4000, 16], strides = [1, 1]} : vector<4000x64xf32> to vector<4000x16xf32>
    %get3A_87 = arith.constant 48 : index
    %get3A_88 = arith.constant 0 : index
    %get3A_89 = vector.load %arg3[%get3A_87, %get3A_88] : memref<64x64xf32, #tpu.memory_space<vmem>>, vector<16x64xf32>
    %dot_general3A_90 = arith.constant dense<0.000000e+00> : vector<4000x64xf32>
    %dot_general3A_91 = tpu.matmul %slice3A_86, %get3A_89, %dot_general3A_90 {dimension_numbers = #tpu.dot_dimension_numbers<[1], [0], [0], [1], [0, 0, 1, 1], [], []>, transpose_lhs_hint = false} : vector<4000x16xf32>, vector<16x64xf32>, vector<4000x64xf32> -> vector<4000x64xf32>
    %mul3A_92 = arith.constant 2.500000e-01 : f32
    %mul3A_93 = vector.broadcast %mul3A_92 : f32 to vector<4000x64xf32>
    %mul3A_94 = arith.mulf %dot_general3A_91, %mul3A_93 : vector<4000x64xf32>
    %reduce_max3A_95 = arith.constant dense<0xFF800000> : vector<4000xf32>
    %reduce_max3A_96 = vector.multi_reduction <maximumf>, %mul3A_94, %reduce_max3A_95 [1] : vector<4000x64xf32> to vector<4000xf32>
    %broadcast_in_dim3A_97 = vector.shape_cast %reduce_max3A_96 : vector<4000xf32> to vector<4000x1xf32>
    %sub3A_98 = vector.broadcast %broadcast_in_dim3A_97 : vector<4000x1xf32> to vector<4000x64xf32>
    %sub3A_99 = arith.subf %mul3A_94, %sub3A_98 : vector<4000x64xf32>
    %exp3A_100 = math.exp %sub3A_99 : vector<4000x64xf32>
    %reduce_sum3A_101 = arith.constant dense<0.000000e+00> : vector<4000xf32>
    %reduce_sum3A_102 = vector.multi_reduction <add>, %exp3A_100, %reduce_sum3A_101 [1] : vector<4000x64xf32> to vector<4000xf32>
    %broadcast_in_dim3A_103 = vector.shape_cast %reduce_sum3A_102 : vector<4000xf32> to vector<4000x1xf32>
    %div3A_104 = vector.broadcast %broadcast_in_dim3A_103 : vector<4000x1xf32> to vector<4000x64xf32>
    %div3A_105 = arith.divf %exp3A_100, %div3A_104 : vector<4000x64xf32>
    %get3A_106 = arith.constant 0 : index
    %get3A_107 = arith.constant 48 : index
    %get3A_108 = vector.load %arg4[%get3A_106, %get3A_107] : memref<64x64xf32, #tpu.memory_space<vmem>>, vector<64x16xf32>
    %dot_general3A_109 = arith.constant dense<0.000000e+00> : vector<4000x16xf32>
    %dot_general3A_110 = tpu.matmul %div3A_105, %get3A_108, %dot_general3A_109 {dimension_numbers = #tpu.dot_dimension_numbers<[1], [0], [0], [1], [0, 0, 1, 1], [], []>, transpose_lhs_hint = false} : vector<4000x64xf32>, vector<64x16xf32>, vector<4000x16xf32> -> vector<4000x16xf32>
    %concatenate3A = tpu.concatenate %dot_general3A_35, %dot_general3A_60, %dot_general3A_85, %dot_general3A_110 in 1 : vector<4000x16xf32>, vector<4000x16xf32>, vector<4000x16xf32>, vector<4000x16xf32> -> vector<4000x64xf32>
    %get3A_111 = arith.constant 0 : index
    %get3A_112 = arith.constant 0 : index
    %get3A_113 = vector.load %arg7[%get3A_111, %get3A_112] : memref<64x64xf32, #tpu.memory_space<vmem>>, vector<64x64xf32>
    %dot_general3A_114 = arith.constant dense<0.000000e+00> : vector<4000x64xf32>
    %dot_general3A_115 = tpu.matmul %concatenate3A, %get3A_113, %dot_general3A_114 {dimension_numbers = #tpu.dot_dimension_numbers<[1], [0], [0], [1], [0, 0, 1, 1], [], []>, transpose_lhs_hint = false} : vector<4000x64xf32>, vector<64x64xf32>, vector<4000x64xf32> -> vector<4000x64xf32>
    %get3A_116 = arith.constant 1 : index
    %get3A_117 = arith.constant 0 : index
    %get3A_118 = vector.load %arg6[%get3A_116, %get3A_117] : memref<8x64xf32, #tpu.memory_space<vmem>>, vector<1x64xf32>
    %get3A_119 = vector.shape_cast %get3A_118 : vector<1x64xf32> to vector<64xf32>
    %broadcast_in_dim3A_120 = vector.shape_cast %get3A_119 : vector<64xf32> to vector<1x64xf32>
    %add3A_121 = vector.broadcast %broadcast_in_dim3A_120 : vector<1x64xf32> to vector<4000x64xf32>
    %add3A_122 = arith.addf %dot_general3A_115, %add3A_121 : vector<4000x64xf32>
    %swap3A = arith.constant 0 : index
    %swap3A_123 = arith.constant 0 : index
    %swap3A_124 = vector.load %arg8[%swap3A, %swap3A_123] : memref<4000x64xf32, #tpu.memory_space<vmem>>, vector<4000x64xf32>
    tpu.vector_store %arg8[%swap3A, %swap3A_123], %add3A_122 {strides = array<i32>} : memref<4000x64xf32, #tpu.memory_space<vmem>>, vector<4000x64xf32>,
    %sub3A_125 = arith.subf %get3A_4, %get3A_1 : vector<4000x8xf32>
    %swap3A_126 = arith.constant 0 : index
    %swap3A_127 = arith.constant 0 : index
    %swap3A_128 = vector.load %arg9[%swap3A_126, %swap3A_127] : memref<4000x8xf32, #tpu.memory_space<vmem>>, vector<4000x8xf32>
    tpu.vector_store %arg9[%swap3A_126, %swap3A_127], %sub3A_125 {strides = array<i32>} : memref<4000x8xf32, #tpu.memory_space<vmem>>, vector<4000x8xf32>,
    %slice3A_129 = vector.extract_strided_slice %sub3A_125 {offsets = [0, 0], sizes = [4000, 3], strides = [1, 1]} : vector<4000x8xf32> to vector<4000x3xf32>
    %broadcast_in_dim3A_130 = arith.constant 0.000000e+00 : f32
    %broadcast_in_dim3A_131 = vector.broadcast %broadcast_in_dim3A_130 : f32 to vector<4000x61xf32>
    %concatenate3A_132 = tpu.concatenate %slice3A_129, %add3A_122, %broadcast_in_dim3A_131 in 1 : vector<4000x3xf32>, vector<4000x64xf32>, vector<4000x61xf32> -> vector<4000x128xf32>
    %reduce_sum3A_133 = arith.constant dense<0.000000e+00> : vector<128xf32>
    %reduce_sum3A_134 = vector.multi_reduction <add>, %concatenate3A_132, %reduce_sum3A_133 [0] : vector<4000x128xf32> to vector<128xf32>
    %broadcast_in_dim3A_135 = vector.shape_cast %reduce_sum3A_134 : vector<128xf32> to vector<1x128xf32>
    %div3A_136 = arith.constant 4.000000e+03 : f32
    %div3A_137 = vector.broadcast %div3A_136 : f32 to vector<1x128xf32>
    %div3A_138 = arith.divf %broadcast_in_dim3A_135, %div3A_137 : vector<1x128xf32>
    %sub3A_139 = vector.broadcast %div3A_138 : vector<1x128xf32> to vector<4000x128xf32>
    %sub3A_140 = arith.subf %concatenate3A_132, %sub3A_139 : vector<4000x128xf32>
    %dot_general3A_141 = arith.constant dense<0.000000e+00> : vector<128x128xf32>
    %dot_general3A_142 = tpu.matmul %sub3A_140, %sub3A_140, %dot_general3A_141 {dimension_numbers = #tpu.dot_dimension_numbers<[0], [0], [1], [1], [0, 1, 1, 1], [], []>, transpose_lhs_hint = false} : vector<4000x128xf32>, vector<4000x128xf32>, vector<128x128xf32> -> vector<128x128xf32>
    %dot_general3A_143 = arith.constant dense<0.000000e+00> : vector<128x128xf32>
    %dot_general3A_144 = tpu.matmul %div3A_138, %div3A_138, %dot_general3A_143 {dimension_numbers = #tpu.dot_dimension_numbers<[0], [0], [1], [1], [0, 1, 1, 1], [], []>, transpose_lhs_hint = false} : vector<1x128xf32>, vector<1x128xf32>, vector<128x128xf32> -> vector<128x128xf32>
    %mul3A_145 = arith.constant 4.000000e+03 : f32
    %mul3A_146 = vector.broadcast %mul3A_145 : f32 to vector<128x128xf32>
    %mul3A_147 = arith.mulf %mul3A_146, %dot_general3A_144 : vector<128x128xf32>
    %add3A_148 = arith.addf %dot_general3A_142, %mul3A_147 : vector<128x128xf32>
    %eq3A = arith.constant 0 : i32
    %eq3A_149 = arith.cmpi eq, %arg0, %eq3A : i32
    %convert_element_type3A = arith.extui %eq3A_149 : i1 to i32
    %cond3A = arith.constant 0 : i32
    %cond3A_150 = arith.cmpi ne, %convert_element_type3A, %cond3A : i32
    scf.if %cond3A_150 {
      %broadcast_in_dim3A_170 = arith.constant 0.000000e+00 : f32
      %broadcast_in_dim3A_171 = vector.broadcast %broadcast_in_dim3A_170 : f32 to vector<8x128xf32>
      %swap3A_172 = arith.constant 0 : index
      %swap3A_173 = arith.constant 0 : index
      %swap3A_174 = vector.load %arg10[%swap3A_172, %swap3A_173] : memref<8x128xf32, #tpu.memory_space<vmem>>, vector<8x128xf32>
      tpu.vector_store %arg10[%swap3A_172, %swap3A_173], %broadcast_in_dim3A_171 {strides = array<i32>} : memref<8x128xf32, #tpu.memory_space<vmem>>, vector<8x128xf32>,
      %broadcast_in_dim3A_175 = arith.constant 0.000000e+00 : f32
      %broadcast_in_dim3A_176 = vector.broadcast %broadcast_in_dim3A_175 : f32 to vector<128x128xf32>
      %swap3A_177 = arith.constant 0 : index
      %swap3A_178 = arith.constant 0 : index
      %swap3A_179 = vector.load %arg11[%swap3A_177, %swap3A_178] : memref<128x128xf32, #tpu.memory_space<vmem>>, vector<128x128xf32>
      tpu.vector_store %arg11[%swap3A_177, %swap3A_178], %broadcast_in_dim3A_176 {strides = array<i32>} : memref<128x128xf32, #tpu.memory_space<vmem>>, vector<128x128xf32>,
    } else {
    }
    %get3A_151 = arith.constant 0 : index
    %get3A_152 = arith.constant 0 : index
    %get3A_153 = vector.load %arg10[%get3A_151, %get3A_152] : memref<8x128xf32, #tpu.memory_space<vmem>>, vector<8x128xf32>
    %mul3A_154 = arith.constant 4.000000e+03 : f32
    %mul3A_155 = vector.broadcast %mul3A_154 : f32 to vector<1x128xf32>
    %mul3A_156 = arith.mulf %div3A_138, %mul3A_155 : vector<1x128xf32>
    %broadcast_in_dim3A_157 = vector.shape_cast %mul3A_156 : vector<1x128xf32> to vector<1x128xf32>
    %broadcast_in_dim3A_158 = vector.broadcast %broadcast_in_dim3A_157 : vector<1x128xf32> to vector<8x128xf32>
    %add3A_159 = arith.addf %get3A_153, %broadcast_in_dim3A_158 : vector<8x128xf32>
    %swap3A_160 = arith.constant 0 : index
    %swap3A_161 = arith.constant 0 : index
    %swap3A_162 = vector.load %arg10[%swap3A_160, %swap3A_161] : memref<8x128xf32, #tpu.memory_space<vmem>>, vector<8x128xf32>
    tpu.vector_store %arg10[%swap3A_160, %swap3A_161], %add3A_159 {strides = array<i32>} : memref<8x128xf32, #tpu.memory_space<vmem>>, vector<8x128xf32>,
    %get3A_163 = arith.constant 0 : index
    %get3A_164 = arith.constant 0 : index
    %get3A_165 = vector.load %arg11[%get3A_163, %get3A_164] : memref<128x128xf32, #tpu.memory_space<vmem>>, vector<128x128xf32>
    %add3A_166 = arith.addf %get3A_165, %add3A_148 : vector<128x128xf32>
    %swap3A_167 = arith.constant 0 : index
    %swap3A_168 = arith.constant 0 : index
    %swap3A_169 = vector.load %arg11[%swap3A_167, %swap3A_168] : memref<128x128xf32, #tpu.memory_space<vmem>>, vector<128x128xf32>
    tpu.vector_store %arg11[%swap3A_167, %swap3A_168], %add3A_166 {strides = array<i32>} : memref<128x128xf32, #tpu.memory_space<vmem>>, vector<128x128xf32>,
    return
  }
  func.func @transform_0(%arg0: i32) -> (i32, i32) {
    %c0_i32 = arith.constant 0 : i32
    %c0_i32_0 = arith.constant 0 : i32
    return %arg0, %c0_i32 : i32, i32
  }
  func.func @transform_1(%arg0: i32) -> (i32, i32) {
    %c0_i32 = arith.constant 0 : i32
    %c0_i32_0 = arith.constant 0 : i32
    return %arg0, %c0_i32 : i32, i32
  }
  func.func @transform_2(%arg0: i32) -> (i32, i32) {
    %c0_i32 = arith.constant 0 : i32
    %c0_i32_0 = arith.constant 0 : i32
    %c0_i32_1 = arith.constant 0 : i32
    return %c0_i32, %c0_i32_0 : i32, i32
  }
  func.func @transform_3(%arg0: i32) -> (i32, i32) {
    %c0_i32 = arith.constant 0 : i32
    %c0_i32_0 = arith.constant 0 : i32
    %c0_i32_1 = arith.constant 0 : i32
    return %c0_i32, %c0_i32_0 : i32, i32
  }
  func.func @transform_4(%arg0: i32) -> (i32, i32) {
    %c0_i32 = arith.constant 0 : i32
    %c0_i32_0 = arith.constant 0 : i32
    %c0_i32_1 = arith.constant 0 : i32
    return %c0_i32, %c0_i32_0 : i32, i32
  }
  func.func @transform_5(%arg0: i32) -> (i32, i32) {
    %c0_i32 = arith.constant 0 : i32
    %c0_i32_0 = arith.constant 0 : i32
    %c0_i32_1 = arith.constant 0 : i32
    return %c0_i32, %c0_i32_0 : i32, i32
  }
  func.func @transform_6(%arg0: i32) -> (i32, i32) {
    %c0_i32 = arith.constant 0 : i32
    %c0_i32_0 = arith.constant 0 : i32
    %c0_i32_1 = arith.constant 0 : i32
    return %c0_i32, %c0_i32_0 : i32, i32
  }
  func.func @transform_7(%arg0: i32) -> (i32, i32) {
    %c0_i32 = arith.constant 0 : i32
    %c0_i32_0 = arith.constant 0 : i32
    return %arg0, %c0_i32 : i32, i32
  }
  func.func @transform_8(%arg0: i32) -> (i32, i32) {
    %c0_i32 = arith.constant 0 : i32
    %c0_i32_0 = arith.constant 0 : i32
    return %arg0, %c0_i32 : i32, i32
  }
  func.func @transform_9(%arg0: i32) -> (i32, i32) {
    %c0_i32 = arith.constant 0 : i32
    %c0_i32_0 = arith.constant 0 : i32
    %c0_i32_1 = arith.constant 0 : i32
    return %c0_i32, %c0_i32_0 : i32, i32
  }
  func.func @transform_10(%arg0: i32) -> (i32, i32) {
    %c0_i32 = arith.constant 0 : i32
    %c0_i32_0 = arith.constant 0 : i32
    %c0_i32_1 = arith.constant 0 : i32
    return %c0_i32, %c0_i32_0 : i32, i32
  }
}

module attributes {stable_mosaic.version = 14 : i64} {
  func.func @_fold_body(%arg0: i32, %arg1: memref<8x128xf32, #tpu.memory_space<vmem>>, %arg2: memref<128x128xf32, #tpu.memory_space<vmem>>, %arg3: memref<3x256x128xf32, #tpu.memory_space<vmem>>, %arg4: memref<256x3xf32, #tpu.memory_space<vmem>>, %arg5: memref<256x3xf32, #tpu.memory_space<vmem>>, %arg6: memref<256x256xf32, #tpu.memory_space<vmem>>, %arg7: memref<3x256x128xf32, #tpu.memory_space<vmem>>, %arg8: memref<3x8x256xf32, #tpu.memory_space<vmem>>) attributes {dimension_semantics = [#tpu.dimension_semantics<arbitrary>], iteration_bounds = array<i64: 1>, scalar_prefetch = 0 : i64, scratch_operands = 0 : i64, tpu.core_type = #tpu.core_type<tc>, window_params = [{pipeline_mode = #tpu.pipeline_mode<synchronous>, transform_indices = @transform_0, window_bounds = array<i64: 8, 128>}, {pipeline_mode = #tpu.pipeline_mode<synchronous>, transform_indices = @transform_1, window_bounds = array<i64: 128, 128>}, {pipeline_mode = #tpu.pipeline_mode<synchronous>, transform_indices = @transform_2, window_bounds = array<i64: 3, 256, 128>}, {pipeline_mode = #tpu.pipeline_mode<synchronous>, transform_indices = @transform_3, window_bounds = array<i64: 256, 3>}, {pipeline_mode = #tpu.pipeline_mode<synchronous>, transform_indices = @transform_4, window_bounds = array<i64: 256, 3>}, {pipeline_mode = #tpu.pipeline_mode<synchronous>, transform_indices = @transform_5, window_bounds = array<i64: 256, 256>}, {pipeline_mode = #tpu.pipeline_mode<synchronous>, transform_indices = @transform_6, window_bounds = array<i64: 3, 256, 128>}, {pipeline_mode = #tpu.pipeline_mode<synchronous>, transform_indices = @transform_7, window_bounds = array<i64: 3, 8, 256>}]} {
    %get3A = arith.constant 0 : index
    %get3A_0 = arith.constant 0 : index
    %get3A_1 = vector.load %arg1[%get3A, %get3A_0] : memref<8x128xf32, #tpu.memory_space<vmem>>, vector<1x128xf32>
    %get3A_2 = vector.shape_cast %get3A_1 : vector<1x128xf32> to vector<128xf32>
    %broadcast_in_dim3A = vector.shape_cast %get3A_2 : vector<128xf32> to vector<1x128xf32>
    %div3A = arith.constant 1.600000e+05 : f32
    %div3A_3 = vector.broadcast %div3A : f32 to vector<1x128xf32>
    %div3A_4 = arith.divf %broadcast_in_dim3A, %div3A_3 : vector<1x128xf32>
    %get3A_5 = arith.constant 0 : index
    %get3A_6 = arith.constant 0 : index
    %get3A_7 = vector.load %arg2[%get3A_5, %get3A_6] : memref<128x128xf32, #tpu.memory_space<vmem>>, vector<128x128xf32>
    %div3A_8 = arith.constant 1.600000e+05 : f32
    %div3A_9 = vector.broadcast %div3A_8 : f32 to vector<128x128xf32>
    %div3A_10 = arith.divf %get3A_7, %div3A_9 : vector<128x128xf32>
    %dot_general3A = arith.constant dense<0.000000e+00> : vector<128x128xf32>
    %dot_general3A_11 = tpu.matmul %div3A_4, %div3A_4, %dot_general3A {dimension_numbers = #tpu.dot_dimension_numbers<[0], [0], [1], [1], [0, 1, 1, 1], [], []>, transpose_lhs_hint = false} : vector<1x128xf32>, vector<1x128xf32>, vector<128x128xf32> -> vector<128x128xf32>
    %sub3A = arith.subf %div3A_10, %dot_general3A_11 : vector<128x128xf32>
    %get3A_12 = arith.constant 0 : index
    %get3A_13 = arith.constant 0 : index
    %get3A_14 = vector.load %arg6[%get3A_12, %get3A_13] : memref<256x256xf32, #tpu.memory_space<vmem>>, vector<256x256xf32>
    %get3A_15 = arith.constant 0 : index
    %get3A_16 = arith.constant 0 : index
    %get3A_17 = arith.constant 0 : index
    %get3A_18 = vector.load %arg3[%get3A_15, %get3A_16, %get3A_17] : memref<3x256x128xf32, #tpu.memory_space<vmem>>, vector<1x256x128xf32>
    %get3A_19 = vector.shape_cast %get3A_18 : vector<1x256x128xf32> to vector<256x128xf32>
    %dot_general3A_20 = arith.constant dense<0.000000e+00> : vector<256x128xf32>
    %dot_general3A_21 = tpu.matmul %get3A_19, %sub3A, %dot_general3A_20 {dimension_numbers = #tpu.dot_dimension_numbers<[1], [0], [0], [1], [0, 0, 1, 1], [], []>, transpose_lhs_hint = false} : vector<256x128xf32>, vector<128x128xf32>, vector<256x128xf32> -> vector<256x128xf32>
    %mul3A = arith.mulf %dot_general3A_21, %get3A_19 : vector<256x128xf32>
    %reduce_sum3A = arith.constant dense<0.000000e+00> : vector<256xf32>
    %reduce_sum3A_22 = vector.multi_reduction <add>, %mul3A, %reduce_sum3A [1] : vector<256x128xf32> to vector<256xf32>
    %broadcast_in_dim3A_23 = vector.shape_cast %reduce_sum3A_22 : vector<256xf32> to vector<256x1xf32>
    %dot_general3A_24 = arith.constant dense<0.000000e+00> : vector<256x1xf32>
    %dot_general3A_25 = tpu.matmul %get3A_19, %div3A_4, %dot_general3A_24 {dimension_numbers = #tpu.dot_dimension_numbers<[1], [1], [0], [0], [0, 0, 1, 0], [], []>, transpose_lhs_hint = false} : vector<256x128xf32>, vector<1x128xf32>, vector<256x1xf32> -> vector<256x1xf32>
    %get3A_26 = arith.constant 0 : index
    %get3A_27 = arith.constant 0 : index
    %get3A_28 = vector.load %arg4[%get3A_26, %get3A_27] : memref<256x3xf32, #tpu.memory_space<vmem>>, vector<256x1xf32>
    %add3A = arith.constant 9.99999974E-6 : f32
    %add3A_29 = vector.broadcast %add3A : f32 to vector<256x1xf32>
    %add3A_30 = arith.addf %broadcast_in_dim3A_23, %add3A_29 : vector<256x1xf32>
    %sqrt3A = math.sqrt %add3A_30 : vector<256x1xf32>
    %div3A_31 = arith.divf %get3A_28, %sqrt3A : vector<256x1xf32>
    %mul3A_32 = vector.broadcast %div3A_31 : vector<256x1xf32> to vector<256x128xf32>
    %mul3A_33 = arith.mulf %get3A_19, %mul3A_32 : vector<256x128xf32>
    %get3A_34 = arith.constant 0 : index
    %get3A_35 = arith.constant 0 : index
    %get3A_36 = vector.load %arg5[%get3A_34, %get3A_35] : memref<256x3xf32, #tpu.memory_space<vmem>>, vector<256x1xf32>
    %mul3A_37 = arith.mulf %dot_general3A_25, %div3A_31 : vector<256x1xf32>
    %sub3A_38 = arith.subf %get3A_36, %mul3A_37 : vector<256x1xf32>
    %dot_general3A_39 = arith.constant dense<0.000000e+00> : vector<256x128xf32>
    %dot_general3A_40 = tpu.matmul %get3A_14, %mul3A_33, %dot_general3A_39 {dimension_numbers = #tpu.dot_dimension_numbers<[1], [0], [0], [1], [0, 0, 1, 1], [], []>, transpose_lhs_hint = false} : vector<256x256xf32>, vector<256x128xf32>, vector<256x128xf32> -> vector<256x128xf32>
    %dot_general3A_41 = arith.constant dense<0.000000e+00> : vector<1x256xf32>
    %dot_general3A_42 = tpu.matmul %sub3A_38, %get3A_14, %dot_general3A_41 {dimension_numbers = #tpu.dot_dimension_numbers<[0], [1], [1], [0], [0, 1, 1, 0], [], []>, transpose_lhs_hint = false} : vector<256x1xf32>, vector<256x256xf32>, vector<1x256xf32> -> vector<1x256xf32>
    %swap3A = arith.constant 0 : index
    %swap3A_43 = arith.constant 0 : index
    %swap3A_44 = arith.constant 0 : index
    %swap3A_45 = vector.load %arg7[%swap3A, %swap3A_43, %swap3A_44] : memref<3x256x128xf32, #tpu.memory_space<vmem>>, vector<1x256x128xf32>
    %swap3A_46 = vector.shape_cast %swap3A_45 : vector<1x256x128xf32> to vector<256x128xf32>
    %swap3A_47 = vector.shape_cast %dot_general3A_40 : vector<256x128xf32> to vector<1x256x128xf32>
    tpu.vector_store %arg7[%swap3A, %swap3A_43, %swap3A_44], %swap3A_47 {strides = array<i32>} : memref<3x256x128xf32, #tpu.memory_space<vmem>>, vector<1x256x128xf32>,
    %broadcast_in_dim3A_48 = vector.shape_cast %dot_general3A_42 : vector<1x256xf32> to vector<1x256xf32>
    %broadcast_in_dim3A_49 = vector.broadcast %broadcast_in_dim3A_48 : vector<1x256xf32> to vector<8x256xf32>
    %swap3A_50 = arith.constant 0 : index
    %swap3A_51 = arith.constant 0 : index
    %swap3A_52 = arith.constant 0 : index
    %swap3A_53 = vector.load %arg8[%swap3A_50, %swap3A_51, %swap3A_52] : memref<3x8x256xf32, #tpu.memory_space<vmem>>, vector<1x8x256xf32>
    %swap3A_54 = vector.shape_cast %swap3A_53 : vector<1x8x256xf32> to vector<8x256xf32>
    %swap3A_55 = vector.shape_cast %broadcast_in_dim3A_49 : vector<8x256xf32> to vector<1x8x256xf32>
    tpu.vector_store %arg8[%swap3A_50, %swap3A_51, %swap3A_52], %swap3A_55 {strides = array<i32>} : memref<3x8x256xf32, #tpu.memory_space<vmem>>, vector<1x8x256xf32>,
    %get3A_56 = arith.constant 1 : index
    %get3A_57 = arith.constant 0 : index
    %get3A_58 = arith.constant 0 : index
    %get3A_59 = vector.load %arg3[%get3A_56, %get3A_57, %get3A_58] : memref<3x256x128xf32, #tpu.memory_space<vmem>>, vector<1x256x128xf32>
    %get3A_60 = vector.shape_cast %get3A_59 : vector<1x256x128xf32> to vector<256x128xf32>
    %dot_general3A_61 = arith.constant dense<0.000000e+00> : vector<256x128xf32>
    %dot_general3A_62 = tpu.matmul %get3A_60, %sub3A, %dot_general3A_61 {dimension_numbers = #tpu.dot_dimension_numbers<[1], [0], [0], [1], [0, 0, 1, 1], [], []>, transpose_lhs_hint = false} : vector<256x128xf32>, vector<128x128xf32>, vector<256x128xf32> -> vector<256x128xf32>
    %mul3A_63 = arith.mulf %dot_general3A_62, %get3A_60 : vector<256x128xf32>
    %reduce_sum3A_64 = arith.constant dense<0.000000e+00> : vector<256xf32>
    %reduce_sum3A_65 = vector.multi_reduction <add>, %mul3A_63, %reduce_sum3A_64 [1] : vector<256x128xf32> to vector<256xf32>
    %broadcast_in_dim3A_66 = vector.shape_cast %reduce_sum3A_65 : vector<256xf32> to vector<256x1xf32>
    %dot_general3A_67 = arith.constant dense<0.000000e+00> : vector<256x1xf32>
    %dot_general3A_68 = tpu.matmul %get3A_60, %div3A_4, %dot_general3A_67 {dimension_numbers = #tpu.dot_dimension_numbers<[1], [1], [0], [0], [0, 0, 1, 0], [], []>, transpose_lhs_hint = false} : vector<256x128xf32>, vector<1x128xf32>, vector<256x1xf32> -> vector<256x1xf32>
    %get3A_69 = arith.constant 0 : index
    %get3A_70 = arith.constant 1 : index
    %get3A_71 = vector.load %arg4[%get3A_69, %get3A_70] : memref<256x3xf32, #tpu.memory_space<vmem>>, vector<256x1xf32>
    %add3A_72 = arith.constant 9.99999974E-6 : f32
    %add3A_73 = vector.broadcast %add3A_72 : f32 to vector<256x1xf32>
    %add3A_74 = arith.addf %broadcast_in_dim3A_66, %add3A_73 : vector<256x1xf32>
    %sqrt3A_75 = math.sqrt %add3A_74 : vector<256x1xf32>
    %div3A_76 = arith.divf %get3A_71, %sqrt3A_75 : vector<256x1xf32>
    %mul3A_77 = vector.broadcast %div3A_76 : vector<256x1xf32> to vector<256x128xf32>
    %mul3A_78 = arith.mulf %get3A_60, %mul3A_77 : vector<256x128xf32>
    %get3A_79 = arith.constant 0 : index
    %get3A_80 = arith.constant 1 : index
    %get3A_81 = vector.load %arg5[%get3A_79, %get3A_80] : memref<256x3xf32, #tpu.memory_space<vmem>>, vector<256x1xf32>
    %mul3A_82 = arith.mulf %dot_general3A_68, %div3A_76 : vector<256x1xf32>
    %sub3A_83 = arith.subf %get3A_81, %mul3A_82 : vector<256x1xf32>
    %dot_general3A_84 = arith.constant dense<0.000000e+00> : vector<256x128xf32>
    %dot_general3A_85 = tpu.matmul %get3A_14, %mul3A_78, %dot_general3A_84 {dimension_numbers = #tpu.dot_dimension_numbers<[1], [0], [0], [1], [0, 0, 1, 1], [], []>, transpose_lhs_hint = false} : vector<256x256xf32>, vector<256x128xf32>, vector<256x128xf32> -> vector<256x128xf32>
    %dot_general3A_86 = arith.constant dense<0.000000e+00> : vector<1x256xf32>
    %dot_general3A_87 = tpu.matmul %sub3A_83, %get3A_14, %dot_general3A_86 {dimension_numbers = #tpu.dot_dimension_numbers<[0], [1], [1], [0], [0, 1, 1, 0], [], []>, transpose_lhs_hint = false} : vector<256x1xf32>, vector<256x256xf32>, vector<1x256xf32> -> vector<1x256xf32>
    %swap3A_88 = arith.constant 1 : index
    %swap3A_89 = arith.constant 0 : index
    %swap3A_90 = arith.constant 0 : index
    %swap3A_91 = vector.load %arg7[%swap3A_88, %swap3A_89, %swap3A_90] : memref<3x256x128xf32, #tpu.memory_space<vmem>>, vector<1x256x128xf32>
    %swap3A_92 = vector.shape_cast %swap3A_91 : vector<1x256x128xf32> to vector<256x128xf32>
    %swap3A_93 = vector.shape_cast %dot_general3A_85 : vector<256x128xf32> to vector<1x256x128xf32>
    tpu.vector_store %arg7[%swap3A_88, %swap3A_89, %swap3A_90], %swap3A_93 {strides = array<i32>} : memref<3x256x128xf32, #tpu.memory_space<vmem>>, vector<1x256x128xf32>,
    %broadcast_in_dim3A_94 = vector.shape_cast %dot_general3A_87 : vector<1x256xf32> to vector<1x256xf32>
    %broadcast_in_dim3A_95 = vector.broadcast %broadcast_in_dim3A_94 : vector<1x256xf32> to vector<8x256xf32>
    %swap3A_96 = arith.constant 1 : index
    %swap3A_97 = arith.constant 0 : index
    %swap3A_98 = arith.constant 0 : index
    %swap3A_99 = vector.load %arg8[%swap3A_96, %swap3A_97, %swap3A_98] : memref<3x8x256xf32, #tpu.memory_space<vmem>>, vector<1x8x256xf32>
    %swap3A_100 = vector.shape_cast %swap3A_99 : vector<1x8x256xf32> to vector<8x256xf32>
    %swap3A_101 = vector.shape_cast %broadcast_in_dim3A_95 : vector<8x256xf32> to vector<1x8x256xf32>
    tpu.vector_store %arg8[%swap3A_96, %swap3A_97, %swap3A_98], %swap3A_101 {strides = array<i32>} : memref<3x8x256xf32, #tpu.memory_space<vmem>>, vector<1x8x256xf32>,
    %get3A_102 = arith.constant 2 : index
    %get3A_103 = arith.constant 0 : index
    %get3A_104 = arith.constant 0 : index
    %get3A_105 = vector.load %arg3[%get3A_102, %get3A_103, %get3A_104] : memref<3x256x128xf32, #tpu.memory_space<vmem>>, vector<1x256x128xf32>
    %get3A_106 = vector.shape_cast %get3A_105 : vector<1x256x128xf32> to vector<256x128xf32>
    %dot_general3A_107 = arith.constant dense<0.000000e+00> : vector<256x128xf32>
    %dot_general3A_108 = tpu.matmul %get3A_106, %sub3A, %dot_general3A_107 {dimension_numbers = #tpu.dot_dimension_numbers<[1], [0], [0], [1], [0, 0, 1, 1], [], []>, transpose_lhs_hint = false} : vector<256x128xf32>, vector<128x128xf32>, vector<256x128xf32> -> vector<256x128xf32>
    %mul3A_109 = arith.mulf %dot_general3A_108, %get3A_106 : vector<256x128xf32>
    %reduce_sum3A_110 = arith.constant dense<0.000000e+00> : vector<256xf32>
    %reduce_sum3A_111 = vector.multi_reduction <add>, %mul3A_109, %reduce_sum3A_110 [1] : vector<256x128xf32> to vector<256xf32>
    %broadcast_in_dim3A_112 = vector.shape_cast %reduce_sum3A_111 : vector<256xf32> to vector<256x1xf32>
    %dot_general3A_113 = arith.constant dense<0.000000e+00> : vector<256x1xf32>
    %dot_general3A_114 = tpu.matmul %get3A_106, %div3A_4, %dot_general3A_113 {dimension_numbers = #tpu.dot_dimension_numbers<[1], [1], [0], [0], [0, 0, 1, 0], [], []>, transpose_lhs_hint = false} : vector<256x128xf32>, vector<1x128xf32>, vector<256x1xf32> -> vector<256x1xf32>
    %get3A_115 = arith.constant 0 : index
    %get3A_116 = arith.constant 2 : index
    %get3A_117 = vector.load %arg4[%get3A_115, %get3A_116] : memref<256x3xf32, #tpu.memory_space<vmem>>, vector<256x1xf32>
    %add3A_118 = arith.constant 9.99999974E-6 : f32
    %add3A_119 = vector.broadcast %add3A_118 : f32 to vector<256x1xf32>
    %add3A_120 = arith.addf %broadcast_in_dim3A_112, %add3A_119 : vector<256x1xf32>
    %sqrt3A_121 = math.sqrt %add3A_120 : vector<256x1xf32>
    %div3A_122 = arith.divf %get3A_117, %sqrt3A_121 : vector<256x1xf32>
    %mul3A_123 = vector.broadcast %div3A_122 : vector<256x1xf32> to vector<256x128xf32>
    %mul3A_124 = arith.mulf %get3A_106, %mul3A_123 : vector<256x128xf32>
    %get3A_125 = arith.constant 0 : index
    %get3A_126 = arith.constant 2 : index
    %get3A_127 = vector.load %arg5[%get3A_125, %get3A_126] : memref<256x3xf32, #tpu.memory_space<vmem>>, vector<256x1xf32>
    %mul3A_128 = arith.mulf %dot_general3A_114, %div3A_122 : vector<256x1xf32>
    %sub3A_129 = arith.subf %get3A_127, %mul3A_128 : vector<256x1xf32>
    %dot_general3A_130 = arith.constant dense<0.000000e+00> : vector<256x128xf32>
    %dot_general3A_131 = tpu.matmul %get3A_14, %mul3A_124, %dot_general3A_130 {dimension_numbers = #tpu.dot_dimension_numbers<[1], [0], [0], [1], [0, 0, 1, 1], [], []>, transpose_lhs_hint = false} : vector<256x256xf32>, vector<256x128xf32>, vector<256x128xf32> -> vector<256x128xf32>
    %dot_general3A_132 = arith.constant dense<0.000000e+00> : vector<1x256xf32>
    %dot_general3A_133 = tpu.matmul %sub3A_129, %get3A_14, %dot_general3A_132 {dimension_numbers = #tpu.dot_dimension_numbers<[0], [1], [1], [0], [0, 1, 1, 0], [], []>, transpose_lhs_hint = false} : vector<256x1xf32>, vector<256x256xf32>, vector<1x256xf32> -> vector<1x256xf32>
    %swap3A_134 = arith.constant 2 : index
    %swap3A_135 = arith.constant 0 : index
    %swap3A_136 = arith.constant 0 : index
    %swap3A_137 = vector.load %arg7[%swap3A_134, %swap3A_135, %swap3A_136] : memref<3x256x128xf32, #tpu.memory_space<vmem>>, vector<1x256x128xf32>
    %swap3A_138 = vector.shape_cast %swap3A_137 : vector<1x256x128xf32> to vector<256x128xf32>
    %swap3A_139 = vector.shape_cast %dot_general3A_131 : vector<256x128xf32> to vector<1x256x128xf32>
    tpu.vector_store %arg7[%swap3A_134, %swap3A_135, %swap3A_136], %swap3A_139 {strides = array<i32>} : memref<3x256x128xf32, #tpu.memory_space<vmem>>, vector<1x256x128xf32>,
    %broadcast_in_dim3A_140 = vector.shape_cast %dot_general3A_133 : vector<1x256xf32> to vector<1x256xf32>
    %broadcast_in_dim3A_141 = vector.broadcast %broadcast_in_dim3A_140 : vector<1x256xf32> to vector<8x256xf32>
    %swap3A_142 = arith.constant 2 : index
    %swap3A_143 = arith.constant 0 : index
    %swap3A_144 = arith.constant 0 : index
    %swap3A_145 = vector.load %arg8[%swap3A_142, %swap3A_143, %swap3A_144] : memref<3x8x256xf32, #tpu.memory_space<vmem>>, vector<1x8x256xf32>
    %swap3A_146 = vector.shape_cast %swap3A_145 : vector<1x8x256xf32> to vector<8x256xf32>
    %swap3A_147 = vector.shape_cast %broadcast_in_dim3A_141 : vector<8x256xf32> to vector<1x8x256xf32>
    tpu.vector_store %arg8[%swap3A_142, %swap3A_143, %swap3A_144], %swap3A_147 {strides = array<i32>} : memref<3x8x256xf32, #tpu.memory_space<vmem>>, vector<1x8x256xf32>,
    return
  }
  func.func @transform_0(%arg0: i32) -> (i32, i32) {
    %c0_i32 = arith.constant 0 : i32
    %c0_i32_0 = arith.constant 0 : i32
    %c0_i32_1 = arith.constant 0 : i32
    return %c0_i32, %c0_i32_0 : i32, i32
  }
  func.func @transform_1(%arg0: i32) -> (i32, i32) {
    %c0_i32 = arith.constant 0 : i32
    %c0_i32_0 = arith.constant 0 : i32
    %c0_i32_1 = arith.constant 0 : i32
    return %c0_i32, %c0_i32_0 : i32, i32
  }
  func.func @transform_2(%arg0: i32) -> (i32, i32, i32) {
    %c0_i32 = arith.constant 0 : i32
    %c0_i32_0 = arith.constant 0 : i32
    %c0_i32_1 = arith.constant 0 : i32
    %c0_i32_2 = arith.constant 0 : i32
    return %c0_i32, %c0_i32_0, %c0_i32_1 : i32, i32, i32
  }
  func.func @transform_3(%arg0: i32) -> (i32, i32) {
    %c0_i32 = arith.constant 0 : i32
    %c0_i32_0 = arith.constant 0 : i32
    %c0_i32_1 = arith.constant 0 : i32
    return %c0_i32, %c0_i32_0 : i32, i32
  }
  func.func @transform_4(%arg0: i32) -> (i32, i32) {
    %c0_i32 = arith.constant 0 : i32
    %c0_i32_0 = arith.constant 0 : i32
    %c0_i32_1 = arith.constant 0 : i32
    return %c0_i32, %c0_i32_0 : i32, i32
  }
  func.func @transform_5(%arg0: i32) -> (i32, i32) {
    %c0_i32 = arith.constant 0 : i32
    %c0_i32_0 = arith.constant 0 : i32
    %c0_i32_1 = arith.constant 0 : i32
    return %c0_i32, %c0_i32_0 : i32, i32
  }
  func.func @transform_6(%arg0: i32) -> (i32, i32, i32) {
    %c0_i32 = arith.constant 0 : i32
    %c0_i32_0 = arith.constant 0 : i32
    %c0_i32_1 = arith.constant 0 : i32
    %c0_i32_2 = arith.constant 0 : i32
    return %c0_i32, %c0_i32_0, %c0_i32_1 : i32, i32, i32
  }
  func.func @transform_7(%arg0: i32) -> (i32, i32, i32) {
    %c0_i32 = arith.constant 0 : i32
    %c0_i32_0 = arith.constant 0 : i32
    %c0_i32_1 = arith.constant 0 : i32
    %c0_i32_2 = arith.constant 0 : i32
    return %c0_i32, %c0_i32_0, %c0_i32_1 : i32, i32, i32
  }
}

module attributes {stable_mosaic.version = 14 : i64} {
  func.func @_edge_body(%arg0: i32, %arg1: memref<4000x8xf32, #tpu.memory_space<vmem>>, %arg2: memref<4000x64xf32, #tpu.memory_space<vmem>>, %arg3: memref<4000x128xf32, #tpu.memory_space<vmem>>, %arg4: memref<256x128xf32, #tpu.memory_space<vmem>>, %arg5: memref<8x256xf32, #tpu.memory_space<vmem>>, %arg6: memref<16x256xf32, #tpu.memory_space<vmem>>, %arg7: memref<256x16xf32, #tpu.memory_space<vmem>>, %arg8: memref<4000x128xf32, #tpu.memory_space<vmem>>) attributes {dimension_semantics = [#tpu.dimension_semantics<arbitrary>], iteration_bounds = array<i64: 40>, scalar_prefetch = 0 : i64, scratch_operands = 0 : i64, tpu.core_type = #tpu.core_type<tc>, window_params = [{transform_indices = @transform_0, window_bounds = array<i64: 4000, 8>}, {transform_indices = @transform_1, window_bounds = array<i64: 4000, 64>}, {transform_indices = @transform_2, window_bounds = array<i64: 4000, 128>}, {pipeline_mode = #tpu.pipeline_mode<synchronous>, transform_indices = @transform_3, window_bounds = array<i64: 256, 128>}, {pipeline_mode = #tpu.pipeline_mode<synchronous>, transform_indices = @transform_4, window_bounds = array<i64: 8, 256>}, {pipeline_mode = #tpu.pipeline_mode<synchronous>, transform_indices = @transform_5, window_bounds = array<i64: 16, 256>}, {pipeline_mode = #tpu.pipeline_mode<synchronous>, transform_indices = @transform_6, window_bounds = array<i64: 256, 16>}, {transform_indices = @transform_7, window_bounds = array<i64: 4000, 128>}]} {
    %get3A = arith.constant 0 : index
    %get3A_0 = arith.constant 0 : index
    %get3A_1 = vector.load %arg1[%get3A, %get3A_0] : memref<4000x8xf32, #tpu.memory_space<vmem>>, vector<4000x8xf32>
    %slice3A = vector.extract_strided_slice %get3A_1 {offsets = [0, 0], sizes = [4000, 3], strides = [1, 1]} : vector<4000x8xf32> to vector<4000x3xf32>
    %get3A_2 = arith.constant 0 : index
    %get3A_3 = arith.constant 0 : index
    %get3A_4 = vector.load %arg2[%get3A_2, %get3A_3] : memref<4000x64xf32, #tpu.memory_space<vmem>>, vector<4000x64xf32>
    %broadcast_in_dim3A = arith.constant 0.000000e+00 : f32
    %broadcast_in_dim3A_5 = vector.broadcast %broadcast_in_dim3A : f32 to vector<4000x61xf32>
    %concatenate3A = tpu.concatenate %slice3A, %get3A_4, %broadcast_in_dim3A_5 in 1 : vector<4000x3xf32>, vector<4000x64xf32>, vector<4000x61xf32> -> vector<4000x128xf32>
    %get3A_6 = arith.constant 0 : index
    %get3A_7 = arith.constant 0 : index
    %get3A_8 = vector.load %arg4[%get3A_6, %get3A_7] : memref<256x128xf32, #tpu.memory_space<vmem>>, vector<256x128xf32>
    %dot_general3A = arith.constant dense<0.000000e+00> : vector<4000x256xf32>
    %dot_general3A_9 = tpu.matmul %concatenate3A, %get3A_8, %dot_general3A {dimension_numbers = #tpu.dot_dimension_numbers<[1], [1], [0], [0], [0, 0, 1, 0], [], []>, transpose_lhs_hint = false} : vector<4000x128xf32>, vector<256x128xf32>, vector<4000x256xf32> -> vector<4000x256xf32>
    %get3A_10 = arith.constant 0 : index
    %get3A_11 = arith.constant 0 : index
    %get3A_12 = vector.load %arg5[%get3A_10, %get3A_11] : memref<8x256xf32, #tpu.memory_space<vmem>>, vector<1x256xf32>
    %get3A_13 = vector.shape_cast %get3A_12 : vector<1x256xf32> to vector<256xf32>
    %broadcast_in_dim3A_14 = vector.shape_cast %get3A_13 : vector<256xf32> to vector<1x256xf32>
    %add3A = vector.broadcast %broadcast_in_dim3A_14 : vector<1x256xf32> to vector<4000x256xf32>
    %add3A_15 = arith.addf %dot_general3A_9, %add3A : vector<4000x256xf32>
    %max3A = arith.constant 0.000000e+00 : f32
    %max3A_16 = vector.broadcast %max3A : f32 to vector<4000x256xf32>
    %max3A_17 = arith.maximumf %add3A_15, %max3A_16 : vector<4000x256xf32>
    %get3A_18 = arith.constant 0 : index
    %get3A_19 = arith.constant 8 : index
    %get3A_20 = vector.load %arg3[%get3A_18, %get3A_19] : memref<4000x128xf32, #tpu.memory_space<vmem>>, vector<4000x16xf32>
    %get3A_21 = arith.constant 0 : index
    %get3A_22 = arith.constant 0 : index
    %get3A_23 = vector.load %arg6[%get3A_21, %get3A_22] : memref<16x256xf32, #tpu.memory_space<vmem>>, vector<16x256xf32>
    %dot_general3A_24 = arith.constant dense<0.000000e+00> : vector<4000x256xf32>
    %dot_general3A_25 = tpu.matmul %get3A_20, %get3A_23, %dot_general3A_24 {dimension_numbers = #tpu.dot_dimension_numbers<[1], [0], [0], [1], [0, 0, 1, 1], [], []>, transpose_lhs_hint = false} : vector<4000x16xf32>, vector<16x256xf32>, vector<4000x256xf32> -> vector<4000x256xf32>
    %mul3A = arith.mulf %max3A_17, %dot_general3A_25 : vector<4000x256xf32>
    %get3A_26 = arith.constant 0 : index
    %get3A_27 = arith.constant 0 : index
    %get3A_28 = vector.load %arg7[%get3A_26, %get3A_27] : memref<256x16xf32, #tpu.memory_space<vmem>>, vector<256x16xf32>
    %dot_general3A_29 = arith.constant dense<0.000000e+00> : vector<4000x16xf32>
    %dot_general3A_30 = tpu.matmul %mul3A, %get3A_28, %dot_general3A_29 {dimension_numbers = #tpu.dot_dimension_numbers<[1], [0], [0], [1], [0, 0, 1, 1], [], []>, transpose_lhs_hint = false} : vector<4000x256xf32>, vector<256x16xf32>, vector<4000x16xf32> -> vector<4000x16xf32>
    %broadcast_in_dim3A_31 = arith.constant 0.000000e+00 : f32
    %broadcast_in_dim3A_32 = vector.broadcast %broadcast_in_dim3A_31 : f32 to vector<4000x112xf32>
    %concatenate3A_33 = tpu.concatenate %dot_general3A_30, %broadcast_in_dim3A_32 in 1 : vector<4000x16xf32>, vector<4000x112xf32> -> vector<4000x128xf32>
    %swap3A = arith.constant 0 : index
    %swap3A_34 = arith.constant 0 : index
    %swap3A_35 = vector.load %arg8[%swap3A, %swap3A_34] : memref<4000x128xf32, #tpu.memory_space<vmem>>, vector<4000x128xf32>
    tpu.vector_store %arg8[%swap3A, %swap3A_34], %concatenate3A_33 {strides = array<i32>} : memref<4000x128xf32, #tpu.memory_space<vmem>>, vector<4000x128xf32>,
    return
  }
  func.func @transform_0(%arg0: i32) -> (i32, i32) {
    %c0_i32 = arith.constant 0 : i32
    %c0_i32_0 = arith.constant 0 : i32
    return %arg0, %c0_i32 : i32, i32
  }
  func.func @transform_1(%arg0: i32) -> (i32, i32) {
    %c0_i32 = arith.constant 0 : i32
    %c0_i32_0 = arith.constant 0 : i32
    return %arg0, %c0_i32 : i32, i32
  }
  func.func @transform_2(%arg0: i32) -> (i32, i32) {
    %c0_i32 = arith.constant 0 : i32
    %c0_i32_0 = arith.constant 0 : i32
    return %arg0, %c0_i32 : i32, i32
  }
  func.func @transform_3(%arg0: i32) -> (i32, i32) {
    %c0_i32 = arith.constant 0 : i32
    %c0_i32_0 = arith.constant 0 : i32
    %c0_i32_1 = arith.constant 0 : i32
    return %c0_i32, %c0_i32_0 : i32, i32
  }
  func.func @transform_4(%arg0: i32) -> (i32, i32) {
    %c0_i32 = arith.constant 0 : i32
    %c0_i32_0 = arith.constant 0 : i32
    %c0_i32_1 = arith.constant 0 : i32
    return %c0_i32, %c0_i32_0 : i32, i32
  }
  func.func @transform_5(%arg0: i32) -> (i32, i32) {
    %c0_i32 = arith.constant 0 : i32
    %c0_i32_0 = arith.constant 0 : i32
    %c0_i32_1 = arith.constant 0 : i32
    return %c0_i32, %c0_i32_0 : i32, i32
  }
  func.func @transform_6(%arg0: i32) -> (i32, i32) {
    %c0_i32 = arith.constant 0 : i32
    %c0_i32_0 = arith.constant 0 : i32
    %c0_i32_1 = arith.constant 0 : i32
    return %c0_i32, %c0_i32_0 : i32, i32
  }
  func.func @transform_7(%arg0: i32) -> (i32, i32) {
    %c0_i32 = arith.constant 0 : i32
    %c0_i32_0 = arith.constant 0 : i32
    return %arg0, %c0_i32 : i32, i32
  }
}

module attributes {stable_mosaic.version = 14 : i64} {
  func.func @_lambda_(%arg0: i32, %arg1: memref<10000x16xf32, #tpu.memory_space<vmem>>, %arg2: memref<2x10000x128xf32, #tpu.memory_space<vmem>>, %arg3: memref<2x10000x128xf32, #tpu.memory_space<vmem>>, %arg4: memref<3x16x16xf32, #tpu.memory_space<vmem>>, %arg5: memref<3x16xf32, #tpu.memory_space<vmem>>, %arg6: memref<10000x16xf32, #tpu.memory_space<vmem>>) attributes {dimension_semantics = [#tpu.dimension_semantics<arbitrary>], iteration_bounds = array<i64: 1>, scalar_prefetch = 0 : i64, scratch_operands = 0 : i64, tpu.core_type = #tpu.core_type<tc>, window_params = [{pipeline_mode = #tpu.pipeline_mode<synchronous>, transform_indices = @transform_0, window_bounds = array<i64: 10000, 16>}, {pipeline_mode = #tpu.pipeline_mode<synchronous>, transform_indices = @transform_1, window_bounds = array<i64: 2, 10000, 128>}, {pipeline_mode = #tpu.pipeline_mode<synchronous>, transform_indices = @transform_2, window_bounds = array<i64: 2, 10000, 128>}, {pipeline_mode = #tpu.pipeline_mode<synchronous>, transform_indices = @transform_3, window_bounds = array<i64: 3, 16, 16>}, {pipeline_mode = #tpu.pipeline_mode<synchronous>, transform_indices = @transform_4, window_bounds = array<i64: 3, 16>}, {pipeline_mode = #tpu.pipeline_mode<synchronous>, transform_indices = @transform_5, window_bounds = array<i64: 10000, 16>}]} {
    %get3A = arith.constant 0 : index
    %get3A_0 = arith.constant 0 : index
    %get3A_1 = arith.constant 0 : index
    %get3A_2 = vector.load %arg2[%get3A, %get3A_0, %get3A_1] : memref<2x10000x128xf32, #tpu.memory_space<vmem>>, vector<1x10000x128xf32>
    %get3A_3 = vector.shape_cast %get3A_2 : vector<1x10000x128xf32> to vector<10000x128xf32>
    %slice3A = vector.extract_strided_slice %get3A_3 {offsets = [0, 0], sizes = [10000, 16], strides = [1, 1]} : vector<10000x128xf32> to vector<10000x16xf32>
    %get3A_4 = arith.constant 1 : index
    %get3A_5 = arith.constant 0 : index
    %get3A_6 = arith.constant 0 : index
    %get3A_7 = vector.load %arg2[%get3A_4, %get3A_5, %get3A_6] : memref<2x10000x128xf32, #tpu.memory_space<vmem>>, vector<1x10000x128xf32>
    %get3A_8 = vector.shape_cast %get3A_7 : vector<1x10000x128xf32> to vector<10000x128xf32>
    %slice3A_9 = vector.extract_strided_slice %get3A_8 {offsets = [0, 0], sizes = [10000, 16], strides = [1, 1]} : vector<10000x128xf32> to vector<10000x16xf32>
    %add3A = arith.addf %slice3A, %slice3A_9 : vector<10000x16xf32>
    %get3A_10 = arith.constant 0 : index
    %get3A_11 = arith.constant 0 : index
    %get3A_12 = arith.constant 0 : index
    %get3A_13 = vector.load %arg3[%get3A_10, %get3A_11, %get3A_12] : memref<2x10000x128xf32, #tpu.memory_space<vmem>>, vector<1x10000x128xf32>
    %get3A_14 = vector.shape_cast %get3A_13 : vector<1x10000x128xf32> to vector<10000x128xf32>
    %slice3A_15 = vector.extract_strided_slice %get3A_14 {offsets = [0, 0], sizes = [10000, 16], strides = [1, 1]} : vector<10000x128xf32> to vector<10000x16xf32>
    %get3A_16 = arith.constant 1 : index
    %get3A_17 = arith.constant 0 : index
    %get3A_18 = arith.constant 0 : index
    %get3A_19 = vector.load %arg3[%get3A_16, %get3A_17, %get3A_18] : memref<2x10000x128xf32, #tpu.memory_space<vmem>>, vector<1x10000x128xf32>
    %get3A_20 = vector.shape_cast %get3A_19 : vector<1x10000x128xf32> to vector<10000x128xf32>
    %slice3A_21 = vector.extract_strided_slice %get3A_20 {offsets = [0, 0], sizes = [10000, 16], strides = [1, 1]} : vector<10000x128xf32> to vector<10000x16xf32>
    %add3A_22 = arith.addf %slice3A_15, %slice3A_21 : vector<10000x16xf32>
    %max3A = arith.constant 1.000000e+00 : f32
    %max3A_23 = vector.broadcast %max3A : f32 to vector<10000x16xf32>
    %max3A_24 = arith.maximumf %add3A_22, %max3A_23 : vector<10000x16xf32>
    %get3A_25 = arith.constant 0 : index
    %get3A_26 = arith.constant 0 : index
    %get3A_27 = vector.load %arg1[%get3A_25, %get3A_26] : memref<10000x16xf32, #tpu.memory_space<vmem>>, vector<10000x16xf32>
    %get3A_28 = arith.constant 0 : index
    %get3A_29 = arith.constant 0 : index
    %get3A_30 = arith.constant 0 : index
    %get3A_31 = vector.load %arg4[%get3A_28, %get3A_29, %get3A_30] : memref<3x16x16xf32, #tpu.memory_space<vmem>>, vector<1x16x16xf32>
    %get3A_32 = vector.shape_cast %get3A_31 : vector<1x16x16xf32> to vector<16x16xf32>
    %dot_general3A = arith.constant dense<0.000000e+00> : vector<10000x16xf32>
    %dot_general3A_33 = tpu.matmul %get3A_27, %get3A_32, %dot_general3A {dimension_numbers = #tpu.dot_dimension_numbers<[1], [1], [0], [0], [0, 0, 1, 0], [], []>, transpose_lhs_hint = false} : vector<10000x16xf32>, vector<16x16xf32>, vector<10000x16xf32> -> vector<10000x16xf32>
    %div3A = arith.divf %add3A, %max3A_24 : vector<10000x16xf32>
    %add3A_34 = arith.addf %div3A, %dot_general3A_33 : vector<10000x16xf32>
    %get3A_35 = arith.constant 0 : index
    %get3A_36 = arith.constant 0 : index
    %get3A_37 = vector.load %arg5[%get3A_35, %get3A_36] : memref<3x16xf32, #tpu.memory_space<vmem>>, vector<1x16xf32>
    %get3A_38 = vector.shape_cast %get3A_37 : vector<1x16xf32> to vector<16xf32>
    %broadcast_in_dim3A = vector.shape_cast %get3A_38 : vector<16xf32> to vector<1x16xf32>
    %add3A_39 = vector.broadcast %broadcast_in_dim3A : vector<1x16xf32> to vector<10000x16xf32>
    %add3A_40 = arith.addf %add3A_34, %add3A_39 : vector<10000x16xf32>
    %max3A_41 = arith.constant 0.000000e+00 : f32
    %max3A_42 = vector.broadcast %max3A_41 : f32 to vector<10000x16xf32>
    %max3A_43 = arith.maximumf %add3A_40, %max3A_42 : vector<10000x16xf32>
    %swap3A = arith.constant 0 : index
    %swap3A_44 = arith.constant 0 : index
    %swap3A_45 = vector.load %arg6[%swap3A, %swap3A_44] : memref<10000x16xf32, #tpu.memory_space<vmem>>, vector<10000x16xf32>
    tpu.vector_store %arg6[%swap3A, %swap3A_44], %max3A_43 {strides = array<i32>} : memref<10000x16xf32, #tpu.memory_space<vmem>>, vector<10000x16xf32>,
    return
  }
  func.func @transform_0(%arg0: i32) -> (i32, i32) {
    %c0_i32 = arith.constant 0 : i32
    %c0_i32_0 = arith.constant 0 : i32
    %c0_i32_1 = arith.constant 0 : i32
    return %c0_i32, %c0_i32_0 : i32, i32
  }
  func.func @transform_1(%arg0: i32) -> (i32, i32, i32) {
    %c0_i32 = arith.constant 0 : i32
    %c0_i32_0 = arith.constant 0 : i32
    %c0_i32_1 = arith.constant 0 : i32
    %c0_i32_2 = arith.constant 0 : i32
    return %c0_i32, %c0_i32_0, %c0_i32_1 : i32, i32, i32
  }
  func.func @transform_2(%arg0: i32) -> (i32, i32, i32) {
    %c0_i32 = arith.constant 0 : i32
    %c0_i32_0 = arith.constant 0 : i32
    %c0_i32_1 = arith.constant 0 : i32
    %c0_i32_2 = arith.constant 0 : i32
    return %c0_i32, %c0_i32_0, %c0_i32_1 : i32, i32, i32
  }
  func.func @transform_3(%arg0: i32) -> (i32, i32, i32) {
    %c0_i32 = arith.constant 0 : i32
    %c0_i32_0 = arith.constant 0 : i32
    %c0_i32_1 = arith.constant 0 : i32
    %c0_i32_2 = arith.constant 0 : i32
    return %c0_i32, %c0_i32_0, %c0_i32_1 : i32, i32, i32
  }
  func.func @transform_4(%arg0: i32) -> (i32, i32) {
    %c0_i32 = arith.constant 0 : i32
    %c0_i32_0 = arith.constant 0 : i32
    %c0_i32_1 = arith.constant 0 : i32
    return %c0_i32, %c0_i32_0 : i32, i32
  }
  func.func @transform_5(%arg0: i32) -> (i32, i32) {
    %c0_i32 = arith.constant 0 : i32
    %c0_i32_0 = arith.constant 0 : i32
    %c0_i32_1 = arith.constant 0 : i32
    return %c0_i32, %c0_i32_0 : i32, i32
  }
}

module attributes {stable_mosaic.version = 14 : i64} {
  func.func @_lambda_(%arg0: i32, %arg1: memref<10000x16xf32, #tpu.memory_space<vmem>>, %arg2: memref<2x10000x128xf32, #tpu.memory_space<vmem>>, %arg3: memref<2x10000x128xf32, #tpu.memory_space<vmem>>, %arg4: memref<3x16x16xf32, #tpu.memory_space<vmem>>, %arg5: memref<3x16xf32, #tpu.memory_space<vmem>>, %arg6: memref<10000x16xf32, #tpu.memory_space<vmem>>) attributes {dimension_semantics = [#tpu.dimension_semantics<arbitrary>], iteration_bounds = array<i64: 1>, scalar_prefetch = 0 : i64, scratch_operands = 0 : i64, tpu.core_type = #tpu.core_type<tc>, window_params = [{pipeline_mode = #tpu.pipeline_mode<synchronous>, transform_indices = @transform_0, window_bounds = array<i64: 10000, 16>}, {pipeline_mode = #tpu.pipeline_mode<synchronous>, transform_indices = @transform_1, window_bounds = array<i64: 2, 10000, 128>}, {pipeline_mode = #tpu.pipeline_mode<synchronous>, transform_indices = @transform_2, window_bounds = array<i64: 2, 10000, 128>}, {pipeline_mode = #tpu.pipeline_mode<synchronous>, transform_indices = @transform_3, window_bounds = array<i64: 3, 16, 16>}, {pipeline_mode = #tpu.pipeline_mode<synchronous>, transform_indices = @transform_4, window_bounds = array<i64: 3, 16>}, {pipeline_mode = #tpu.pipeline_mode<synchronous>, transform_indices = @transform_5, window_bounds = array<i64: 10000, 16>}]} {
    %get3A = arith.constant 0 : index
    %get3A_0 = arith.constant 0 : index
    %get3A_1 = arith.constant 0 : index
    %get3A_2 = vector.load %arg2[%get3A, %get3A_0, %get3A_1] : memref<2x10000x128xf32, #tpu.memory_space<vmem>>, vector<1x10000x128xf32>
    %get3A_3 = vector.shape_cast %get3A_2 : vector<1x10000x128xf32> to vector<10000x128xf32>
    %slice3A = vector.extract_strided_slice %get3A_3 {offsets = [0, 0], sizes = [10000, 16], strides = [1, 1]} : vector<10000x128xf32> to vector<10000x16xf32>
    %get3A_4 = arith.constant 1 : index
    %get3A_5 = arith.constant 0 : index
    %get3A_6 = arith.constant 0 : index
    %get3A_7 = vector.load %arg2[%get3A_4, %get3A_5, %get3A_6] : memref<2x10000x128xf32, #tpu.memory_space<vmem>>, vector<1x10000x128xf32>
    %get3A_8 = vector.shape_cast %get3A_7 : vector<1x10000x128xf32> to vector<10000x128xf32>
    %slice3A_9 = vector.extract_strided_slice %get3A_8 {offsets = [0, 0], sizes = [10000, 16], strides = [1, 1]} : vector<10000x128xf32> to vector<10000x16xf32>
    %add3A = arith.addf %slice3A, %slice3A_9 : vector<10000x16xf32>
    %get3A_10 = arith.constant 0 : index
    %get3A_11 = arith.constant 0 : index
    %get3A_12 = arith.constant 0 : index
    %get3A_13 = vector.load %arg3[%get3A_10, %get3A_11, %get3A_12] : memref<2x10000x128xf32, #tpu.memory_space<vmem>>, vector<1x10000x128xf32>
    %get3A_14 = vector.shape_cast %get3A_13 : vector<1x10000x128xf32> to vector<10000x128xf32>
    %slice3A_15 = vector.extract_strided_slice %get3A_14 {offsets = [0, 0], sizes = [10000, 16], strides = [1, 1]} : vector<10000x128xf32> to vector<10000x16xf32>
    %get3A_16 = arith.constant 1 : index
    %get3A_17 = arith.constant 0 : index
    %get3A_18 = arith.constant 0 : index
    %get3A_19 = vector.load %arg3[%get3A_16, %get3A_17, %get3A_18] : memref<2x10000x128xf32, #tpu.memory_space<vmem>>, vector<1x10000x128xf32>
    %get3A_20 = vector.shape_cast %get3A_19 : vector<1x10000x128xf32> to vector<10000x128xf32>
    %slice3A_21 = vector.extract_strided_slice %get3A_20 {offsets = [0, 0], sizes = [10000, 16], strides = [1, 1]} : vector<10000x128xf32> to vector<10000x16xf32>
    %add3A_22 = arith.addf %slice3A_15, %slice3A_21 : vector<10000x16xf32>
    %max3A = arith.constant 1.000000e+00 : f32
    %max3A_23 = vector.broadcast %max3A : f32 to vector<10000x16xf32>
    %max3A_24 = arith.maximumf %add3A_22, %max3A_23 : vector<10000x16xf32>
    %get3A_25 = arith.constant 0 : index
    %get3A_26 = arith.constant 0 : index
    %get3A_27 = vector.load %arg1[%get3A_25, %get3A_26] : memref<10000x16xf32, #tpu.memory_space<vmem>>, vector<10000x16xf32>
    %get3A_28 = arith.constant 1 : index
    %get3A_29 = arith.constant 0 : index
    %get3A_30 = arith.constant 0 : index
    %get3A_31 = vector.load %arg4[%get3A_28, %get3A_29, %get3A_30] : memref<3x16x16xf32, #tpu.memory_space<vmem>>, vector<1x16x16xf32>
    %get3A_32 = vector.shape_cast %get3A_31 : vector<1x16x16xf32> to vector<16x16xf32>
    %dot_general3A = arith.constant dense<0.000000e+00> : vector<10000x16xf32>
    %dot_general3A_33 = tpu.matmul %get3A_27, %get3A_32, %dot_general3A {dimension_numbers = #tpu.dot_dimension_numbers<[1], [1], [0], [0], [0, 0, 1, 0], [], []>, transpose_lhs_hint = false} : vector<10000x16xf32>, vector<16x16xf32>, vector<10000x16xf32> -> vector<10000x16xf32>
    %div3A = arith.divf %add3A, %max3A_24 : vector<10000x16xf32>
    %add3A_34 = arith.addf %div3A, %dot_general3A_33 : vector<10000x16xf32>
    %get3A_35 = arith.constant 1 : index
    %get3A_36 = arith.constant 0 : index
    %get3A_37 = vector.load %arg5[%get3A_35, %get3A_36] : memref<3x16xf32, #tpu.memory_space<vmem>>, vector<1x16xf32>
    %get3A_38 = vector.shape_cast %get3A_37 : vector<1x16xf32> to vector<16xf32>
    %broadcast_in_dim3A = vector.shape_cast %get3A_38 : vector<16xf32> to vector<1x16xf32>
    %add3A_39 = vector.broadcast %broadcast_in_dim3A : vector<1x16xf32> to vector<10000x16xf32>
    %add3A_40 = arith.addf %add3A_34, %add3A_39 : vector<10000x16xf32>
    %max3A_41 = arith.constant 0.000000e+00 : f32
    %max3A_42 = vector.broadcast %max3A_41 : f32 to vector<10000x16xf32>
    %max3A_43 = arith.maximumf %add3A_40, %max3A_42 : vector<10000x16xf32>
    %swap3A = arith.constant 0 : index
    %swap3A_44 = arith.constant 0 : index
    %swap3A_45 = vector.load %arg6[%swap3A, %swap3A_44] : memref<10000x16xf32, #tpu.memory_space<vmem>>, vector<10000x16xf32>
    tpu.vector_store %arg6[%swap3A, %swap3A_44], %max3A_43 {strides = array<i32>} : memref<10000x16xf32, #tpu.memory_space<vmem>>, vector<10000x16xf32>,
    return
  }
  func.func @transform_0(%arg0: i32) -> (i32, i32) {
    %c0_i32 = arith.constant 0 : i32
    %c0_i32_0 = arith.constant 0 : i32
    %c0_i32_1 = arith.constant 0 : i32
    return %c0_i32, %c0_i32_0 : i32, i32
  }
  func.func @transform_1(%arg0: i32) -> (i32, i32, i32) {
    %c0_i32 = arith.constant 0 : i32
    %c0_i32_0 = arith.constant 0 : i32
    %c0_i32_1 = arith.constant 0 : i32
    %c0_i32_2 = arith.constant 0 : i32
    return %c0_i32, %c0_i32_0, %c0_i32_1 : i32, i32, i32
  }
  func.func @transform_2(%arg0: i32) -> (i32, i32, i32) {
    %c0_i32 = arith.constant 0 : i32
    %c0_i32_0 = arith.constant 0 : i32
    %c0_i32_1 = arith.constant 0 : i32
    %c0_i32_2 = arith.constant 0 : i32
    return %c0_i32, %c0_i32_0, %c0_i32_1 : i32, i32, i32
  }
  func.func @transform_3(%arg0: i32) -> (i32, i32, i32) {
    %c0_i32 = arith.constant 0 : i32
    %c0_i32_0 = arith.constant 0 : i32
    %c0_i32_1 = arith.constant 0 : i32
    %c0_i32_2 = arith.constant 0 : i32
    return %c0_i32, %c0_i32_0, %c0_i32_1 : i32, i32, i32
  }
  func.func @transform_4(%arg0: i32) -> (i32, i32) {
    %c0_i32 = arith.constant 0 : i32
    %c0_i32_0 = arith.constant 0 : i32
    %c0_i32_1 = arith.constant 0 : i32
    return %c0_i32, %c0_i32_0 : i32, i32
  }
  func.func @transform_5(%arg0: i32) -> (i32, i32) {
    %c0_i32 = arith.constant 0 : i32
    %c0_i32_0 = arith.constant 0 : i32
    %c0_i32_1 = arith.constant 0 : i32
    return %c0_i32, %c0_i32_0 : i32, i32
  }
}

module attributes {stable_mosaic.version = 14 : i64} {
  func.func @_lambda_(%arg0: i32, %arg1: memref<10000x16xf32, #tpu.memory_space<vmem>>, %arg2: memref<2x10000x128xf32, #tpu.memory_space<vmem>>, %arg3: memref<2x10000x128xf32, #tpu.memory_space<vmem>>, %arg4: memref<3x16x16xf32, #tpu.memory_space<vmem>>, %arg5: memref<3x16xf32, #tpu.memory_space<vmem>>, %arg6: memref<10000x16xf32, #tpu.memory_space<vmem>>) attributes {dimension_semantics = [#tpu.dimension_semantics<arbitrary>], iteration_bounds = array<i64: 1>, scalar_prefetch = 0 : i64, scratch_operands = 0 : i64, tpu.core_type = #tpu.core_type<tc>, window_params = [{pipeline_mode = #tpu.pipeline_mode<synchronous>, transform_indices = @transform_0, window_bounds = array<i64: 10000, 16>}, {pipeline_mode = #tpu.pipeline_mode<synchronous>, transform_indices = @transform_1, window_bounds = array<i64: 2, 10000, 128>}, {pipeline_mode = #tpu.pipeline_mode<synchronous>, transform_indices = @transform_2, window_bounds = array<i64: 2, 10000, 128>}, {pipeline_mode = #tpu.pipeline_mode<synchronous>, transform_indices = @transform_3, window_bounds = array<i64: 3, 16, 16>}, {pipeline_mode = #tpu.pipeline_mode<synchronous>, transform_indices = @transform_4, window_bounds = array<i64: 3, 16>}, {pipeline_mode = #tpu.pipeline_mode<synchronous>, transform_indices = @transform_5, window_bounds = array<i64: 10000, 16>}]} {
    %get3A = arith.constant 0 : index
    %get3A_0 = arith.constant 0 : index
    %get3A_1 = arith.constant 0 : index
    %get3A_2 = vector.load %arg2[%get3A, %get3A_0, %get3A_1] : memref<2x10000x128xf32, #tpu.memory_space<vmem>>, vector<1x10000x128xf32>
    %get3A_3 = vector.shape_cast %get3A_2 : vector<1x10000x128xf32> to vector<10000x128xf32>
    %slice3A = vector.extract_strided_slice %get3A_3 {offsets = [0, 0], sizes = [10000, 16], strides = [1, 1]} : vector<10000x128xf32> to vector<10000x16xf32>
    %get3A_4 = arith.constant 1 : index
    %get3A_5 = arith.constant 0 : index
    %get3A_6 = arith.constant 0 : index
    %get3A_7 = vector.load %arg2[%get3A_4, %get3A_5, %get3A_6] : memref<2x10000x128xf32, #tpu.memory_space<vmem>>, vector<1x10000x128xf32>
    %get3A_8 = vector.shape_cast %get3A_7 : vector<1x10000x128xf32> to vector<10000x128xf32>
    %slice3A_9 = vector.extract_strided_slice %get3A_8 {offsets = [0, 0], sizes = [10000, 16], strides = [1, 1]} : vector<10000x128xf32> to vector<10000x16xf32>
    %add3A = arith.addf %slice3A, %slice3A_9 : vector<10000x16xf32>
    %get3A_10 = arith.constant 0 : index
    %get3A_11 = arith.constant 0 : index
    %get3A_12 = arith.constant 0 : index
    %get3A_13 = vector.load %arg3[%get3A_10, %get3A_11, %get3A_12] : memref<2x10000x128xf32, #tpu.memory_space<vmem>>, vector<1x10000x128xf32>
    %get3A_14 = vector.shape_cast %get3A_13 : vector<1x10000x128xf32> to vector<10000x128xf32>
    %slice3A_15 = vector.extract_strided_slice %get3A_14 {offsets = [0, 0], sizes = [10000, 16], strides = [1, 1]} : vector<10000x128xf32> to vector<10000x16xf32>
    %get3A_16 = arith.constant 1 : index
    %get3A_17 = arith.constant 0 : index
    %get3A_18 = arith.constant 0 : index
    %get3A_19 = vector.load %arg3[%get3A_16, %get3A_17, %get3A_18] : memref<2x10000x128xf32, #tpu.memory_space<vmem>>, vector<1x10000x128xf32>
    %get3A_20 = vector.shape_cast %get3A_19 : vector<1x10000x128xf32> to vector<10000x128xf32>
    %slice3A_21 = vector.extract_strided_slice %get3A_20 {offsets = [0, 0], sizes = [10000, 16], strides = [1, 1]} : vector<10000x128xf32> to vector<10000x16xf32>
    %add3A_22 = arith.addf %slice3A_15, %slice3A_21 : vector<10000x16xf32>
    %max3A = arith.constant 1.000000e+00 : f32
    %max3A_23 = vector.broadcast %max3A : f32 to vector<10000x16xf32>
    %max3A_24 = arith.maximumf %add3A_22, %max3A_23 : vector<10000x16xf32>
    %get3A_25 = arith.constant 0 : index
    %get3A_26 = arith.constant 0 : index
    %get3A_27 = vector.load %arg1[%get3A_25, %get3A_26] : memref<10000x16xf32, #tpu.memory_space<vmem>>, vector<10000x16xf32>
    %get3A_28 = arith.constant 2 : index
    %get3A_29 = arith.constant 0 : index
    %get3A_30 = arith.constant 0 : index
    %get3A_31 = vector.load %arg4[%get3A_28, %get3A_29, %get3A_30] : memref<3x16x16xf32, #tpu.memory_space<vmem>>, vector<1x16x16xf32>
    %get3A_32 = vector.shape_cast %get3A_31 : vector<1x16x16xf32> to vector<16x16xf32>
    %dot_general3A = arith.constant dense<0.000000e+00> : vector<10000x16xf32>
    %dot_general3A_33 = tpu.matmul %get3A_27, %get3A_32, %dot_general3A {dimension_numbers = #tpu.dot_dimension_numbers<[1], [1], [0], [0], [0, 0, 1, 0], [], []>, transpose_lhs_hint = false} : vector<10000x16xf32>, vector<16x16xf32>, vector<10000x16xf32> -> vector<10000x16xf32>
    %div3A = arith.divf %add3A, %max3A_24 : vector<10000x16xf32>
    %add3A_34 = arith.addf %div3A, %dot_general3A_33 : vector<10000x16xf32>
    %get3A_35 = arith.constant 2 : index
    %get3A_36 = arith.constant 0 : index
    %get3A_37 = vector.load %arg5[%get3A_35, %get3A_36] : memref<3x16xf32, #tpu.memory_space<vmem>>, vector<1x16xf32>
    %get3A_38 = vector.shape_cast %get3A_37 : vector<1x16xf32> to vector<16xf32>
    %broadcast_in_dim3A = vector.shape_cast %get3A_38 : vector<16xf32> to vector<1x16xf32>
    %add3A_39 = vector.broadcast %broadcast_in_dim3A : vector<1x16xf32> to vector<10000x16xf32>
    %add3A_40 = arith.addf %add3A_34, %add3A_39 : vector<10000x16xf32>
    %max3A_41 = arith.constant 0.000000e+00 : f32
    %max3A_42 = vector.broadcast %max3A_41 : f32 to vector<10000x16xf32>
    %max3A_43 = arith.maximumf %add3A_40, %max3A_42 : vector<10000x16xf32>
    %swap3A = arith.constant 0 : index
    %swap3A_44 = arith.constant 0 : index
    %swap3A_45 = vector.load %arg6[%swap3A, %swap3A_44] : memref<10000x16xf32, #tpu.memory_space<vmem>>, vector<10000x16xf32>
    tpu.vector_store %arg6[%swap3A, %swap3A_44], %max3A_43 {strides = array<i32>} : memref<10000x16xf32, #tpu.memory_space<vmem>>, vector<10000x16xf32>,
    return
  }
  func.func @transform_0(%arg0: i32) -> (i32, i32) {
    %c0_i32 = arith.constant 0 : i32
    %c0_i32_0 = arith.constant 0 : i32
    %c0_i32_1 = arith.constant 0 : i32
    return %c0_i32, %c0_i32_0 : i32, i32
  }
  func.func @transform_1(%arg0: i32) -> (i32, i32, i32) {
    %c0_i32 = arith.constant 0 : i32
    %c0_i32_0 = arith.constant 0 : i32
    %c0_i32_1 = arith.constant 0 : i32
    %c0_i32_2 = arith.constant 0 : i32
    return %c0_i32, %c0_i32_0, %c0_i32_1 : i32, i32, i32
  }
  func.func @transform_2(%arg0: i32) -> (i32, i32, i32) {
    %c0_i32 = arith.constant 0 : i32
    %c0_i32_0 = arith.constant 0 : i32
    %c0_i32_1 = arith.constant 0 : i32
    %c0_i32_2 = arith.constant 0 : i32
    return %c0_i32, %c0_i32_0, %c0_i32_1 : i32, i32, i32
  }
  func.func @transform_3(%arg0: i32) -> (i32, i32, i32) {
    %c0_i32 = arith.constant 0 : i32
    %c0_i32_0 = arith.constant 0 : i32
    %c0_i32_1 = arith.constant 0 : i32
    %c0_i32_2 = arith.constant 0 : i32
    return %c0_i32, %c0_i32_0, %c0_i32_1 : i32, i32, i32
  }
  func.func @transform_4(%arg0: i32) -> (i32, i32) {
    %c0_i32 = arith.constant 0 : i32
    %c0_i32_0 = arith.constant 0 : i32
    %c0_i32_1 = arith.constant 0 : i32
    return %c0_i32, %c0_i32_0 : i32, i32
  }
  func.func @transform_5(%arg0: i32) -> (i32, i32) {
    %c0_i32 = arith.constant 0 : i32
    %c0_i32_0 = arith.constant 0 : i32
    %c0_i32_1 = arith.constant 0 : i32
    return %c0_i32, %c0_i32_0 : i32, i32
  }
}

</mosaic_0001>

<sc_bundles>
// kernel: kernel.20.cloned.1.call-start
scs
__scs_entry_jumppad:
0x0: {  	(pc) =	sbr.rel $0x88, $3  }
0x1: {  	(tag) =	ssettag $0x0;
	lr =	simm.s32 $0x1  }
0x2: {  	[smem:$0x3F8B] =	sst lr;
	_ =	strace $0xD0000000  }
0x3: {  	_ = 	snop  }
0x4: {  	_ = 	snop  }
0x5: {  	_ = 	snop  }
0x6: {  	_ = 	snop  }
0x7: {  	_ = 	snop  }
__scs_overlays_trampoline_lowered:
0x8: {  	[smem:$0x3F9A] =	sst s0  }
0x9: {  	[smem:$0x3F9B] =	sst s1  }
0xa: {  	[smem:$0x3F9C] =	sst s2  }
0xb: {  	[smem:$0x3F9D] =	sst s3  }
0xc: {  	[smem:$0x3F9E] =	sst s4  }
0xd: {  	[smem:$0x3F9F] =	sst s5  }
0xe: {  	[smem:$0x3FA0] =	sst s6  }
0xf: {  	[smem:$0x3FA1] =	sst s7  }
0x10: {  	[smem:$0x3FA2] =	sst s8  }
0x11: {  	[smem:$0x3FA3] =	sst s9;
	s0 =	simm.s32 @!p0 $0x0  }
0x12: {  	s1 =	sld [smem:$0x3F89];
	s0 =	simm.s32 @p0 $0x1  }
0x13: {  	[smem:$0x3FA4] =	sst s0;
	s0 =	simm.s32 @!p1 $0x0  }
0x14: {  	s2 =	sld [smem:$0x3F88];
	s0 =	simm.s32 @p1 $0x1  }
0x15: {  	[smem:$0x3FA5] =	sst s0;
	s0 =	simm.s32 @!p2 $0x0  }
0x16: {  	s3 =	sld [smem:$0x3FDB];
	s0 =	simm.s32 @p2 $0x1  }
0x17: {  	s4 =	simm.s32 $0x1BF5;
	[smem:$0x3FA7] =	sst s0  }
0x18: {  	s0 =	sld [smem:$0x3F8A];
	_ =	swait.ge [sflag:s4], $0x0  }
0x19: {  	s7 =	sld [smem:$0x3F8B]  }
0x1a: {  	s8 =	sadd.s32 $0xFFFFE003, lr  }
0x1b: {  	s9 =	sadd.s32 $0xFFFFFEF7, lr;
	s5 =	simm.s32 $0xFFFFFFFF;
	p2 =	slt.u32 s8, $0xFFFFF086  }
0x1c: {  	p1 =	slt.u32 s9, $0xF7A;
	s5 =	simm.s32 @!p2 $0x0  }
0x1d: {  	s5 =	simm.s32 @p1 $0x1;
	p0 =	seq.s32 s7, s2  }
0x1e: {  	s7 =	smul.u32 @!p0 $0xF7A, s2;
	p2 =	seq.s32 @!p0 s5, $0x0  }
0x1f: {  	s9 =	smul.u32 $0xF7A, s1;
	s8 =	simm.s32 @!p0 $0x1BF5;
	p2 =	por !p2, p0  }
0x20: {  	[sflag:s8] =	ssyncset.s32 @!p0 $0xFFFFF086;
	s6 =	sadd.s32 @!p0 s3, s7;
	s7 =	simm.s32 @!p0 $0x108  }
0x21: {  	s3 =	sadd.s32 s3, s9;
	s6 =	sadd.s32 @!p0 $0x88, s6;
	s7 =	simm.s32 @p2 $0x1082  }
0x22: {  	[simem:s7], [sflag:s8] =	dma.local @!p0 [hbm:s6], $0xF7A  }
0x23: {  	s9 =	sor.u32 $0xD0000000, s2;
	s6 =	simm.s32 $0x108;
	_ =	swait.ge @!p0 [sflag:s8], $0x0  }
0x24: {  	s3 =	sadd.s32 $0x88, s3;
	s6 =	simm.s32 @!p1 $0x1082;
	[sflag:s4] =	ssyncset.s32 $0xFFFFF086  }
0x25: {  	[simem:s6], [sflag:s4] =	dma.local [hbm:s3], $0xF7A  }
0x26: {  	[smem:$0x3F8B] =	sst s1;
	(tag) =	ssettag s2;
	_ =	strace s9  }
0x27: {  	s1 =	sld [smem:$0x3F9B]  }
0x28: {  	s2 =	sld [smem:$0x3F9C]  }
0x29: {  	s4 =	sld [smem:$0x3F9E]  }
0x2a: {  	p0 =	seq.s32 s5, $0x0;
	s5 =	sld [smem:$0x3F9F]  }
0x2b: {  	s6 =	sld [smem:$0x3FA0]  }
0x2c: {  	s7 =	sld [smem:$0x3FA1]  }
0x2d: {  	s3 =	simm.s32 $0x108;
	s8 =	sld [smem:$0x3FA2]  }
0x2e: {  	s3 =	simm.s32 @!p0 $0x1082;
	s9 =	sld [smem:$0x3FA3]  }
0x2f: {  	lr =	sadd.s32 s0, s3;
	s0 =	sld [smem:$0x3F9A]  }
0x30: {  	s3 =	sld [smem:$0x3F9D]  }
0x31: {  	[smem:$0x3FA6] =	sst s10  }
0x32: {  	s10 =	sld [smem:$0x3FA4];
	_ =	sdelay $0x3  }
0x33: {  	p0 =	seq.s32 s10, $0x1;
	s10 =	sld [smem:$0x3FA6];
	_ =	sdelay $0x3  }
0x34: {  	[smem:$0x3FA6] =	sst s10  }
0x35: {  	s10 =	sld [smem:$0x3FA5];
	_ =	sdelay $0x3  }
0x36: {  	p1 =	seq.s32 s10, $0x1;
	s10 =	sld [smem:$0x3FA6];
	_ =	sdelay $0x3  }
0x37: {  	[smem:$0x3FA6] =	sst s10  }
0x38: {  	s10 =	sld [smem:$0x3FA7]  }
0x39: {  	_ = 	snop;
	(pc) =	sbr.ind lr, $3  }
0x3a: {  	_ = 	snop  }
0x3b: {  	_ = 	snop  }
0x3c: {  	p2 =	seq.s32 s10, $0x1;
	s10 =	sld [smem:$0x3FA6]  }
0x3d: {  	_ =	shalt  }
0x3e: {  	_ =	shalt  }
0x3f: {  	_ =	shalt  }
0x40: {  	_ =	shalt  }
0x41: {  	_ =	shalt  }
0x42: {  	_ =	shalt  }
0x43: {  	_ =	shalt  }
0x44: {  	_ =	shalt  }
0x45: {  	_ =	shalt  }
0x46: {  	_ =	shalt  }
0x47: {  	_ =	shalt  }
0x48: {  	_ =	shalt  }
0x49: {  	_ =	shalt  }
0x4a: {  	_ =	shalt  }
0x4b: {  	_ =	shalt  }
0x4c: {  	_ =	shalt  }
0x4d: {  	_ =	shalt  }
0x4e: {  	_ =	shalt  }
0x4f: {  	_ =	shalt  }
0x50: {  	_ =	shalt  }
0x51: {  	_ =	shalt  }
0x52: {  	_ =	shalt  }
0x53: {  	_ =	shalt  }
0x54: {  	_ =	shalt  }
0x55: {  	_ =	shalt  }
0x56: {  	_ =	shalt  }
0x57: {  	_ =	shalt  }
0x58: {  	_ =	shalt  }
0x59: {  	_ =	shalt  }
0x5a: {  	_ =	shalt  }
0x5b: {  	_ =	shalt  }
0x5c: {  	_ =	shalt  }
0x5d: {  	_ =	shalt  }
0x5e: {  	_ =	shalt  }
0x5f: {  	_ =	shalt  }
0x60: {  	_ =	shalt  }
0x61: {  	_ =	shalt  }
0x62: {  	_ =	shalt  }
0x63: {  	_ =	shalt  }
0x64: {  	_ =	shalt  }
0x65: {  	_ =	shalt  }
0x66: {  	_ =	shalt  }
0x67: {  	_ =	shalt  }
0x68: {  	_ =	shalt  }
0x69: {  	_ =	shalt  }
0x6a: {  	_ =	shalt  }
0x6b: {  	_ =	shalt  }
0x6c: {  	_ =	shalt  }
0x6d: {  	_ =	shalt  }
0x6e: {  	_ =	shalt  }
0x6f: {  	_ =	shalt  }
0x70: {  	_ =	shalt  }
0x71: {  	_ =	shalt  }
0x72: {  	_ =	shalt  }
0x73: {  	_ =	shalt  }
0x74: {  	_ =	shalt  }
0x75: {  	_ =	shalt  }
0x76: {  	_ =	shalt  }
0x77: {  	_ =	shalt  }
0x78: {  	_ =	shalt  }
0x79: {  	_ =	shalt  }
0x7a: {  	_ =	shalt  }
0x7b: {  	_ =	shalt  }
0x7c: {  	_ =	shalt  }
0x7d: {  	_ =	shalt  }
0x7e: {  	_ =	shalt  }
0x7f: {  	_ =	shalt  }
0x80: {  	_ =	shalt  }
0x81: {  	_ =	shalt  }
0x82: {  	_ =	shalt  }
0x83: {  	_ =	shalt  }
0x84: {  	_ =	shalt  }
0x85: {  	_ =	shalt  }
0x86: {  	_ =	shalt  }
0x87: {  	_ =	shalt  }
.Lfunc_end0:
.L_simem_size_0:
called_computation_lowered:
.L_overlay_start_0:
0x88: {  	s2 =	sld [smem:$0x3FD9]  }
0x89: {  	s3 =	sld [smem:$0x3FFE];
	_ =	sdelay $0x1  }
0x8a: {  	s1 =	srdreg.scid  }
0x8b: {  	s0 =	sand.u32 $0x1, s1  }
0x8c: {  	s17 =	sshll.u32 s0, $0xA;
	s2 =	sadd.s32 s3, s2  }
0x8d: {  	s2 =	sadd.s32 s2, s17  }
0x8e: {  	[smem:$0x3FB2] =	sst s2  }
0x8f: {  	_ = 	snop  }
0x90: {  	(tm) =	ssettm $0x1  }
0x91: {  	s18 =	sld [smem:$0x3FFB];
	_ =	sdelay $0x3  }
0x92: {  	_ =	strace s18  }
0x93: {  	s2 =	sld [smem:$0x3FFC];
	_ =	sdelay $0x3  }
0x94: {  	_ =	strace s2  }
0x95: {  	s2 =	sld [smem:$0x3FFD];
	_ =	sdelay $0x3  }
0x96: {  	_ =	strace s2  }
0x97: {  	_ =	strace $0x8FFFFFFF  }
0x98: {  	s19 =	sld [smem:$0x3FDB];
	_ =	sdelay $0x1  }
0x99: {  	s20 =	simm.s32 $_scs_section_size  }
0x9a: {  	s4 =	simm.s32 $_size__tile_overlayer_lowered;
	s5 =	simm.s32 $_tile_overlayer_lowered  }
0x9b: {  	s6 =	simm.s32 $0x1BFF;
	s21 =	sshll.u32 s5, $0x1;
	s3 =	sadd.s32 s20, s19  }
0x9c: {  	s22 =	simm.s32 $0x0;
	s4 =	sshll.u32 s4, $0x1;
	s5 =	sadd.s32 s21, s3  }
0x9d: {  	[timem:s22], [sflag:s6] =	dma.local [hbm:s5], s4  }
0x9e: {  	_ =	swait.ge [sflag:s6], s4  }
0x9f: {  	s4 =	ssub.s32 $0x0, s4;
	[sflag:s6] =	ssyncset.done $0x0  }
0xa0: {  	[sflag:s6] =	ssyncadd.s32 s4;
	_ =	sdelay $0x1  }
0xa1: {  	s23 =	simm.s32 $0x1B8B  }
0xa2: {  	_ =	swait.ge [sflag:s23], $0x1  }
0xa3: {  	[sflag:s23] =	ssyncset.done $0x0  }
0xa4: {  	[sflag:s23] =	ssyncadd.s32 $0xFFFFFFFF  }
0xa5: {  	s4 =	sld [smem:$0x0]  }
0xa6: {  	s5 =	sand.u32 $0xFFFFFFFE, s1  }
0xa7: {  	p0 =	sne.s32 s1, s5  }
0xa8: {  	s5 =	sshll.u32 @p0 s5, $0xE  }
0xa9: {  	s5 =	sadd.s32 @p0 $0x11B8D, s5;
	s6 =	sshll.u32 @p0 s4, $0x11  }
0xaa: {  	s5 =	sor.u32 @p0 s6, s5  }
0xab: {  	[sflag:s5] =	ssyncadd.remote.s32 @p0 $0x1;
	_ =	sdelay $0x1  }
0xac: {  	s5 =	simm.s32 @p0 $0x1B8D  }
0xad: {  	_ =	swait.eq @p0 [sflag:s5], $0x1  }
0xae: {  	[sflag:s5] =	ssyncadd.s32 @p0 $0xFFFFFFFF  }
0xaf: {  	s6 =	sshll.u32 @!p0 s1, $0xE  }
0xb0: {  	s6 =	sor.u32 @!p0 $0x4000, s6;
	s5 =	simm.s32 @!p0 $0x1B8D  }
0xb1: {  	s4 =	sshll.u32 @!p0 s4, $0x11;
	s6 =	sadd.s32 @!p0 $0x11B8D, s6;
	_ =	swait.eq @!p0 [sflag:s5], $0x1  }
0xb2: {  	s4 =	sor.u32 @!p0 s4, s6;
	[sflag:s5] =	ssyncadd.s32 @!p0 $0xFFFFFFFF  }
0xb3: {  	s25 =	simm.s32 $0x1B8E;
	s24 =	sld [smem:$0x3FFE];
	[sflag:s4] =	ssyncadd.remote.s32 @!p0 $0x1  }
0xb4: {  	s26 =	simm.s32 $execute0_lowered;
	[smem:$0x3FD2] =	sst s25  }
0xb5: {  	s5 =	sshll.u32 s26, $0x1;
	_ =	strace $0x80000049;
	[dreg:$0x1] =	wrdreg $0xFFFFFFFF  }
0xb6: {  	s28 =	simm.s32 $_size_execute0_lowered;
	s3 =	sadd.s32 s3, s5;
	[dreg:$0x0] =	wrdreg $0x0  }
0xb7: {  	s5 =	sshll.u32 s28, $0x1;
	[dreg:$0x2] =	wrdreg s3  }
0xb8: {  	[dreg:$0x3] =	wrdreg s5  }
0xb9: {  	[dreg:$0x4] =	wrdreg $0xC0  }
0xba: {  	_ =	task [dreg:s22], $0x5FFFF  }
0xbb: {  	[dreg:$0x1] =	wrdreg $0xFFFFFFFF  }
0xbc: {  	[dreg:$0x0] =	wrdreg $0x60  }
0xbd: {  	[dreg:$0x2] =	wrdreg s24  }
0xbe: {  	[dreg:$0x3] =	wrdreg $0x94000  }
0xbf: {  	[dreg:$0x4] =	wrdreg $0xA  }
0xc0: {  	_ =	task.clear_ibuf [dreg:s22], $0x5FFFF;
	_ =	strace $0x90000049  }
0xc1: {  	s29 =	simm.s32 $0xA;
	_ =	strace $0x8000004B  }
0xc2: {  	_ =	swait.ge [sflag:s29], $0x1  }
0xc3: {  	[sflag:s29] =	ssyncadd.s32 $0xFFFFFFFF  }
0xc4: {  	_ =	strace $0x9000004B  }
0xc5: {  	_ =	sfence  }
0xc6: {  	s30 =	sld [smem:$0x0];
	_ =	sdelay $0x2  }
0xc7: {  	s31 =	sshll.u32 s1, $0xD;
	s1 =	sshrl.u32 s1, $0x2  }
0xc8: {  	s4 =	sand.u32 $0x4000, s31;
	s1 =	sadd.s32 s1, s30  }
0xc9: {  	s0 =	sor.u32 s4, s0;
	s1 =	sshll.u32 s1, $0x11  }
0xca: {  	s0 =	sor.u32 s1, s0  }
0xcb: {  	s0 =	sadd.s32 $0x8F2B, s0  }
0xcc: {  	[sflag:s0] =	ssyncadd.remote.s32 $0x1  }
0xcd: {  	_ =	sfence.sel $0xFFFF  }
0xce: {  	[dreg:$0x0] =	wrdreg $0xFFFFFFFF;
	(pc) =	sbr.abs _section_cstart, $3  }
0xcf: {  	[dreg:$0x1] =	wrdreg $0xFFFFFFFF  }
0xd0: {  	_ =	task.clear_ibuf [dreg:s22], $0x2FFFF;
	_ =	strace $0x9FFFFFFF  }
0xd1: {  	(tm) =	ssettm $0x7FFFFFFF  }
tec
execute0_lowered:
.L_overlay_start_1:
0x0: {  	(tag) =	ssettag $0x1  }
0x1: {  	s1 =	srdreg.scid;
	s4 =	rddreg [dreg:$0x0]  }
0x2: {  	s0 =	stileid.u32;
	s2 =	rddreg [dreg:$0x1]  }
0x3: {  	s3 =	simm.s32 $0x0;
	s14 =	simm.s32 $0x5400;
	s6 =	smul.u32 $0x3E80, s0  }
0x4: {  	s15 =	simm.s32 $0x1;
	s16 =	simm.s32 $0x2;
	s8 =	smul.u32 $0x7D000, s0  }
0x5: {  	s17 =	simm.s32 $0x0;
	s7 =	sand.u32 $0x1, s1;
	s10 =	smul.u32 $0x50, s0  }
0x6: {  	s24 =	sshll.u32 s0, $0x1;
	s1 =	rddreg [dreg:$0x2];
	s28 =	smul.u32 $0x28000, s0  }
0x7: {  	[smem:$0x7FF] =	sst s3;
	s9 =	sadd.s32 $0x308C00, s4;
	s12 =	smul.u32 $0x28, s7  }
0x8: {  	p0 =	sgt.u32 s0, $0x9;
	s5 =	sor.u32 s7, s24;
	s29 =	smul.u32 $0x14000, s7  }
0x9: {  	_ =	strace $0x8000004A;
	s25 =	ssub.s32 $0x2, s7;
	s5 =	smul.u32 $0x280, s5  }
0xa: {  	s6 =	sadd.s32 s6, s4;
	s11 =	sshrl.u32 s25, $0x1;
	s8 =	sshrl.u32 s8, $0x2  }
0xb: {  	s31 =	sadd.s32 s28, s9;
	s11 =	ssub.s32 s25, s11;
	s13 =	sadd.s32 s8, s2  }
0xc: {  	s26 =	sadd.s32 s12, s10;
	s12 =	simm.s32 $0x80;
	s5 =	sadd.s32 s5, s4  }
0xd: {  	s4 =	sadd.s32 $0x57A00, s6;
	s6 =	smax.u32 s11, $0x1;
	s8 =	sshll.u32 s26, $0xB  }
0xe: {  	s10 =	sshrl.u32 @!p0 s13, $0x3;
	s11 =	simm.s32 $0x3;
	s13 =	simm.s32 $0x1400  }
0xf: {  	s5 =	sadd.s32 $0x7EC00, s5;
	s30 =	sadd.s32 s8, s9;
	s9 =	sshll.u32 @!p0 s0, $0x6  }
0x10: {  	s8 =	sadd.s32 s29, s31;
	s7 =	sadd.s32 $0x800, s30;
	s9 =	sor.u32 @!p0 $0x1C03, s9  }
.LBB2_1:
0x11: {  	[spmem:s10], [sflag:s9] =	dma.local @!p0 [hbm:s4], $0x3E80  }
0x12: {  	s18 =	simm.s32 @!p0 $0x3  }
0x13: {  	_ =	swait.ge @!p0 [sflag:s18], $0x3E80  }
0x14: {  	[sflag:s18] =	ssyncset.done @!p0 $0x0  }
0x15: {  	[sflag:s18] =	ssyncadd.s32 @!p0 $0xFFFFC180  }
0x16: {  	[tilespmem:s3], [sflag:$0x3] =	stream.linear.gather [hbm4b:s5+s3], $0x1400, $0x38;
	[tilespmem:$0x1CC80] =	vst v63  }
0x17: {  	_ =	swait.ge [sflag:s11], $0x1400  }
0x18: {  	[sflag:s11] =	ssyncset.done $0x0  }
0x19: {  	[sflag:s11] =	ssyncadd.s32 $0xFFFFEC00  }
0x1a: {  	[bflag:$0x0] =	sbarrier.arrive $0xFFFF  }
0x1b: {  	[tilespmem:s13], [sflag:$0x1] =	stream.indirect.gather [spmem:s2], $0x80, s3, s12, $0xb8;
	[tilespmem:$0x1CC80] =	vst v63  }
0x1c: {  	s29 =	simm.s32 $0x80  }
0x1d: {  	[tilespmem:s14], [sflag:$0x2] =	stream.indirect.gather [spmem:s2], $0x80, s29, s12, $0xb8;
	[tilespmem:$0x1CC80] =	vst v63  }
0x1e: {  	_ =	swait.ge [sflag:s15], $0x4000  }
0x1f: {  	[sflag:s15] =	ssyncset.done $0x0  }
0x20: {  	s30 =	sadd.s32 $0x0, s8;
	[sflag:s15] =	ssyncadd.s32 $0xFFFFC000  }
0x21: {  	[hbm4b:s30+s3] =	stream.linear.scatter [tilespmem:s13], [sflag:$0x3], $0x4000, $0x38;
	[tilespmem:$0x1CC80] =	vst v63  }
0x22: {  	_ =	swait.ge [sflag:s11], $0x4000  }
0x23: {  	[sflag:s11] =	ssyncset.done $0x0  }
0x24: {  	[sflag:s11] =	ssyncadd.s32 $0xFFFFC000  }
0x25: {  	_ =	swait.ge [sflag:s16], $0x4000  }
0x26: {  	[sflag:s16] =	ssyncset.done $0x0  }
0x27: {  	s31 =	sadd.s32 $0x0, s7;
	[sflag:s16] =	ssyncadd.s32 $0xFFFFC000  }
0x28: {  	[hbm4b:s31+s3] =	stream.linear.scatter [tilespmem:s14], [sflag:$0x3], $0x4000, $0x38;
	[tilespmem:$0x1CC80] =	vst v63  }
0x29: {  	_ =	swait.ge [sflag:s11], $0x4000  }
0x2a: {  	s19 =	simm.s32 $0x0;
	s18 =	simm.s32 $0x1000;
	[sflag:s11] =	ssyncset.done $0x0  }
.LBB2_2:
0x2b: {  	p1 =	sne.s32 s18, $0x13000;
	[sflag:s11] =	ssyncadd.s32 $0xFFFFC000;
	s19 =	sadd.s32 $0x100, s19  }
0x2c: {  	[tilespmem:s13], [sflag:$0x1] =	stream.indirect.gather [spmem:s2], $0x80, s19, s12, $0xb8;
	[tilespmem:$0x1CC80] =	vst v63  }
0x2d: {  	s21 =	smov.u32 s18;
	s18 =	sadd.s32 $0x1000, s18;
	s20 =	sadd.s32 $0x80, s19  }
0x2e: {  	[tilespmem:s14], [sflag:$0x2] =	stream.indirect.gather [spmem:s2], $0x80, s20, s12, $0xb8;
	[tilespmem:$0x1CC80] =	vst v63  }
0x2f: {  	_ =	swait.ge [sflag:s15], $0x4000  }
0x30: {  	[sflag:s15] =	ssyncset.done $0x0  }
0x31: {  	s20 =	sadd.s32 s21, s8;
	[sflag:s15] =	ssyncadd.s32 $0xFFFFC000  }
0x32: {  	[hbm4b:s20+s3] =	stream.linear.scatter [tilespmem:s13], [sflag:$0x3], $0x4000, $0x38;
	[tilespmem:$0x1CC80] =	vst v63  }
0x33: {  	_ =	swait.ge [sflag:s11], $0x4000  }
0x34: {  	[sflag:s11] =	ssyncset.done $0x0  }
0x35: {  	[sflag:s11] =	ssyncadd.s32 $0xFFFFC000  }
0x36: {  	_ =	swait.ge [sflag:s16], $0x4000  }
.Ltmp0:
0x37: {  	[sflag:s16] =	ssyncset.done $0x0;
	(pc) =	sbr.rel @p1 .LBB2_2-.Ltmp0, $4  }
0x38: {  	s20 =	sadd.s32 s21, s7;
	[sflag:s16] =	ssyncadd.s32 $0xFFFFC000  }
0x39: {  	[hbm4b:s20+s3] =	stream.linear.scatter [tilespmem:s14], [sflag:$0x3], $0x4000, $0x38;
	[tilespmem:$0x1CC80] =	vst v63  }
0x3a: {  	_ =	swait.ge [sflag:s11], $0x4000  }
0x3b: {  	[sflag:s11] =	ssyncset.done $0x0  }
0x3c: {  	s17 =	sadd.s32 $0x1, s17  }
0x3d: {  	p1 =	sne.s32 s17, s6  }
.Ltmp1:
0x3e: {  	_ = 	snop;
	(pc) =	sbr.rel @p1 .LBB2_1-.Ltmp1, $2  }
0x3f: {  	_ =	sdelay $0x2  }
0x40: {  	[sflag:s11] =	ssyncadd.s32 $0xFFFFC000  }
0x41: {  	_ =	sfence.sel $0x180000  }
0x42: {  	[bflag:$0x0] =	sbarrier.arrive $0xFFFF  }
0x43: {  	p0 =	sne.s32 s0, $0x0;
	_ =	strace $0x9000004A  }
0x44: {  	s0 =	sadd.s32 @!p0 $0x100000, s1;
	[bflag:$0x2] =	sbarrier.arrive $0xFFFF  }
0x45: {  	[sflag:s0] =	ssyncadd.tile.s32 @!p0 $0x1;
	_ =	shalt  }
.Lfunc_end2:
_tile_overlayer_lowered:
.L_overlay_start_2:
0x46: {  	(tag) =	ssettag $0x2  }
0x47: {  	s0 =	rddreg [dreg:$0x0];
	s2 =	stileid.u32  }
0x48: {  	s1 =	rddreg [dreg:$0x1];
	p0 =	sne.s32 s2, $0x0  }
0x49: {  	s3 =	rddreg [dreg:$0x2];
	[bflag:$0x3] =	sbarrier.arrive $0xFFFF;
	s2 =	simm.s32 @!p0 $0x1C03  }
0x4a: {  	[timem:s3], [sflag:s2] =	dma.local @!p0 [hbm:s0], s1  }
0x4b: {  	s0 =	simm.s32 @!p0 $0x3  }
0x4c: {  	_ =	swait.ge @!p0 [sflag:s0], s1  }
0x4d: {  	s1 =	ssub.s32 @!p0 $0x0, s1;
	[sflag:s0] =	ssyncset.done @!p0 $0x0  }
0x4e: {  	[sflag:s0] =	ssyncadd.s32 @!p0 s1  }
0x4f: {  	[bflag:$0x3] =	sbarrier.arrive $0xFFFF  }
0x50: {  	_ =	shalt  }

// kernel: kernel.23.cloned.1.call-start
scs
__scs_entry_jumppad:
0x0: {  	(pc) =	sbr.rel $0x88, $3  }
0x1: {  	(tag) =	ssettag $0x0;
	lr =	simm.s32 $0x1  }
0x2: {  	[smem:$0x3F8B] =	sst lr;
	_ =	strace $0xD0000000  }
0x3: {  	_ = 	snop  }
0x4: {  	_ = 	snop  }
0x5: {  	_ = 	snop  }
0x6: {  	_ = 	snop  }
0x7: {  	_ = 	snop  }
__scs_overlays_trampoline_lowered:
0x8: {  	[smem:$0x3F9A] =	sst s0  }
0x9: {  	[smem:$0x3F9B] =	sst s1  }
0xa: {  	[smem:$0x3F9C] =	sst s2  }
0xb: {  	[smem:$0x3F9D] =	sst s3  }
0xc: {  	[smem:$0x3F9E] =	sst s4  }
0xd: {  	[smem:$0x3F9F] =	sst s5  }
0xe: {  	[smem:$0x3FA0] =	sst s6  }
0xf: {  	[smem:$0x3FA1] =	sst s7  }
0x10: {  	[smem:$0x3FA2] =	sst s8  }
0x11: {  	[smem:$0x3FA3] =	sst s9;
	s0 =	simm.s32 @!p0 $0x0  }
0x12: {  	s1 =	sld [smem:$0x3F89];
	s0 =	simm.s32 @p0 $0x1  }
0x13: {  	[smem:$0x3FA4] =	sst s0;
	s0 =	simm.s32 @!p1 $0x0  }
0x14: {  	s2 =	sld [smem:$0x3F88];
	s0 =	simm.s32 @p1 $0x1  }
0x15: {  	[smem:$0x3FA5] =	sst s0;
	s0 =	simm.s32 @!p2 $0x0  }
0x16: {  	s3 =	sld [smem:$0x3FDB];
	s0 =	simm.s32 @p2 $0x1  }
0x17: {  	s4 =	simm.s32 $0x1BF5;
	[smem:$0x3FA7] =	sst s0  }
0x18: {  	s0 =	sld [smem:$0x3F8A];
	_ =	swait.ge [sflag:s4], $0x0  }
0x19: {  	s7 =	sld [smem:$0x3F8B]  }
0x1a: {  	s8 =	sadd.s32 $0xFFFFE003, lr  }
0x1b: {  	s9 =	sadd.s32 $0xFFFFFEF7, lr;
	s5 =	simm.s32 $0xFFFFFFFF;
	p2 =	slt.u32 s8, $0xFFFFF086  }
0x1c: {  	p1 =	slt.u32 s9, $0xF7A;
	s5 =	simm.s32 @!p2 $0x0  }
0x1d: {  	s5 =	simm.s32 @p1 $0x1;
	p0 =	seq.s32 s7, s2  }
0x1e: {  	s7 =	smul.u32 @!p0 $0xF7A, s2;
	p2 =	seq.s32 @!p0 s5, $0x0  }
0x1f: {  	s9 =	smul.u32 $0xF7A, s1;
	s8 =	simm.s32 @!p0 $0x1BF5;
	p2 =	por !p2, p0  }
0x20: {  	[sflag:s8] =	ssyncset.s32 @!p0 $0xFFFFF086;
	s6 =	sadd.s32 @!p0 s3, s7;
	s7 =	simm.s32 @!p0 $0x108  }
0x21: {  	s3 =	sadd.s32 s3, s9;
	s6 =	sadd.s32 @!p0 $0x88, s6;
	s7 =	simm.s32 @p2 $0x1082  }
0x22: {  	[simem:s7], [sflag:s8] =	dma.local @!p0 [hbm:s6], $0xF7A  }
0x23: {  	s9 =	sor.u32 $0xD0000000, s2;
	s6 =	simm.s32 $0x108;
	_ =	swait.ge @!p0 [sflag:s8], $0x0  }
0x24: {  	s3 =	sadd.s32 $0x88, s3;
	s6 =	simm.s32 @!p1 $0x1082;
	[sflag:s4] =	ssyncset.s32 $0xFFFFF086  }
0x25: {  	[simem:s6], [sflag:s4] =	dma.local [hbm:s3], $0xF7A  }
0x26: {  	[smem:$0x3F8B] =	sst s1;
	(tag) =	ssettag s2;
	_ =	strace s9  }
0x27: {  	s1 =	sld [smem:$0x3F9B]  }
0x28: {  	s2 =	sld [smem:$0x3F9C]  }
0x29: {  	s4 =	sld [smem:$0x3F9E]  }
0x2a: {  	p0 =	seq.s32 s5, $0x0;
	s5 =	sld [smem:$0x3F9F]  }
0x2b: {  	s6 =	sld [smem:$0x3FA0]  }
0x2c: {  	s7 =	sld [smem:$0x3FA1]  }
0x2d: {  	s3 =	simm.s32 $0x108;
	s8 =	sld [smem:$0x3FA2]  }
0x2e: {  	s3 =	simm.s32 @!p0 $0x1082;
	s9 =	sld [smem:$0x3FA3]  }
0x2f: {  	lr =	sadd.s32 s0, s3;
	s0 =	sld [smem:$0x3F9A]  }
0x30: {  	s3 =	sld [smem:$0x3F9D]  }
0x31: {  	[smem:$0x3FA6] =	sst s10  }
0x32: {  	s10 =	sld [smem:$0x3FA4];
	_ =	sdelay $0x3  }
0x33: {  	p0 =	seq.s32 s10, $0x1;
	s10 =	sld [smem:$0x3FA6];
	_ =	sdelay $0x3  }
0x34: {  	[smem:$0x3FA6] =	sst s10  }
0x35: {  	s10 =	sld [smem:$0x3FA5];
	_ =	sdelay $0x3  }
0x36: {  	p1 =	seq.s32 s10, $0x1;
	s10 =	sld [smem:$0x3FA6];
	_ =	sdelay $0x3  }
0x37: {  	[smem:$0x3FA6] =	sst s10  }
0x38: {  	s10 =	sld [smem:$0x3FA7]  }
0x39: {  	_ = 	snop;
	(pc) =	sbr.ind lr, $3  }
0x3a: {  	_ = 	snop  }
0x3b: {  	_ = 	snop  }
0x3c: {  	p2 =	seq.s32 s10, $0x1;
	s10 =	sld [smem:$0x3FA6]  }
0x3d: {  	_ =	shalt  }
0x3e: {  	_ =	shalt  }
0x3f: {  	_ =	shalt  }
0x40: {  	_ =	shalt  }
0x41: {  	_ =	shalt  }
0x42: {  	_ =	shalt  }
0x43: {  	_ =	shalt  }
0x44: {  	_ =	shalt  }
0x45: {  	_ =	shalt  }
0x46: {  	_ =	shalt  }
0x47: {  	_ =	shalt  }
0x48: {  	_ =	shalt  }
0x49: {  	_ =	shalt  }
0x4a: {  	_ =	shalt  }
0x4b: {  	_ =	shalt  }
0x4c: {  	_ =	shalt  }
0x4d: {  	_ =	shalt  }
0x4e: {  	_ =	shalt  }
0x4f: {  	_ =	shalt  }
0x50: {  	_ =	shalt  }
0x51: {  	_ =	shalt  }
0x52: {  	_ =	shalt  }
0x53: {  	_ =	shalt  }
0x54: {  	_ =	shalt  }
0x55: {  	_ =	shalt  }
0x56: {  	_ =	shalt  }
0x57: {  	_ =	shalt  }
0x58: {  	_ =	shalt  }
0x59: {  	_ =	shalt  }
0x5a: {  	_ =	shalt  }
0x5b: {  	_ =	shalt  }
0x5c: {  	_ =	shalt  }
0x5d: {  	_ =	shalt  }
0x5e: {  	_ =	shalt  }
0x5f: {  	_ =	shalt  }
0x60: {  	_ =	shalt  }
0x61: {  	_ =	shalt  }
0x62: {  	_ =	shalt  }
0x63: {  	_ =	shalt  }
0x64: {  	_ =	shalt  }
0x65: {  	_ =	shalt  }
0x66: {  	_ =	shalt  }
0x67: {  	_ =	shalt  }
0x68: {  	_ =	shalt  }
0x69: {  	_ =	shalt  }
0x6a: {  	_ =	shalt  }
0x6b: {  	_ =	shalt  }
0x6c: {  	_ =	shalt  }
0x6d: {  	_ =	shalt  }
0x6e: {  	_ =	shalt  }
0x6f: {  	_ =	shalt  }
0x70: {  	_ =	shalt  }
0x71: {  	_ =	shalt  }
0x72: {  	_ =	shalt  }
0x73: {  	_ =	shalt  }
0x74: {  	_ =	shalt  }
0x75: {  	_ =	shalt  }
0x76: {  	_ =	shalt  }
0x77: {  	_ =	shalt  }
0x78: {  	_ =	shalt  }
0x79: {  	_ =	shalt  }
0x7a: {  	_ =	shalt  }
0x7b: {  	_ =	shalt  }
0x7c: {  	_ =	shalt  }
0x7d: {  	_ =	shalt  }
0x7e: {  	_ =	shalt  }
0x7f: {  	_ =	shalt  }
0x80: {  	_ =	shalt  }
0x81: {  	_ =	shalt  }
0x82: {  	_ =	shalt  }
0x83: {  	_ =	shalt  }
0x84: {  	_ =	shalt  }
0x85: {  	_ =	shalt  }
0x86: {  	_ =	shalt  }
0x87: {  	_ =	shalt  }
.Lfunc_end0:
.L_simem_size_0:
called_computation.1_lowered:
.L_overlay_start_0:
0x88: {  	s2 =	sld [smem:$0x3FD9]  }
0x89: {  	s3 =	sld [smem:$0x3FFE];
	_ =	sdelay $0x1  }
0x8a: {  	s1 =	srdreg.scid  }
0x8b: {  	s0 =	sand.u32 $0x1, s1  }
0x8c: {  	s16 =	sshll.u32 s0, $0xA;
	s2 =	sadd.s32 s3, s2  }
0x8d: {  	s2 =	sadd.s32 s2, s16  }
0x8e: {  	[smem:$0x3FB2] =	sst s2  }
0x8f: {  	_ = 	snop  }
0x90: {  	(tm) =	ssettm $0x1  }
0x91: {  	s17 =	sld [smem:$0x3FFB];
	_ =	sdelay $0x3  }
0x92: {  	_ =	strace s17  }
0x93: {  	s2 =	sld [smem:$0x3FFC];
	_ =	sdelay $0x3  }
0x94: {  	_ =	strace s2  }
0x95: {  	s2 =	sld [smem:$0x3FFD];
	_ =	sdelay $0x3  }
0x96: {  	_ =	strace s2  }
0x97: {  	_ =	strace $0x8FFFFFFF  }
0x98: {  	s18 =	sld [smem:$0x3FDB];
	_ =	sdelay $0x1  }
0x99: {  	s19 =	simm.s32 $_scs_section_size  }
0x9a: {  	s4 =	simm.s32 $_size__tile_overlayer_lowered;
	s5 =	simm.s32 $_tile_overlayer_lowered  }
0x9b: {  	s22 =	simm.s32 $0x1BFF;
	s21 =	sshll.u32 s5, $0x1;
	s2 =	sadd.s32 s19, s18  }
0x9c: {  	s6 =	simm.s32 $0x0;
	s20 =	sshll.u32 s4, $0x1;
	s4 =	sadd.s32 s21, s2  }
0x9d: {  	[timem:s6], [sflag:s22] =	dma.local [hbm:s4], s20  }
0x9e: {  	_ =	swait.ge [sflag:s22], s20  }
0x9f: {  	s3 =	ssub.s32 $0x0, s20;
	[sflag:s22] =	ssyncset.done $0x0  }
0xa0: {  	[sflag:s22] =	ssyncadd.s32 s3;
	_ =	sdelay $0x1  }
0xa1: {  	s23 =	simm.s32 $0x1B8B  }
0xa2: {  	_ =	swait.ge [sflag:s23], $0x1  }
0xa3: {  	[sflag:s23] =	ssyncset.done $0x0  }
0xa4: {  	s25 =	simm.s32 $0x1B8E;
	s24 =	sld [smem:$0x3FFE];
	[sflag:s23] =	ssyncadd.s32 $0xFFFFFFFF  }
0xa5: {  	s26 =	simm.s32 $execute0_lowered;
	[smem:$0x3FD2] =	sst s25  }
0xa6: {  	s4 =	sshll.u32 s26, $0x1;
	_ =	strace $0x80000046;
	[dreg:$0x1] =	wrdreg $0xFFFFFFFF  }
0xa7: {  	s28 =	simm.s32 $_size_execute0_lowered;
	s2 =	sadd.s32 s2, s4;
	[dreg:$0x0] =	wrdreg $0x0  }
0xa8: {  	s4 =	sshll.u32 s28, $0x1;
	[dreg:$0x2] =	wrdreg s2  }
0xa9: {  	[dreg:$0x3] =	wrdreg s4  }
0xaa: {  	[dreg:$0x4] =	wrdreg $0xC0  }
0xab: {  	_ =	task [dreg:s6], $0x5FFFF  }
0xac: {  	[dreg:$0x1] =	wrdreg $0xFFFFFFFF  }
0xad: {  	[dreg:$0x0] =	wrdreg $0x60  }
0xae: {  	[dreg:$0x2] =	wrdreg s24  }
0xaf: {  	[dreg:$0x3] =	wrdreg $0x94000  }
0xb0: {  	[dreg:$0x4] =	wrdreg $0xB  }
0xb1: {  	_ =	task.clear_ibuf [dreg:s6], $0x5FFFF;
	_ =	strace $0x90000046  }
0xb2: {  	s29 =	simm.s32 $0xB;
	_ =	strace $0x80000048  }
0xb3: {  	_ =	swait.ge [sflag:s29], $0x1  }
0xb4: {  	[sflag:s29] =	ssyncadd.s32 $0xFFFFFFFF  }
0xb5: {  	_ =	strace $0x90000048  }
0xb6: {  	_ =	sfence  }
0xb7: {  	s30 =	sld [smem:$0x0];
	_ =	sdelay $0x2  }
0xb8: {  	s31 =	sshll.u32 s1, $0xD;
	s1 =	sshrl.u32 s1, $0x2  }
0xb9: {  	s3 =	sand.u32 $0x4000, s31;
	s1 =	sadd.s32 s1, s30  }
0xba: {  	s0 =	sor.u32 s3, s0;
	s1 =	sshll.u32 s1, $0x11  }
0xbb: {  	s0 =	sor.u32 s1, s0  }
0xbc: {  	s0 =	sadd.s32 $0x8F2B, s0  }
0xbd: {  	[sflag:s0] =	ssyncadd.remote.s32 $0x1  }
0xbe: {  	_ =	sfence.sel $0xFFFF  }
0xbf: {  	[dreg:$0x0] =	wrdreg $0xFFFFFFFF;
	(pc) =	sbr.abs _section_cstart, $3  }
0xc0: {  	[dreg:$0x1] =	wrdreg $0xFFFFFFFF  }
0xc1: {  	_ =	task.clear_ibuf [dreg:s6], $0x2FFFF;
	_ =	strace $0x9FFFFFFF  }
0xc2: {  	(tm) =	ssettm $0x7FFFFFFF  }
0xc3: {  	_ =	shalt  }
tec
execute0_lowered:
.L_overlay_start_1:
0x0: {  	(tag) =	ssettag $0x1  }
0x1: {  	s1 =	srdreg.scid;
	s4 =	rddreg [dreg:$0x0]  }
0x2: {  	s0 =	stileid.u32;
	s2 =	rddreg [dreg:$0x1]  }
0x3: {  	s3 =	simm.s32 $0x0;
	s14 =	simm.s32 $0x5400;
	s6 =	smul.u32 $0x3E80, s0  }
0x4: {  	s15 =	simm.s32 $0x1;
	s16 =	simm.s32 $0x2;
	s8 =	smul.u32 $0x7D000, s0  }
0x5: {  	s17 =	simm.s32 $0x0;
	s7 =	sand.u32 $0x1, s1;
	s10 =	smul.u32 $0x50, s0  }
0x6: {  	s24 =	sshll.u32 s0, $0x1;
	s1 =	rddreg [dreg:$0x2];
	s28 =	smul.u32 $0x28000, s0  }
0x7: {  	[smem:$0x7FF] =	sst s3;
	s9 =	sadd.s32 $0x88C00, s4;
	s12 =	smul.u32 $0x28, s7  }
0x8: {  	p0 =	sgt.u32 s0, $0x9;
	s5 =	sor.u32 s7, s24;
	s29 =	smul.u32 $0x14000, s7  }
0x9: {  	_ =	strace $0x80000047;
	s25 =	ssub.s32 $0x2, s7;
	s5 =	smul.u32 $0x280, s5  }
0xa: {  	s6 =	sadd.s32 s6, s4;
	s11 =	sshrl.u32 s25, $0x1;
	s8 =	sshrl.u32 s8, $0x2  }
0xb: {  	s31 =	sadd.s32 s28, s9;
	s11 =	ssub.s32 s25, s11;
	s13 =	sadd.s32 s8, s2  }
0xc: {  	s26 =	sadd.s32 s12, s10;
	s12 =	simm.s32 $0x80;
	s5 =	sadd.s32 s5, s4  }
0xd: {  	s4 =	sadd.s32 $0x57A00, s6;
	s6 =	smax.u32 s11, $0x1;
	s8 =	sshll.u32 s26, $0xB  }
0xe: {  	s10 =	sshrl.u32 @!p0 s13, $0x3;
	s11 =	simm.s32 $0x3;
	s13 =	simm.s32 $0x1400  }
0xf: {  	s5 =	sadd.s32 $0x83C00, s5;
	s30 =	sadd.s32 s8, s9;
	s9 =	sshll.u32 @!p0 s0, $0x6  }
0x10: {  	s8 =	sadd.s32 s29, s31;
	s7 =	sadd.s32 $0x800, s30;
	s9 =	sor.u32 @!p0 $0x1C03, s9  }
.LBB2_1:
0x11: {  	[spmem:s10], [sflag:s9] =	dma.local @!p0 [hbm:s4], $0x3E80  }
0x12: {  	s18 =	simm.s32 @!p0 $0x3  }
0x13: {  	_ =	swait.ge @!p0 [sflag:s18], $0x3E80  }
0x14: {  	[sflag:s18] =	ssyncset.done @!p0 $0x0  }
0x15: {  	[sflag:s18] =	ssyncadd.s32 @!p0 $0xFFFFC180  }
0x16: {  	[tilespmem:s3], [sflag:$0x3] =	stream.linear.gather [hbm4b:s5+s3], $0x1400, $0x38;
	[tilespmem:$0x1CC80] =	vst v63  }
0x17: {  	_ =	swait.ge [sflag:s11], $0x1400  }
0x18: {  	[sflag:s11] =	ssyncset.done $0x0  }
0x19: {  	[sflag:s11] =	ssyncadd.s32 $0xFFFFEC00  }
0x1a: {  	[bflag:$0x0] =	sbarrier.arrive $0xFFFF  }
0x1b: {  	[tilespmem:s13], [sflag:$0x1] =	stream.indirect.gather [spmem:s2], $0x80, s3, s12, $0xb8;
	[tilespmem:$0x1CC80] =	vst v63  }
0x1c: {  	s29 =	simm.s32 $0x80  }
0x1d: {  	[tilespmem:s14], [sflag:$0x2] =	stream.indirect.gather [spmem:s2], $0x80, s29, s12, $0xb8;
	[tilespmem:$0x1CC80] =	vst v63  }
0x1e: {  	_ =	swait.ge [sflag:s15], $0x4000  }
0x1f: {  	[sflag:s15] =	ssyncset.done $0x0  }
0x20: {  	s30 =	sadd.s32 $0x0, s8;
	[sflag:s15] =	ssyncadd.s32 $0xFFFFC000  }
0x21: {  	[hbm4b:s30+s3] =	stream.linear.scatter [tilespmem:s13], [sflag:$0x3], $0x4000, $0x38;
	[tilespmem:$0x1CC80] =	vst v63  }
0x22: {  	_ =	swait.ge [sflag:s11], $0x4000  }
0x23: {  	[sflag:s11] =	ssyncset.done $0x0  }
0x24: {  	[sflag:s11] =	ssyncadd.s32 $0xFFFFC000  }
0x25: {  	_ =	swait.ge [sflag:s16], $0x4000  }
0x26: {  	[sflag:s16] =	ssyncset.done $0x0  }
0x27: {  	s31 =	sadd.s32 $0x0, s7;
	[sflag:s16] =	ssyncadd.s32 $0xFFFFC000  }
0x28: {  	[hbm4b:s31+s3] =	stream.linear.scatter [tilespmem:s14], [sflag:$0x3], $0x4000, $0x38;
	[tilespmem:$0x1CC80] =	vst v63  }
0x29: {  	_ =	swait.ge [sflag:s11], $0x4000  }
0x2a: {  	s19 =	simm.s32 $0x0;
	s18 =	simm.s32 $0x1000;
	[sflag:s11] =	ssyncset.done $0x0  }
.LBB2_2:
0x2b: {  	p1 =	sne.s32 s18, $0x13000;
	[sflag:s11] =	ssyncadd.s32 $0xFFFFC000;
	s19 =	sadd.s32 $0x100, s19  }
0x2c: {  	[tilespmem:s13], [sflag:$0x1] =	stream.indirect.gather [spmem:s2], $0x80, s19, s12, $0xb8;
	[tilespmem:$0x1CC80] =	vst v63  }
0x2d: {  	s21 =	smov.u32 s18;
	s18 =	sadd.s32 $0x1000, s18;
	s20 =	sadd.s32 $0x80, s19  }
0x2e: {  	[tilespmem:s14], [sflag:$0x2] =	stream.indirect.gather [spmem:s2], $0x80, s20, s12, $0xb8;
	[tilespmem:$0x1CC80] =	vst v63  }
0x2f: {  	_ =	swait.ge [sflag:s15], $0x4000  }
0x30: {  	[sflag:s15] =	ssyncset.done $0x0  }
0x31: {  	s20 =	sadd.s32 s21, s8;
	[sflag:s15] =	ssyncadd.s32 $0xFFFFC000  }
0x32: {  	[hbm4b:s20+s3] =	stream.linear.scatter [tilespmem:s13], [sflag:$0x3], $0x4000, $0x38;
	[tilespmem:$0x1CC80] =	vst v63  }
0x33: {  	_ =	swait.ge [sflag:s11], $0x4000  }
0x34: {  	[sflag:s11] =	ssyncset.done $0x0  }
0x35: {  	[sflag:s11] =	ssyncadd.s32 $0xFFFFC000  }
0x36: {  	_ =	swait.ge [sflag:s16], $0x4000  }
.Ltmp0:
0x37: {  	[sflag:s16] =	ssyncset.done $0x0;
	(pc) =	sbr.rel @p1 .LBB2_2-.Ltmp0, $4  }
0x38: {  	s20 =	sadd.s32 s21, s7;
	[sflag:s16] =	ssyncadd.s32 $0xFFFFC000  }
0x39: {  	[hbm4b:s20+s3] =	stream.linear.scatter [tilespmem:s14], [sflag:$0x3], $0x4000, $0x38;
	[tilespmem:$0x1CC80] =	vst v63  }
0x3a: {  	_ =	swait.ge [sflag:s11], $0x4000  }
0x3b: {  	[sflag:s11] =	ssyncset.done $0x0  }
0x3c: {  	s17 =	sadd.s32 $0x1, s17  }
0x3d: {  	p1 =	sne.s32 s17, s6  }
.Ltmp1:
0x3e: {  	_ = 	snop;
	(pc) =	sbr.rel @p1 .LBB2_1-.Ltmp1, $2  }
0x3f: {  	_ =	sdelay $0x2  }
0x40: {  	[sflag:s11] =	ssyncadd.s32 $0xFFFFC000  }
0x41: {  	_ =	sfence.sel $0x180000  }
0x42: {  	[bflag:$0x0] =	sbarrier.arrive $0xFFFF  }
0x43: {  	p0 =	sne.s32 s0, $0x0;
	_ =	strace $0x90000047  }
0x44: {  	s0 =	sadd.s32 @!p0 $0x100000, s1;
	[bflag:$0x2] =	sbarrier.arrive $0xFFFF  }
0x45: {  	[sflag:s0] =	ssyncadd.tile.s32 @!p0 $0x1;
	_ =	shalt  }
.Lfunc_end2:
_tile_overlayer_lowered:
.L_overlay_start_2:
0x46: {  	(tag) =	ssettag $0x2  }
0x47: {  	s0 =	rddreg [dreg:$0x0];
	s2 =	stileid.u32  }
0x48: {  	s1 =	rddreg [dreg:$0x1];
	p0 =	sne.s32 s2, $0x0  }
0x49: {  	s3 =	rddreg [dreg:$0x2];
	[bflag:$0x3] =	sbarrier.arrive $0xFFFF;
	s2 =	simm.s32 @!p0 $0x1C03  }
0x4a: {  	[timem:s3], [sflag:s2] =	dma.local @!p0 [hbm:s0], s1  }
0x4b: {  	s0 =	simm.s32 @!p0 $0x3  }
0x4c: {  	_ =	swait.ge @!p0 [sflag:s0], s1  }
0x4d: {  	s1 =	ssub.s32 @!p0 $0x0, s1;
	[sflag:s0] =	ssyncset.done @!p0 $0x0  }
0x4e: {  	[sflag:s0] =	ssyncadd.s32 @!p0 s1  }
0x4f: {  	[bflag:$0x3] =	sbarrier.arrive $0xFFFF  }
0x50: {  	_ =	shalt  }

// kernel: kernel.26.cloned.1.call-start
scs
__scs_entry_jumppad:
0x0: {  	(pc) =	sbr.rel $0x88, $3  }
0x1: {  	(tag) =	ssettag $0x0;
	lr =	simm.s32 $0x1  }
0x2: {  	[smem:$0x3F8B] =	sst lr;
	_ =	strace $0xD0000000  }
0x3: {  	_ = 	snop  }
0x4: {  	_ = 	snop  }
0x5: {  	_ = 	snop  }
0x6: {  	_ = 	snop  }
0x7: {  	_ = 	snop  }
__scs_overlays_trampoline_lowered:
0x8: {  	[smem:$0x3F9A] =	sst s0  }
0x9: {  	[smem:$0x3F9B] =	sst s1  }
0xa: {  	[smem:$0x3F9C] =	sst s2  }
0xb: {  	[smem:$0x3F9D] =	sst s3  }
0xc: {  	[smem:$0x3F9E] =	sst s4  }
0xd: {  	[smem:$0x3F9F] =	sst s5  }
0xe: {  	[smem:$0x3FA0] =	sst s6  }
0xf: {  	[smem:$0x3FA1] =	sst s7  }
0x10: {  	[smem:$0x3FA2] =	sst s8  }
0x11: {  	[smem:$0x3FA3] =	sst s9;
	s0 =	simm.s32 @!p0 $0x0  }
0x12: {  	s1 =	sld [smem:$0x3F89];
	s0 =	simm.s32 @p0 $0x1  }
0x13: {  	[smem:$0x3FA4] =	sst s0;
	s0 =	simm.s32 @!p1 $0x0  }
0x14: {  	s2 =	sld [smem:$0x3F88];
	s0 =	simm.s32 @p1 $0x1  }
0x15: {  	[smem:$0x3FA5] =	sst s0;
	s0 =	simm.s32 @!p2 $0x0  }
0x16: {  	s3 =	sld [smem:$0x3FDB];
	s0 =	simm.s32 @p2 $0x1  }
0x17: {  	s4 =	simm.s32 $0x1BF5;
	[smem:$0x3FA7] =	sst s0  }
0x18: {  	s0 =	sld [smem:$0x3F8A];
	_ =	swait.ge [sflag:s4], $0x0  }
0x19: {  	s7 =	sld [smem:$0x3F8B]  }
0x1a: {  	s8 =	sadd.s32 $0xFFFFE003, lr  }
0x1b: {  	s9 =	sadd.s32 $0xFFFFFEF7, lr;
	s5 =	simm.s32 $0xFFFFFFFF;
	p2 =	slt.u32 s8, $0xFFFFF086  }
0x1c: {  	p1 =	slt.u32 s9, $0xF7A;
	s5 =	simm.s32 @!p2 $0x0  }
0x1d: {  	s5 =	simm.s32 @p1 $0x1;
	p0 =	seq.s32 s7, s2  }
0x1e: {  	s7 =	smul.u32 @!p0 $0xF7A, s2;
	p2 =	seq.s32 @!p0 s5, $0x0  }
0x1f: {  	s9 =	smul.u32 $0xF7A, s1;
	s8 =	simm.s32 @!p0 $0x1BF5;
	p2 =	por !p2, p0  }
0x20: {  	[sflag:s8] =	ssyncset.s32 @!p0 $0xFFFFF086;
	s6 =	sadd.s32 @!p0 s3, s7;
	s7 =	simm.s32 @!p0 $0x108  }
0x21: {  	s3 =	sadd.s32 s3, s9;
	s6 =	sadd.s32 @!p0 $0x88, s6;
	s7 =	simm.s32 @p2 $0x1082  }
0x22: {  	[simem:s7], [sflag:s8] =	dma.local @!p0 [hbm:s6], $0xF7A  }
0x23: {  	s9 =	sor.u32 $0xD0000000, s2;
	s6 =	simm.s32 $0x108;
	_ =	swait.ge @!p0 [sflag:s8], $0x0  }
0x24: {  	s3 =	sadd.s32 $0x88, s3;
	s6 =	simm.s32 @!p1 $0x1082;
	[sflag:s4] =	ssyncset.s32 $0xFFFFF086  }
0x25: {  	[simem:s6], [sflag:s4] =	dma.local [hbm:s3], $0xF7A  }
0x26: {  	[smem:$0x3F8B] =	sst s1;
	(tag) =	ssettag s2;
	_ =	strace s9  }
0x27: {  	s1 =	sld [smem:$0x3F9B]  }
0x28: {  	s2 =	sld [smem:$0x3F9C]  }
0x29: {  	s4 =	sld [smem:$0x3F9E]  }
0x2a: {  	p0 =	seq.s32 s5, $0x0;
	s5 =	sld [smem:$0x3F9F]  }
0x2b: {  	s6 =	sld [smem:$0x3FA0]  }
0x2c: {  	s7 =	sld [smem:$0x3FA1]  }
0x2d: {  	s3 =	simm.s32 $0x108;
	s8 =	sld [smem:$0x3FA2]  }
0x2e: {  	s3 =	simm.s32 @!p0 $0x1082;
	s9 =	sld [smem:$0x3FA3]  }
0x2f: {  	lr =	sadd.s32 s0, s3;
	s0 =	sld [smem:$0x3F9A]  }
0x30: {  	s3 =	sld [smem:$0x3F9D]  }
0x31: {  	[smem:$0x3FA6] =	sst s10  }
0x32: {  	s10 =	sld [smem:$0x3FA4];
	_ =	sdelay $0x3  }
0x33: {  	p0 =	seq.s32 s10, $0x1;
	s10 =	sld [smem:$0x3FA6];
	_ =	sdelay $0x3  }
0x34: {  	[smem:$0x3FA6] =	sst s10  }
0x35: {  	s10 =	sld [smem:$0x3FA5];
	_ =	sdelay $0x3  }
0x36: {  	p1 =	seq.s32 s10, $0x1;
	s10 =	sld [smem:$0x3FA6];
	_ =	sdelay $0x3  }
0x37: {  	[smem:$0x3FA6] =	sst s10  }
0x38: {  	s10 =	sld [smem:$0x3FA7]  }
0x39: {  	_ = 	snop;
	(pc) =	sbr.ind lr, $3  }
0x3a: {  	_ = 	snop  }
0x3b: {  	_ = 	snop  }
0x3c: {  	p2 =	seq.s32 s10, $0x1;
	s10 =	sld [smem:$0x3FA6]  }
0x3d: {  	_ =	shalt  }
0x3e: {  	_ =	shalt  }
0x3f: {  	_ =	shalt  }
0x40: {  	_ =	shalt  }
0x41: {  	_ =	shalt  }
0x42: {  	_ =	shalt  }
0x43: {  	_ =	shalt  }
0x44: {  	_ =	shalt  }
0x45: {  	_ =	shalt  }
0x46: {  	_ =	shalt  }
0x47: {  	_ =	shalt  }
0x48: {  	_ =	shalt  }
0x49: {  	_ =	shalt  }
0x4a: {  	_ =	shalt  }
0x4b: {  	_ =	shalt  }
0x4c: {  	_ =	shalt  }
0x4d: {  	_ =	shalt  }
0x4e: {  	_ =	shalt  }
0x4f: {  	_ =	shalt  }
0x50: {  	_ =	shalt  }
0x51: {  	_ =	shalt  }
0x52: {  	_ =	shalt  }
0x53: {  	_ =	shalt  }
0x54: {  	_ =	shalt  }
0x55: {  	_ =	shalt  }
0x56: {  	_ =	shalt  }
0x57: {  	_ =	shalt  }
0x58: {  	_ =	shalt  }
0x59: {  	_ =	shalt  }
0x5a: {  	_ =	shalt  }
0x5b: {  	_ =	shalt  }
0x5c: {  	_ =	shalt  }
0x5d: {  	_ =	shalt  }
0x5e: {  	_ =	shalt  }
0x5f: {  	_ =	shalt  }
0x60: {  	_ =	shalt  }
0x61: {  	_ =	shalt  }
0x62: {  	_ =	shalt  }
0x63: {  	_ =	shalt  }
0x64: {  	_ =	shalt  }
0x65: {  	_ =	shalt  }
0x66: {  	_ =	shalt  }
0x67: {  	_ =	shalt  }
0x68: {  	_ =	shalt  }
0x69: {  	_ =	shalt  }
0x6a: {  	_ =	shalt  }
0x6b: {  	_ =	shalt  }
0x6c: {  	_ =	shalt  }
0x6d: {  	_ =	shalt  }
0x6e: {  	_ =	shalt  }
0x6f: {  	_ =	shalt  }
0x70: {  	_ =	shalt  }
0x71: {  	_ =	shalt  }
0x72: {  	_ =	shalt  }
0x73: {  	_ =	shalt  }
0x74: {  	_ =	shalt  }
0x75: {  	_ =	shalt  }
0x76: {  	_ =	shalt  }
0x77: {  	_ =	shalt  }
0x78: {  	_ =	shalt  }
0x79: {  	_ =	shalt  }
0x7a: {  	_ =	shalt  }
0x7b: {  	_ =	shalt  }
0x7c: {  	_ =	shalt  }
0x7d: {  	_ =	shalt  }
0x7e: {  	_ =	shalt  }
0x7f: {  	_ =	shalt  }
0x80: {  	_ =	shalt  }
0x81: {  	_ =	shalt  }
0x82: {  	_ =	shalt  }
0x83: {  	_ =	shalt  }
0x84: {  	_ =	shalt  }
0x85: {  	_ =	shalt  }
0x86: {  	_ =	shalt  }
0x87: {  	_ =	shalt  }
.Lfunc_end0:
.L_simem_size_0:
called_computation.2_lowered:
.L_overlay_start_0:
0x88: {  	s2 =	sld [smem:$0x3FD9]  }
0x89: {  	s3 =	sld [smem:$0x3FFE];
	_ =	sdelay $0x1  }
0x8a: {  	s1 =	srdreg.scid  }
0x8b: {  	s0 =	sand.u32 $0x1, s1  }
0x8c: {  	s17 =	sshll.u32 s0, $0xA;
	s2 =	sadd.s32 s3, s2  }
0x8d: {  	s2 =	sadd.s32 s2, s17  }
0x8e: {  	[smem:$0x3FB2] =	sst s2  }
0x8f: {  	_ = 	snop  }
0x90: {  	(tm) =	ssettm $0x1  }
0x91: {  	s18 =	sld [smem:$0x3FFB];
	_ =	sdelay $0x3  }
0x92: {  	_ =	strace s18  }
0x93: {  	s2 =	sld [smem:$0x3FFC];
	_ =	sdelay $0x3  }
0x94: {  	_ =	strace s2  }
0x95: {  	s2 =	sld [smem:$0x3FFD];
	_ =	sdelay $0x3  }
0x96: {  	_ =	strace s2  }
0x97: {  	_ =	strace $0x8FFFFFFF  }
0x98: {  	s19 =	sld [smem:$0x3FDB];
	_ =	sdelay $0x1  }
0x99: {  	s20 =	simm.s32 $_scs_section_size  }
0x9a: {  	s4 =	simm.s32 $_size__tile_overlayer_lowered;
	s5 =	simm.s32 $_tile_overlayer_lowered  }
0x9b: {  	s6 =	simm.s32 $0x1BFF;
	s21 =	sshll.u32 s5, $0x1;
	s3 =	sadd.s32 s20, s19  }
0x9c: {  	s22 =	simm.s32 $0x0;
	s4 =	sshll.u32 s4, $0x1;
	s5 =	sadd.s32 s21, s3  }
0x9d: {  	[timem:s22], [sflag:s6] =	dma.local [hbm:s5], s4  }
0x9e: {  	_ =	swait.ge [sflag:s6], s4  }
0x9f: {  	s4 =	ssub.s32 $0x0, s4;
	[sflag:s6] =	ssyncset.done $0x0  }
0xa0: {  	[sflag:s6] =	ssyncadd.s32 s4;
	_ =	sdelay $0x1  }
0xa1: {  	s23 =	simm.s32 $0x1B8B  }
0xa2: {  	_ =	swait.ge [sflag:s23], $0x1  }
0xa3: {  	[sflag:s23] =	ssyncset.done $0x0  }
0xa4: {  	[sflag:s23] =	ssyncadd.s32 $0xFFFFFFFF  }
0xa5: {  	s4 =	sld [smem:$0x0]  }
0xa6: {  	s5 =	sand.u32 $0xFFFFFFFE, s1  }
0xa7: {  	p0 =	sne.s32 s1, s5  }
0xa8: {  	s5 =	sshll.u32 @p0 s5, $0xE  }
0xa9: {  	s5 =	sadd.s32 @p0 $0x11B8D, s5;
	s6 =	sshll.u32 @p0 s4, $0x11  }
0xaa: {  	s5 =	sor.u32 @p0 s6, s5  }
0xab: {  	[sflag:s5] =	ssyncadd.remote.s32 @p0 $0x1;
	_ =	sdelay $0x1  }
0xac: {  	s5 =	simm.s32 @p0 $0x1B8D  }
0xad: {  	_ =	swait.eq @p0 [sflag:s5], $0x1  }
0xae: {  	[sflag:s5] =	ssyncadd.s32 @p0 $0xFFFFFFFF  }
0xaf: {  	s6 =	sshll.u32 @!p0 s1, $0xE  }
0xb0: {  	s6 =	sor.u32 @!p0 $0x4000, s6;
	s5 =	simm.s32 @!p0 $0x1B8D  }
0xb1: {  	s4 =	sshll.u32 @!p0 s4, $0x11;
	s6 =	sadd.s32 @!p0 $0x11B8D, s6;
	_ =	swait.eq @!p0 [sflag:s5], $0x1  }
0xb2: {  	s4 =	sor.u32 @!p0 s4, s6;
	[sflag:s5] =	ssyncadd.s32 @!p0 $0xFFFFFFFF  }
0xb3: {  	s25 =	simm.s32 $0x1B8E;
	s24 =	sld [smem:$0x3FFE];
	[sflag:s4] =	ssyncadd.remote.s32 @!p0 $0x1  }
0xb4: {  	s26 =	simm.s32 $execute0_lowered;
	[smem:$0x3FD2] =	sst s25  }
0xb5: {  	s5 =	sshll.u32 s26, $0x1;
	_ =	strace $0x8000004C;
	[dreg:$0x1] =	wrdreg $0xFFFFFFFF  }
0xb6: {  	s28 =	simm.s32 $_size_execute0_lowered;
	s3 =	sadd.s32 s3, s5;
	[dreg:$0x0] =	wrdreg $0x0  }
0xb7: {  	s5 =	sshll.u32 s28, $0x1;
	[dreg:$0x2] =	wrdreg s3  }
0xb8: {  	[dreg:$0x3] =	wrdreg s5  }
0xb9: {  	[dreg:$0x4] =	wrdreg $0xC0  }
0xba: {  	_ =	task [dreg:s22], $0x5FFFF  }
0xbb: {  	[dreg:$0x1] =	wrdreg $0xFFFFFFFF  }
0xbc: {  	[dreg:$0x0] =	wrdreg $0x60  }
0xbd: {  	[dreg:$0x2] =	wrdreg s24  }
0xbe: {  	[dreg:$0x3] =	wrdreg $0xB8000  }
0xbf: {  	[dreg:$0x4] =	wrdreg $0x9  }
0xc0: {  	_ =	task.clear_ibuf [dreg:s22], $0x5FFFF;
	_ =	strace $0x9000004C  }
0xc1: {  	s29 =	simm.s32 $0x9;
	_ =	strace $0x8000004E  }
0xc2: {  	_ =	swait.ge [sflag:s29], $0x1  }
0xc3: {  	[sflag:s29] =	ssyncadd.s32 $0xFFFFFFFF  }
0xc4: {  	_ =	strace $0x9000004E  }
0xc5: {  	_ =	sfence  }
0xc6: {  	s30 =	sld [smem:$0x0];
	_ =	sdelay $0x2  }
0xc7: {  	s31 =	sshll.u32 s1, $0xD;
	s1 =	sshrl.u32 s1, $0x2  }
0xc8: {  	s4 =	sand.u32 $0x4000, s31;
	s1 =	sadd.s32 s1, s30  }
0xc9: {  	s0 =	sor.u32 s4, s0;
	s1 =	sshll.u32 s1, $0x11  }
0xca: {  	s0 =	sor.u32 s1, s0  }
0xcb: {  	s0 =	sadd.s32 $0x8F2B, s0  }
0xcc: {  	[sflag:s0] =	ssyncadd.remote.s32 $0x1  }
0xcd: {  	_ =	sfence.sel $0xFFFF  }
0xce: {  	[dreg:$0x0] =	wrdreg $0xFFFFFFFF;
	(pc) =	sbr.abs _section_cstart, $3  }
0xcf: {  	[dreg:$0x1] =	wrdreg $0xFFFFFFFF  }
0xd0: {  	_ =	task.clear_ibuf [dreg:s22], $0x2FFFF;
	_ =	strace $0x9FFFFFFF  }
0xd1: {  	(tm) =	ssettm $0x7FFFFFFF  }
tec
execute0_lowered:
.L_overlay_start_1:
0x0: {  	(tag) =	ssettag $0x1  }
0x1: {  	s1 =	srdreg.scid;
	s6 =	rddreg [dreg:$0x0]  }
0x2: {  	s0 =	stileid.u32;
	s2 =	rddreg [dreg:$0x1];
	s3 =	simm.s32 $0x0  }
0x3: {  	s16 =	simm.s32 $0x1;
	s17 =	simm.s32 $0x5400;
	s7 =	smul.u32 $0x1F400, s0  }
0x4: {  	s20 =	simm.s32 $0x0;
	s11 =	sand.u32 $0x1, s1;
	s10 =	smul.u32 $0x7D000, s0  }
0x5: {  	s29 =	sshll.u32 s0, $0x1;
	[smem:$0x7FF] =	sst s3;
	s14 =	smul.u32 $0x50, s0  }
0x6: {  	p0 =	sgt.u32 s0, $0x9;
	s1 =	sor.u32 s11, s29;
	s5 =	smul.u32 $0x138800, s11  }
0x7: {  	s9 =	ssub.s32 $0x2, s11;
	s15 =	smul.u32 $0x28, s11;
	s18 =	sshll.u32 @!p0 s0, $0x6  }
0x8: {  	s4 =	smul.u32 $0x280, s1;
	s1 =	rddreg [dreg:$0x2];
	_ =	strace $0x8000004D  }
0x9: {  	s30 =	sshrl.u32 s9, $0x1;
	s31 =	sshrl.u32 s10, $0x2;
	s18 =	sor.u32 @!p0 $0x1C01, s18  }
0xa: {  	s5 =	sadd.s32 s7, s5;
	s9 =	ssub.s32 s9, s30;
	s14 =	sadd.s32 s15, s14  }
0xb: {  	s15 =	simm.s32 $0x1400;
	s8 =	sadd.s32 s4, s6;
	s4 =	sadd.s32 $0x588C00, s6  }
0xc: {  	s7 =	sshrl.u32 s5, $0x3;
	s5 =	sadd.s32 $0x589400, s6;
	s9 =	smax.u32 s9, $0x1  }
0xd: {  	s7 =	sadd.s32 s7, s6;
	s6 =	sadd.s32 $0x83C00, s8;
	s8 =	sadd.s32 s31, s2  }
0xe: {  	s7 =	sadd.s32 $0x58A200, s7;
	s10 =	sadd.s32 $0x6400, s8;
	s11 =	sadd.s32 $0xC800, s8  }
0xf: {  	s12 =	sadd.s32 $0x12C00, s8;
	s13 =	sadd.s32 $0x19000, s8;
	s19 =	sshrl.u32 @!p0 s8, $0x3  }
.LBB2_1:
0x10: {  	[tilespmem:s15], [sflag:$0x1] =	stream.linear.gather [hbm4b:s4+s3], $0x4000, $0x38;
	[tilespmem:$0x1F080] =	vst v63  }
0x11: {  	_ =	swait.ge [sflag:s16], $0x4000  }
0x12: {  	[sflag:s16] =	ssyncset.done $0x0  }
0x13: {  	[sflag:s16] =	ssyncadd.s32 $0xFFFFC000  }
0x14: {  	[tilespmem:s17], [sflag:$0x1] =	stream.linear.gather [hbm4b:s5+s3], $0x6400, $0x38;
	[tilespmem:$0x1F080] =	vst v63  }
0x15: {  	_ =	swait.ge [sflag:s16], $0x6400  }
0x16: {  	[sflag:s16] =	ssyncset.done $0x0  }
0x17: {  	s21 =	simm.s32 @!p0 $0x5400;
	s22 =	simm.s32 @!p0 $0x1;
	[sflag:s16] =	ssyncadd.s32 $0xFFFF9C00  }
0x18: {  	[spmem:s8] =	stream.linear.scatter @!p0 [tilespmem:s21], [sflag:$0x1], $0x6400, $0x38;
	[tilespmem:$0x1F080] =	vst v63  }
0x19: {  	_ =	swait.ge @!p0 [sflag:s22], $0x6400  }
0x1a: {  	[sflag:s22] =	ssyncset.done @!p0 $0x0  }
0x1b: {  	[sflag:s22] =	ssyncadd.s32 @!p0 $0xFFFF9C00  }
0x1c: {  	[spmem:s10] =	stream.linear.scatter @!p0 [tilespmem:s21], [sflag:$0x1], $0x6400, $0x38;
	[tilespmem:$0x1F080] =	vst v63  }
0x1d: {  	_ =	swait.ge @!p0 [sflag:s22], $0x6400  }
0x1e: {  	[sflag:s22] =	ssyncset.done @!p0 $0x0  }
0x1f: {  	[sflag:s22] =	ssyncadd.s32 @!p0 $0xFFFF9C00  }
0x20: {  	[spmem:s11] =	stream.linear.scatter @!p0 [tilespmem:s21], [sflag:$0x1], $0x6400, $0x38;
	[tilespmem:$0x1F080] =	vst v63  }
0x21: {  	_ =	swait.ge @!p0 [sflag:s22], $0x6400  }
0x22: {  	[sflag:s22] =	ssyncset.done @!p0 $0x0  }
0x23: {  	[sflag:s22] =	ssyncadd.s32 @!p0 $0xFFFF9C00  }
0x24: {  	[spmem:s12] =	stream.linear.scatter @!p0 [tilespmem:s21], [sflag:$0x1], $0x6400, $0x38;
	[tilespmem:$0x1F080] =	vst v63  }
0x25: {  	_ =	swait.ge @!p0 [sflag:s22], $0x6400  }
0x26: {  	[sflag:s22] =	ssyncset.done @!p0 $0x0  }
0x27: {  	[sflag:s22] =	ssyncadd.s32 @!p0 $0xFFFF9C00  }
0x28: {  	[spmem:s13] =	stream.linear.scatter @!p0 [tilespmem:s21], [sflag:$0x1], $0x6400, $0x38;
	[tilespmem:$0x1F080] =	vst v63  }
0x29: {  	_ =	swait.ge @!p0 [sflag:s22], $0x6400  }
0x2a: {  	[sflag:s22] =	ssyncset.done @!p0 $0x0  }
0x2b: {  	[sflag:s22] =	ssyncadd.s32 @!p0 $0xFFFF9C00  }
0x2c: {  	s31 =	sadd.s32 $0x0, s14;
	[bflag:$0x0] =	sbarrier.arrive $0xFFFF  }
0x2d: {  	[tilespmem:s3], [sflag:$0x1] =	stream.linear.gather [hbm4b:s6+s3], $0x1400, $0x38;
	[tilespmem:$0x1F080] =	vst v63  }
0x2e: {  	p1 =	sgt.u32 s31, $0x4E1;
	_ =	swait.ge [sflag:s16], $0x1400  }
0x2f: {  	s24 =	simm.s32 @!p1 $0x1;
	[sflag:s16] =	ssyncset.done $0x0  }
0x30: {  	s21 =	simm.s32 @!p1 $0x80;
	s22 =	simm.s32 @!p1 $0x1400;
	[sflag:s16] =	ssyncadd.s32 $0xFFFFEC00  }
0x31: {  	[spmem:s2] =	stream.indirect.scatter.add.f32 @!p1 [tilespmem:s22], [sflag:$0x1], $0x80, s3, s21, $0xb8;
	[tilespmem:$0x1F080] =	vst v63  }
0x32: {  	s23 =	simm.s32 $0x2;
	_ =	swait.ge @!p1 [sflag:s24], $0x4000  }
0x33: {  	s22 =	simm.s32 $0x1;
	s21 =	simm.s32 $0x80;
	[sflag:s24] =	ssyncset.done @!p1 $0x0  }
.LBB2_2:
0x34: {  	s25 =	sadd.s32 s22, s14;
	s22 =	smov.u32 s23;
	s23 =	sadd.s32 $0x1, s23  }
0x35: {  	[sflag:s24] =	ssyncadd.s32 @!p1 $0xFFFFC000;
	p2 =	sne.s32 s23, $0x28  }
.Ltmp0:
0x36: {  	p1 =	sgt.u32 s25, $0x4E1;
	(pc) =	sbr.rel @p2 .LBB2_2-.Ltmp0, $4  }
0x37: {  	s25 =	simm.s32 @!p1 $0x80;
	s26 =	simm.s32 @!p1 $0x1400;
	s24 =	simm.s32 @!p1 $0x1  }
0x38: {  	[spmem:s2] =	stream.indirect.scatter.add.f32 @!p1 [tilespmem:s26], [sflag:$0x1], $0x80, s21, s25, $0xb8;
	[tilespmem:$0x1F080] =	vst v63  }
0x39: {  	_ =	swait.ge @!p1 [sflag:s24], $0x4000  }
0x3a: {  	s21 =	sadd.s32 $0x80, s21;
	[sflag:s24] =	ssyncset.done @!p1 $0x0  }
0x3b: {  	s22 =	sadd.s32 s22, s14  }
0x3c: {  	[sflag:s24] =	ssyncadd.s32 @!p1 $0xFFFFC000;
	p1 =	sgt.u32 s22, $0x4E1  }
0x3d: {  	s22 =	simm.s32 @!p1 $0x80;
	s23 =	simm.s32 @!p1 $0x1400;
	s24 =	simm.s32 @!p1 $0x1  }
0x3e: {  	[spmem:s2] =	stream.indirect.scatter.add.f32 @!p1 [tilespmem:s23], [sflag:$0x1], $0x80, s21, s22, $0xb8;
	[tilespmem:$0x1F080] =	vst v63  }
0x3f: {  	_ =	swait.ge @!p1 [sflag:s24], $0x4000  }
0x40: {  	s20 =	sadd.s32 $0x1, s20;
	[sflag:s24] =	ssyncset.done @!p1 $0x0  }
0x41: {  	[sflag:s24] =	ssyncadd.s32 @!p1 $0xFFFFC000;
	p1 =	sne.s32 s20, s9  }
.Ltmp1:
0x42: {  	s21 =	simm.s32 @!p0 $0x1;
	[bflag:$0x0] =	sbarrier.arrive $0xFFFF;
	(pc) =	sbr.rel @p1 .LBB2_1-.Ltmp1, $4  }
0x43: {  	[hbm:s7], [sflag:s18] =	dma.local @!p0 [spmem:s19], $0x3E80  }
0x44: {  	_ =	swait.ge @!p0 [sflag:s21], $0x3E80  }
0x45: {  	[sflag:s21] =	ssyncset.done @!p0 $0x0  }
0x46: {  	[sflag:s21] =	ssyncadd.s32 @!p0 $0xFFFFC180  }
0x47: {  	_ =	sfence.sel $0x180000  }
0x48: {  	[bflag:$0x0] =	sbarrier.arrive $0xFFFF  }
0x49: {  	p0 =	sne.s32 s0, $0x0;
	_ =	strace $0x9000004D  }
0x4a: {  	s0 =	sadd.s32 @!p0 $0x100000, s1;
	[bflag:$0x2] =	sbarrier.arrive $0xFFFF  }
0x4b: {  	[sflag:s0] =	ssyncadd.tile.s32 @!p0 $0x1;
	_ =	shalt  }
.Lfunc_end2:
_tile_overlayer_lowered:
.L_overlay_start_2:
0x4c: {  	(tag) =	ssettag $0x2  }
0x4d: {  	s0 =	rddreg [dreg:$0x0];
	s2 =	stileid.u32  }
0x4e: {  	s1 =	rddreg [dreg:$0x1];
	p0 =	sne.s32 s2, $0x0  }
0x4f: {  	s3 =	rddreg [dreg:$0x2];
	[bflag:$0x3] =	sbarrier.arrive $0xFFFF;
	s2 =	simm.s32 @!p0 $0x1C01  }
0x50: {  	[timem:s3], [sflag:s2] =	dma.local @!p0 [hbm:s0], s1  }
0x51: {  	s0 =	simm.s32 @!p0 $0x1  }
0x52: {  	_ =	swait.ge @!p0 [sflag:s0], s1  }
0x53: {  	s1 =	ssub.s32 @!p0 $0x0, s1;
	[sflag:s0] =	ssyncset.done @!p0 $0x0  }
0x54: {  	[sflag:s0] =	ssyncadd.s32 @!p0 s1  }
0x55: {  	[bflag:$0x3] =	sbarrier.arrive $0xFFFF  }
0x56: {  	_ =	shalt  }

// kernel: kernel.29.cloned.1.call-start
scs
__scs_entry_jumppad:
0x0: {  	(pc) =	sbr.rel $0x88, $3  }
0x1: {  	(tag) =	ssettag $0x0;
	lr =	simm.s32 $0x1  }
0x2: {  	[smem:$0x3F8B] =	sst lr;
	_ =	strace $0xD0000000  }
0x3: {  	_ = 	snop  }
0x4: {  	_ = 	snop  }
0x5: {  	_ = 	snop  }
0x6: {  	_ = 	snop  }
0x7: {  	_ = 	snop  }
__scs_overlays_trampoline_lowered:
0x8: {  	[smem:$0x3F9A] =	sst s0  }
0x9: {  	[smem:$0x3F9B] =	sst s1  }
0xa: {  	[smem:$0x3F9C] =	sst s2  }
0xb: {  	[smem:$0x3F9D] =	sst s3  }
0xc: {  	[smem:$0x3F9E] =	sst s4  }
0xd: {  	[smem:$0x3F9F] =	sst s5  }
0xe: {  	[smem:$0x3FA0] =	sst s6  }
0xf: {  	[smem:$0x3FA1] =	sst s7  }
0x10: {  	[smem:$0x3FA2] =	sst s8  }
0x11: {  	[smem:$0x3FA3] =	sst s9;
	s0 =	simm.s32 @!p0 $0x0  }
0x12: {  	s1 =	sld [smem:$0x3F89];
	s0 =	simm.s32 @p0 $0x1  }
0x13: {  	[smem:$0x3FA4] =	sst s0;
	s0 =	simm.s32 @!p1 $0x0  }
0x14: {  	s2 =	sld [smem:$0x3F88];
	s0 =	simm.s32 @p1 $0x1  }
0x15: {  	[smem:$0x3FA5] =	sst s0;
	s0 =	simm.s32 @!p2 $0x0  }
0x16: {  	s3 =	sld [smem:$0x3FDB];
	s0 =	simm.s32 @p2 $0x1  }
0x17: {  	s4 =	simm.s32 $0x1BF5;
	[smem:$0x3FA7] =	sst s0  }
0x18: {  	s0 =	sld [smem:$0x3F8A];
	_ =	swait.ge [sflag:s4], $0x0  }
0x19: {  	s7 =	sld [smem:$0x3F8B]  }
0x1a: {  	s8 =	sadd.s32 $0xFFFFE003, lr  }
0x1b: {  	s9 =	sadd.s32 $0xFFFFFEF7, lr;
	s5 =	simm.s32 $0xFFFFFFFF;
	p2 =	slt.u32 s8, $0xFFFFF086  }
0x1c: {  	p1 =	slt.u32 s9, $0xF7A;
	s5 =	simm.s32 @!p2 $0x0  }
0x1d: {  	s5 =	simm.s32 @p1 $0x1;
	p0 =	seq.s32 s7, s2  }
0x1e: {  	s7 =	smul.u32 @!p0 $0xF7A, s2;
	p2 =	seq.s32 @!p0 s5, $0x0  }
0x1f: {  	s9 =	smul.u32 $0xF7A, s1;
	s8 =	simm.s32 @!p0 $0x1BF5;
	p2 =	por !p2, p0  }
0x20: {  	[sflag:s8] =	ssyncset.s32 @!p0 $0xFFFFF086;
	s6 =	sadd.s32 @!p0 s3, s7;
	s7 =	simm.s32 @!p0 $0x108  }
0x21: {  	s3 =	sadd.s32 s3, s9;
	s6 =	sadd.s32 @!p0 $0x88, s6;
	s7 =	simm.s32 @p2 $0x1082  }
0x22: {  	[simem:s7], [sflag:s8] =	dma.local @!p0 [hbm:s6], $0xF7A  }
0x23: {  	s9 =	sor.u32 $0xD0000000, s2;
	s6 =	simm.s32 $0x108;
	_ =	swait.ge @!p0 [sflag:s8], $0x0  }
0x24: {  	s3 =	sadd.s32 $0x88, s3;
	s6 =	simm.s32 @!p1 $0x1082;
	[sflag:s4] =	ssyncset.s32 $0xFFFFF086  }
0x25: {  	[simem:s6], [sflag:s4] =	dma.local [hbm:s3], $0xF7A  }
0x26: {  	[smem:$0x3F8B] =	sst s1;
	(tag) =	ssettag s2;
	_ =	strace s9  }
0x27: {  	s1 =	sld [smem:$0x3F9B]  }
0x28: {  	s2 =	sld [smem:$0x3F9C]  }
0x29: {  	s4 =	sld [smem:$0x3F9E]  }
0x2a: {  	p0 =	seq.s32 s5, $0x0;
	s5 =	sld [smem:$0x3F9F]  }
0x2b: {  	s6 =	sld [smem:$0x3FA0]  }
0x2c: {  	s7 =	sld [smem:$0x3FA1]  }
0x2d: {  	s3 =	simm.s32 $0x108;
	s8 =	sld [smem:$0x3FA2]  }
0x2e: {  	s3 =	simm.s32 @!p0 $0x1082;
	s9 =	sld [smem:$0x3FA3]  }
0x2f: {  	lr =	sadd.s32 s0, s3;
	s0 =	sld [smem:$0x3F9A]  }
0x30: {  	s3 =	sld [smem:$0x3F9D]  }
0x31: {  	[smem:$0x3FA6] =	sst s10  }
0x32: {  	s10 =	sld [smem:$0x3FA4];
	_ =	sdelay $0x3  }
0x33: {  	p0 =	seq.s32 s10, $0x1;
	s10 =	sld [smem:$0x3FA6];
	_ =	sdelay $0x3  }
0x34: {  	[smem:$0x3FA6] =	sst s10  }
0x35: {  	s10 =	sld [smem:$0x3FA5];
	_ =	sdelay $0x3  }
0x36: {  	p1 =	seq.s32 s10, $0x1;
	s10 =	sld [smem:$0x3FA6];
	_ =	sdelay $0x3  }
0x37: {  	[smem:$0x3FA6] =	sst s10  }
0x38: {  	s10 =	sld [smem:$0x3FA7]  }
0x39: {  	_ = 	snop;
	(pc) =	sbr.ind lr, $3  }
0x3a: {  	_ = 	snop  }
0x3b: {  	_ = 	snop  }
0x3c: {  	p2 =	seq.s32 s10, $0x1;
	s10 =	sld [smem:$0x3FA6]  }
0x3d: {  	_ =	shalt  }
0x3e: {  	_ =	shalt  }
0x3f: {  	_ =	shalt  }
0x40: {  	_ =	shalt  }
0x41: {  	_ =	shalt  }
0x42: {  	_ =	shalt  }
0x43: {  	_ =	shalt  }
0x44: {  	_ =	shalt  }
0x45: {  	_ =	shalt  }
0x46: {  	_ =	shalt  }
0x47: {  	_ =	shalt  }
0x48: {  	_ =	shalt  }
0x49: {  	_ =	shalt  }
0x4a: {  	_ =	shalt  }
0x4b: {  	_ =	shalt  }
0x4c: {  	_ =	shalt  }
0x4d: {  	_ =	shalt  }
0x4e: {  	_ =	shalt  }
0x4f: {  	_ =	shalt  }
0x50: {  	_ =	shalt  }
0x51: {  	_ =	shalt  }
0x52: {  	_ =	shalt  }
0x53: {  	_ =	shalt  }
0x54: {  	_ =	shalt  }
0x55: {  	_ =	shalt  }
0x56: {  	_ =	shalt  }
0x57: {  	_ =	shalt  }
0x58: {  	_ =	shalt  }
0x59: {  	_ =	shalt  }
0x5a: {  	_ =	shalt  }
0x5b: {  	_ =	shalt  }
0x5c: {  	_ =	shalt  }
0x5d: {  	_ =	shalt  }
0x5e: {  	_ =	shalt  }
0x5f: {  	_ =	shalt  }
0x60: {  	_ =	shalt  }
0x61: {  	_ =	shalt  }
0x62: {  	_ =	shalt  }
0x63: {  	_ =	shalt  }
0x64: {  	_ =	shalt  }
0x65: {  	_ =	shalt  }
0x66: {  	_ =	shalt  }
0x67: {  	_ =	shalt  }
0x68: {  	_ =	shalt  }
0x69: {  	_ =	shalt  }
0x6a: {  	_ =	shalt  }
0x6b: {  	_ =	shalt  }
0x6c: {  	_ =	shalt  }
0x6d: {  	_ =	shalt  }
0x6e: {  	_ =	shalt  }
0x6f: {  	_ =	shalt  }
0x70: {  	_ =	shalt  }
0x71: {  	_ =	shalt  }
0x72: {  	_ =	shalt  }
0x73: {  	_ =	shalt  }
0x74: {  	_ =	shalt  }
0x75: {  	_ =	shalt  }
0x76: {  	_ =	shalt  }
0x77: {  	_ =	shalt  }
0x78: {  	_ =	shalt  }
0x79: {  	_ =	shalt  }
0x7a: {  	_ =	shalt  }
0x7b: {  	_ =	shalt  }
0x7c: {  	_ =	shalt  }
0x7d: {  	_ =	shalt  }
0x7e: {  	_ =	shalt  }
0x7f: {  	_ =	shalt  }
0x80: {  	_ =	shalt  }
0x81: {  	_ =	shalt  }
0x82: {  	_ =	shalt  }
0x83: {  	_ =	shalt  }
0x84: {  	_ =	shalt  }
0x85: {  	_ =	shalt  }
0x86: {  	_ =	shalt  }
0x87: {  	_ =	shalt  }
.Lfunc_end0:
.L_simem_size_0:
called_computation.3_lowered:
.L_overlay_start_0:
0x88: {  	s2 =	sld [smem:$0x3FD9]  }
0x89: {  	s3 =	sld [smem:$0x3FFE];
	_ =	sdelay $0x1  }
0x8a: {  	s1 =	srdreg.scid  }
0x8b: {  	s0 =	sand.u32 $0x1, s1  }
0x8c: {  	s17 =	sshll.u32 s0, $0xA;
	s2 =	sadd.s32 s3, s2  }
0x8d: {  	s2 =	sadd.s32 s2, s17  }
0x8e: {  	[smem:$0x3FB2] =	sst s2  }
0x8f: {  	_ = 	snop  }
0x90: {  	(tm) =	ssettm $0x1  }
0x91: {  	s18 =	sld [smem:$0x3FFB];
	_ =	sdelay $0x3  }
0x92: {  	_ =	strace s18  }
0x93: {  	s2 =	sld [smem:$0x3FFC];
	_ =	sdelay $0x3  }
0x94: {  	_ =	strace s2  }
0x95: {  	s2 =	sld [smem:$0x3FFD];
	_ =	sdelay $0x3  }
0x96: {  	_ =	strace s2  }
0x97: {  	_ =	strace $0x8FFFFFFF  }
0x98: {  	s19 =	sld [smem:$0x3FDB];
	_ =	sdelay $0x1  }
0x99: {  	s20 =	simm.s32 $_scs_section_size  }
0x9a: {  	s4 =	simm.s32 $_size__tile_overlayer_lowered;
	s5 =	simm.s32 $_tile_overlayer_lowered  }
0x9b: {  	s6 =	simm.s32 $0x1BFF;
	s21 =	sshll.u32 s5, $0x1;
	s3 =	sadd.s32 s20, s19  }
0x9c: {  	s22 =	simm.s32 $0x0;
	s4 =	sshll.u32 s4, $0x1;
	s5 =	sadd.s32 s21, s3  }
0x9d: {  	[timem:s22], [sflag:s6] =	dma.local [hbm:s5], s4  }
0x9e: {  	_ =	swait.ge [sflag:s6], s4  }
0x9f: {  	s4 =	ssub.s32 $0x0, s4;
	[sflag:s6] =	ssyncset.done $0x0  }
0xa0: {  	[sflag:s6] =	ssyncadd.s32 s4;
	_ =	sdelay $0x1  }
0xa1: {  	s23 =	simm.s32 $0x1B8B  }
0xa2: {  	_ =	swait.ge [sflag:s23], $0x1  }
0xa3: {  	[sflag:s23] =	ssyncset.done $0x0  }
0xa4: {  	[sflag:s23] =	ssyncadd.s32 $0xFFFFFFFF  }
0xa5: {  	s4 =	sld [smem:$0x0]  }
0xa6: {  	s5 =	sand.u32 $0xFFFFFFFE, s1  }
0xa7: {  	p0 =	sne.s32 s1, s5  }
0xa8: {  	s5 =	sshll.u32 @p0 s5, $0xE  }
0xa9: {  	s5 =	sadd.s32 @p0 $0x11B8D, s5;
	s6 =	sshll.u32 @p0 s4, $0x11  }
0xaa: {  	s5 =	sor.u32 @p0 s6, s5  }
0xab: {  	[sflag:s5] =	ssyncadd.remote.s32 @p0 $0x1;
	_ =	sdelay $0x1  }
0xac: {  	s5 =	simm.s32 @p0 $0x1B8D  }
0xad: {  	_ =	swait.eq @p0 [sflag:s5], $0x1  }
0xae: {  	[sflag:s5] =	ssyncadd.s32 @p0 $0xFFFFFFFF  }
0xaf: {  	s6 =	sshll.u32 @!p0 s1, $0xE  }
0xb0: {  	s6 =	sor.u32 @!p0 $0x4000, s6;
	s5 =	simm.s32 @!p0 $0x1B8D  }
0xb1: {  	s4 =	sshll.u32 @!p0 s4, $0x11;
	s6 =	sadd.s32 @!p0 $0x11B8D, s6;
	_ =	swait.eq @!p0 [sflag:s5], $0x1  }
0xb2: {  	s4 =	sor.u32 @!p0 s4, s6;
	[sflag:s5] =	ssyncadd.s32 @!p0 $0xFFFFFFFF  }
0xb3: {  	s25 =	simm.s32 $0x1B8E;
	s24 =	sld [smem:$0x3FFE];
	[sflag:s4] =	ssyncadd.remote.s32 @!p0 $0x1  }
0xb4: {  	s26 =	simm.s32 $execute0_lowered;
	[smem:$0x3FD2] =	sst s25  }
0xb5: {  	s5 =	sshll.u32 s26, $0x1;
	_ =	strace $0x8000004F;
	[dreg:$0x1] =	wrdreg $0xFFFFFFFF  }
0xb6: {  	s28 =	simm.s32 $_size_execute0_lowered;
	s3 =	sadd.s32 s3, s5;
	[dreg:$0x0] =	wrdreg $0x0  }
0xb7: {  	s5 =	sshll.u32 s28, $0x1;
	[dreg:$0x2] =	wrdreg s3  }
0xb8: {  	[dreg:$0x3] =	wrdreg s5  }
0xb9: {  	[dreg:$0x4] =	wrdreg $0xC0  }
0xba: {  	_ =	task [dreg:s22], $0x5FFFF  }
0xbb: {  	[dreg:$0x1] =	wrdreg $0xFFFFFFFF  }
0xbc: {  	[dreg:$0x0] =	wrdreg $0x60  }
0xbd: {  	[dreg:$0x2] =	wrdreg s24  }
0xbe: {  	[dreg:$0x3] =	wrdreg $0xB8000  }
0xbf: {  	[dreg:$0x4] =	wrdreg $0xA  }
0xc0: {  	_ =	task.clear_ibuf [dreg:s22], $0x5FFFF;
	_ =	strace $0x9000004F  }
0xc1: {  	s29 =	simm.s32 $0xA;
	_ =	strace $0x80000051  }
0xc2: {  	_ =	swait.ge [sflag:s29], $0x1  }
0xc3: {  	[sflag:s29] =	ssyncadd.s32 $0xFFFFFFFF  }
0xc4: {  	_ =	strace $0x90000051  }
0xc5: {  	_ =	sfence  }
0xc6: {  	s30 =	sld [smem:$0x0];
	_ =	sdelay $0x2  }
0xc7: {  	s31 =	sshll.u32 s1, $0xD;
	s1 =	sshrl.u32 s1, $0x2  }
0xc8: {  	s4 =	sand.u32 $0x4000, s31;
	s1 =	sadd.s32 s1, s30  }
0xc9: {  	s0 =	sor.u32 s4, s0;
	s1 =	sshll.u32 s1, $0x11  }
0xca: {  	s0 =	sor.u32 s1, s0  }
0xcb: {  	s0 =	sadd.s32 $0x8F2B, s0  }
0xcc: {  	[sflag:s0] =	ssyncadd.remote.s32 $0x1  }
0xcd: {  	_ =	sfence.sel $0xFFFF  }
0xce: {  	[dreg:$0x0] =	wrdreg $0xFFFFFFFF;
	(pc) =	sbr.abs _section_cstart, $3  }
0xcf: {  	[dreg:$0x1] =	wrdreg $0xFFFFFFFF  }
0xd0: {  	_ =	task.clear_ibuf [dreg:s22], $0x2FFFF;
	_ =	strace $0x9FFFFFFF  }
0xd1: {  	(tm) =	ssettm $0x7FFFFFFF  }
tec
execute0_lowered:
.L_overlay_start_1:
0x0: {  	(tag) =	ssettag $0x1  }
0x1: {  	s0 =	stileid.u32  }
0x2: {  	s1 =	srdreg.scid;
	s6 =	smul.u32 $0x28000, s0  }
0x3: {  	s5 =	rddreg [dreg:$0x0];
	s8 =	smul.u32 $0x1F400, s0  }
0x4: {  	s2 =	rddreg [dreg:$0x1];
	s3 =	simm.s32 $0x0;
	s10 =	smul.u32 $0x7D000, s0  }
0x5: {  	s19 =	simm.s32 $0x0;
	s11 =	sand.u32 $0x1, s1;
	s15 =	smul.u32 $0x50, s0  }
0x6: {  	s26 =	sshll.u32 s0, $0x1;
	[smem:$0x7FF] =	sst s3;
	s7 =	smul.u32 $0x138800, s11  }
0x7: {  	p0 =	sgt.u32 s0, $0x9;
	s1 =	sor.u32 s11, s26;
	s14 =	smul.u32 $0x14000, s11  }
0x8: {  	s29 =	ssub.s32 $0x2, s11;
	s16 =	smul.u32 $0x28, s11;
	s17 =	sshll.u32 @!p0 s0, $0x6  }
0x9: {  	s4 =	smul.u32 $0x280, s1;
	s1 =	rddreg [dreg:$0x2];
	_ =	strace $0x80000050  }
0xa: {  	s13 =	sadd.s32 s6, s5;
	s30 =	sshrl.u32 s29, $0x1;
	s31 =	sshrl.u32 s10, $0x2  }
0xb: {  	s17 =	sor.u32 @!p0 $0x1C01, s17;
	s28 =	sadd.s32 s8, s7;
	s8 =	ssub.s32 s29, s30  }
0xc: {  	s7 =	sadd.s32 s31, s2;
	s13 =	sadd.s32 s14, s13;
	s14 =	sadd.s32 s16, s15  }
0xd: {  	s15 =	simm.s32 $0x5400;
	s16 =	simm.s32 $0x1;
	s9 =	sadd.s32 s4, s5  }
0xe: {  	s4 =	sadd.s32 $0x589400, s5;
	s6 =	sshrl.u32 s28, $0x3;
	s8 =	smax.u32 s8, $0x1  }
0xf: {  	s10 =	sadd.s32 $0xC800, s7;
	s11 =	sadd.s32 $0x12C00, s7;
	s12 =	sadd.s32 $0x19000, s7  }
0x10: {  	s13 =	sadd.s32 $0x88C00, s13;
	s18 =	sshrl.u32 @!p0 s7, $0x3;
	s6 =	sadd.s32 s6, s5  }
0x11: {  	s5 =	sadd.s32 $0x83C00, s9;
	s9 =	sadd.s32 $0x6400, s7;
	s6 =	sadd.s32 $0x2F9C00, s6  }
.LBB2_1:
0x12: {  	[tilespmem:s15], [sflag:$0x1] =	stream.linear.gather [hbm4b:s4+s3], $0x6400, $0x38;
	[tilespmem:$0x1F080] =	vst v63  }
0x13: {  	_ =	swait.ge [sflag:s16], $0x6400  }
0x14: {  	[sflag:s16] =	ssyncset.done $0x0  }
0x15: {  	[sflag:s16] =	ssyncadd.s32 $0xFFFF9C00  }
0x16: {  	[tilespmem:s3], [sflag:$0x1] =	stream.linear.gather [hbm4b:s5+s3], $0x1400, $0x38;
	[tilespmem:$0x1F080] =	vst v63  }
0x17: {  	_ =	swait.ge [sflag:s16], $0x1400  }
0x18: {  	[sflag:s16] =	ssyncset.done $0x0  }
0x19: {  	s20 =	simm.s32 @!p0 $0x5400;
	s21 =	simm.s32 @!p0 $0x1;
	[sflag:s16] =	ssyncadd.s32 $0xFFFFEC00  }
0x1a: {  	[spmem:s7] =	stream.linear.scatter @!p0 [tilespmem:s20], [sflag:$0x1], $0x6400, $0x38;
	[tilespmem:$0x1F080] =	vst v63  }
0x1b: {  	_ =	swait.ge @!p0 [sflag:s21], $0x6400  }
0x1c: {  	[sflag:s21] =	ssyncset.done @!p0 $0x0  }
0x1d: {  	[sflag:s21] =	ssyncadd.s32 @!p0 $0xFFFF9C00  }
0x1e: {  	[spmem:s9] =	stream.linear.scatter @!p0 [tilespmem:s20], [sflag:$0x1], $0x6400, $0x38;
	[tilespmem:$0x1F080] =	vst v63  }
0x1f: {  	_ =	swait.ge @!p0 [sflag:s21], $0x6400  }
0x20: {  	[sflag:s21] =	ssyncset.done @!p0 $0x0  }
0x21: {  	[sflag:s21] =	ssyncadd.s32 @!p0 $0xFFFF9C00  }
0x22: {  	[spmem:s10] =	stream.linear.scatter @!p0 [tilespmem:s20], [sflag:$0x1], $0x6400, $0x38;
	[tilespmem:$0x1F080] =	vst v63  }
0x23: {  	_ =	swait.ge @!p0 [sflag:s21], $0x6400  }
0x24: {  	[sflag:s21] =	ssyncset.done @!p0 $0x0  }
0x25: {  	[sflag:s21] =	ssyncadd.s32 @!p0 $0xFFFF9C00  }
0x26: {  	[spmem:s11] =	stream.linear.scatter @!p0 [tilespmem:s20], [sflag:$0x1], $0x6400, $0x38;
	[tilespmem:$0x1F080] =	vst v63  }
0x27: {  	_ =	swait.ge @!p0 [sflag:s21], $0x6400  }
0x28: {  	[sflag:s21] =	ssyncset.done @!p0 $0x0  }
0x29: {  	s30 =	sadd.s32 $0x0, s14;
	[sflag:s21] =	ssyncadd.s32 @!p0 $0xFFFF9C00  }
0x2a: {  	[spmem:s12] =	stream.linear.scatter @!p0 [tilespmem:s20], [sflag:$0x1], $0x6400, $0x38;
	[tilespmem:$0x1F080] =	vst v63  }
0x2b: {  	p2 =	sgt.u32 s30, $0x4E1;
	_ =	swait.ge @!p0 [sflag:s21], $0x6400  }
0x2c: {  	p1 =	por p2, p2;
	[sflag:s21] =	ssyncset.done @!p0 $0x0  }
0x2d: {  	s23 =	simm.s32 @!p1 $0x2;
	[sflag:s21] =	ssyncadd.s32 @!p0 $0xFFFF9C00  }
0x2e: {  	s20 =	simm.s32 @!p2 $0x0;
	s21 =	simm.s32 @!p2 $0x1400;
	[bflag:$0x0] =	sbarrier.arrive $0xFFFF  }
0x2f: {  	[tilespmem:s21], [sflag:$0x2] =	stream.linear.gather @!p1 [hbm4b:s13+s20], $0x4000, $0x38;
	[tilespmem:$0x1F080] =	vst v63  }
0x30: {  	s31 =	sadd.s32 $0x1, s14;
	_ =	swait.ge @!p1 [sflag:s23], $0x4000  }
0x31: {  	s22 =	simm.s32 $0x2;
	p2 =	sgt.u32 s31, $0x4E1;
	[sflag:s23] =	ssyncset.done @!p1 $0x0  }
0x32: {  	s20 =	simm.s32 @!p1 $0x80;
	[sflag:s23] =	ssyncadd.s32 @!p1 $0xFFFFC000;
	s23 =	simm.s32 @!p1 $0x1  }
0x33: {  	[spmem:s2] =	stream.indirect.scatter.add.f32 @!p1 [tilespmem:s21], [sflag:$0x1], $0x80, s3, s20, $0xb8;
	[tilespmem:$0x1F080] =	vst v63  }
0x34: {  	s21 =	sadd.s32 $0x800, s13;
	s20 =	simm.s32 $0x80;
	_ =	swait.ge @!p1 [sflag:s23], $0x4000  }
.LBB2_2:
0x35: {  	s24 =	simm.s32 @!p2 $0x0  }
0x36: {  	s25 =	simm.s32 @!p2 $0x1400;
	[sflag:s23] =	ssyncset.done @!p1 $0x0;
	s26 =	smov.u32 s22  }
0x37: {  	p3 =	por p1, p1;
	p1 =	por p2, p2;
	s22 =	sadd.s32 $0x1, s22  }
0x38: {  	s28 =	simm.s32 @!p1 $0x2;
	[sflag:s23] =	ssyncadd.s32 @!p3 $0xFFFFC000;
	p3 =	sne.s32 s22, $0x28  }
0x39: {  	[tilespmem:s25], [sflag:$0x2] =	stream.linear.gather @!p1 [hbm4b:s21+s24], $0x4000, $0x38;
	[tilespmem:$0x1F080] =	vst v63  }
.Ltmp0:
0x3a: {  	_ =	swait.ge @!p1 [sflag:s28], $0x4000;
	(pc) =	sbr.rel @p3 .LBB2_2-.Ltmp0, $4  }
0x3b: {  	s23 =	simm.s32 @!p1 $0x1;
	s21 =	sadd.s32 $0x800, s21;
	[sflag:s28] =	ssyncset.done @!p1 $0x0  }
0x3c: {  	s24 =	sadd.s32 s26, s14;
	s26 =	simm.s32 @!p1 $0x80;
	[sflag:s28] =	ssyncadd.s32 @!p1 $0xFFFFC000  }
0x3d: {  	[spmem:s2] =	stream.indirect.scatter.add.f32 @!p1 [tilespmem:s25], [sflag:$0x1], $0x80, s20, s26, $0xb8;
	[tilespmem:$0x1F080] =	vst v63  }
0x3e: {  	p2 =	sgt.u32 s24, $0x4E1;
	s20 =	sadd.s32 $0x80, s20;
	_ =	swait.ge @!p1 [sflag:s23], $0x4000  }
0x3f: {  	s22 =	simm.s32 @!p2 $0x0  }
0x40: {  	[sflag:s23] =	ssyncset.done @!p1 $0x0;
	p1 =	por p1, p1;
	p3 =	por p2, p2  }
0x41: {  	s24 =	simm.s32 @!p2 $0x1400;
	s25 =	simm.s32 @!p3 $0x2;
	[sflag:s23] =	ssyncadd.s32 @!p1 $0xFFFFC000  }
0x42: {  	[tilespmem:s24], [sflag:$0x2] =	stream.linear.gather @!p3 [hbm4b:s21+s22], $0x4000, $0x38;
	[tilespmem:$0x1F080] =	vst v63  }
0x43: {  	_ =	swait.ge @!p3 [sflag:s25], $0x4000  }
0x44: {  	[sflag:s25] =	ssyncset.done @!p3 $0x0  }
0x45: {  	s21 =	simm.s32 @!p3 $0x1;
	s22 =	simm.s32 @!p3 $0x80;
	[sflag:s25] =	ssyncadd.s32 @!p3 $0xFFFFC000  }
0x46: {  	[spmem:s2] =	stream.indirect.scatter.add.f32 @!p3 [tilespmem:s24], [sflag:$0x1], $0x80, s20, s22, $0xb8;
	[tilespmem:$0x1F080] =	vst v63  }
0x47: {  	_ =	swait.ge @!p3 [sflag:s21], $0x4000  }
0x48: {  	s19 =	sadd.s32 $0x1, s19;
	p1 =	por p3, p3;
	[sflag:s21] =	ssyncset.done @!p3 $0x0  }
0x49: {  	[sflag:s21] =	ssyncadd.s32 @!p1 $0xFFFFC000;
	p1 =	sne.s32 s19, s8  }
.Ltmp1:
0x4a: {  	s20 =	simm.s32 @!p0 $0x1;
	[bflag:$0x0] =	sbarrier.arrive $0xFFFF;
	(pc) =	sbr.rel @p1 .LBB2_1-.Ltmp1, $4  }
0x4b: {  	[hbm:s6], [sflag:s17] =	dma.local @!p0 [spmem:s18], $0x3E80  }
0x4c: {  	_ =	swait.ge @!p0 [sflag:s20], $0x3E80  }
0x4d: {  	[sflag:s20] =	ssyncset.done @!p0 $0x0  }
0x4e: {  	[sflag:s20] =	ssyncadd.s32 @!p0 $0xFFFFC180  }
0x4f: {  	_ =	sfence.sel $0x180000  }
0x50: {  	[bflag:$0x0] =	sbarrier.arrive $0xFFFF  }
0x51: {  	p0 =	sne.s32 s0, $0x0;
	_ =	strace $0x90000050  }
0x52: {  	s0 =	sadd.s32 @!p0 $0x100000, s1;
	[bflag:$0x2] =	sbarrier.arrive $0xFFFF  }
0x53: {  	[sflag:s0] =	ssyncadd.tile.s32 @!p0 $0x1;
	_ =	shalt  }
.Lfunc_end2:
_tile_overlayer_lowered:
.L_overlay_start_2:
0x54: {  	(tag) =	ssettag $0x2  }
0x55: {  	s0 =	rddreg [dreg:$0x0];
	s2 =	stileid.u32  }
0x56: {  	s1 =	rddreg [dreg:$0x1];
	p0 =	sne.s32 s2, $0x0  }
0x57: {  	s3 =	rddreg [dreg:$0x2];
	[bflag:$0x3] =	sbarrier.arrive $0xFFFF;
	s2 =	simm.s32 @!p0 $0x1C01  }
0x58: {  	[timem:s3], [sflag:s2] =	dma.local @!p0 [hbm:s0], s1  }
0x59: {  	s0 =	simm.s32 @!p0 $0x1  }
0x5a: {  	_ =	swait.ge @!p0 [sflag:s0], s1  }
0x5b: {  	s1 =	ssub.s32 @!p0 $0x0, s1;
	[sflag:s0] =	ssyncset.done @!p0 $0x0  }
0x5c: {  	[sflag:s0] =	ssyncadd.s32 @!p0 s1  }
0x5d: {  	[bflag:$0x3] =	sbarrier.arrive $0xFFFF  }
0x5e: {  	_ =	shalt  }

// kernel: kernel.32.cloned.1.call-start
scs
__scs_entry_jumppad:
0x0: {  	(pc) =	sbr.rel $0x88, $3  }
0x1: {  	(tag) =	ssettag $0x0;
	lr =	simm.s32 $0x1  }
0x2: {  	[smem:$0x3F8B] =	sst lr;
	_ =	strace $0xD0000000  }
0x3: {  	_ = 	snop  }
0x4: {  	_ = 	snop  }
0x5: {  	_ = 	snop  }
0x6: {  	_ = 	snop  }
0x7: {  	_ = 	snop  }
__scs_overlays_trampoline_lowered:
0x8: {  	[smem:$0x3F9A] =	sst s0  }
0x9: {  	[smem:$0x3F9B] =	sst s1  }
0xa: {  	[smem:$0x3F9C] =	sst s2  }
0xb: {  	[smem:$0x3F9D] =	sst s3  }
0xc: {  	[smem:$0x3F9E] =	sst s4  }
0xd: {  	[smem:$0x3F9F] =	sst s5  }
0xe: {  	[smem:$0x3FA0] =	sst s6  }
0xf: {  	[smem:$0x3FA1] =	sst s7  }
0x10: {  	[smem:$0x3FA2] =	sst s8  }
0x11: {  	[smem:$0x3FA3] =	sst s9;
	s0 =	simm.s32 @!p0 $0x0  }
0x12: {  	s1 =	sld [smem:$0x3F89];
	s0 =	simm.s32 @p0 $0x1  }
0x13: {  	[smem:$0x3FA4] =	sst s0;
	s0 =	simm.s32 @!p1 $0x0  }
0x14: {  	s2 =	sld [smem:$0x3F88];
	s0 =	simm.s32 @p1 $0x1  }
0x15: {  	[smem:$0x3FA5] =	sst s0;
	s0 =	simm.s32 @!p2 $0x0  }
0x16: {  	s3 =	sld [smem:$0x3FDB];
	s0 =	simm.s32 @p2 $0x1  }
0x17: {  	s4 =	simm.s32 $0x1BF5;
	[smem:$0x3FA7] =	sst s0  }
0x18: {  	s0 =	sld [smem:$0x3F8A];
	_ =	swait.ge [sflag:s4], $0x0  }
0x19: {  	s7 =	sld [smem:$0x3F8B]  }
0x1a: {  	s8 =	sadd.s32 $0xFFFFE003, lr  }
0x1b: {  	s9 =	sadd.s32 $0xFFFFFEF7, lr;
	s5 =	simm.s32 $0xFFFFFFFF;
	p2 =	slt.u32 s8, $0xFFFFF086  }
0x1c: {  	p1 =	slt.u32 s9, $0xF7A;
	s5 =	simm.s32 @!p2 $0x0  }
0x1d: {  	s5 =	simm.s32 @p1 $0x1;
	p0 =	seq.s32 s7, s2  }
0x1e: {  	s7 =	smul.u32 @!p0 $0xF7A, s2;
	p2 =	seq.s32 @!p0 s5, $0x0  }
0x1f: {  	s9 =	smul.u32 $0xF7A, s1;
	s8 =	simm.s32 @!p0 $0x1BF5;
	p2 =	por !p2, p0  }
0x20: {  	[sflag:s8] =	ssyncset.s32 @!p0 $0xFFFFF086;
	s6 =	sadd.s32 @!p0 s3, s7;
	s7 =	simm.s32 @!p0 $0x108  }
0x21: {  	s3 =	sadd.s32 s3, s9;
	s6 =	sadd.s32 @!p0 $0x88, s6;
	s7 =	simm.s32 @p2 $0x1082  }
0x22: {  	[simem:s7], [sflag:s8] =	dma.local @!p0 [hbm:s6], $0xF7A  }
0x23: {  	s9 =	sor.u32 $0xD0000000, s2;
	s6 =	simm.s32 $0x108;
	_ =	swait.ge @!p0 [sflag:s8], $0x0  }
0x24: {  	s3 =	sadd.s32 $0x88, s3;
	s6 =	simm.s32 @!p1 $0x1082;
	[sflag:s4] =	ssyncset.s32 $0xFFFFF086  }
0x25: {  	[simem:s6], [sflag:s4] =	dma.local [hbm:s3], $0xF7A  }
0x26: {  	[smem:$0x3F8B] =	sst s1;
	(tag) =	ssettag s2;
	_ =	strace s9  }
0x27: {  	s1 =	sld [smem:$0x3F9B]  }
0x28: {  	s2 =	sld [smem:$0x3F9C]  }
0x29: {  	s4 =	sld [smem:$0x3F9E]  }
0x2a: {  	p0 =	seq.s32 s5, $0x0;
	s5 =	sld [smem:$0x3F9F]  }
0x2b: {  	s6 =	sld [smem:$0x3FA0]  }
0x2c: {  	s7 =	sld [smem:$0x3FA1]  }
0x2d: {  	s3 =	simm.s32 $0x108;
	s8 =	sld [smem:$0x3FA2]  }
0x2e: {  	s3 =	simm.s32 @!p0 $0x1082;
	s9 =	sld [smem:$0x3FA3]  }
0x2f: {  	lr =	sadd.s32 s0, s3;
	s0 =	sld [smem:$0x3F9A]  }
0x30: {  	s3 =	sld [smem:$0x3F9D]  }
0x31: {  	[smem:$0x3FA6] =	sst s10  }
0x32: {  	s10 =	sld [smem:$0x3FA4];
	_ =	sdelay $0x3  }
0x33: {  	p0 =	seq.s32 s10, $0x1;
	s10 =	sld [smem:$0x3FA6];
	_ =	sdelay $0x3  }
0x34: {  	[smem:$0x3FA6] =	sst s10  }
0x35: {  	s10 =	sld [smem:$0x3FA5];
	_ =	sdelay $0x3  }
0x36: {  	p1 =	seq.s32 s10, $0x1;
	s10 =	sld [smem:$0x3FA6];
	_ =	sdelay $0x3  }
0x37: {  	[smem:$0x3FA6] =	sst s10  }
0x38: {  	s10 =	sld [smem:$0x3FA7]  }
0x39: {  	_ = 	snop;
	(pc) =	sbr.ind lr, $3  }
0x3a: {  	_ = 	snop  }
0x3b: {  	_ = 	snop  }
0x3c: {  	p2 =	seq.s32 s10, $0x1;
	s10 =	sld [smem:$0x3FA6]  }
0x3d: {  	_ =	shalt  }
0x3e: {  	_ =	shalt  }
0x3f: {  	_ =	shalt  }
0x40: {  	_ =	shalt  }
0x41: {  	_ =	shalt  }
0x42: {  	_ =	shalt  }
0x43: {  	_ =	shalt  }
0x44: {  	_ =	shalt  }
0x45: {  	_ =	shalt  }
0x46: {  	_ =	shalt  }
0x47: {  	_ =	shalt  }
0x48: {  	_ =	shalt  }
0x49: {  	_ =	shalt  }
0x4a: {  	_ =	shalt  }
0x4b: {  	_ =	shalt  }
0x4c: {  	_ =	shalt  }
0x4d: {  	_ =	shalt  }
0x4e: {  	_ =	shalt  }
0x4f: {  	_ =	shalt  }
0x50: {  	_ =	shalt  }
0x51: {  	_ =	shalt  }
0x52: {  	_ =	shalt  }
0x53: {  	_ =	shalt  }
0x54: {  	_ =	shalt  }
0x55: {  	_ =	shalt  }
0x56: {  	_ =	shalt  }
0x57: {  	_ =	shalt  }
0x58: {  	_ =	shalt  }
0x59: {  	_ =	shalt  }
0x5a: {  	_ =	shalt  }
0x5b: {  	_ =	shalt  }
0x5c: {  	_ =	shalt  }
0x5d: {  	_ =	shalt  }
0x5e: {  	_ =	shalt  }
0x5f: {  	_ =	shalt  }
0x60: {  	_ =	shalt  }
0x61: {  	_ =	shalt  }
0x62: {  	_ =	shalt  }
0x63: {  	_ =	shalt  }
0x64: {  	_ =	shalt  }
0x65: {  	_ =	shalt  }
0x66: {  	_ =	shalt  }
0x67: {  	_ =	shalt  }
0x68: {  	_ =	shalt  }
0x69: {  	_ =	shalt  }
0x6a: {  	_ =	shalt  }
0x6b: {  	_ =	shalt  }
0x6c: {  	_ =	shalt  }
0x6d: {  	_ =	shalt  }
0x6e: {  	_ =	shalt  }
0x6f: {  	_ =	shalt  }
0x70: {  	_ =	shalt  }
0x71: {  	_ =	shalt  }
0x72: {  	_ =	shalt  }
0x73: {  	_ =	shalt  }
0x74: {  	_ =	shalt  }
0x75: {  	_ =	shalt  }
0x76: {  	_ =	shalt  }
0x77: {  	_ =	shalt  }
0x78: {  	_ =	shalt  }
0x79: {  	_ =	shalt  }
0x7a: {  	_ =	shalt  }
0x7b: {  	_ =	shalt  }
0x7c: {  	_ =	shalt  }
0x7d: {  	_ =	shalt  }
0x7e: {  	_ =	shalt  }
0x7f: {  	_ =	shalt  }
0x80: {  	_ =	shalt  }
0x81: {  	_ =	shalt  }
0x82: {  	_ =	shalt  }
0x83: {  	_ =	shalt  }
0x84: {  	_ =	shalt  }
0x85: {  	_ =	shalt  }
0x86: {  	_ =	shalt  }
0x87: {  	_ =	shalt  }
.Lfunc_end0:
.L_simem_size_0:
called_computation.4_lowered:
.L_overlay_start_0:
0x88: {  	s2 =	sld [smem:$0x3FD9]  }
0x89: {  	s3 =	sld [smem:$0x3FFE];
	_ =	sdelay $0x1  }
0x8a: {  	s1 =	srdreg.scid  }
0x8b: {  	s0 =	sand.u32 $0x1, s1  }
0x8c: {  	s16 =	sshll.u32 s0, $0xA;
	s2 =	sadd.s32 s3, s2  }
0x8d: {  	s2 =	sadd.s32 s2, s16  }
0x8e: {  	[smem:$0x3FB2] =	sst s2  }
0x8f: {  	_ = 	snop  }
0x90: {  	(tm) =	ssettm $0x1  }
0x91: {  	s17 =	sld [smem:$0x3FFB];
	_ =	sdelay $0x3  }
0x92: {  	_ =	strace s17  }
0x93: {  	s2 =	sld [smem:$0x3FFC];
	_ =	sdelay $0x3  }
0x94: {  	_ =	strace s2  }
0x95: {  	s2 =	sld [smem:$0x3FFD];
	_ =	sdelay $0x3  }
0x96: {  	_ =	strace s2  }
0x97: {  	_ =	strace $0x8FFFFFFF  }
0x98: {  	s18 =	sld [smem:$0x3FDB];
	_ =	sdelay $0x1  }
0x99: {  	s19 =	simm.s32 $_scs_section_size  }
0x9a: {  	s4 =	simm.s32 $_size__tile_overlayer_lowered;
	s5 =	simm.s32 $_tile_overlayer_lowered  }
0x9b: {  	s22 =	simm.s32 $0x1BFF;
	s21 =	sshll.u32 s5, $0x1;
	s2 =	sadd.s32 s19, s18  }
0x9c: {  	s6 =	simm.s32 $0x0;
	s20 =	sshll.u32 s4, $0x1;
	s4 =	sadd.s32 s21, s2  }
0x9d: {  	[timem:s6], [sflag:s22] =	dma.local [hbm:s4], s20  }
0x9e: {  	_ =	swait.ge [sflag:s22], s20  }
0x9f: {  	s3 =	ssub.s32 $0x0, s20;
	[sflag:s22] =	ssyncset.done $0x0  }
0xa0: {  	[sflag:s22] =	ssyncadd.s32 s3;
	_ =	sdelay $0x1  }
0xa1: {  	s23 =	simm.s32 $0x1B8B  }
0xa2: {  	_ =	swait.ge [sflag:s23], $0x1  }
0xa3: {  	[sflag:s23] =	ssyncset.done $0x0  }
0xa4: {  	s25 =	simm.s32 $0x1B8E;
	s24 =	sld [smem:$0x3FFE];
	[sflag:s23] =	ssyncadd.s32 $0xFFFFFFFF  }
0xa5: {  	s26 =	simm.s32 $execute0_lowered;
	[smem:$0x3FD2] =	sst s25  }
0xa6: {  	s4 =	sshll.u32 s26, $0x1;
	_ =	strace $0x80000052;
	[dreg:$0x1] =	wrdreg $0xFFFFFFFF  }
0xa7: {  	s28 =	simm.s32 $_size_execute0_lowered;
	s2 =	sadd.s32 s2, s4;
	[dreg:$0x0] =	wrdreg $0x0  }
0xa8: {  	s4 =	sshll.u32 s28, $0x1;
	[dreg:$0x2] =	wrdreg s2  }
0xa9: {  	[dreg:$0x3] =	wrdreg s4  }
0xaa: {  	[dreg:$0x4] =	wrdreg $0xC0  }
0xab: {  	_ =	task [dreg:s6], $0x5FFFF  }
0xac: {  	[dreg:$0x1] =	wrdreg $0xFFFFFFFF  }
0xad: {  	[dreg:$0x0] =	wrdreg $0x60  }
0xae: {  	[dreg:$0x2] =	wrdreg s24  }
0xaf: {  	[dreg:$0x3] =	wrdreg $0x94000  }
0xb0: {  	[dreg:$0x4] =	wrdreg $0x9  }
0xb1: {  	_ =	task.clear_ibuf [dreg:s6], $0x5FFFF;
	_ =	strace $0x90000052  }
0xb2: {  	s29 =	simm.s32 $0x9;
	_ =	strace $0x80000054  }
0xb3: {  	_ =	swait.ge [sflag:s29], $0x1  }
0xb4: {  	[sflag:s29] =	ssyncadd.s32 $0xFFFFFFFF  }
0xb5: {  	_ =	strace $0x90000054  }
0xb6: {  	_ =	sfence  }
0xb7: {  	s30 =	sld [smem:$0x0];
	_ =	sdelay $0x2  }
0xb8: {  	s31 =	sshll.u32 s1, $0xD;
	s1 =	sshrl.u32 s1, $0x2  }
0xb9: {  	s3 =	sand.u32 $0x4000, s31;
	s1 =	sadd.s32 s1, s30  }
0xba: {  	s0 =	sor.u32 s3, s0;
	s1 =	sshll.u32 s1, $0x11  }
0xbb: {  	s0 =	sor.u32 s1, s0  }
0xbc: {  	s0 =	sadd.s32 $0x8F2B, s0  }
0xbd: {  	[sflag:s0] =	ssyncadd.remote.s32 $0x1  }
0xbe: {  	_ =	sfence.sel $0xFFFF  }
0xbf: {  	[dreg:$0x0] =	wrdreg $0xFFFFFFFF;
	(pc) =	sbr.abs _section_cstart, $3  }
0xc0: {  	[dreg:$0x1] =	wrdreg $0xFFFFFFFF  }
0xc1: {  	_ =	task.clear_ibuf [dreg:s6], $0x2FFFF;
	_ =	strace $0x9FFFFFFF  }
0xc2: {  	(tm) =	ssettm $0x7FFFFFFF  }
0xc3: {  	_ =	shalt  }
tec
execute0_lowered:
.L_overlay_start_1:
0x0: {  	(tag) =	ssettag $0x1  }
0x1: {  	s1 =	srdreg.scid;
	s4 =	rddreg [dreg:$0x0]  }
0x2: {  	s0 =	stileid.u32;
	s2 =	rddreg [dreg:$0x1]  }
0x3: {  	s3 =	simm.s32 $0x0;
	s14 =	simm.s32 $0x5400;
	s6 =	smul.u32 $0x3E80, s0  }
0x4: {  	s15 =	simm.s32 $0x1;
	s16 =	simm.s32 $0x2;
	s8 =	smul.u32 $0x7D000, s0  }
0x5: {  	s17 =	simm.s32 $0x0;
	s7 =	sand.u32 $0x1, s1;
	s10 =	smul.u32 $0x50, s0  }
0x6: {  	s24 =	sshll.u32 s0, $0x1;
	s1 =	rddreg [dreg:$0x2];
	s28 =	smul.u32 $0x28000, s0  }
0x7: {  	[smem:$0x7FF] =	sst s3;
	s9 =	sadd.s32 $0xAFE00, s4;
	s12 =	smul.u32 $0x28, s7  }
0x8: {  	p0 =	sgt.u32 s0, $0x9;
	s5 =	sor.u32 s7, s24;
	s29 =	smul.u32 $0x14000, s7  }
0x9: {  	_ =	strace $0x80000053;
	s25 =	ssub.s32 $0x2, s7;
	s5 =	smul.u32 $0x280, s5  }
0xa: {  	s6 =	sadd.s32 s6, s4;
	s11 =	sshrl.u32 s25, $0x1;
	s8 =	sshrl.u32 s8, $0x2  }
0xb: {  	s31 =	sadd.s32 s28, s9;
	s11 =	ssub.s32 s25, s11;
	s13 =	sadd.s32 s8, s2  }
0xc: {  	s26 =	sadd.s32 s12, s10;
	s12 =	simm.s32 $0x80;
	s5 =	sadd.s32 s5, s4  }
0xd: {  	s4 =	sadd.s32 $0x88C00, s6;
	s6 =	smax.u32 s11, $0x1;
	s8 =	sshll.u32 s26, $0xB  }
0xe: {  	s10 =	sshrl.u32 @!p0 s13, $0x3;
	s11 =	simm.s32 $0x3;
	s13 =	simm.s32 $0x1400  }
0xf: {  	s5 =	sadd.s32 $0x7EC00, s5;
	s30 =	sadd.s32 s8, s9;
	s9 =	sshll.u32 @!p0 s0, $0x6  }
0x10: {  	s8 =	sadd.s32 s29, s31;
	s7 =	sadd.s32 $0x800, s30;
	s9 =	sor.u32 @!p0 $0x1C03, s9  }
.LBB2_1:
0x11: {  	[spmem:s10], [sflag:s9] =	dma.local @!p0 [hbm:s4], $0x3E80  }
0x12: {  	s18 =	simm.s32 @!p0 $0x3  }
0x13: {  	_ =	swait.ge @!p0 [sflag:s18], $0x3E80  }
0x14: {  	[sflag:s18] =	ssyncset.done @!p0 $0x0  }
0x15: {  	[sflag:s18] =	ssyncadd.s32 @!p0 $0xFFFFC180  }
0x16: {  	[tilespmem:s3], [sflag:$0x3] =	stream.linear.gather [hbm4b:s5+s3], $0x1400, $0x38;
	[tilespmem:$0x1CC80] =	vst v63  }
0x17: {  	_ =	swait.ge [sflag:s11], $0x1400  }
0x18: {  	[sflag:s11] =	ssyncset.done $0x0  }
0x19: {  	[sflag:s11] =	ssyncadd.s32 $0xFFFFEC00  }
0x1a: {  	[bflag:$0x0] =	sbarrier.arrive $0xFFFF  }
0x1b: {  	[tilespmem:s13], [sflag:$0x1] =	stream.indirect.gather [spmem:s2], $0x80, s3, s12, $0xb8;
	[tilespmem:$0x1CC80] =	vst v63  }
0x1c: {  	s29 =	simm.s32 $0x80  }
0x1d: {  	[tilespmem:s14], [sflag:$0x2] =	stream.indirect.gather [spmem:s2], $0x80, s29, s12, $0xb8;
	[tilespmem:$0x1CC80] =	vst v63  }
0x1e: {  	_ =	swait.ge [sflag:s15], $0x4000  }
0x1f: {  	[sflag:s15] =	ssyncset.done $0x0  }
0x20: {  	s30 =	sadd.s32 $0x0, s8;
	[sflag:s15] =	ssyncadd.s32 $0xFFFFC000  }
0x21: {  	[hbm4b:s30+s3] =	stream.linear.scatter [tilespmem:s13], [sflag:$0x3], $0x4000, $0x38;
	[tilespmem:$0x1CC80] =	vst v63  }
0x22: {  	_ =	swait.ge [sflag:s11], $0x4000  }
0x23: {  	[sflag:s11] =	ssyncset.done $0x0  }
0x24: {  	[sflag:s11] =	ssyncadd.s32 $0xFFFFC000  }
0x25: {  	_ =	swait.ge [sflag:s16], $0x4000  }
0x26: {  	[sflag:s16] =	ssyncset.done $0x0  }
0x27: {  	s31 =	sadd.s32 $0x0, s7;
	[sflag:s16] =	ssyncadd.s32 $0xFFFFC000  }
0x28: {  	[hbm4b:s31+s3] =	stream.linear.scatter [tilespmem:s14], [sflag:$0x3], $0x4000, $0x38;
	[tilespmem:$0x1CC80] =	vst v63  }
0x29: {  	_ =	swait.ge [sflag:s11], $0x4000  }
0x2a: {  	s19 =	simm.s32 $0x0;
	s18 =	simm.s32 $0x1000;
	[sflag:s11] =	ssyncset.done $0x0  }
.LBB2_2:
0x2b: {  	p1 =	sne.s32 s18, $0x13000;
	[sflag:s11] =	ssyncadd.s32 $0xFFFFC000;
	s19 =	sadd.s32 $0x100, s19  }
0x2c: {  	[tilespmem:s13], [sflag:$0x1] =	stream.indirect.gather [spmem:s2], $0x80, s19, s12, $0xb8;
	[tilespmem:$0x1CC80] =	vst v63  }
0x2d: {  	s21 =	smov.u32 s18;
	s18 =	sadd.s32 $0x1000, s18;
	s20 =	sadd.s32 $0x80, s19  }
0x2e: {  	[tilespmem:s14], [sflag:$0x2] =	stream.indirect.gather [spmem:s2], $0x80, s20, s12, $0xb8;
	[tilespmem:$0x1CC80] =	vst v63  }
0x2f: {  	_ =	swait.ge [sflag:s15], $0x4000  }
0x30: {  	[sflag:s15] =	ssyncset.done $0x0  }
0x31: {  	s20 =	sadd.s32 s21, s8;
	[sflag:s15] =	ssyncadd.s32 $0xFFFFC000  }
0x32: {  	[hbm4b:s20+s3] =	stream.linear.scatter [tilespmem:s13], [sflag:$0x3], $0x4000, $0x38;
	[tilespmem:$0x1CC80] =	vst v63  }
0x33: {  	_ =	swait.ge [sflag:s11], $0x4000  }
0x34: {  	[sflag:s11] =	ssyncset.done $0x0  }
0x35: {  	[sflag:s11] =	ssyncadd.s32 $0xFFFFC000  }
0x36: {  	_ =	swait.ge [sflag:s16], $0x4000  }
.Ltmp0:
0x37: {  	[sflag:s16] =	ssyncset.done $0x0;
	(pc) =	sbr.rel @p1 .LBB2_2-.Ltmp0, $4  }
0x38: {  	s20 =	sadd.s32 s21, s7;
	[sflag:s16] =	ssyncadd.s32 $0xFFFFC000  }
0x39: {  	[hbm4b:s20+s3] =	stream.linear.scatter [tilespmem:s14], [sflag:$0x3], $0x4000, $0x38;
	[tilespmem:$0x1CC80] =	vst v63  }
0x3a: {  	_ =	swait.ge [sflag:s11], $0x4000  }
0x3b: {  	[sflag:s11] =	ssyncset.done $0x0  }
0x3c: {  	s17 =	sadd.s32 $0x1, s17  }
0x3d: {  	p1 =	sne.s32 s17, s6  }
.Ltmp1:
0x3e: {  	_ = 	snop;
	(pc) =	sbr.rel @p1 .LBB2_1-.Ltmp1, $2  }
0x3f: {  	_ =	sdelay $0x2  }
0x40: {  	[sflag:s11] =	ssyncadd.s32 $0xFFFFC000  }
0x41: {  	_ =	sfence.sel $0x180000  }
0x42: {  	[bflag:$0x0] =	sbarrier.arrive $0xFFFF  }
0x43: {  	p0 =	sne.s32 s0, $0x0;
	_ =	strace $0x90000053  }
0x44: {  	s0 =	sadd.s32 @!p0 $0x100000, s1;
	[bflag:$0x2] =	sbarrier.arrive $0xFFFF  }
0x45: {  	[sflag:s0] =	ssyncadd.tile.s32 @!p0 $0x1;
	_ =	shalt  }
.Lfunc_end2:
_tile_overlayer_lowered:
.L_overlay_start_2:
0x46: {  	(tag) =	ssettag $0x2  }
0x47: {  	s0 =	rddreg [dreg:$0x0];
	s2 =	stileid.u32  }
0x48: {  	s1 =	rddreg [dreg:$0x1];
	p0 =	sne.s32 s2, $0x0  }
0x49: {  	s3 =	rddreg [dreg:$0x2];
	[bflag:$0x3] =	sbarrier.arrive $0xFFFF;
	s2 =	simm.s32 @!p0 $0x1C03  }
0x4a: {  	[timem:s3], [sflag:s2] =	dma.local @!p0 [hbm:s0], s1  }
0x4b: {  	s0 =	simm.s32 @!p0 $0x3  }
0x4c: {  	_ =	swait.ge @!p0 [sflag:s0], s1  }
0x4d: {  	s1 =	ssub.s32 @!p0 $0x0, s1;
	[sflag:s0] =	ssyncset.done @!p0 $0x0  }
0x4e: {  	[sflag:s0] =	ssyncadd.s32 @!p0 s1  }
0x4f: {  	[bflag:$0x3] =	sbarrier.arrive $0xFFFF  }
0x50: {  	_ =	shalt  }

// kernel: kernel.35.cloned.1.call-start
scs
__scs_entry_jumppad:
0x0: {  	(pc) =	sbr.rel $0x88, $3  }
0x1: {  	(tag) =	ssettag $0x0;
	lr =	simm.s32 $0x1  }
0x2: {  	[smem:$0x3F8B] =	sst lr;
	_ =	strace $0xD0000000  }
0x3: {  	_ = 	snop  }
0x4: {  	_ = 	snop  }
0x5: {  	_ = 	snop  }
0x6: {  	_ = 	snop  }
0x7: {  	_ = 	snop  }
__scs_overlays_trampoline_lowered:
0x8: {  	[smem:$0x3F9A] =	sst s0  }
0x9: {  	[smem:$0x3F9B] =	sst s1  }
0xa: {  	[smem:$0x3F9C] =	sst s2  }
0xb: {  	[smem:$0x3F9D] =	sst s3  }
0xc: {  	[smem:$0x3F9E] =	sst s4  }
0xd: {  	[smem:$0x3F9F] =	sst s5  }
0xe: {  	[smem:$0x3FA0] =	sst s6  }
0xf: {  	[smem:$0x3FA1] =	sst s7  }
0x10: {  	[smem:$0x3FA2] =	sst s8  }
0x11: {  	[smem:$0x3FA3] =	sst s9;
	s0 =	simm.s32 @!p0 $0x0  }
0x12: {  	s1 =	sld [smem:$0x3F89];
	s0 =	simm.s32 @p0 $0x1  }
0x13: {  	[smem:$0x3FA4] =	sst s0;
	s0 =	simm.s32 @!p1 $0x0  }
0x14: {  	s2 =	sld [smem:$0x3F88];
	s0 =	simm.s32 @p1 $0x1  }
0x15: {  	[smem:$0x3FA5] =	sst s0;
	s0 =	simm.s32 @!p2 $0x0  }
0x16: {  	s3 =	sld [smem:$0x3FDB];
	s0 =	simm.s32 @p2 $0x1  }
0x17: {  	s4 =	simm.s32 $0x1BF5;
	[smem:$0x3FA7] =	sst s0  }
0x18: {  	s0 =	sld [smem:$0x3F8A];
	_ =	swait.ge [sflag:s4], $0x0  }
0x19: {  	s7 =	sld [smem:$0x3F8B]  }
0x1a: {  	s8 =	sadd.s32 $0xFFFFE003, lr  }
0x1b: {  	s9 =	sadd.s32 $0xFFFFFEF7, lr;
	s5 =	simm.s32 $0xFFFFFFFF;
	p2 =	slt.u32 s8, $0xFFFFF086  }
0x1c: {  	p1 =	slt.u32 s9, $0xF7A;
	s5 =	simm.s32 @!p2 $0x0  }
0x1d: {  	s5 =	simm.s32 @p1 $0x1;
	p0 =	seq.s32 s7, s2  }
0x1e: {  	s7 =	smul.u32 @!p0 $0xF7A, s2;
	p2 =	seq.s32 @!p0 s5, $0x0  }
0x1f: {  	s9 =	smul.u32 $0xF7A, s1;
	s8 =	simm.s32 @!p0 $0x1BF5;
	p2 =	por !p2, p0  }
0x20: {  	[sflag:s8] =	ssyncset.s32 @!p0 $0xFFFFF086;
	s6 =	sadd.s32 @!p0 s3, s7;
	s7 =	simm.s32 @!p0 $0x108  }
0x21: {  	s3 =	sadd.s32 s3, s9;
	s6 =	sadd.s32 @!p0 $0x88, s6;
	s7 =	simm.s32 @p2 $0x1082  }
0x22: {  	[simem:s7], [sflag:s8] =	dma.local @!p0 [hbm:s6], $0xF7A  }
0x23: {  	s9 =	sor.u32 $0xD0000000, s2;
	s6 =	simm.s32 $0x108;
	_ =	swait.ge @!p0 [sflag:s8], $0x0  }
0x24: {  	s3 =	sadd.s32 $0x88, s3;
	s6 =	simm.s32 @!p1 $0x1082;
	[sflag:s4] =	ssyncset.s32 $0xFFFFF086  }
0x25: {  	[simem:s6], [sflag:s4] =	dma.local [hbm:s3], $0xF7A  }
0x26: {  	[smem:$0x3F8B] =	sst s1;
	(tag) =	ssettag s2;
	_ =	strace s9  }
0x27: {  	s1 =	sld [smem:$0x3F9B]  }
0x28: {  	s2 =	sld [smem:$0x3F9C]  }
0x29: {  	s4 =	sld [smem:$0x3F9E]  }
0x2a: {  	p0 =	seq.s32 s5, $0x0;
	s5 =	sld [smem:$0x3F9F]  }
0x2b: {  	s6 =	sld [smem:$0x3FA0]  }
0x2c: {  	s7 =	sld [smem:$0x3FA1]  }
0x2d: {  	s3 =	simm.s32 $0x108;
	s8 =	sld [smem:$0x3FA2]  }
0x2e: {  	s3 =	simm.s32 @!p0 $0x1082;
	s9 =	sld [smem:$0x3FA3]  }
0x2f: {  	lr =	sadd.s32 s0, s3;
	s0 =	sld [smem:$0x3F9A]  }
0x30: {  	s3 =	sld [smem:$0x3F9D]  }
0x31: {  	[smem:$0x3FA6] =	sst s10  }
0x32: {  	s10 =	sld [smem:$0x3FA4];
	_ =	sdelay $0x3  }
0x33: {  	p0 =	seq.s32 s10, $0x1;
	s10 =	sld [smem:$0x3FA6];
	_ =	sdelay $0x3  }
0x34: {  	[smem:$0x3FA6] =	sst s10  }
0x35: {  	s10 =	sld [smem:$0x3FA5];
	_ =	sdelay $0x3  }
0x36: {  	p1 =	seq.s32 s10, $0x1;
	s10 =	sld [smem:$0x3FA6];
	_ =	sdelay $0x3  }
0x37: {  	[smem:$0x3FA6] =	sst s10  }
0x38: {  	s10 =	sld [smem:$0x3FA7]  }
0x39: {  	_ = 	snop;
	(pc) =	sbr.ind lr, $3  }
0x3a: {  	_ = 	snop  }
0x3b: {  	_ = 	snop  }
0x3c: {  	p2 =	seq.s32 s10, $0x1;
	s10 =	sld [smem:$0x3FA6]  }
0x3d: {  	_ =	shalt  }
0x3e: {  	_ =	shalt  }
0x3f: {  	_ =	shalt  }
0x40: {  	_ =	shalt  }
0x41: {  	_ =	shalt  }
0x42: {  	_ =	shalt  }
0x43: {  	_ =	shalt  }
0x44: {  	_ =	shalt  }
0x45: {  	_ =	shalt  }
0x46: {  	_ =	shalt  }
0x47: {  	_ =	shalt  }
0x48: {  	_ =	shalt  }
0x49: {  	_ =	shalt  }
0x4a: {  	_ =	shalt  }
0x4b: {  	_ =	shalt  }
0x4c: {  	_ =	shalt  }
0x4d: {  	_ =	shalt  }
0x4e: {  	_ =	shalt  }
0x4f: {  	_ =	shalt  }
0x50: {  	_ =	shalt  }
0x51: {  	_ =	shalt  }
0x52: {  	_ =	shalt  }
0x53: {  	_ =	shalt  }
0x54: {  	_ =	shalt  }
0x55: {  	_ =	shalt  }
0x56: {  	_ =	shalt  }
0x57: {  	_ =	shalt  }
0x58: {  	_ =	shalt  }
0x59: {  	_ =	shalt  }
0x5a: {  	_ =	shalt  }
0x5b: {  	_ =	shalt  }
0x5c: {  	_ =	shalt  }
0x5d: {  	_ =	shalt  }
0x5e: {  	_ =	shalt  }
0x5f: {  	_ =	shalt  }
0x60: {  	_ =	shalt  }
0x61: {  	_ =	shalt  }
0x62: {  	_ =	shalt  }
0x63: {  	_ =	shalt  }
0x64: {  	_ =	shalt  }
0x65: {  	_ =	shalt  }
0x66: {  	_ =	shalt  }
0x67: {  	_ =	shalt  }
0x68: {  	_ =	shalt  }
0x69: {  	_ =	shalt  }
0x6a: {  	_ =	shalt  }
0x6b: {  	_ =	shalt  }
0x6c: {  	_ =	shalt  }
0x6d: {  	_ =	shalt  }
0x6e: {  	_ =	shalt  }
0x6f: {  	_ =	shalt  }
0x70: {  	_ =	shalt  }
0x71: {  	_ =	shalt  }
0x72: {  	_ =	shalt  }
0x73: {  	_ =	shalt  }
0x74: {  	_ =	shalt  }
0x75: {  	_ =	shalt  }
0x76: {  	_ =	shalt  }
0x77: {  	_ =	shalt  }
0x78: {  	_ =	shalt  }
0x79: {  	_ =	shalt  }
0x7a: {  	_ =	shalt  }
0x7b: {  	_ =	shalt  }
0x7c: {  	_ =	shalt  }
0x7d: {  	_ =	shalt  }
0x7e: {  	_ =	shalt  }
0x7f: {  	_ =	shalt  }
0x80: {  	_ =	shalt  }
0x81: {  	_ =	shalt  }
0x82: {  	_ =	shalt  }
0x83: {  	_ =	shalt  }
0x84: {  	_ =	shalt  }
0x85: {  	_ =	shalt  }
0x86: {  	_ =	shalt  }
0x87: {  	_ =	shalt  }
.Lfunc_end0:
.L_simem_size_0:
called_computation.5_lowered:
.L_overlay_start_0:
0x88: {  	s2 =	sld [smem:$0x3FD9]  }
0x89: {  	s3 =	sld [smem:$0x3FFE];
	_ =	sdelay $0x1  }
0x8a: {  	s1 =	srdreg.scid  }
0x8b: {  	s0 =	sand.u32 $0x1, s1  }
0x8c: {  	s16 =	sshll.u32 s0, $0xA;
	s2 =	sadd.s32 s3, s2  }
0x8d: {  	s2 =	sadd.s32 s2, s16  }
0x8e: {  	[smem:$0x3FB2] =	sst s2  }
0x8f: {  	_ = 	snop  }
0x90: {  	(tm) =	ssettm $0x1  }
0x91: {  	s17 =	sld [smem:$0x3FFB];
	_ =	sdelay $0x3  }
0x92: {  	_ =	strace s17  }
0x93: {  	s2 =	sld [smem:$0x3FFC];
	_ =	sdelay $0x3  }
0x94: {  	_ =	strace s2  }
0x95: {  	s2 =	sld [smem:$0x3FFD];
	_ =	sdelay $0x3  }
0x96: {  	_ =	strace s2  }
0x97: {  	_ =	strace $0x8FFFFFFF  }
0x98: {  	s18 =	sld [smem:$0x3FDB];
	_ =	sdelay $0x1  }
0x99: {  	s19 =	simm.s32 $_scs_section_size  }
0x9a: {  	s4 =	simm.s32 $_size__tile_overlayer_lowered;
	s5 =	simm.s32 $_tile_overlayer_lowered  }
0x9b: {  	s22 =	simm.s32 $0x1BFF;
	s21 =	sshll.u32 s5, $0x1;
	s2 =	sadd.s32 s19, s18  }
0x9c: {  	s6 =	simm.s32 $0x0;
	s20 =	sshll.u32 s4, $0x1;
	s4 =	sadd.s32 s21, s2  }
0x9d: {  	[timem:s6], [sflag:s22] =	dma.local [hbm:s4], s20  }
0x9e: {  	_ =	swait.ge [sflag:s22], s20  }
0x9f: {  	s3 =	ssub.s32 $0x0, s20;
	[sflag:s22] =	ssyncset.done $0x0  }
0xa0: {  	[sflag:s22] =	ssyncadd.s32 s3;
	_ =	sdelay $0x1  }
0xa1: {  	s23 =	simm.s32 $0x1B8B  }
0xa2: {  	_ =	swait.ge [sflag:s23], $0x1  }
0xa3: {  	[sflag:s23] =	ssyncset.done $0x0  }
0xa4: {  	s25 =	simm.s32 $0x1B8E;
	s24 =	sld [smem:$0x3FFE];
	[sflag:s23] =	ssyncadd.s32 $0xFFFFFFFF  }
0xa5: {  	s26 =	simm.s32 $execute0_lowered;
	[smem:$0x3FD2] =	sst s25  }
0xa6: {  	s4 =	sshll.u32 s26, $0x1;
	_ =	strace $0x80000055;
	[dreg:$0x1] =	wrdreg $0xFFFFFFFF  }
0xa7: {  	s28 =	simm.s32 $_size_execute0_lowered;
	s2 =	sadd.s32 s2, s4;
	[dreg:$0x0] =	wrdreg $0x0  }
0xa8: {  	s4 =	sshll.u32 s28, $0x1;
	[dreg:$0x2] =	wrdreg s2  }
0xa9: {  	[dreg:$0x3] =	wrdreg s4  }
0xaa: {  	[dreg:$0x4] =	wrdreg $0xC0  }
0xab: {  	_ =	task [dreg:s6], $0x5FFFF  }
0xac: {  	[dreg:$0x1] =	wrdreg $0xFFFFFFFF  }
0xad: {  	[dreg:$0x0] =	wrdreg $0x60  }
0xae: {  	[dreg:$0x2] =	wrdreg s24  }
0xaf: {  	[dreg:$0x3] =	wrdreg $0xB8000  }
0xb0: {  	[dreg:$0x4] =	wrdreg $0x9  }
0xb1: {  	_ =	task.clear_ibuf [dreg:s6], $0x5FFFF;
	_ =	strace $0x90000055  }
0xb2: {  	s29 =	simm.s32 $0x9;
	_ =	strace $0x80000057  }
0xb3: {  	_ =	swait.ge [sflag:s29], $0x1  }
0xb4: {  	[sflag:s29] =	ssyncadd.s32 $0xFFFFFFFF  }
0xb5: {  	_ =	strace $0x90000057  }
0xb6: {  	_ =	sfence  }
0xb7: {  	s30 =	sld [smem:$0x0];
	_ =	sdelay $0x2  }
0xb8: {  	s31 =	sshll.u32 s1, $0xD;
	s1 =	sshrl.u32 s1, $0x2  }
0xb9: {  	s3 =	sand.u32 $0x4000, s31;
	s1 =	sadd.s32 s1, s30  }
0xba: {  	s0 =	sor.u32 s3, s0;
	s1 =	sshll.u32 s1, $0x11  }
0xbb: {  	s0 =	sor.u32 s1, s0  }
0xbc: {  	s0 =	sadd.s32 $0x8F2B, s0  }
0xbd: {  	[sflag:s0] =	ssyncadd.remote.s32 $0x1  }
0xbe: {  	_ =	sfence.sel $0xFFFF  }
0xbf: {  	[dreg:$0x0] =	wrdreg $0xFFFFFFFF;
	(pc) =	sbr.abs _section_cstart, $3  }
0xc0: {  	[dreg:$0x1] =	wrdreg $0xFFFFFFFF  }
0xc1: {  	_ =	task.clear_ibuf [dreg:s6], $0x2FFFF;
	_ =	strace $0x9FFFFFFF  }
0xc2: {  	(tm) =	ssettm $0x7FFFFFFF  }
0xc3: {  	_ =	shalt  }
tec
execute0_lowered:
.L_overlay_start_1:
0x0: {  	(tag) =	ssettag $0x1  }
0x1: {  	s0 =	stileid.u32  }
0x2: {  	s1 =	srdreg.scid;
	s6 =	smul.u32 $0x28000, s0  }
0x3: {  	s5 =	rddreg [dreg:$0x0];
	s8 =	smul.u32 $0x1F400, s0  }
0x4: {  	s2 =	rddreg [dreg:$0x1];
	s3 =	simm.s32 $0x0;
	s10 =	smul.u32 $0x7D000, s0  }
0x5: {  	s19 =	simm.s32 $0x0;
	s11 =	sand.u32 $0x1, s1;
	s15 =	smul.u32 $0x50, s0  }
0x6: {  	s26 =	sshll.u32 s0, $0x1;
	[smem:$0x7FF] =	sst s3;
	s7 =	smul.u32 $0x138800, s11  }
0x7: {  	p0 =	sgt.u32 s0, $0x9;
	s1 =	sor.u32 s11, s26;
	s14 =	smul.u32 $0x14000, s11  }
0x8: {  	s29 =	ssub.s32 $0x2, s11;
	s16 =	smul.u32 $0x28, s11;
	s17 =	sshll.u32 @!p0 s0, $0x6  }
0x9: {  	s4 =	smul.u32 $0x280, s1;
	s1 =	rddreg [dreg:$0x2];
	_ =	strace $0x80000056  }
0xa: {  	s13 =	sadd.s32 s6, s5;
	s30 =	sshrl.u32 s29, $0x1;
	s31 =	sshrl.u32 s10, $0x2  }
0xb: {  	s17 =	sor.u32 @!p0 $0x1C01, s17;
	s28 =	sadd.s32 s8, s7;
	s8 =	ssub.s32 s29, s30  }
0xc: {  	s7 =	sadd.s32 s31, s2;
	s13 =	sadd.s32 s14, s13;
	s14 =	sadd.s32 s16, s15  }
0xd: {  	s15 =	simm.s32 $0x5400;
	s16 =	simm.s32 $0x1;
	s9 =	sadd.s32 s4, s5  }
0xe: {  	s4 =	sadd.s32 $0x589400, s5;
	s6 =	sshrl.u32 s28, $0x3;
	s8 =	smax.u32 s8, $0x1  }
0xf: {  	s10 =	sadd.s32 $0xC800, s7;
	s11 =	sadd.s32 $0x12C00, s7;
	s12 =	sadd.s32 $0x19000, s7  }
0x10: {  	s13 =	sadd.s32 $0xABA400, s13;
	s18 =	sshrl.u32 @!p0 s7, $0x3;
	s6 =	sadd.s32 s6, s5  }
0x11: {  	s5 =	sadd.s32 $0x83C00, s9;
	s9 =	sadd.s32 $0x6400, s7;
	s6 =	sadd.s32 $0x88C00, s6  }
.LBB2_1:
0x12: {  	[tilespmem:s15], [sflag:$0x1] =	stream.linear.gather [hbm4b:s4+s3], $0x6400, $0x38;
	[tilespmem:$0x1F080] =	vst v63  }
0x13: {  	_ =	swait.ge [sflag:s16], $0x6400  }
0x14: {  	[sflag:s16] =	ssyncset.done $0x0  }
0x15: {  	[sflag:s16] =	ssyncadd.s32 $0xFFFF9C00  }
0x16: {  	[tilespmem:s3], [sflag:$0x1] =	stream.linear.gather [hbm4b:s5+s3], $0x1400, $0x38;
	[tilespmem:$0x1F080] =	vst v63  }
0x17: {  	_ =	swait.ge [sflag:s16], $0x1400  }
0x18: {  	[sflag:s16] =	ssyncset.done $0x0  }
0x19: {  	s20 =	simm.s32 @!p0 $0x5400;
	s21 =	simm.s32 @!p0 $0x1;
	[sflag:s16] =	ssyncadd.s32 $0xFFFFEC00  }
0x1a: {  	[spmem:s7] =	stream.linear.scatter @!p0 [tilespmem:s20], [sflag:$0x1], $0x6400, $0x38;
	[tilespmem:$0x1F080] =	vst v63  }
0x1b: {  	_ =	swait.ge @!p0 [sflag:s21], $0x6400  }
0x1c: {  	[sflag:s21] =	ssyncset.done @!p0 $0x0  }
0x1d: {  	[sflag:s21] =	ssyncadd.s32 @!p0 $0xFFFF9C00  }
0x1e: {  	[spmem:s9] =	stream.linear.scatter @!p0 [tilespmem:s20], [sflag:$0x1], $0x6400, $0x38;
	[tilespmem:$0x1F080] =	vst v63  }
0x1f: {  	_ =	swait.ge @!p0 [sflag:s21], $0x6400  }
0x20: {  	[sflag:s21] =	ssyncset.done @!p0 $0x0  }
0x21: {  	[sflag:s21] =	ssyncadd.s32 @!p0 $0xFFFF9C00  }
0x22: {  	[spmem:s10] =	stream.linear.scatter @!p0 [tilespmem:s20], [sflag:$0x1], $0x6400, $0x38;
	[tilespmem:$0x1F080] =	vst v63  }
0x23: {  	_ =	swait.ge @!p0 [sflag:s21], $0x6400  }
0x24: {  	[sflag:s21] =	ssyncset.done @!p0 $0x0  }
0x25: {  	[sflag:s21] =	ssyncadd.s32 @!p0 $0xFFFF9C00  }
0x26: {  	[spmem:s11] =	stream.linear.scatter @!p0 [tilespmem:s20], [sflag:$0x1], $0x6400, $0x38;
	[tilespmem:$0x1F080] =	vst v63  }
0x27: {  	_ =	swait.ge @!p0 [sflag:s21], $0x6400  }
0x28: {  	[sflag:s21] =	ssyncset.done @!p0 $0x0  }
0x29: {  	s30 =	sadd.s32 $0x0, s14;
	[sflag:s21] =	ssyncadd.s32 @!p0 $0xFFFF9C00  }
0x2a: {  	[spmem:s12] =	stream.linear.scatter @!p0 [tilespmem:s20], [sflag:$0x1], $0x6400, $0x38;
	[tilespmem:$0x1F080] =	vst v63  }
0x2b: {  	p2 =	sgt.u32 s30, $0x4E1;
	_ =	swait.ge @!p0 [sflag:s21], $0x6400  }
0x2c: {  	p1 =	por p2, p2;
	[sflag:s21] =	ssyncset.done @!p0 $0x0  }
0x2d: {  	s23 =	simm.s32 @!p1 $0x2;
	[sflag:s21] =	ssyncadd.s32 @!p0 $0xFFFF9C00  }
0x2e: {  	s20 =	simm.s32 @!p2 $0x0;
	s21 =	simm.s32 @!p2 $0x1400;
	[bflag:$0x0] =	sbarrier.arrive $0xFFFF  }
0x2f: {  	[tilespmem:s21], [sflag:$0x2] =	stream.linear.gather @!p1 [hbm4b:s13+s20], $0x4000, $0x38;
	[tilespmem:$0x1F080] =	vst v63  }
0x30: {  	s31 =	sadd.s32 $0x1, s14;
	_ =	swait.ge @!p1 [sflag:s23], $0x4000  }
0x31: {  	s22 =	simm.s32 $0x2;
	p2 =	sgt.u32 s31, $0x4E1;
	[sflag:s23] =	ssyncset.done @!p1 $0x0  }
0x32: {  	s20 =	simm.s32 @!p1 $0x80;
	[sflag:s23] =	ssyncadd.s32 @!p1 $0xFFFFC000;
	s23 =	simm.s32 @!p1 $0x1  }
0x33: {  	[spmem:s2] =	stream.indirect.scatter.add.f32 @!p1 [tilespmem:s21], [sflag:$0x1], $0x80, s3, s20, $0xb8;
	[tilespmem:$0x1F080] =	vst v63  }
0x34: {  	s21 =	sadd.s32 $0x800, s13;
	s20 =	simm.s32 $0x80;
	_ =	swait.ge @!p1 [sflag:s23], $0x4000  }
.LBB2_2:
0x35: {  	s24 =	simm.s32 @!p2 $0x0  }
0x36: {  	s25 =	simm.s32 @!p2 $0x1400;
	[sflag:s23] =	ssyncset.done @!p1 $0x0;
	s26 =	smov.u32 s22  }
0x37: {  	p3 =	por p1, p1;
	p1 =	por p2, p2;
	s22 =	sadd.s32 $0x1, s22  }
0x38: {  	s28 =	simm.s32 @!p1 $0x2;
	[sflag:s23] =	ssyncadd.s32 @!p3 $0xFFFFC000;
	p3 =	sne.s32 s22, $0x28  }
0x39: {  	[tilespmem:s25], [sflag:$0x2] =	stream.linear.gather @!p1 [hbm4b:s21+s24], $0x4000, $0x38;
	[tilespmem:$0x1F080] =	vst v63  }
.Ltmp0:
0x3a: {  	_ =	swait.ge @!p1 [sflag:s28], $0x4000;
	(pc) =	sbr.rel @p3 .LBB2_2-.Ltmp0, $4  }
0x3b: {  	s23 =	simm.s32 @!p1 $0x1;
	s21 =	sadd.s32 $0x800, s21;
	[sflag:s28] =	ssyncset.done @!p1 $0x0  }
0x3c: {  	s24 =	sadd.s32 s26, s14;
	s26 =	simm.s32 @!p1 $0x80;
	[sflag:s28] =	ssyncadd.s32 @!p1 $0xFFFFC000  }
0x3d: {  	[spmem:s2] =	stream.indirect.scatter.add.f32 @!p1 [tilespmem:s25], [sflag:$0x1], $0x80, s20, s26, $0xb8;
	[tilespmem:$0x1F080] =	vst v63  }
0x3e: {  	p2 =	sgt.u32 s24, $0x4E1;
	s20 =	sadd.s32 $0x80, s20;
	_ =	swait.ge @!p1 [sflag:s23], $0x4000  }
0x3f: {  	s22 =	simm.s32 @!p2 $0x0  }
0x40: {  	[sflag:s23] =	ssyncset.done @!p1 $0x0;
	p1 =	por p1, p1;
	p3 =	por p2, p2  }
0x41: {  	s24 =	simm.s32 @!p2 $0x1400;
	s25 =	simm.s32 @!p3 $0x2;
	[sflag:s23] =	ssyncadd.s32 @!p1 $0xFFFFC000  }
0x42: {  	[tilespmem:s24], [sflag:$0x2] =	stream.linear.gather @!p3 [hbm4b:s21+s22], $0x4000, $0x38;
	[tilespmem:$0x1F080] =	vst v63  }
0x43: {  	_ =	swait.ge @!p3 [sflag:s25], $0x4000  }
0x44: {  	[sflag:s25] =	ssyncset.done @!p3 $0x0  }
0x45: {  	s21 =	simm.s32 @!p3 $0x1;
	s22 =	simm.s32 @!p3 $0x80;
	[sflag:s25] =	ssyncadd.s32 @!p3 $0xFFFFC000  }
0x46: {  	[spmem:s2] =	stream.indirect.scatter.add.f32 @!p3 [tilespmem:s24], [sflag:$0x1], $0x80, s20, s22, $0xb8;
	[tilespmem:$0x1F080] =	vst v63  }
0x47: {  	_ =	swait.ge @!p3 [sflag:s21], $0x4000  }
0x48: {  	s19 =	sadd.s32 $0x1, s19;
	p1 =	por p3, p3;
	[sflag:s21] =	ssyncset.done @!p3 $0x0  }
0x49: {  	[sflag:s21] =	ssyncadd.s32 @!p1 $0xFFFFC000;
	p1 =	sne.s32 s19, s8  }
.Ltmp1:
0x4a: {  	s20 =	simm.s32 @!p0 $0x1;
	[bflag:$0x0] =	sbarrier.arrive $0xFFFF;
	(pc) =	sbr.rel @p1 .LBB2_1-.Ltmp1, $4  }
0x4b: {  	[hbm:s6], [sflag:s17] =	dma.local @!p0 [spmem:s18], $0x3E80  }
0x4c: {  	_ =	swait.ge @!p0 [sflag:s20], $0x3E80  }
0x4d: {  	[sflag:s20] =	ssyncset.done @!p0 $0x0  }
0x4e: {  	[sflag:s20] =	ssyncadd.s32 @!p0 $0xFFFFC180  }
0x4f: {  	_ =	sfence.sel $0x180000  }
0x50: {  	[bflag:$0x0] =	sbarrier.arrive $0xFFFF  }
0x51: {  	p0 =	sne.s32 s0, $0x0;
	_ =	strace $0x90000056  }
0x52: {  	s0 =	sadd.s32 @!p0 $0x100000, s1;
	[bflag:$0x2] =	sbarrier.arrive $0xFFFF  }
0x53: {  	[sflag:s0] =	ssyncadd.tile.s32 @!p0 $0x1;
	_ =	shalt  }
.Lfunc_end2:
_tile_overlayer_lowered:
.L_overlay_start_2:
0x54: {  	(tag) =	ssettag $0x2  }
0x55: {  	s0 =	rddreg [dreg:$0x0];
	s2 =	stileid.u32  }
0x56: {  	s1 =	rddreg [dreg:$0x1];
	p0 =	sne.s32 s2, $0x0  }
0x57: {  	s3 =	rddreg [dreg:$0x2];
	[bflag:$0x3] =	sbarrier.arrive $0xFFFF;
	s2 =	simm.s32 @!p0 $0x1C01  }
0x58: {  	[timem:s3], [sflag:s2] =	dma.local @!p0 [hbm:s0], s1  }
0x59: {  	s0 =	simm.s32 @!p0 $0x1  }
0x5a: {  	_ =	swait.ge @!p0 [sflag:s0], s1  }
0x5b: {  	s1 =	ssub.s32 @!p0 $0x0, s1;
	[sflag:s0] =	ssyncset.done @!p0 $0x0  }
0x5c: {  	[sflag:s0] =	ssyncadd.s32 @!p0 s1  }
0x5d: {  	[bflag:$0x3] =	sbarrier.arrive $0xFFFF  }
0x5e: {  	_ =	shalt  }

// kernel: kernel.38.cloned.1.call-start
scs
__scs_entry_jumppad:
0x0: {  	(pc) =	sbr.rel $0x88, $3  }
0x1: {  	(tag) =	ssettag $0x0;
	lr =	simm.s32 $0x1  }
0x2: {  	[smem:$0x3F8B] =	sst lr;
	_ =	strace $0xD0000000  }
0x3: {  	_ = 	snop  }
0x4: {  	_ = 	snop  }
0x5: {  	_ = 	snop  }
0x6: {  	_ = 	snop  }
0x7: {  	_ = 	snop  }
__scs_overlays_trampoline_lowered:
0x8: {  	[smem:$0x3F9A] =	sst s0  }
0x9: {  	[smem:$0x3F9B] =	sst s1  }
0xa: {  	[smem:$0x3F9C] =	sst s2  }
0xb: {  	[smem:$0x3F9D] =	sst s3  }
0xc: {  	[smem:$0x3F9E] =	sst s4  }
0xd: {  	[smem:$0x3F9F] =	sst s5  }
0xe: {  	[smem:$0x3FA0] =	sst s6  }
0xf: {  	[smem:$0x3FA1] =	sst s7  }
0x10: {  	[smem:$0x3FA2] =	sst s8  }
0x11: {  	[smem:$0x3FA3] =	sst s9;
	s0 =	simm.s32 @!p0 $0x0  }
0x12: {  	s1 =	sld [smem:$0x3F89];
	s0 =	simm.s32 @p0 $0x1  }
0x13: {  	[smem:$0x3FA4] =	sst s0;
	s0 =	simm.s32 @!p1 $0x0  }
0x14: {  	s2 =	sld [smem:$0x3F88];
	s0 =	simm.s32 @p1 $0x1  }
0x15: {  	[smem:$0x3FA5] =	sst s0;
	s0 =	simm.s32 @!p2 $0x0  }
0x16: {  	s3 =	sld [smem:$0x3FDB];
	s0 =	simm.s32 @p2 $0x1  }
0x17: {  	s4 =	simm.s32 $0x1BF5;
	[smem:$0x3FA7] =	sst s0  }
0x18: {  	s0 =	sld [smem:$0x3F8A];
	_ =	swait.ge [sflag:s4], $0x0  }
0x19: {  	s7 =	sld [smem:$0x3F8B]  }
0x1a: {  	s8 =	sadd.s32 $0xFFFFE003, lr  }
0x1b: {  	s9 =	sadd.s32 $0xFFFFFEF7, lr;
	s5 =	simm.s32 $0xFFFFFFFF;
	p2 =	slt.u32 s8, $0xFFFFF086  }
0x1c: {  	p1 =	slt.u32 s9, $0xF7A;
	s5 =	simm.s32 @!p2 $0x0  }
0x1d: {  	s5 =	simm.s32 @p1 $0x1;
	p0 =	seq.s32 s7, s2  }
0x1e: {  	s7 =	smul.u32 @!p0 $0xF7A, s2;
	p2 =	seq.s32 @!p0 s5, $0x0  }
0x1f: {  	s9 =	smul.u32 $0xF7A, s1;
	s8 =	simm.s32 @!p0 $0x1BF5;
	p2 =	por !p2, p0  }
0x20: {  	[sflag:s8] =	ssyncset.s32 @!p0 $0xFFFFF086;
	s6 =	sadd.s32 @!p0 s3, s7;
	s7 =	simm.s32 @!p0 $0x108  }
0x21: {  	s3 =	sadd.s32 s3, s9;
	s6 =	sadd.s32 @!p0 $0x88, s6;
	s7 =	simm.s32 @p2 $0x1082  }
0x22: {  	[simem:s7], [sflag:s8] =	dma.local @!p0 [hbm:s6], $0xF7A  }
0x23: {  	s9 =	sor.u32 $0xD0000000, s2;
	s6 =	simm.s32 $0x108;
	_ =	swait.ge @!p0 [sflag:s8], $0x0  }
0x24: {  	s3 =	sadd.s32 $0x88, s3;
	s6 =	simm.s32 @!p1 $0x1082;
	[sflag:s4] =	ssyncset.s32 $0xFFFFF086  }
0x25: {  	[simem:s6], [sflag:s4] =	dma.local [hbm:s3], $0xF7A  }
0x26: {  	[smem:$0x3F8B] =	sst s1;
	(tag) =	ssettag s2;
	_ =	strace s9  }
0x27: {  	s1 =	sld [smem:$0x3F9B]  }
0x28: {  	s2 =	sld [smem:$0x3F9C]  }
0x29: {  	s4 =	sld [smem:$0x3F9E]  }
0x2a: {  	p0 =	seq.s32 s5, $0x0;
	s5 =	sld [smem:$0x3F9F]  }
0x2b: {  	s6 =	sld [smem:$0x3FA0]  }
0x2c: {  	s7 =	sld [smem:$0x3FA1]  }
0x2d: {  	s3 =	simm.s32 $0x108;
	s8 =	sld [smem:$0x3FA2]  }
0x2e: {  	s3 =	simm.s32 @!p0 $0x1082;
	s9 =	sld [smem:$0x3FA3]  }
0x2f: {  	lr =	sadd.s32 s0, s3;
	s0 =	sld [smem:$0x3F9A]  }
0x30: {  	s3 =	sld [smem:$0x3F9D]  }
0x31: {  	[smem:$0x3FA6] =	sst s10  }
0x32: {  	s10 =	sld [smem:$0x3FA4];
	_ =	sdelay $0x3  }
0x33: {  	p0 =	seq.s32 s10, $0x1;
	s10 =	sld [smem:$0x3FA6];
	_ =	sdelay $0x3  }
0x34: {  	[smem:$0x3FA6] =	sst s10  }
0x35: {  	s10 =	sld [smem:$0x3FA5];
	_ =	sdelay $0x3  }
0x36: {  	p1 =	seq.s32 s10, $0x1;
	s10 =	sld [smem:$0x3FA6];
	_ =	sdelay $0x3  }
0x37: {  	[smem:$0x3FA6] =	sst s10  }
0x38: {  	s10 =	sld [smem:$0x3FA7]  }
0x39: {  	_ = 	snop;
	(pc) =	sbr.ind lr, $3  }
0x3a: {  	_ = 	snop  }
0x3b: {  	_ = 	snop  }
0x3c: {  	p2 =	seq.s32 s10, $0x1;
	s10 =	sld [smem:$0x3FA6]  }
0x3d: {  	_ =	shalt  }
0x3e: {  	_ =	shalt  }
0x3f: {  	_ =	shalt  }
0x40: {  	_ =	shalt  }
0x41: {  	_ =	shalt  }
0x42: {  	_ =	shalt  }
0x43: {  	_ =	shalt  }
0x44: {  	_ =	shalt  }
0x45: {  	_ =	shalt  }
0x46: {  	_ =	shalt  }
0x47: {  	_ =	shalt  }
0x48: {  	_ =	shalt  }
0x49: {  	_ =	shalt  }
0x4a: {  	_ =	shalt  }
0x4b: {  	_ =	shalt  }
0x4c: {  	_ =	shalt  }
0x4d: {  	_ =	shalt  }
0x4e: {  	_ =	shalt  }
0x4f: {  	_ =	shalt  }
0x50: {  	_ =	shalt  }
0x51: {  	_ =	shalt  }
0x52: {  	_ =	shalt  }
0x53: {  	_ =	shalt  }
0x54: {  	_ =	shalt  }
0x55: {  	_ =	shalt  }
0x56: {  	_ =	shalt  }
0x57: {  	_ =	shalt  }
0x58: {  	_ =	shalt  }
0x59: {  	_ =	shalt  }
0x5a: {  	_ =	shalt  }
0x5b: {  	_ =	shalt  }
0x5c: {  	_ =	shalt  }
0x5d: {  	_ =	shalt  }
0x5e: {  	_ =	shalt  }
0x5f: {  	_ =	shalt  }
0x60: {  	_ =	shalt  }
0x61: {  	_ =	shalt  }
0x62: {  	_ =	shalt  }
0x63: {  	_ =	shalt  }
0x64: {  	_ =	shalt  }
0x65: {  	_ =	shalt  }
0x66: {  	_ =	shalt  }
0x67: {  	_ =	shalt  }
0x68: {  	_ =	shalt  }
0x69: {  	_ =	shalt  }
0x6a: {  	_ =	shalt  }
0x6b: {  	_ =	shalt  }
0x6c: {  	_ =	shalt  }
0x6d: {  	_ =	shalt  }
0x6e: {  	_ =	shalt  }
0x6f: {  	_ =	shalt  }
0x70: {  	_ =	shalt  }
0x71: {  	_ =	shalt  }
0x72: {  	_ =	shalt  }
0x73: {  	_ =	shalt  }
0x74: {  	_ =	shalt  }
0x75: {  	_ =	shalt  }
0x76: {  	_ =	shalt  }
0x77: {  	_ =	shalt  }
0x78: {  	_ =	shalt  }
0x79: {  	_ =	shalt  }
0x7a: {  	_ =	shalt  }
0x7b: {  	_ =	shalt  }
0x7c: {  	_ =	shalt  }
0x7d: {  	_ =	shalt  }
0x7e: {  	_ =	shalt  }
0x7f: {  	_ =	shalt  }
0x80: {  	_ =	shalt  }
0x81: {  	_ =	shalt  }
0x82: {  	_ =	shalt  }
0x83: {  	_ =	shalt  }
0x84: {  	_ =	shalt  }
0x85: {  	_ =	shalt  }
0x86: {  	_ =	shalt  }
0x87: {  	_ =	shalt  }
.Lfunc_end0:
.L_simem_size_0:
called_computation.6_lowered:
.L_overlay_start_0:
0x88: {  	s2 =	sld [smem:$0x3FD9]  }
0x89: {  	s3 =	sld [smem:$0x3FFE];
	_ =	sdelay $0x1  }
0x8a: {  	s1 =	srdreg.scid  }
0x8b: {  	s0 =	sand.u32 $0x1, s1  }
0x8c: {  	s16 =	sshll.u32 s0, $0xA;
	s2 =	sadd.s32 s3, s2  }
0x8d: {  	s2 =	sadd.s32 s2, s16  }
0x8e: {  	[smem:$0x3FB2] =	sst s2  }
0x8f: {  	_ = 	snop  }
0x90: {  	(tm) =	ssettm $0x1  }
0x91: {  	s17 =	sld [smem:$0x3FFB];
	_ =	sdelay $0x3  }
0x92: {  	_ =	strace s17  }
0x93: {  	s2 =	sld [smem:$0x3FFC];
	_ =	sdelay $0x3  }
0x94: {  	_ =	strace s2  }
0x95: {  	s2 =	sld [smem:$0x3FFD];
	_ =	sdelay $0x3  }
0x96: {  	_ =	strace s2  }
0x97: {  	_ =	strace $0x8FFFFFFF  }
0x98: {  	s18 =	sld [smem:$0x3FDB];
	_ =	sdelay $0x1  }
0x99: {  	s19 =	simm.s32 $_scs_section_size  }
0x9a: {  	s4 =	simm.s32 $_size__tile_overlayer_lowered;
	s5 =	simm.s32 $_tile_overlayer_lowered  }
0x9b: {  	s22 =	simm.s32 $0x1BFF;
	s21 =	sshll.u32 s5, $0x1;
	s2 =	sadd.s32 s19, s18  }
0x9c: {  	s6 =	simm.s32 $0x0;
	s20 =	sshll.u32 s4, $0x1;
	s4 =	sadd.s32 s21, s2  }
0x9d: {  	[timem:s6], [sflag:s22] =	dma.local [hbm:s4], s20  }
0x9e: {  	_ =	swait.ge [sflag:s22], s20  }
0x9f: {  	s3 =	ssub.s32 $0x0, s20;
	[sflag:s22] =	ssyncset.done $0x0  }
0xa0: {  	[sflag:s22] =	ssyncadd.s32 s3;
	_ =	sdelay $0x1  }
0xa1: {  	s23 =	simm.s32 $0x1B8B  }
0xa2: {  	_ =	swait.ge [sflag:s23], $0x1  }
0xa3: {  	[sflag:s23] =	ssyncset.done $0x0  }
0xa4: {  	s25 =	simm.s32 $0x1B8E;
	s24 =	sld [smem:$0x3FFE];
	[sflag:s23] =	ssyncadd.s32 $0xFFFFFFFF  }
0xa5: {  	s26 =	simm.s32 $execute0_lowered;
	[smem:$0x3FD2] =	sst s25  }
0xa6: {  	s4 =	sshll.u32 s26, $0x1;
	_ =	strace $0x80000058;
	[dreg:$0x1] =	wrdreg $0xFFFFFFFF  }
0xa7: {  	s28 =	simm.s32 $_size_execute0_lowered;
	s2 =	sadd.s32 s2, s4;
	[dreg:$0x0] =	wrdreg $0x0  }
0xa8: {  	s4 =	sshll.u32 s28, $0x1;
	[dreg:$0x2] =	wrdreg s2  }
0xa9: {  	[dreg:$0x3] =	wrdreg s4  }
0xaa: {  	[dreg:$0x4] =	wrdreg $0xC0  }
0xab: {  	_ =	task [dreg:s6], $0x5FFFF  }
0xac: {  	[dreg:$0x1] =	wrdreg $0xFFFFFFFF  }
0xad: {  	[dreg:$0x0] =	wrdreg $0x60  }
0xae: {  	[dreg:$0x2] =	wrdreg s24  }
0xaf: {  	[dreg:$0x3] =	wrdreg $0x94000  }
0xb0: {  	[dreg:$0x4] =	wrdreg $0x9  }
0xb1: {  	_ =	task.clear_ibuf [dreg:s6], $0x5FFFF;
	_ =	strace $0x90000058  }
0xb2: {  	s29 =	simm.s32 $0x9;
	_ =	strace $0x8000005A  }
0xb3: {  	_ =	swait.ge [sflag:s29], $0x1  }
0xb4: {  	[sflag:s29] =	ssyncadd.s32 $0xFFFFFFFF  }
0xb5: {  	_ =	strace $0x9000005A  }
0xb6: {  	_ =	sfence  }
0xb7: {  	s30 =	sld [smem:$0x0];
	_ =	sdelay $0x2  }
0xb8: {  	s31 =	sshll.u32 s1, $0xD;
	s1 =	sshrl.u32 s1, $0x2  }
0xb9: {  	s3 =	sand.u32 $0x4000, s31;
	s1 =	sadd.s32 s1, s30  }
0xba: {  	s0 =	sor.u32 s3, s0;
	s1 =	sshll.u32 s1, $0x11  }
0xbb: {  	s0 =	sor.u32 s1, s0  }
0xbc: {  	s0 =	sadd.s32 $0x8F2B, s0  }
0xbd: {  	[sflag:s0] =	ssyncadd.remote.s32 $0x1  }
0xbe: {  	_ =	sfence.sel $0xFFFF  }
0xbf: {  	[dreg:$0x0] =	wrdreg $0xFFFFFFFF;
	(pc) =	sbr.abs _section_cstart, $3  }
0xc0: {  	[dreg:$0x1] =	wrdreg $0xFFFFFFFF  }
0xc1: {  	_ =	task.clear_ibuf [dreg:s6], $0x2FFFF;
	_ =	strace $0x9FFFFFFF  }
0xc2: {  	(tm) =	ssettm $0x7FFFFFFF  }
0xc3: {  	_ =	shalt  }
tec
execute0_lowered:
.L_overlay_start_1:
0x0: {  	(tag) =	ssettag $0x1  }
0x1: {  	s1 =	srdreg.scid;
	s4 =	rddreg [dreg:$0x0]  }
0x2: {  	s0 =	stileid.u32;
	s2 =	rddreg [dreg:$0x1]  }
0x3: {  	s3 =	simm.s32 $0x0;
	s14 =	simm.s32 $0x5400;
	s6 =	smul.u32 $0x3E80, s0  }
0x4: {  	s15 =	simm.s32 $0x1;
	s16 =	simm.s32 $0x2;
	s8 =	smul.u32 $0x7D000, s0  }
0x5: {  	s17 =	simm.s32 $0x0;
	s7 =	sand.u32 $0x1, s1;
	s10 =	smul.u32 $0x50, s0  }
0x6: {  	s24 =	sshll.u32 s0, $0x1;
	s1 =	rddreg [dreg:$0x2];
	s28 =	smul.u32 $0x28000, s0  }
0x7: {  	[smem:$0x7FF] =	sst s3;
	s9 =	sadd.s32 $0x88C00, s4;
	s12 =	smul.u32 $0x28, s7  }
0x8: {  	p0 =	sgt.u32 s0, $0x9;
	s5 =	sor.u32 s7, s24;
	s29 =	smul.u32 $0x14000, s7  }
0x9: {  	_ =	strace $0x80000059;
	s25 =	ssub.s32 $0x2, s7;
	s5 =	smul.u32 $0x280, s5  }
0xa: {  	s6 =	sadd.s32 s6, s4;
	s11 =	sshrl.u32 s25, $0x1;
	s8 =	sshrl.u32 s8, $0x2  }
0xb: {  	s31 =	sadd.s32 s28, s9;
	s11 =	ssub.s32 s25, s11;
	s13 =	sadd.s32 s8, s2  }
0xc: {  	s26 =	sadd.s32 s12, s10;
	s12 =	simm.s32 $0x80;
	s5 =	sadd.s32 s5, s4  }
0xd: {  	s4 =	sadd.s32 $0x30800, s6;
	s6 =	smax.u32 s11, $0x1;
	s8 =	sshll.u32 s26, $0xB  }
0xe: {  	s10 =	sshrl.u32 @!p0 s13, $0x3;
	s11 =	simm.s32 $0x3;
	s13 =	simm.s32 $0x1400  }
0xf: {  	s5 =	sadd.s32 $0x7EC00, s5;
	s30 =	sadd.s32 s8, s9;
	s9 =	sshll.u32 @!p0 s0, $0x6  }
0x10: {  	s8 =	sadd.s32 s29, s31;
	s7 =	sadd.s32 $0x800, s30;
	s9 =	sor.u32 @!p0 $0x1C03, s9  }
.LBB2_1:
0x11: {  	[spmem:s10], [sflag:s9] =	dma.local @!p0 [hbm:s4], $0x3E80  }
0x12: {  	s18 =	simm.s32 @!p0 $0x3  }
0x13: {  	_ =	swait.ge @!p0 [sflag:s18], $0x3E80  }
0x14: {  	[sflag:s18] =	ssyncset.done @!p0 $0x0  }
0x15: {  	[sflag:s18] =	ssyncadd.s32 @!p0 $0xFFFFC180  }
0x16: {  	[tilespmem:s3], [sflag:$0x3] =	stream.linear.gather [hbm4b:s5+s3], $0x1400, $0x38;
	[tilespmem:$0x1CC80] =	vst v63  }
0x17: {  	_ =	swait.ge [sflag:s11], $0x1400  }
0x18: {  	[sflag:s11] =	ssyncset.done $0x0  }
0x19: {  	[sflag:s11] =	ssyncadd.s32 $0xFFFFEC00  }
0x1a: {  	[bflag:$0x0] =	sbarrier.arrive $0xFFFF  }
0x1b: {  	[tilespmem:s13], [sflag:$0x1] =	stream.indirect.gather [spmem:s2], $0x80, s3, s12, $0xb8;
	[tilespmem:$0x1CC80] =	vst v63  }
0x1c: {  	s29 =	simm.s32 $0x80  }
0x1d: {  	[tilespmem:s14], [sflag:$0x2] =	stream.indirect.gather [spmem:s2], $0x80, s29, s12, $0xb8;
	[tilespmem:$0x1CC80] =	vst v63  }
0x1e: {  	_ =	swait.ge [sflag:s15], $0x4000  }
0x1f: {  	[sflag:s15] =	ssyncset.done $0x0  }
0x20: {  	s30 =	sadd.s32 $0x0, s8;
	[sflag:s15] =	ssyncadd.s32 $0xFFFFC000  }
0x21: {  	[hbm4b:s30+s3] =	stream.linear.scatter [tilespmem:s13], [sflag:$0x3], $0x4000, $0x38;
	[tilespmem:$0x1CC80] =	vst v63  }
0x22: {  	_ =	swait.ge [sflag:s11], $0x4000  }
0x23: {  	[sflag:s11] =	ssyncset.done $0x0  }
0x24: {  	[sflag:s11] =	ssyncadd.s32 $0xFFFFC000  }
0x25: {  	_ =	swait.ge [sflag:s16], $0x4000  }
0x26: {  	[sflag:s16] =	ssyncset.done $0x0  }
0x27: {  	s31 =	sadd.s32 $0x0, s7;
	[sflag:s16] =	ssyncadd.s32 $0xFFFFC000  }
0x28: {  	[hbm4b:s31+s3] =	stream.linear.scatter [tilespmem:s14], [sflag:$0x3], $0x4000, $0x38;
	[tilespmem:$0x1CC80] =	vst v63  }
0x29: {  	_ =	swait.ge [sflag:s11], $0x4000  }
0x2a: {  	s19 =	simm.s32 $0x0;
	s18 =	simm.s32 $0x1000;
	[sflag:s11] =	ssyncset.done $0x0  }
.LBB2_2:
0x2b: {  	p1 =	sne.s32 s18, $0x13000;
	[sflag:s11] =	ssyncadd.s32 $0xFFFFC000;
	s19 =	sadd.s32 $0x100, s19  }
0x2c: {  	[tilespmem:s13], [sflag:$0x1] =	stream.indirect.gather [spmem:s2], $0x80, s19, s12, $0xb8;
	[tilespmem:$0x1CC80] =	vst v63  }
0x2d: {  	s21 =	smov.u32 s18;
	s18 =	sadd.s32 $0x1000, s18;
	s20 =	sadd.s32 $0x80, s19  }
0x2e: {  	[tilespmem:s14], [sflag:$0x2] =	stream.indirect.gather [spmem:s2], $0x80, s20, s12, $0xb8;
	[tilespmem:$0x1CC80] =	vst v63  }
0x2f: {  	_ =	swait.ge [sflag:s15], $0x4000  }
0x30: {  	[sflag:s15] =	ssyncset.done $0x0  }
0x31: {  	s20 =	sadd.s32 s21, s8;
	[sflag:s15] =	ssyncadd.s32 $0xFFFFC000  }
0x32: {  	[hbm4b:s20+s3] =	stream.linear.scatter [tilespmem:s13], [sflag:$0x3], $0x4000, $0x38;
	[tilespmem:$0x1CC80] =	vst v63  }
0x33: {  	_ =	swait.ge [sflag:s11], $0x4000  }
0x34: {  	[sflag:s11] =	ssyncset.done $0x0  }
0x35: {  	[sflag:s11] =	ssyncadd.s32 $0xFFFFC000  }
0x36: {  	_ =	swait.ge [sflag:s16], $0x4000  }
.Ltmp0:
0x37: {  	[sflag:s16] =	ssyncset.done $0x0;
	(pc) =	sbr.rel @p1 .LBB2_2-.Ltmp0, $4  }
0x38: {  	s20 =	sadd.s32 s21, s7;
	[sflag:s16] =	ssyncadd.s32 $0xFFFFC000  }
0x39: {  	[hbm4b:s20+s3] =	stream.linear.scatter [tilespmem:s14], [sflag:$0x3], $0x4000, $0x38;
	[tilespmem:$0x1CC80] =	vst v63  }
0x3a: {  	_ =	swait.ge [sflag:s11], $0x4000  }
0x3b: {  	[sflag:s11] =	ssyncset.done $0x0  }
0x3c: {  	s17 =	sadd.s32 $0x1, s17  }
0x3d: {  	p1 =	sne.s32 s17, s6  }
.Ltmp1:
0x3e: {  	_ = 	snop;
	(pc) =	sbr.rel @p1 .LBB2_1-.Ltmp1, $2  }
0x3f: {  	_ =	sdelay $0x2  }
0x40: {  	[sflag:s11] =	ssyncadd.s32 $0xFFFFC000  }
0x41: {  	_ =	sfence.sel $0x180000  }
0x42: {  	[bflag:$0x0] =	sbarrier.arrive $0xFFFF  }
0x43: {  	p0 =	sne.s32 s0, $0x0;
	_ =	strace $0x90000059  }
0x44: {  	s0 =	sadd.s32 @!p0 $0x100000, s1;
	[bflag:$0x2] =	sbarrier.arrive $0xFFFF  }
0x45: {  	[sflag:s0] =	ssyncadd.tile.s32 @!p0 $0x1;
	_ =	shalt  }
.Lfunc_end2:
_tile_overlayer_lowered:
.L_overlay_start_2:
0x46: {  	(tag) =	ssettag $0x2  }
0x47: {  	s0 =	rddreg [dreg:$0x0];
	s2 =	stileid.u32  }
0x48: {  	s1 =	rddreg [dreg:$0x1];
	p0 =	sne.s32 s2, $0x0  }
0x49: {  	s3 =	rddreg [dreg:$0x2];
	[bflag:$0x3] =	sbarrier.arrive $0xFFFF;
	s2 =	simm.s32 @!p0 $0x1C03  }
0x4a: {  	[timem:s3], [sflag:s2] =	dma.local @!p0 [hbm:s0], s1  }
0x4b: {  	s0 =	simm.s32 @!p0 $0x3  }
0x4c: {  	_ =	swait.ge @!p0 [sflag:s0], s1  }
0x4d: {  	s1 =	ssub.s32 @!p0 $0x0, s1;
	[sflag:s0] =	ssyncset.done @!p0 $0x0  }
0x4e: {  	[sflag:s0] =	ssyncadd.s32 @!p0 s1  }
0x4f: {  	[bflag:$0x3] =	sbarrier.arrive $0xFFFF  }
0x50: {  	_ =	shalt  }

// kernel: kernel.41.cloned.1.call-start
scs
__scs_entry_jumppad:
0x0: {  	(pc) =	sbr.rel $0x88, $3  }
0x1: {  	(tag) =	ssettag $0x0;
	lr =	simm.s32 $0x1  }
0x2: {  	[smem:$0x3F8B] =	sst lr;
	_ =	strace $0xD0000000  }
0x3: {  	_ = 	snop  }
0x4: {  	_ = 	snop  }
0x5: {  	_ = 	snop  }
0x6: {  	_ = 	snop  }
0x7: {  	_ = 	snop  }
__scs_overlays_trampoline_lowered:
0x8: {  	[smem:$0x3F9A] =	sst s0  }
0x9: {  	[smem:$0x3F9B] =	sst s1  }
0xa: {  	[smem:$0x3F9C] =	sst s2  }
0xb: {  	[smem:$0x3F9D] =	sst s3  }
0xc: {  	[smem:$0x3F9E] =	sst s4  }
0xd: {  	[smem:$0x3F9F] =	sst s5  }
0xe: {  	[smem:$0x3FA0] =	sst s6  }
0xf: {  	[smem:$0x3FA1] =	sst s7  }
0x10: {  	[smem:$0x3FA2] =	sst s8  }
0x11: {  	[smem:$0x3FA3] =	sst s9;
	s0 =	simm.s32 @!p0 $0x0  }
0x12: {  	s1 =	sld [smem:$0x3F89];
	s0 =	simm.s32 @p0 $0x1  }
0x13: {  	[smem:$0x3FA4] =	sst s0;
	s0 =	simm.s32 @!p1 $0x0  }
0x14: {  	s2 =	sld [smem:$0x3F88];
	s0 =	simm.s32 @p1 $0x1  }
0x15: {  	[smem:$0x3FA5] =	sst s0;
	s0 =	simm.s32 @!p2 $0x0  }
0x16: {  	s3 =	sld [smem:$0x3FDB];
	s0 =	simm.s32 @p2 $0x1  }
0x17: {  	s4 =	simm.s32 $0x1BF5;
	[smem:$0x3FA7] =	sst s0  }
0x18: {  	s0 =	sld [smem:$0x3F8A];
	_ =	swait.ge [sflag:s4], $0x0  }
0x19: {  	s7 =	sld [smem:$0x3F8B]  }
0x1a: {  	s8 =	sadd.s32 $0xFFFFE003, lr  }
0x1b: {  	s9 =	sadd.s32 $0xFFFFFEF7, lr;
	s5 =	simm.s32 $0xFFFFFFFF;
	p2 =	slt.u32 s8, $0xFFFFF086  }
0x1c: {  	p1 =	slt.u32 s9, $0xF7A;
	s5 =	simm.s32 @!p2 $0x0  }
0x1d: {  	s5 =	simm.s32 @p1 $0x1;
	p0 =	seq.s32 s7, s2  }
0x1e: {  	s7 =	smul.u32 @!p0 $0xF7A, s2;
	p2 =	seq.s32 @!p0 s5, $0x0  }
0x1f: {  	s9 =	smul.u32 $0xF7A, s1;
	s8 =	simm.s32 @!p0 $0x1BF5;
	p2 =	por !p2, p0  }
0x20: {  	[sflag:s8] =	ssyncset.s32 @!p0 $0xFFFFF086;
	s6 =	sadd.s32 @!p0 s3, s7;
	s7 =	simm.s32 @!p0 $0x108  }
0x21: {  	s3 =	sadd.s32 s3, s9;
	s6 =	sadd.s32 @!p0 $0x88, s6;
	s7 =	simm.s32 @p2 $0x1082  }
0x22: {  	[simem:s7], [sflag:s8] =	dma.local @!p0 [hbm:s6], $0xF7A  }
0x23: {  	s9 =	sor.u32 $0xD0000000, s2;
	s6 =	simm.s32 $0x108;
	_ =	swait.ge @!p0 [sflag:s8], $0x0  }
0x24: {  	s3 =	sadd.s32 $0x88, s3;
	s6 =	simm.s32 @!p1 $0x1082;
	[sflag:s4] =	ssyncset.s32 $0xFFFFF086  }
0x25: {  	[simem:s6], [sflag:s4] =	dma.local [hbm:s3], $0xF7A  }
0x26: {  	[smem:$0x3F8B] =	sst s1;
	(tag) =	ssettag s2;
	_ =	strace s9  }
0x27: {  	s1 =	sld [smem:$0x3F9B]  }
0x28: {  	s2 =	sld [smem:$0x3F9C]  }
0x29: {  	s4 =	sld [smem:$0x3F9E]  }
0x2a: {  	p0 =	seq.s32 s5, $0x0;
	s5 =	sld [smem:$0x3F9F]  }
0x2b: {  	s6 =	sld [smem:$0x3FA0]  }
0x2c: {  	s7 =	sld [smem:$0x3FA1]  }
0x2d: {  	s3 =	simm.s32 $0x108;
	s8 =	sld [smem:$0x3FA2]  }
0x2e: {  	s3 =	simm.s32 @!p0 $0x1082;
	s9 =	sld [smem:$0x3FA3]  }
0x2f: {  	lr =	sadd.s32 s0, s3;
	s0 =	sld [smem:$0x3F9A]  }
0x30: {  	s3 =	sld [smem:$0x3F9D]  }
0x31: {  	[smem:$0x3FA6] =	sst s10  }
0x32: {  	s10 =	sld [smem:$0x3FA4];
	_ =	sdelay $0x3  }
0x33: {  	p0 =	seq.s32 s10, $0x1;
	s10 =	sld [smem:$0x3FA6];
	_ =	sdelay $0x3  }
0x34: {  	[smem:$0x3FA6] =	sst s10  }
0x35: {  	s10 =	sld [smem:$0x3FA5];
	_ =	sdelay $0x3  }
0x36: {  	p1 =	seq.s32 s10, $0x1;
	s10 =	sld [smem:$0x3FA6];
	_ =	sdelay $0x3  }
0x37: {  	[smem:$0x3FA6] =	sst s10  }
0x38: {  	s10 =	sld [smem:$0x3FA7]  }
0x39: {  	_ = 	snop;
	(pc) =	sbr.ind lr, $3  }
0x3a: {  	_ = 	snop  }
0x3b: {  	_ = 	snop  }
0x3c: {  	p2 =	seq.s32 s10, $0x1;
	s10 =	sld [smem:$0x3FA6]  }
0x3d: {  	_ =	shalt  }
0x3e: {  	_ =	shalt  }
0x3f: {  	_ =	shalt  }
0x40: {  	_ =	shalt  }
0x41: {  	_ =	shalt  }
0x42: {  	_ =	shalt  }
0x43: {  	_ =	shalt  }
0x44: {  	_ =	shalt  }
0x45: {  	_ =	shalt  }
0x46: {  	_ =	shalt  }
0x47: {  	_ =	shalt  }
0x48: {  	_ =	shalt  }
0x49: {  	_ =	shalt  }
0x4a: {  	_ =	shalt  }
0x4b: {  	_ =	shalt  }
0x4c: {  	_ =	shalt  }
0x4d: {  	_ =	shalt  }
0x4e: {  	_ =	shalt  }
0x4f: {  	_ =	shalt  }
0x50: {  	_ =	shalt  }
0x51: {  	_ =	shalt  }
0x52: {  	_ =	shalt  }
0x53: {  	_ =	shalt  }
0x54: {  	_ =	shalt  }
0x55: {  	_ =	shalt  }
0x56: {  	_ =	shalt  }
0x57: {  	_ =	shalt  }
0x58: {  	_ =	shalt  }
0x59: {  	_ =	shalt  }
0x5a: {  	_ =	shalt  }
0x5b: {  	_ =	shalt  }
0x5c: {  	_ =	shalt  }
0x5d: {  	_ =	shalt  }
0x5e: {  	_ =	shalt  }
0x5f: {  	_ =	shalt  }
0x60: {  	_ =	shalt  }
0x61: {  	_ =	shalt  }
0x62: {  	_ =	shalt  }
0x63: {  	_ =	shalt  }
0x64: {  	_ =	shalt  }
0x65: {  	_ =	shalt  }
0x66: {  	_ =	shalt  }
0x67: {  	_ =	shalt  }
0x68: {  	_ =	shalt  }
0x69: {  	_ =	shalt  }
0x6a: {  	_ =	shalt  }
0x6b: {  	_ =	shalt  }
0x6c: {  	_ =	shalt  }
0x6d: {  	_ =	shalt  }
0x6e: {  	_ =	shalt  }
0x6f: {  	_ =	shalt  }
0x70: {  	_ =	shalt  }
0x71: {  	_ =	shalt  }
0x72: {  	_ =	shalt  }
0x73: {  	_ =	shalt  }
0x74: {  	_ =	shalt  }
0x75: {  	_ =	shalt  }
0x76: {  	_ =	shalt  }
0x77: {  	_ =	shalt  }
0x78: {  	_ =	shalt  }
0x79: {  	_ =	shalt  }
0x7a: {  	_ =	shalt  }
0x7b: {  	_ =	shalt  }
0x7c: {  	_ =	shalt  }
0x7d: {  	_ =	shalt  }
0x7e: {  	_ =	shalt  }
0x7f: {  	_ =	shalt  }
0x80: {  	_ =	shalt  }
0x81: {  	_ =	shalt  }
0x82: {  	_ =	shalt  }
0x83: {  	_ =	shalt  }
0x84: {  	_ =	shalt  }
0x85: {  	_ =	shalt  }
0x86: {  	_ =	shalt  }
0x87: {  	_ =	shalt  }
.Lfunc_end0:
.L_simem_size_0:
called_computation.7_lowered:
.L_overlay_start_0:
0x88: {  	s2 =	sld [smem:$0x3FD9]  }
0x89: {  	s3 =	sld [smem:$0x3FFE];
	_ =	sdelay $0x1  }
0x8a: {  	s1 =	srdreg.scid  }
0x8b: {  	s0 =	sand.u32 $0x1, s1  }
0x8c: {  	s16 =	sshll.u32 s0, $0xA;
	s2 =	sadd.s32 s3, s2  }
0x8d: {  	s2 =	sadd.s32 s2, s16  }
0x8e: {  	[smem:$0x3FB2] =	sst s2  }
0x8f: {  	_ = 	snop  }
0x90: {  	(tm) =	ssettm $0x1  }
0x91: {  	s17 =	sld [smem:$0x3FFB];
	_ =	sdelay $0x3  }
0x92: {  	_ =	strace s17  }
0x93: {  	s2 =	sld [smem:$0x3FFC];
	_ =	sdelay $0x3  }
0x94: {  	_ =	strace s2  }
0x95: {  	s2 =	sld [smem:$0x3FFD];
	_ =	sdelay $0x3  }
0x96: {  	_ =	strace s2  }
0x97: {  	_ =	strace $0x8FFFFFFF  }
0x98: {  	s18 =	sld [smem:$0x3FDB];
	_ =	sdelay $0x1  }
0x99: {  	s19 =	simm.s32 $_scs_section_size  }
0x9a: {  	s4 =	simm.s32 $_size__tile_overlayer_lowered;
	s5 =	simm.s32 $_tile_overlayer_lowered  }
0x9b: {  	s22 =	simm.s32 $0x1BFF;
	s21 =	sshll.u32 s5, $0x1;
	s2 =	sadd.s32 s19, s18  }
0x9c: {  	s6 =	simm.s32 $0x0;
	s20 =	sshll.u32 s4, $0x1;
	s4 =	sadd.s32 s21, s2  }
0x9d: {  	[timem:s6], [sflag:s22] =	dma.local [hbm:s4], s20  }
0x9e: {  	_ =	swait.ge [sflag:s22], s20  }
0x9f: {  	s3 =	ssub.s32 $0x0, s20;
	[sflag:s22] =	ssyncset.done $0x0  }
0xa0: {  	[sflag:s22] =	ssyncadd.s32 s3;
	_ =	sdelay $0x1  }
0xa1: {  	s23 =	simm.s32 $0x1B8B  }
0xa2: {  	_ =	swait.ge [sflag:s23], $0x1  }
0xa3: {  	[sflag:s23] =	ssyncset.done $0x0  }
0xa4: {  	s25 =	simm.s32 $0x1B8E;
	s24 =	sld [smem:$0x3FFE];
	[sflag:s23] =	ssyncadd.s32 $0xFFFFFFFF  }
0xa5: {  	s26 =	simm.s32 $execute0_lowered;
	[smem:$0x3FD2] =	sst s25  }
0xa6: {  	s4 =	sshll.u32 s26, $0x1;
	_ =	strace $0x8000005B;
	[dreg:$0x1] =	wrdreg $0xFFFFFFFF  }
0xa7: {  	s28 =	simm.s32 $_size_execute0_lowered;
	s2 =	sadd.s32 s2, s4;
	[dreg:$0x0] =	wrdreg $0x0  }
0xa8: {  	s4 =	sshll.u32 s28, $0x1;
	[dreg:$0x2] =	wrdreg s2  }
0xa9: {  	[dreg:$0x3] =	wrdreg s4  }
0xaa: {  	[dreg:$0x4] =	wrdreg $0xC0  }
0xab: {  	_ =	task [dreg:s6], $0x5FFFF  }
0xac: {  	[dreg:$0x1] =	wrdreg $0xFFFFFFFF  }
0xad: {  	[dreg:$0x0] =	wrdreg $0x60  }
0xae: {  	[dreg:$0x2] =	wrdreg s24  }
0xaf: {  	[dreg:$0x3] =	wrdreg $0xB8000  }
0xb0: {  	[dreg:$0x4] =	wrdreg $0x9  }
0xb1: {  	_ =	task.clear_ibuf [dreg:s6], $0x5FFFF;
	_ =	strace $0x9000005B  }
0xb2: {  	s29 =	simm.s32 $0x9;
	_ =	strace $0x8000005D  }
0xb3: {  	_ =	swait.ge [sflag:s29], $0x1  }
0xb4: {  	[sflag:s29] =	ssyncadd.s32 $0xFFFFFFFF  }
0xb5: {  	_ =	strace $0x9000005D  }
0xb6: {  	_ =	sfence  }
0xb7: {  	s30 =	sld [smem:$0x0];
	_ =	sdelay $0x2  }
0xb8: {  	s31 =	sshll.u32 s1, $0xD;
	s1 =	sshrl.u32 s1, $0x2  }
0xb9: {  	s3 =	sand.u32 $0x4000, s31;
	s1 =	sadd.s32 s1, s30  }
0xba: {  	s0 =	sor.u32 s3, s0;
	s1 =	sshll.u32 s1, $0x11  }
0xbb: {  	s0 =	sor.u32 s1, s0  }
0xbc: {  	s0 =	sadd.s32 $0x8F2B, s0  }
0xbd: {  	[sflag:s0] =	ssyncadd.remote.s32 $0x1  }
0xbe: {  	_ =	sfence.sel $0xFFFF  }
0xbf: {  	[dreg:$0x0] =	wrdreg $0xFFFFFFFF;
	(pc) =	sbr.abs _section_cstart, $3  }
0xc0: {  	[dreg:$0x1] =	wrdreg $0xFFFFFFFF  }
0xc1: {  	_ =	task.clear_ibuf [dreg:s6], $0x2FFFF;
	_ =	strace $0x9FFFFFFF  }
0xc2: {  	(tm) =	ssettm $0x7FFFFFFF  }
0xc3: {  	_ =	shalt  }
tec
execute0_lowered:
.L_overlay_start_1:
0x0: {  	(tag) =	ssettag $0x1  }
0x1: {  	s0 =	stileid.u32  }
0x2: {  	s1 =	srdreg.scid;
	s6 =	smul.u32 $0x28000, s0  }
0x3: {  	s5 =	rddreg [dreg:$0x0];
	s8 =	smul.u32 $0x1F400, s0  }
0x4: {  	s2 =	rddreg [dreg:$0x1];
	s3 =	simm.s32 $0x0;
	s10 =	smul.u32 $0x7D000, s0  }
0x5: {  	s19 =	simm.s32 $0x0;
	s11 =	sand.u32 $0x1, s1;
	s15 =	smul.u32 $0x50, s0  }
0x6: {  	s26 =	sshll.u32 s0, $0x1;
	[smem:$0x7FF] =	sst s3;
	s7 =	smul.u32 $0x138800, s11  }
0x7: {  	p0 =	sgt.u32 s0, $0x9;
	s1 =	sor.u32 s11, s26;
	s14 =	smul.u32 $0x14000, s11  }
0x8: {  	s29 =	ssub.s32 $0x2, s11;
	s16 =	smul.u32 $0x28, s11;
	s17 =	sshll.u32 @!p0 s0, $0x6  }
0x9: {  	s4 =	smul.u32 $0x280, s1;
	s1 =	rddreg [dreg:$0x2];
	_ =	strace $0x8000005C  }
0xa: {  	s13 =	sadd.s32 s6, s5;
	s30 =	sshrl.u32 s29, $0x1;
	s31 =	sshrl.u32 s10, $0x2  }
0xb: {  	s17 =	sor.u32 @!p0 $0x1C01, s17;
	s28 =	sadd.s32 s8, s7;
	s8 =	ssub.s32 s29, s30  }
0xc: {  	s7 =	sadd.s32 s31, s2;
	s13 =	sadd.s32 s14, s13;
	s14 =	sadd.s32 s16, s15  }
0xd: {  	s15 =	simm.s32 $0x5400;
	s16 =	simm.s32 $0x1;
	s9 =	sadd.s32 s4, s5  }
0xe: {  	s4 =	sadd.s32 $0x589400, s5;
	s6 =	sshrl.u32 s28, $0x3;
	s8 =	smax.u32 s8, $0x1  }
0xf: {  	s10 =	sadd.s32 $0xC800, s7;
	s11 =	sadd.s32 $0x12C00, s7;
	s12 =	sadd.s32 $0x19000, s7  }
0x10: {  	s13 =	sadd.s32 $0x308C00, s13;
	s18 =	sshrl.u32 @!p0 s7, $0x3;
	s6 =	sadd.s32 s6, s5  }
0x11: {  	s5 =	sadd.s32 $0x83C00, s9;
	s9 =	sadd.s32 $0x6400, s7;
	s6 =	sadd.s32 $0x30800, s6  }
.LBB2_1:
0x12: {  	[tilespmem:s15], [sflag:$0x1] =	stream.linear.gather [hbm4b:s4+s3], $0x6400, $0x38;
	[tilespmem:$0x1F080] =	vst v63  }
0x13: {  	_ =	swait.ge [sflag:s16], $0x6400  }
0x14: {  	[sflag:s16] =	ssyncset.done $0x0  }
0x15: {  	[sflag:s16] =	ssyncadd.s32 $0xFFFF9C00  }
0x16: {  	[tilespmem:s3], [sflag:$0x1] =	stream.linear.gather [hbm4b:s5+s3], $0x1400, $0x38;
	[tilespmem:$0x1F080] =	vst v63  }
0x17: {  	_ =	swait.ge [sflag:s16], $0x1400  }
0x18: {  	[sflag:s16] =	ssyncset.done $0x0  }
0x19: {  	s20 =	simm.s32 @!p0 $0x5400;
	s21 =	simm.s32 @!p0 $0x1;
	[sflag:s16] =	ssyncadd.s32 $0xFFFFEC00  }
0x1a: {  	[spmem:s7] =	stream.linear.scatter @!p0 [tilespmem:s20], [sflag:$0x1], $0x6400, $0x38;
	[tilespmem:$0x1F080] =	vst v63  }
0x1b: {  	_ =	swait.ge @!p0 [sflag:s21], $0x6400  }
0x1c: {  	[sflag:s21] =	ssyncset.done @!p0 $0x0  }
0x1d: {  	[sflag:s21] =	ssyncadd.s32 @!p0 $0xFFFF9C00  }
0x1e: {  	[spmem:s9] =	stream.linear.scatter @!p0 [tilespmem:s20], [sflag:$0x1], $0x6400, $0x38;
	[tilespmem:$0x1F080] =	vst v63  }
0x1f: {  	_ =	swait.ge @!p0 [sflag:s21], $0x6400  }
0x20: {  	[sflag:s21] =	ssyncset.done @!p0 $0x0  }
0x21: {  	[sflag:s21] =	ssyncadd.s32 @!p0 $0xFFFF9C00  }
0x22: {  	[spmem:s10] =	stream.linear.scatter @!p0 [tilespmem:s20], [sflag:$0x1], $0x6400, $0x38;
	[tilespmem:$0x1F080] =	vst v63  }
0x23: {  	_ =	swait.ge @!p0 [sflag:s21], $0x6400  }
0x24: {  	[sflag:s21] =	ssyncset.done @!p0 $0x0  }
0x25: {  	[sflag:s21] =	ssyncadd.s32 @!p0 $0xFFFF9C00  }
0x26: {  	[spmem:s11] =	stream.linear.scatter @!p0 [tilespmem:s20], [sflag:$0x1], $0x6400, $0x38;
	[tilespmem:$0x1F080] =	vst v63  }
0x27: {  	_ =	swait.ge @!p0 [sflag:s21], $0x6400  }
0x28: {  	[sflag:s21] =	ssyncset.done @!p0 $0x0  }
0x29: {  	s30 =	sadd.s32 $0x0, s14;
	[sflag:s21] =	ssyncadd.s32 @!p0 $0xFFFF9C00  }
0x2a: {  	[spmem:s12] =	stream.linear.scatter @!p0 [tilespmem:s20], [sflag:$0x1], $0x6400, $0x38;
	[tilespmem:$0x1F080] =	vst v63  }
0x2b: {  	p2 =	sgt.u32 s30, $0x4E1;
	_ =	swait.ge @!p0 [sflag:s21], $0x6400  }
0x2c: {  	p1 =	por p2, p2;
	[sflag:s21] =	ssyncset.done @!p0 $0x0  }
0x2d: {  	s23 =	simm.s32 @!p1 $0x2;
	[sflag:s21] =	ssyncadd.s32 @!p0 $0xFFFF9C00  }
0x2e: {  	s20 =	simm.s32 @!p2 $0x0;
	s21 =	simm.s32 @!p2 $0x1400;
	[bflag:$0x0] =	sbarrier.arrive $0xFFFF  }
0x2f: {  	[tilespmem:s21], [sflag:$0x2] =	stream.linear.gather @!p1 [hbm4b:s13+s20], $0x4000, $0x38;
	[tilespmem:$0x1F080] =	vst v63  }
0x30: {  	s31 =	sadd.s32 $0x1, s14;
	_ =	swait.ge @!p1 [sflag:s23], $0x4000  }
0x31: {  	s22 =	simm.s32 $0x2;
	p2 =	sgt.u32 s31, $0x4E1;
	[sflag:s23] =	ssyncset.done @!p1 $0x0  }
0x32: {  	s20 =	simm.s32 @!p1 $0x80;
	[sflag:s23] =	ssyncadd.s32 @!p1 $0xFFFFC000;
	s23 =	simm.s32 @!p1 $0x1  }
0x33: {  	[spmem:s2] =	stream.indirect.scatter.add.f32 @!p1 [tilespmem:s21], [sflag:$0x1], $0x80, s3, s20, $0xb8;
	[tilespmem:$0x1F080] =	vst v63  }
0x34: {  	s21 =	sadd.s32 $0x800, s13;
	s20 =	simm.s32 $0x80;
	_ =	swait.ge @!p1 [sflag:s23], $0x4000  }
.LBB2_2:
0x35: {  	s24 =	simm.s32 @!p2 $0x0  }
0x36: {  	s25 =	simm.s32 @!p2 $0x1400;
	[sflag:s23] =	ssyncset.done @!p1 $0x0;
	s26 =	smov.u32 s22  }
0x37: {  	p3 =	por p1, p1;
	p1 =	por p2, p2;
	s22 =	sadd.s32 $0x1, s22  }
0x38: {  	s28 =	simm.s32 @!p1 $0x2;
	[sflag:s23] =	ssyncadd.s32 @!p3 $0xFFFFC000;
	p3 =	sne.s32 s22, $0x28  }
0x39: {  	[tilespmem:s25], [sflag:$0x2] =	stream.linear.gather @!p1 [hbm4b:s21+s24], $0x4000, $0x38;
	[tilespmem:$0x1F080] =	vst v63  }
.Ltmp0:
0x3a: {  	_ =	swait.ge @!p1 [sflag:s28], $0x4000;
	(pc) =	sbr.rel @p3 .LBB2_2-.Ltmp0, $4  }
0x3b: {  	s23 =	simm.s32 @!p1 $0x1;
	s21 =	sadd.s32 $0x800, s21;
	[sflag:s28] =	ssyncset.done @!p1 $0x0  }
0x3c: {  	s24 =	sadd.s32 s26, s14;
	s26 =	simm.s32 @!p1 $0x80;
	[sflag:s28] =	ssyncadd.s32 @!p1 $0xFFFFC000  }
0x3d: {  	[spmem:s2] =	stream.indirect.scatter.add.f32 @!p1 [tilespmem:s25], [sflag:$0x1], $0x80, s20, s26, $0xb8;
	[tilespmem:$0x1F080] =	vst v63  }
0x3e: {  	p2 =	sgt.u32 s24, $0x4E1;
	s20 =	sadd.s32 $0x80, s20;
	_ =	swait.ge @!p1 [sflag:s23], $0x4000  }
0x3f: {  	s22 =	simm.s32 @!p2 $0x0  }
0x40: {  	[sflag:s23] =	ssyncset.done @!p1 $0x0;
	p1 =	por p1, p1;
	p3 =	por p2, p2  }
0x41: {  	s24 =	simm.s32 @!p2 $0x1400;
	s25 =	simm.s32 @!p3 $0x2;
	[sflag:s23] =	ssyncadd.s32 @!p1 $0xFFFFC000  }
0x42: {  	[tilespmem:s24], [sflag:$0x2] =	stream.linear.gather @!p3 [hbm4b:s21+s22], $0x4000, $0x38;
	[tilespmem:$0x1F080] =	vst v63  }
0x43: {  	_ =	swait.ge @!p3 [sflag:s25], $0x4000  }
0x44: {  	[sflag:s25] =	ssyncset.done @!p3 $0x0  }
0x45: {  	s21 =	simm.s32 @!p3 $0x1;
	s22 =	simm.s32 @!p3 $0x80;
	[sflag:s25] =	ssyncadd.s32 @!p3 $0xFFFFC000  }
0x46: {  	[spmem:s2] =	stream.indirect.scatter.add.f32 @!p3 [tilespmem:s24], [sflag:$0x1], $0x80, s20, s22, $0xb8;
	[tilespmem:$0x1F080] =	vst v63  }
0x47: {  	_ =	swait.ge @!p3 [sflag:s21], $0x4000  }
0x48: {  	s19 =	sadd.s32 $0x1, s19;
	p1 =	por p3, p3;
	[sflag:s21] =	ssyncset.done @!p3 $0x0  }
0x49: {  	[sflag:s21] =	ssyncadd.s32 @!p1 $0xFFFFC000;
	p1 =	sne.s32 s19, s8  }
.Ltmp1:
0x4a: {  	s20 =	simm.s32 @!p0 $0x1;
	[bflag:$0x0] =	sbarrier.arrive $0xFFFF;
	(pc) =	sbr.rel @p1 .LBB2_1-.Ltmp1, $4  }
0x4b: {  	[hbm:s6], [sflag:s17] =	dma.local @!p0 [spmem:s18], $0x3E80  }
0x4c: {  	_ =	swait.ge @!p0 [sflag:s20], $0x3E80  }
0x4d: {  	[sflag:s20] =	ssyncset.done @!p0 $0x0  }
0x4e: {  	[sflag:s20] =	ssyncadd.s32 @!p0 $0xFFFFC180  }
0x4f: {  	_ =	sfence.sel $0x180000  }
0x50: {  	[bflag:$0x0] =	sbarrier.arrive $0xFFFF  }
0x51: {  	p0 =	sne.s32 s0, $0x0;
	_ =	strace $0x9000005C  }
0x52: {  	s0 =	sadd.s32 @!p0 $0x100000, s1;
	[bflag:$0x2] =	sbarrier.arrive $0xFFFF  }
0x53: {  	[sflag:s0] =	ssyncadd.tile.s32 @!p0 $0x1;
	_ =	shalt  }
.Lfunc_end2:
_tile_overlayer_lowered:
.L_overlay_start_2:
0x54: {  	(tag) =	ssettag $0x2  }
0x55: {  	s0 =	rddreg [dreg:$0x0];
	s2 =	stileid.u32  }
0x56: {  	s1 =	rddreg [dreg:$0x1];
	p0 =	sne.s32 s2, $0x0  }
0x57: {  	s3 =	rddreg [dreg:$0x2];
	[bflag:$0x3] =	sbarrier.arrive $0xFFFF;
	s2 =	simm.s32 @!p0 $0x1C01  }
0x58: {  	[timem:s3], [sflag:s2] =	dma.local @!p0 [hbm:s0], s1  }
0x59: {  	s0 =	simm.s32 @!p0 $0x1  }
0x5a: {  	_ =	swait.ge @!p0 [sflag:s0], s1  }
0x5b: {  	s1 =	ssub.s32 @!p0 $0x0, s1;
	[sflag:s0] =	ssyncset.done @!p0 $0x0  }
0x5c: {  	[sflag:s0] =	ssyncadd.s32 @!p0 s1  }
0x5d: {  	[bflag:$0x3] =	sbarrier.arrive $0xFFFF  }
0x5e: {  	_ =	shalt  }

</sc_bundles>
